<compile_context>
chip_gen: v7x
topology: tpu7x:2x2x1
jax: 0.10.2.dev20260603
libtpu: 0.0.44.dev20260713+nightly
codegen_flags: <defaults>
</compile_context>

<pallas_src>
import functools

import jax
import jax.numpy as jnp
from jax import lax
from jax.experimental import pallas as pl
from jax.experimental.pallas import tpu as pltpu
from jax.experimental.pallas import tpu_sc as plsc

_NUM_TABLES = 26
_VOCAB = 100000
_EMB = 32
_BATCH = 16384
_HIST = 20

_NC = 2
_NS = 16
_T_PER_C = _NUM_TABLES // _NC
_B_PER_W = _BATCH // _NS
_CHUNK = 64
_N_CHUNK = _B_PER_W // _CHUNK
_ROWS = _CHUNK * _HIST
_N_UNIT = _T_PER_C * _N_CHUNK


def _sc_embedding_bag(idx_t, tables):
    mesh = plsc.VectorSubcoreMesh(core_axis_name="c", subcore_axis_name="s")

    @functools.partial(
        pl.kernel,
        mesh=mesh,
        compiler_params=pltpu.CompilerParams(
            use_tc_tiling_on_sc=False, needs_layout_passes=False),
        out_type=jax.ShapeDtypeStruct((_BATCH, _NUM_TABLES * _EMB),
                                      jnp.float32),
        scratch_types=[
            pltpu.VMEM((_ROWS,), jnp.int32),
            pltpu.VMEM((_ROWS,), jnp.int32),
            pltpu.VMEM((_ROWS, _EMB), jnp.float32),
            pltpu.VMEM((_ROWS, _EMB), jnp.float32),
            pltpu.VMEM((_CHUNK, _EMB), jnp.float32),
            pltpu.VMEM((_CHUNK, _EMB), jnp.float32),
            pltpu.SemaphoreType.DMA,
            pltpu.SemaphoreType.DMA,
            pltpu.SemaphoreType.DMA,
            pltpu.SemaphoreType.DMA,
            pltpu.SemaphoreType.DMA,
            pltpu.SemaphoreType.DMA,
        ],
    )
    def k(idx_hbm, tab_hbm, out_hbm, idx0, idx1, gat0, gat1, acc0, acc1,
          si0, si1, sg0, sg1, so0, so1):
        cid = lax.axis_index("c")
        sid = lax.axis_index("s")
        t_base = cid * _T_PER_C

        def unit_tb(u):
            return t_base + u // _N_CHUNK, sid * _B_PER_W + (
                u % _N_CHUNK) * _CHUNK

        def issue_idx(u, idxb, sem):
            t, bstart = unit_tb(u)
            for h in range(_HIST):
                pltpu.async_copy(
                    idx_hbm.at[t, h, pl.ds(bstart, _CHUNK)],
                    idxb.at[pl.ds(h * _CHUNK, _CHUNK)], sem)

        def wait_idx(idxb, sem):
            pltpu.make_async_copy(
                idx_hbm.at[0, 0, pl.ds(0, _ROWS)], idxb, sem).wait()

        def issue_gather(u, idxb, gatb, sem):
            t, _ = unit_tb(u)
            pltpu.async_copy(tab_hbm.at[t].at[idxb], gatb, sem)

        def wait_gather(gatb, sem):
            pltpu.make_async_copy(
                tab_hbm.at[0, pl.ds(0, _ROWS), :], gatb, sem).wait()

        def reduce_and_out(u, gatb, accb, sem):
            def bag(j, _):
                lo = gatb[j, 0:16]
                hi = gatb[j, 16:32]
                for h in range(1, _HIST):
                    lo = lo + gatb[h * _CHUNK + j, 0:16]
                    hi = hi + gatb[h * _CHUNK + j, 16:32]
                accb[j, 0:16] = lo
                accb[j, 16:32] = hi
                return 0

            lax.fori_loop(0, _CHUNK, bag, 0)
            t, bstart = unit_tb(u)
            pltpu.async_copy(
                accb,
                out_hbm.at[pl.ds(bstart, _CHUNK), pl.ds(t * _EMB, _EMB)],
                sem)

        def wait_out(accb, sem):
            pltpu.make_async_copy(
                out_hbm.at[pl.ds(0, _CHUNK), pl.ds(0, _EMB)], accb,
                sem).wait()

        pltpu.async_copy(out_hbm.at[pl.ds(0, _CHUNK), pl.ds(0, _EMB)],
                         acc0, so0)
        pltpu.async_copy(out_hbm.at[pl.ds(0, _CHUNK), pl.ds(0, _EMB)],
                         acc1, so1)
        issue_idx(0, idx0, si0)
        issue_idx(1, idx1, si1)
        wait_idx(idx0, si0)
        issue_gather(0, idx0, gat0, sg0)

        def body(kk, _):
            u = 2 * kk
            wait_gather(gat0, sg0)
            issue_idx(u + 2, idx0, si0)
            wait_idx(idx1, si1)
            issue_gather(u + 1, idx1, gat1, sg1)
            wait_out(acc0, so0)
            reduce_and_out(u, gat0, acc0, so0)
            wait_gather(gat1, sg1)
            issue_idx(u + 3, idx1, si1)
            wait_idx(idx0, si0)
            issue_gather(u + 2, idx0, gat0, sg0)
            wait_out(acc1, so1)
            reduce_and_out(u + 1, gat1, acc1, so1)
            return 0

        lax.fori_loop(0, (_N_UNIT - 2) // 2, body, 0)

        u = _N_UNIT - 2
        wait_gather(gat0, sg0)
        wait_idx(idx1, si1)
        issue_gather(u + 1, idx1, gat1, sg1)
        wait_out(acc0, so0)
        reduce_and_out(u, gat0, acc0, so0)
        wait_gather(gat1, sg1)
        wait_out(acc1, so1)
        reduce_and_out(u + 1, gat1, acc1, so1)
        wait_out(acc0, so0)
        wait_out(acc1, so1)

    return k(idx_t, tables)


def kernel(indices, tables):
    idx_t = jnp.transpose(indices, (0, 2, 1))
    return _sc_embedding_bag(idx_t, tables)

# --- scband reference (transcript-rebuilt; emitter-appended) ---
"""Pipeline reference for scband-net-50611894616256 (READ-ONLY COPY).

The authoritative reference and input builder live on the scoring server;
editing this copy changes nothing except your own understanding.
"""

import jax, jax.numpy as jnp
import numpy as np

NUM_TABLES = 26
VOCAB = 100000
EMB = 32
BATCH = 16384
HIST = 20


def setup_inputs(seed: int = 0) -> dict:
    key = jax.random.key(seed)
    k_idx, k_tab = jax.random.split(key)
    # multi-hot indices per sparse field: [num_tables, batch, hist_len]
    indices = jax.random.randint(k_idx, (NUM_TABLES, BATCH, HIST), 0, VOCAB, dtype=jnp.int32)
    # embedding tables, uniform init in [-sqrt(1/n), sqrt(1/n)] as in create_emb
    bound = float(np.sqrt(1.0 / VOCAB))
    tables = jax.random.uniform(k_tab, (NUM_TABLES, VOCAB, EMB), minval=-bound, maxval=bound, dtype=jnp.float32)
    return {"indices": indices, "tables": tables}


def reference(indices, tables):
    # EmbeddingBag(mode='sum') per table: gather rows then sum over the bag (hist) dim.
    def bag_lookup(table, idx):
        # table: [vocab, emb], idx: [batch, hist]
        gathered = jnp.take(table, idx, axis=0)  # [batch, hist, emb]
        return gathered.sum(axis=1)              # [batch, emb]

    per_table = jax.vmap(bag_lookup)(tables, indices)  # [num_tables, batch, emb]
    # concat per-field pooled embeddings along feature dim, like DLRM sparse features
    out = jnp.transpose(per_table, (1, 0, 2)).reshape(per_table.shape[1], NUM_TABLES * EMB)
    return out

if __name__ == "__main__":
    import jax
    _d = setup_inputs()
    print(jax.jit(kernel)(*tuple(_d.values())))

</pallas_src>

<mosaic_0001>
#map = affine_map<(d0, d1) -> (0, 0, 0)>
#map1 = affine_map<(d0, d1) -> (0, 0)>
module attributes {stable_mosaic.version = 14 : i64} {
  func.func @k(%arg0: i32, %arg1: i32, %arg2: memref<26x20x16384xi32, #tpu.memory_space<hbm>>, %arg3: memref<26x100000x32xf32, #tpu.memory_space<hbm>>, %arg4: memref<16384x832xf32, #tpu.memory_space<hbm>>, %arg5: memref<1280xi32, #tpu.memory_space<vmem>>, %arg6: memref<1280xi32, #tpu.memory_space<vmem>>, %arg7: memref<1280x32xf32, #tpu.memory_space<vmem>>, %arg8: memref<1280x32xf32, #tpu.memory_space<vmem>>, %arg9: memref<64x32xf32, #tpu.memory_space<vmem>>, %arg10: memref<64x32xf32, #tpu.memory_space<vmem>>, %arg11: memref<!tpu.dma_semaphore, #tpu.memory_space<semaphore_mem>>, %arg12: memref<!tpu.dma_semaphore, #tpu.memory_space<semaphore_mem>>, %arg13: memref<!tpu.dma_semaphore, #tpu.memory_space<semaphore_mem>>, %arg14: memref<!tpu.dma_semaphore, #tpu.memory_space<semaphore_mem>>, %arg15: memref<!tpu.dma_semaphore, #tpu.memory_space<semaphore_mem>>, %arg16: memref<!tpu.dma_semaphore, #tpu.memory_space<semaphore_mem>>) attributes {dimension_semantics = [#tpu.dimension_semantics<core_parallel>, #tpu.dimension_semantics<subcore_parallel>], iteration_bounds = array<i64: 2, 16>, scalar_prefetch = 0 : i64, scratch_operands = 12 : i64, tpu.core_type = #tpu.core_type<sc_vector_subcore>, window_params = [{transform_indices = #map}, {transform_indices = #map}, {transform_indices = #map1}]} {
    %mul3A = arith.constant 13 : i32
    %mul3A_0 = arith.muli %arg0, %mul3A : i32
    %dma_start3A = arith.constant 0 : i32
    %dma_start3A_1 = arith.constant 0 : i32
    %dma_start3A_2 = tpu.memref_slice %arg4[%dma_start3A, %dma_start3A_1] : memref<16384x832xf32, #tpu.memory_space<hbm>> -> memref<64x32xf32, #tpu.memory_space<hbm>>
    %dma_start3A_3 = arith.constant 0 : i32
    %dma_start3A_4 = arith.constant 0 : i32
    %dma_start3A_5 = tpu.memref_slice %arg4[%dma_start3A_3, %dma_start3A_4] : memref<16384x832xf32, #tpu.memory_space<hbm>> -> memref<64x32xf32, #tpu.memory_space<hbm>>
    tpu.enqueue_dma source(%dma_start3A_5 : memref<64x32xf32, #tpu.memory_space<hbm>>) target(%arg9 : memref<64x32xf32, #tpu.memory_space<vmem>>) target_semaphore(%arg15 : memref<!tpu.dma_semaphore, #tpu.memory_space<semaphore_mem>>)
    %dma_start3A_6 = arith.constant 0 : i32
    %dma_start3A_7 = arith.constant 0 : i32
    %dma_start3A_8 = tpu.memref_slice %arg4[%dma_start3A_6, %dma_start3A_7] : memref<16384x832xf32, #tpu.memory_space<hbm>> -> memref<64x32xf32, #tpu.memory_space<hbm>>
    %dma_start3A_9 = arith.constant 0 : i32
    %dma_start3A_10 = arith.constant 0 : i32
    %dma_start3A_11 = tpu.memref_slice %arg4[%dma_start3A_9, %dma_start3A_10] : memref<16384x832xf32, #tpu.memory_space<hbm>> -> memref<64x32xf32, #tpu.memory_space<hbm>>
    tpu.enqueue_dma source(%dma_start3A_11 : memref<64x32xf32, #tpu.memory_space<hbm>>) target(%arg10 : memref<64x32xf32, #tpu.memory_space<vmem>>) target_semaphore(%arg16 : memref<!tpu.dma_semaphore, #tpu.memory_space<semaphore_mem>>)
    %add3A = arith.constant 0 : i32
    %add3A_12 = arith.addi %mul3A_0, %add3A : i32
    %mul3A_13 = arith.constant 1024 : i32
    %mul3A_14 = arith.muli %arg1, %mul3A_13 : i32
    %add3A_15 = arith.constant 0 : i32
    %add3A_16 = arith.addi %mul3A_14, %add3A_15 : i32
    %dma_start3A_17 = arith.constant 0 : i32
    %dma_start3A_18 = arith.constant 0 : i32
    %dma_start3A_19 = tpu.memref_slice %arg5[%dma_start3A_18] : memref<1280xi32, #tpu.memory_space<vmem>> -> memref<64xi32, #tpu.memory_space<vmem>>
    %dma_start3A_20 = tpu.memref_slice %arg2[%add3A_12, %dma_start3A_17, %add3A_16] : memref<26x20x16384xi32, #tpu.memory_space<hbm>> -> memref<1x1x64xi32, #tpu.memory_space<hbm>>
    %dma_start3A_21 = tpu.memref_squeeze %dma_start3A_20 : memref<1x1x64xi32, #tpu.memory_space<hbm>> -> memref<64xi32, #tpu.memory_space<hbm>>
    %dma_start3A_22 = arith.constant 0 : i32
    %dma_start3A_23 = tpu.memref_slice %arg5[%dma_start3A_22] : memref<1280xi32, #tpu.memory_space<vmem>> -> memref<64xi32, #tpu.memory_space<vmem>>
    %dma_start3A_24 = tpu.memref_slice %arg2[%add3A_12, %dma_start3A_17, %add3A_16] : memref<26x20x16384xi32, #tpu.memory_space<hbm>> -> memref<1x1x64xi32, #tpu.memory_space<hbm>>
    %dma_start3A_25 = tpu.memref_squeeze %dma_start3A_24 : memref<1x1x64xi32, #tpu.memory_space<hbm>> -> memref<64xi32, #tpu.memory_space<hbm>>
    tpu.enqueue_dma source(%dma_start3A_25 : memref<64xi32, #tpu.memory_space<hbm>>) target(%dma_start3A_23 : memref<64xi32, #tpu.memory_space<vmem>>) target_semaphore(%arg11 : memref<!tpu.dma_semaphore, #tpu.memory_space<semaphore_mem>>)
    %dma_start3A_26 = arith.constant 1 : i32
    %dma_start3A_27 = arith.constant 64 : i32
    %dma_start3A_28 = tpu.memref_slice %arg5[%dma_start3A_27] : memref<1280xi32, #tpu.memory_space<vmem>> -> memref<64xi32, #tpu.memory_space<vmem>>
    %dma_start3A_29 = tpu.memref_slice %arg2[%add3A_12, %dma_start3A_26, %add3A_16] : memref<26x20x16384xi32, #tpu.memory_space<hbm>> -> memref<1x1x64xi32, #tpu.memory_space<hbm>>
    %dma_start3A_30 = tpu.memref_squeeze %dma_start3A_29 : memref<1x1x64xi32, #tpu.memory_space<hbm>> -> memref<64xi32, #tpu.memory_space<hbm>>
    %dma_start3A_31 = arith.constant 64 : i32
    %dma_start3A_32 = tpu.memref_slice %arg5[%dma_start3A_31] : memref<1280xi32, #tpu.memory_space<vmem>> -> memref<64xi32, #tpu.memory_space<vmem>>
    %dma_start3A_33 = tpu.memref_slice %arg2[%add3A_12, %dma_start3A_26, %add3A_16] : memref<26x20x16384xi32, #tpu.memory_space<hbm>> -> memref<1x1x64xi32, #tpu.memory_space<hbm>>
    %dma_start3A_34 = tpu.memref_squeeze %dma_start3A_33 : memref<1x1x64xi32, #tpu.memory_space<hbm>> -> memref<64xi32, #tpu.memory_space<hbm>>
    tpu.enqueue_dma source(%dma_start3A_34 : memref<64xi32, #tpu.memory_space<hbm>>) target(%dma_start3A_32 : memref<64xi32, #tpu.memory_space<vmem>>) target_semaphore(%arg11 : memref<!tpu.dma_semaphore, #tpu.memory_space<semaphore_mem>>)
    %dma_start3A_35 = arith.constant 2 : i32
    %dma_start3A_36 = arith.constant 128 : i32
    %dma_start3A_37 = tpu.memref_slice %arg5[%dma_start3A_36] : memref<1280xi32, #tpu.memory_space<vmem>> -> memref<64xi32, #tpu.memory_space<vmem>>
    %dma_start3A_38 = tpu.memref_slice %arg2[%add3A_12, %dma_start3A_35, %add3A_16] : memref<26x20x16384xi32, #tpu.memory_space<hbm>> -> memref<1x1x64xi32, #tpu.memory_space<hbm>>
    %dma_start3A_39 = tpu.memref_squeeze %dma_start3A_38 : memref<1x1x64xi32, #tpu.memory_space<hbm>> -> memref<64xi32, #tpu.memory_space<hbm>>
    %dma_start3A_40 = arith.constant 128 : i32
    %dma_start3A_41 = tpu.memref_slice %arg5[%dma_start3A_40] : memref<1280xi32, #tpu.memory_space<vmem>> -> memref<64xi32, #tpu.memory_space<vmem>>
    %dma_start3A_42 = tpu.memref_slice %arg2[%add3A_12, %dma_start3A_35, %add3A_16] : memref<26x20x16384xi32, #tpu.memory_space<hbm>> -> memref<1x1x64xi32, #tpu.memory_space<hbm>>
    %dma_start3A_43 = tpu.memref_squeeze %dma_start3A_42 : memref<1x1x64xi32, #tpu.memory_space<hbm>> -> memref<64xi32, #tpu.memory_space<hbm>>
    tpu.enqueue_dma source(%dma_start3A_43 : memref<64xi32, #tpu.memory_space<hbm>>) target(%dma_start3A_41 : memref<64xi32, #tpu.memory_space<vmem>>) target_semaphore(%arg11 : memref<!tpu.dma_semaphore, #tpu.memory_space<semaphore_mem>>)
    %dma_start3A_44 = arith.constant 3 : i32
    %dma_start3A_45 = arith.constant 192 : i32
    %dma_start3A_46 = tpu.memref_slice %arg5[%dma_start3A_45] : memref<1280xi32, #tpu.memory_space<vmem>> -> memref<64xi32, #tpu.memory_space<vmem>>
    %dma_start3A_47 = tpu.memref_slice %arg2[%add3A_12, %dma_start3A_44, %add3A_16] : memref<26x20x16384xi32, #tpu.memory_space<hbm>> -> memref<1x1x64xi32, #tpu.memory_space<hbm>>
    %dma_start3A_48 = tpu.memref_squeeze %dma_start3A_47 : memref<1x1x64xi32, #tpu.memory_space<hbm>> -> memref<64xi32, #tpu.memory_space<hbm>>
    %dma_start3A_49 = arith.constant 192 : i32
    %dma_start3A_50 = tpu.memref_slice %arg5[%dma_start3A_49] : memref<1280xi32, #tpu.memory_space<vmem>> -> memref<64xi32, #tpu.memory_space<vmem>>
    %dma_start3A_51 = tpu.memref_slice %arg2[%add3A_12, %dma_start3A_44, %add3A_16] : memref<26x20x16384xi32, #tpu.memory_space<hbm>> -> memref<1x1x64xi32, #tpu.memory_space<hbm>>
    %dma_start3A_52 = tpu.memref_squeeze %dma_start3A_51 : memref<1x1x64xi32, #tpu.memory_space<hbm>> -> memref<64xi32, #tpu.memory_space<hbm>>
    tpu.enqueue_dma source(%dma_start3A_52 : memref<64xi32, #tpu.memory_space<hbm>>) target(%dma_start3A_50 : memref<64xi32, #tpu.memory_space<vmem>>) target_semaphore(%arg11 : memref<!tpu.dma_semaphore, #tpu.memory_space<semaphore_mem>>)
    %dma_start3A_53 = arith.constant 4 : i32
    %dma_start3A_54 = arith.constant 256 : i32
    %dma_start3A_55 = tpu.memref_slice %arg5[%dma_start3A_54] : memref<1280xi32, #tpu.memory_space<vmem>> -> memref<64xi32, #tpu.memory_space<vmem>>
    %dma_start3A_56 = tpu.memref_slice %arg2[%add3A_12, %dma_start3A_53, %add3A_16] : memref<26x20x16384xi32, #tpu.memory_space<hbm>> -> memref<1x1x64xi32, #tpu.memory_space<hbm>>
    %dma_start3A_57 = tpu.memref_squeeze %dma_start3A_56 : memref<1x1x64xi32, #tpu.memory_space<hbm>> -> memref<64xi32, #tpu.memory_space<hbm>>
    %dma_start3A_58 = arith.constant 256 : i32
    %dma_start3A_59 = tpu.memref_slice %arg5[%dma_start3A_58] : memref<1280xi32, #tpu.memory_space<vmem>> -> memref<64xi32, #tpu.memory_space<vmem>>
    %dma_start3A_60 = tpu.memref_slice %arg2[%add3A_12, %dma_start3A_53, %add3A_16] : memref<26x20x16384xi32, #tpu.memory_space<hbm>> -> memref<1x1x64xi32, #tpu.memory_space<hbm>>
    %dma_start3A_61 = tpu.memref_squeeze %dma_start3A_60 : memref<1x1x64xi32, #tpu.memory_space<hbm>> -> memref<64xi32, #tpu.memory_space<hbm>>
    tpu.enqueue_dma source(%dma_start3A_61 : memref<64xi32, #tpu.memory_space<hbm>>) target(%dma_start3A_59 : memref<64xi32, #tpu.memory_space<vmem>>) target_semaphore(%arg11 : memref<!tpu.dma_semaphore, #tpu.memory_space<semaphore_mem>>)
    %dma_start3A_62 = arith.constant 5 : i32
    %dma_start3A_63 = arith.constant 320 : i32
    %dma_start3A_64 = tpu.memref_slice %arg5[%dma_start3A_63] : memref<1280xi32, #tpu.memory_space<vmem>> -> memref<64xi32, #tpu.memory_space<vmem>>
    %dma_start3A_65 = tpu.memref_slice %arg2[%add3A_12, %dma_start3A_62, %add3A_16] : memref<26x20x16384xi32, #tpu.memory_space<hbm>> -> memref<1x1x64xi32, #tpu.memory_space<hbm>>
    %dma_start3A_66 = tpu.memref_squeeze %dma_start3A_65 : memref<1x1x64xi32, #tpu.memory_space<hbm>> -> memref<64xi32, #tpu.memory_space<hbm>>
    %dma_start3A_67 = arith.constant 320 : i32
    %dma_start3A_68 = tpu.memref_slice %arg5[%dma_start3A_67] : memref<1280xi32, #tpu.memory_space<vmem>> -> memref<64xi32, #tpu.memory_space<vmem>>
    %dma_start3A_69 = tpu.memref_slice %arg2[%add3A_12, %dma_start3A_62, %add3A_16] : memref<26x20x16384xi32, #tpu.memory_space<hbm>> -> memref<1x1x64xi32, #tpu.memory_space<hbm>>
    %dma_start3A_70 = tpu.memref_squeeze %dma_start3A_69 : memref<1x1x64xi32, #tpu.memory_space<hbm>> -> memref<64xi32, #tpu.memory_space<hbm>>
    tpu.enqueue_dma source(%dma_start3A_70 : memref<64xi32, #tpu.memory_space<hbm>>) target(%dma_start3A_68 : memref<64xi32, #tpu.memory_space<vmem>>) target_semaphore(%arg11 : memref<!tpu.dma_semaphore, #tpu.memory_space<semaphore_mem>>)
    %dma_start3A_71 = arith.constant 6 : i32
    %dma_start3A_72 = arith.constant 384 : i32
    %dma_start3A_73 = tpu.memref_slice %arg5[%dma_start3A_72] : memref<1280xi32, #tpu.memory_space<vmem>> -> memref<64xi32, #tpu.memory_space<vmem>>
    %dma_start3A_74 = tpu.memref_slice %arg2[%add3A_12, %dma_start3A_71, %add3A_16] : memref<26x20x16384xi32, #tpu.memory_space<hbm>> -> memref<1x1x64xi32, #tpu.memory_space<hbm>>
    %dma_start3A_75 = tpu.memref_squeeze %dma_start3A_74 : memref<1x1x64xi32, #tpu.memory_space<hbm>> -> memref<64xi32, #tpu.memory_space<hbm>>
    %dma_start3A_76 = arith.constant 384 : i32
    %dma_start3A_77 = tpu.memref_slice %arg5[%dma_start3A_76] : memref<1280xi32, #tpu.memory_space<vmem>> -> memref<64xi32, #tpu.memory_space<vmem>>
    %dma_start3A_78 = tpu.memref_slice %arg2[%add3A_12, %dma_start3A_71, %add3A_16] : memref<26x20x16384xi32, #tpu.memory_space<hbm>> -> memref<1x1x64xi32, #tpu.memory_space<hbm>>
    %dma_start3A_79 = tpu.memref_squeeze %dma_start3A_78 : memref<1x1x64xi32, #tpu.memory_space<hbm>> -> memref<64xi32, #tpu.memory_space<hbm>>
    tpu.enqueue_dma source(%dma_start3A_79 : memref<64xi32, #tpu.memory_space<hbm>>) target(%dma_start3A_77 : memref<64xi32, #tpu.memory_space<vmem>>) target_semaphore(%arg11 : memref<!tpu.dma_semaphore, #tpu.memory_space<semaphore_mem>>)
    %dma_start3A_80 = arith.constant 7 : i32
    %dma_start3A_81 = arith.constant 448 : i32
    %dma_start3A_82 = tpu.memref_slice %arg5[%dma_start3A_81] : memref<1280xi32, #tpu.memory_space<vmem>> -> memref<64xi32, #tpu.memory_space<vmem>>
    %dma_start3A_83 = tpu.memref_slice %arg2[%add3A_12, %dma_start3A_80, %add3A_16] : memref<26x20x16384xi32, #tpu.memory_space<hbm>> -> memref<1x1x64xi32, #tpu.memory_space<hbm>>
    %dma_start3A_84 = tpu.memref_squeeze %dma_start3A_83 : memref<1x1x64xi32, #tpu.memory_space<hbm>> -> memref<64xi32, #tpu.memory_space<hbm>>
    %dma_start3A_85 = arith.constant 448 : i32
    %dma_start3A_86 = tpu.memref_slice %arg5[%dma_start3A_85] : memref<1280xi32, #tpu.memory_space<vmem>> -> memref<64xi32, #tpu.memory_space<vmem>>
    %dma_start3A_87 = tpu.memref_slice %arg2[%add3A_12, %dma_start3A_80, %add3A_16] : memref<26x20x16384xi32, #tpu.memory_space<hbm>> -> memref<1x1x64xi32, #tpu.memory_space<hbm>>
    %dma_start3A_88 = tpu.memref_squeeze %dma_start3A_87 : memref<1x1x64xi32, #tpu.memory_space<hbm>> -> memref<64xi32, #tpu.memory_space<hbm>>
    tpu.enqueue_dma source(%dma_start3A_88 : memref<64xi32, #tpu.memory_space<hbm>>) target(%dma_start3A_86 : memref<64xi32, #tpu.memory_space<vmem>>) target_semaphore(%arg11 : memref<!tpu.dma_semaphore, #tpu.memory_space<semaphore_mem>>)
    %dma_start3A_89 = arith.constant 8 : i32
    %dma_start3A_90 = arith.constant 512 : i32
    %dma_start3A_91 = tpu.memref_slice %arg5[%dma_start3A_90] : memref<1280xi32, #tpu.memory_space<vmem>> -> memref<64xi32, #tpu.memory_space<vmem>>
    %dma_start3A_92 = tpu.memref_slice %arg2[%add3A_12, %dma_start3A_89, %add3A_16] : memref<26x20x16384xi32, #tpu.memory_space<hbm>> -> memref<1x1x64xi32, #tpu.memory_space<hbm>>
    %dma_start3A_93 = tpu.memref_squeeze %dma_start3A_92 : memref<1x1x64xi32, #tpu.memory_space<hbm>> -> memref<64xi32, #tpu.memory_space<hbm>>
    %dma_start3A_94 = arith.constant 512 : i32
    %dma_start3A_95 = tpu.memref_slice %arg5[%dma_start3A_94] : memref<1280xi32, #tpu.memory_space<vmem>> -> memref<64xi32, #tpu.memory_space<vmem>>
    %dma_start3A_96 = tpu.memref_slice %arg2[%add3A_12, %dma_start3A_89, %add3A_16] : memref<26x20x16384xi32, #tpu.memory_space<hbm>> -> memref<1x1x64xi32, #tpu.memory_space<hbm>>
    %dma_start3A_97 = tpu.memref_squeeze %dma_start3A_96 : memref<1x1x64xi32, #tpu.memory_space<hbm>> -> memref<64xi32, #tpu.memory_space<hbm>>
    tpu.enqueue_dma source(%dma_start3A_97 : memref<64xi32, #tpu.memory_space<hbm>>) target(%dma_start3A_95 : memref<64xi32, #tpu.memory_space<vmem>>) target_semaphore(%arg11 : memref<!tpu.dma_semaphore, #tpu.memory_space<semaphore_mem>>)
    %dma_start3A_98 = arith.constant 9 : i32
    %dma_start3A_99 = arith.constant 576 : i32
    %dma_start3A_100 = tpu.memref_slice %arg5[%dma_start3A_99] : memref<1280xi32, #tpu.memory_space<vmem>> -> memref<64xi32, #tpu.memory_space<vmem>>
    %dma_start3A_101 = tpu.memref_slice %arg2[%add3A_12, %dma_start3A_98, %add3A_16] : memref<26x20x16384xi32, #tpu.memory_space<hbm>> -> memref<1x1x64xi32, #tpu.memory_space<hbm>>
    %dma_start3A_102 = tpu.memref_squeeze %dma_start3A_101 : memref<1x1x64xi32, #tpu.memory_space<hbm>> -> memref<64xi32, #tpu.memory_space<hbm>>
    %dma_start3A_103 = arith.constant 576 : i32
    %dma_start3A_104 = tpu.memref_slice %arg5[%dma_start3A_103] : memref<1280xi32, #tpu.memory_space<vmem>> -> memref<64xi32, #tpu.memory_space<vmem>>
    %dma_start3A_105 = tpu.memref_slice %arg2[%add3A_12, %dma_start3A_98, %add3A_16] : memref<26x20x16384xi32, #tpu.memory_space<hbm>> -> memref<1x1x64xi32, #tpu.memory_space<hbm>>
    %dma_start3A_106 = tpu.memref_squeeze %dma_start3A_105 : memref<1x1x64xi32, #tpu.memory_space<hbm>> -> memref<64xi32, #tpu.memory_space<hbm>>
    tpu.enqueue_dma source(%dma_start3A_106 : memref<64xi32, #tpu.memory_space<hbm>>) target(%dma_start3A_104 : memref<64xi32, #tpu.memory_space<vmem>>) target_semaphore(%arg11 : memref<!tpu.dma_semaphore, #tpu.memory_space<semaphore_mem>>)
    %dma_start3A_107 = arith.constant 10 : i32
    %dma_start3A_108 = arith.constant 640 : i32
    %dma_start3A_109 = tpu.memref_slice %arg5[%dma_start3A_108] : memref<1280xi32, #tpu.memory_space<vmem>> -> memref<64xi32, #tpu.memory_space<vmem>>
    %dma_start3A_110 = tpu.memref_slice %arg2[%add3A_12, %dma_start3A_107, %add3A_16] : memref<26x20x16384xi32, #tpu.memory_space<hbm>> -> memref<1x1x64xi32, #tpu.memory_space<hbm>>
    %dma_start3A_111 = tpu.memref_squeeze %dma_start3A_110 : memref<1x1x64xi32, #tpu.memory_space<hbm>> -> memref<64xi32, #tpu.memory_space<hbm>>
    %dma_start3A_112 = arith.constant 640 : i32
    %dma_start3A_113 = tpu.memref_slice %arg5[%dma_start3A_112] : memref<1280xi32, #tpu.memory_space<vmem>> -> memref<64xi32, #tpu.memory_space<vmem>>
    %dma_start3A_114 = tpu.memref_slice %arg2[%add3A_12, %dma_start3A_107, %add3A_16] : memref<26x20x16384xi32, #tpu.memory_space<hbm>> -> memref<1x1x64xi32, #tpu.memory_space<hbm>>
    %dma_start3A_115 = tpu.memref_squeeze %dma_start3A_114 : memref<1x1x64xi32, #tpu.memory_space<hbm>> -> memref<64xi32, #tpu.memory_space<hbm>>
    tpu.enqueue_dma source(%dma_start3A_115 : memref<64xi32, #tpu.memory_space<hbm>>) target(%dma_start3A_113 : memref<64xi32, #tpu.memory_space<vmem>>) target_semaphore(%arg11 : memref<!tpu.dma_semaphore, #tpu.memory_space<semaphore_mem>>)
    %dma_start3A_116 = arith.constant 11 : i32
    %dma_start3A_117 = arith.constant 704 : i32
    %dma_start3A_118 = tpu.memref_slice %arg5[%dma_start3A_117] : memref<1280xi32, #tpu.memory_space<vmem>> -> memref<64xi32, #tpu.memory_space<vmem>>
    %dma_start3A_119 = tpu.memref_slice %arg2[%add3A_12, %dma_start3A_116, %add3A_16] : memref<26x20x16384xi32, #tpu.memory_space<hbm>> -> memref<1x1x64xi32, #tpu.memory_space<hbm>>
    %dma_start3A_120 = tpu.memref_squeeze %dma_start3A_119 : memref<1x1x64xi32, #tpu.memory_space<hbm>> -> memref<64xi32, #tpu.memory_space<hbm>>
    %dma_start3A_121 = arith.constant 704 : i32
    %dma_start3A_122 = tpu.memref_slice %arg5[%dma_start3A_121] : memref<1280xi32, #tpu.memory_space<vmem>> -> memref<64xi32, #tpu.memory_space<vmem>>
    %dma_start3A_123 = tpu.memref_slice %arg2[%add3A_12, %dma_start3A_116, %add3A_16] : memref<26x20x16384xi32, #tpu.memory_space<hbm>> -> memref<1x1x64xi32, #tpu.memory_space<hbm>>
    %dma_start3A_124 = tpu.memref_squeeze %dma_start3A_123 : memref<1x1x64xi32, #tpu.memory_space<hbm>> -> memref<64xi32, #tpu.memory_space<hbm>>
    tpu.enqueue_dma source(%dma_start3A_124 : memref<64xi32, #tpu.memory_space<hbm>>) target(%dma_start3A_122 : memref<64xi32, #tpu.memory_space<vmem>>) target_semaphore(%arg11 : memref<!tpu.dma_semaphore, #tpu.memory_space<semaphore_mem>>)
    %dma_start3A_125 = arith.constant 12 : i32
    %dma_start3A_126 = arith.constant 768 : i32
    %dma_start3A_127 = tpu.memref_slice %arg5[%dma_start3A_126] : memref<1280xi32, #tpu.memory_space<vmem>> -> memref<64xi32, #tpu.memory_space<vmem>>
    %dma_start3A_128 = tpu.memref_slice %arg2[%add3A_12, %dma_start3A_125, %add3A_16] : memref<26x20x16384xi32, #tpu.memory_space<hbm>> -> memref<1x1x64xi32, #tpu.memory_space<hbm>>
    %dma_start3A_129 = tpu.memref_squeeze %dma_start3A_128 : memref<1x1x64xi32, #tpu.memory_space<hbm>> -> memref<64xi32, #tpu.memory_space<hbm>>
    %dma_start3A_130 = arith.constant 768 : i32
    %dma_start3A_131 = tpu.memref_slice %arg5[%dma_start3A_130] : memref<1280xi32, #tpu.memory_space<vmem>> -> memref<64xi32, #tpu.memory_space<vmem>>
    %dma_start3A_132 = tpu.memref_slice %arg2[%add3A_12, %dma_start3A_125, %add3A_16] : memref<26x20x16384xi32, #tpu.memory_space<hbm>> -> memref<1x1x64xi32, #tpu.memory_space<hbm>>
    %dma_start3A_133 = tpu.memref_squeeze %dma_start3A_132 : memref<1x1x64xi32, #tpu.memory_space<hbm>> -> memref<64xi32, #tpu.memory_space<hbm>>
    tpu.enqueue_dma source(%dma_start3A_133 : memref<64xi32, #tpu.memory_space<hbm>>) target(%dma_start3A_131 : memref<64xi32, #tpu.memory_space<vmem>>) target_semaphore(%arg11 : memref<!tpu.dma_semaphore, #tpu.memory_space<semaphore_mem>>)
    %dma_start3A_134 = arith.constant 13 : i32
    %dma_start3A_135 = arith.constant 832 : i32
    %dma_start3A_136 = tpu.memref_slice %arg5[%dma_start3A_135] : memref<1280xi32, #tpu.memory_space<vmem>> -> memref<64xi32, #tpu.memory_space<vmem>>
    %dma_start3A_137 = tpu.memref_slice %arg2[%add3A_12, %dma_start3A_134, %add3A_16] : memref<26x20x16384xi32, #tpu.memory_space<hbm>> -> memref<1x1x64xi32, #tpu.memory_space<hbm>>
    %dma_start3A_138 = tpu.memref_squeeze %dma_start3A_137 : memref<1x1x64xi32, #tpu.memory_space<hbm>> -> memref<64xi32, #tpu.memory_space<hbm>>
    %dma_start3A_139 = arith.constant 832 : i32
    %dma_start3A_140 = tpu.memref_slice %arg5[%dma_start3A_139] : memref<1280xi32, #tpu.memory_space<vmem>> -> memref<64xi32, #tpu.memory_space<vmem>>
    %dma_start3A_141 = tpu.memref_slice %arg2[%add3A_12, %dma_start3A_134, %add3A_16] : memref<26x20x16384xi32, #tpu.memory_space<hbm>> -> memref<1x1x64xi32, #tpu.memory_space<hbm>>
    %dma_start3A_142 = tpu.memref_squeeze %dma_start3A_141 : memref<1x1x64xi32, #tpu.memory_space<hbm>> -> memref<64xi32, #tpu.memory_space<hbm>>
    tpu.enqueue_dma source(%dma_start3A_142 : memref<64xi32, #tpu.memory_space<hbm>>) target(%dma_start3A_140 : memref<64xi32, #tpu.memory_space<vmem>>) target_semaphore(%arg11 : memref<!tpu.dma_semaphore, #tpu.memory_space<semaphore_mem>>)
    %dma_start3A_143 = arith.constant 14 : i32
    %dma_start3A_144 = arith.constant 896 : i32
    %dma_start3A_145 = tpu.memref_slice %arg5[%dma_start3A_144] : memref<1280xi32, #tpu.memory_space<vmem>> -> memref<64xi32, #tpu.memory_space<vmem>>
    %dma_start3A_146 = tpu.memref_slice %arg2[%add3A_12, %dma_start3A_143, %add3A_16] : memref<26x20x16384xi32, #tpu.memory_space<hbm>> -> memref<1x1x64xi32, #tpu.memory_space<hbm>>
    %dma_start3A_147 = tpu.memref_squeeze %dma_start3A_146 : memref<1x1x64xi32, #tpu.memory_space<hbm>> -> memref<64xi32, #tpu.memory_space<hbm>>
    %dma_start3A_148 = arith.constant 896 : i32
    %dma_start3A_149 = tpu.memref_slice %arg5[%dma_start3A_148] : memref<1280xi32, #tpu.memory_space<vmem>> -> memref<64xi32, #tpu.memory_space<vmem>>
    %dma_start3A_150 = tpu.memref_slice %arg2[%add3A_12, %dma_start3A_143, %add3A_16] : memref<26x20x16384xi32, #tpu.memory_space<hbm>> -> memref<1x1x64xi32, #tpu.memory_space<hbm>>
    %dma_start3A_151 = tpu.memref_squeeze %dma_start3A_150 : memref<1x1x64xi32, #tpu.memory_space<hbm>> -> memref<64xi32, #tpu.memory_space<hbm>>
    tpu.enqueue_dma source(%dma_start3A_151 : memref<64xi32, #tpu.memory_space<hbm>>) target(%dma_start3A_149 : memref<64xi32, #tpu.memory_space<vmem>>) target_semaphore(%arg11 : memref<!tpu.dma_semaphore, #tpu.memory_space<semaphore_mem>>)
    %dma_start3A_152 = arith.constant 15 : i32
    %dma_start3A_153 = arith.constant 960 : i32
    %dma_start3A_154 = tpu.memref_slice %arg5[%dma_start3A_153] : memref<1280xi32, #tpu.memory_space<vmem>> -> memref<64xi32, #tpu.memory_space<vmem>>
    %dma_start3A_155 = tpu.memref_slice %arg2[%add3A_12, %dma_start3A_152, %add3A_16] : memref<26x20x16384xi32, #tpu.memory_space<hbm>> -> memref<1x1x64xi32, #tpu.memory_space<hbm>>
    %dma_start3A_156 = tpu.memref_squeeze %dma_start3A_155 : memref<1x1x64xi32, #tpu.memory_space<hbm>> -> memref<64xi32, #tpu.memory_space<hbm>>
    %dma_start3A_157 = arith.constant 960 : i32
    %dma_start3A_158 = tpu.memref_slice %arg5[%dma_start3A_157] : memref<1280xi32, #tpu.memory_space<vmem>> -> memref<64xi32, #tpu.memory_space<vmem>>
    %dma_start3A_159 = tpu.memref_slice %arg2[%add3A_12, %dma_start3A_152, %add3A_16] : memref<26x20x16384xi32, #tpu.memory_space<hbm>> -> memref<1x1x64xi32, #tpu.memory_space<hbm>>
    %dma_start3A_160 = tpu.memref_squeeze %dma_start3A_159 : memref<1x1x64xi32, #tpu.memory_space<hbm>> -> memref<64xi32, #tpu.memory_space<hbm>>
    tpu.enqueue_dma source(%dma_start3A_160 : memref<64xi32, #tpu.memory_space<hbm>>) target(%dma_start3A_158 : memref<64xi32, #tpu.memory_space<vmem>>) target_semaphore(%arg11 : memref<!tpu.dma_semaphore, #tpu.memory_space<semaphore_mem>>)
    %dma_start3A_161 = arith.constant 16 : i32
    %dma_start3A_162 = arith.constant 1024 : i32
    %dma_start3A_163 = tpu.memref_slice %arg5[%dma_start3A_162] : memref<1280xi32, #tpu.memory_space<vmem>> -> memref<64xi32, #tpu.memory_space<vmem>>
    %dma_start3A_164 = tpu.memref_slice %arg2[%add3A_12, %dma_start3A_161, %add3A_16] : memref<26x20x16384xi32, #tpu.memory_space<hbm>> -> memref<1x1x64xi32, #tpu.memory_space<hbm>>
    %dma_start3A_165 = tpu.memref_squeeze %dma_start3A_164 : memref<1x1x64xi32, #tpu.memory_space<hbm>> -> memref<64xi32, #tpu.memory_space<hbm>>
    %dma_start3A_166 = arith.constant 1024 : i32
    %dma_start3A_167 = tpu.memref_slice %arg5[%dma_start3A_166] : memref<1280xi32, #tpu.memory_space<vmem>> -> memref<64xi32, #tpu.memory_space<vmem>>
    %dma_start3A_168 = tpu.memref_slice %arg2[%add3A_12, %dma_start3A_161, %add3A_16] : memref<26x20x16384xi32, #tpu.memory_space<hbm>> -> memref<1x1x64xi32, #tpu.memory_space<hbm>>
    %dma_start3A_169 = tpu.memref_squeeze %dma_start3A_168 : memref<1x1x64xi32, #tpu.memory_space<hbm>> -> memref<64xi32, #tpu.memory_space<hbm>>
    tpu.enqueue_dma source(%dma_start3A_169 : memref<64xi32, #tpu.memory_space<hbm>>) target(%dma_start3A_167 : memref<64xi32, #tpu.memory_space<vmem>>) target_semaphore(%arg11 : memref<!tpu.dma_semaphore, #tpu.memory_space<semaphore_mem>>)
    %dma_start3A_170 = arith.constant 17 : i32
    %dma_start3A_171 = arith.constant 1088 : i32
    %dma_start3A_172 = tpu.memref_slice %arg5[%dma_start3A_171] : memref<1280xi32, #tpu.memory_space<vmem>> -> memref<64xi32, #tpu.memory_space<vmem>>
    %dma_start3A_173 = tpu.memref_slice %arg2[%add3A_12, %dma_start3A_170, %add3A_16] : memref<26x20x16384xi32, #tpu.memory_space<hbm>> -> memref<1x1x64xi32, #tpu.memory_space<hbm>>
    %dma_start3A_174 = tpu.memref_squeeze %dma_start3A_173 : memref<1x1x64xi32, #tpu.memory_space<hbm>> -> memref<64xi32, #tpu.memory_space<hbm>>
    %dma_start3A_175 = arith.constant 1088 : i32
    %dma_start3A_176 = tpu.memref_slice %arg5[%dma_start3A_175] : memref<1280xi32, #tpu.memory_space<vmem>> -> memref<64xi32, #tpu.memory_space<vmem>>
    %dma_start3A_177 = tpu.memref_slice %arg2[%add3A_12, %dma_start3A_170, %add3A_16] : memref<26x20x16384xi32, #tpu.memory_space<hbm>> -> memref<1x1x64xi32, #tpu.memory_space<hbm>>
    %dma_start3A_178 = tpu.memref_squeeze %dma_start3A_177 : memref<1x1x64xi32, #tpu.memory_space<hbm>> -> memref<64xi32, #tpu.memory_space<hbm>>
    tpu.enqueue_dma source(%dma_start3A_178 : memref<64xi32, #tpu.memory_space<hbm>>) target(%dma_start3A_176 : memref<64xi32, #tpu.memory_space<vmem>>) target_semaphore(%arg11 : memref<!tpu.dma_semaphore, #tpu.memory_space<semaphore_mem>>)
    %dma_start3A_179 = arith.constant 18 : i32
    %dma_start3A_180 = arith.constant 1152 : i32
    %dma_start3A_181 = tpu.memref_slice %arg5[%dma_start3A_180] : memref<1280xi32, #tpu.memory_space<vmem>> -> memref<64xi32, #tpu.memory_space<vmem>>
    %dma_start3A_182 = tpu.memref_slice %arg2[%add3A_12, %dma_start3A_179, %add3A_16] : memref<26x20x16384xi32, #tpu.memory_space<hbm>> -> memref<1x1x64xi32, #tpu.memory_space<hbm>>
    %dma_start3A_183 = tpu.memref_squeeze %dma_start3A_182 : memref<1x1x64xi32, #tpu.memory_space<hbm>> -> memref<64xi32, #tpu.memory_space<hbm>>
    %dma_start3A_184 = arith.constant 1152 : i32
    %dma_start3A_185 = tpu.memref_slice %arg5[%dma_start3A_184] : memref<1280xi32, #tpu.memory_space<vmem>> -> memref<64xi32, #tpu.memory_space<vmem>>
    %dma_start3A_186 = tpu.memref_slice %arg2[%add3A_12, %dma_start3A_179, %add3A_16] : memref<26x20x16384xi32, #tpu.memory_space<hbm>> -> memref<1x1x64xi32, #tpu.memory_space<hbm>>
    %dma_start3A_187 = tpu.memref_squeeze %dma_start3A_186 : memref<1x1x64xi32, #tpu.memory_space<hbm>> -> memref<64xi32, #tpu.memory_space<hbm>>
    tpu.enqueue_dma source(%dma_start3A_187 : memref<64xi32, #tpu.memory_space<hbm>>) target(%dma_start3A_185 : memref<64xi32, #tpu.memory_space<vmem>>) target_semaphore(%arg11 : memref<!tpu.dma_semaphore, #tpu.memory_space<semaphore_mem>>)
    %dma_start3A_188 = arith.constant 19 : i32
    %dma_start3A_189 = arith.constant 1216 : i32
    %dma_start3A_190 = tpu.memref_slice %arg5[%dma_start3A_189] : memref<1280xi32, #tpu.memory_space<vmem>> -> memref<64xi32, #tpu.memory_space<vmem>>
    %dma_start3A_191 = tpu.memref_slice %arg2[%add3A_12, %dma_start3A_188, %add3A_16] : memref<26x20x16384xi32, #tpu.memory_space<hbm>> -> memref<1x1x64xi32, #tpu.memory_space<hbm>>
    %dma_start3A_192 = tpu.memref_squeeze %dma_start3A_191 : memref<1x1x64xi32, #tpu.memory_space<hbm>> -> memref<64xi32, #tpu.memory_space<hbm>>
    %dma_start3A_193 = arith.constant 1216 : i32
    %dma_start3A_194 = tpu.memref_slice %arg5[%dma_start3A_193] : memref<1280xi32, #tpu.memory_space<vmem>> -> memref<64xi32, #tpu.memory_space<vmem>>
    %dma_start3A_195 = tpu.memref_slice %arg2[%add3A_12, %dma_start3A_188, %add3A_16] : memref<26x20x16384xi32, #tpu.memory_space<hbm>> -> memref<1x1x64xi32, #tpu.memory_space<hbm>>
    %dma_start3A_196 = tpu.memref_squeeze %dma_start3A_195 : memref<1x1x64xi32, #tpu.memory_space<hbm>> -> memref<64xi32, #tpu.memory_space<hbm>>
    tpu.enqueue_dma source(%dma_start3A_196 : memref<64xi32, #tpu.memory_space<hbm>>) target(%dma_start3A_194 : memref<64xi32, #tpu.memory_space<vmem>>) target_semaphore(%arg11 : memref<!tpu.dma_semaphore, #tpu.memory_space<semaphore_mem>>)
    %add3A_197 = arith.constant 0 : i32
    %add3A_198 = arith.addi %mul3A_0, %add3A_197 : i32
    %mul3A_199 = arith.constant 1024 : i32
    %mul3A_200 = arith.muli %arg1, %mul3A_199 : i32
    %add3A_201 = arith.constant 64 : i32
    %add3A_202 = arith.addi %mul3A_200, %add3A_201 : i32
    %dma_start3A_203 = arith.constant 0 : i32
    %dma_start3A_204 = arith.constant 0 : i32
    %dma_start3A_205 = tpu.memref_slice %arg6[%dma_start3A_204] : memref<1280xi32, #tpu.memory_space<vmem>> -> memref<64xi32, #tpu.memory_space<vmem>>
    %dma_start3A_206 = tpu.memref_slice %arg2[%add3A_198, %dma_start3A_203, %add3A_202] : memref<26x20x16384xi32, #tpu.memory_space<hbm>> -> memref<1x1x64xi32, #tpu.memory_space<hbm>>
    %dma_start3A_207 = tpu.memref_squeeze %dma_start3A_206 : memref<1x1x64xi32, #tpu.memory_space<hbm>> -> memref<64xi32, #tpu.memory_space<hbm>>
    %dma_start3A_208 = arith.constant 0 : i32
    %dma_start3A_209 = tpu.memref_slice %arg6[%dma_start3A_208] : memref<1280xi32, #tpu.memory_space<vmem>> -> memref<64xi32, #tpu.memory_space<vmem>>
    %dma_start3A_210 = tpu.memref_slice %arg2[%add3A_198, %dma_start3A_203, %add3A_202] : memref<26x20x16384xi32, #tpu.memory_space<hbm>> -> memref<1x1x64xi32, #tpu.memory_space<hbm>>
    %dma_start3A_211 = tpu.memref_squeeze %dma_start3A_210 : memref<1x1x64xi32, #tpu.memory_space<hbm>> -> memref<64xi32, #tpu.memory_space<hbm>>
    tpu.enqueue_dma source(%dma_start3A_211 : memref<64xi32, #tpu.memory_space<hbm>>) target(%dma_start3A_209 : memref<64xi32, #tpu.memory_space<vmem>>) target_semaphore(%arg12 : memref<!tpu.dma_semaphore, #tpu.memory_space<semaphore_mem>>)
    %dma_start3A_212 = arith.constant 1 : i32
    %dma_start3A_213 = arith.constant 64 : i32
    %dma_start3A_214 = tpu.memref_slice %arg6[%dma_start3A_213] : memref<1280xi32, #tpu.memory_space<vmem>> -> memref<64xi32, #tpu.memory_space<vmem>>
    %dma_start3A_215 = tpu.memref_slice %arg2[%add3A_198, %dma_start3A_212, %add3A_202] : memref<26x20x16384xi32, #tpu.memory_space<hbm>> -> memref<1x1x64xi32, #tpu.memory_space<hbm>>
    %dma_start3A_216 = tpu.memref_squeeze %dma_start3A_215 : memref<1x1x64xi32, #tpu.memory_space<hbm>> -> memref<64xi32, #tpu.memory_space<hbm>>
    %dma_start3A_217 = arith.constant 64 : i32
    %dma_start3A_218 = tpu.memref_slice %arg6[%dma_start3A_217] : memref<1280xi32, #tpu.memory_space<vmem>> -> memref<64xi32, #tpu.memory_space<vmem>>
    %dma_start3A_219 = tpu.memref_slice %arg2[%add3A_198, %dma_start3A_212, %add3A_202] : memref<26x20x16384xi32, #tpu.memory_space<hbm>> -> memref<1x1x64xi32, #tpu.memory_space<hbm>>
    %dma_start3A_220 = tpu.memref_squeeze %dma_start3A_219 : memref<1x1x64xi32, #tpu.memory_space<hbm>> -> memref<64xi32, #tpu.memory_space<hbm>>
    tpu.enqueue_dma source(%dma_start3A_220 : memref<64xi32, #tpu.memory_space<hbm>>) target(%dma_start3A_218 : memref<64xi32, #tpu.memory_space<vmem>>) target_semaphore(%arg12 : memref<!tpu.dma_semaphore, #tpu.memory_space<semaphore_mem>>)
    %dma_start3A_221 = arith.constant 2 : i32
    %dma_start3A_222 = arith.constant 128 : i32
    %dma_start3A_223 = tpu.memref_slice %arg6[%dma_start3A_222] : memref<1280xi32, #tpu.memory_space<vmem>> -> memref<64xi32, #tpu.memory_space<vmem>>
    %dma_start3A_224 = tpu.memref_slice %arg2[%add3A_198, %dma_start3A_221, %add3A_202] : memref<26x20x16384xi32, #tpu.memory_space<hbm>> -> memref<1x1x64xi32, #tpu.memory_space<hbm>>
    %dma_start3A_225 = tpu.memref_squeeze %dma_start3A_224 : memref<1x1x64xi32, #tpu.memory_space<hbm>> -> memref<64xi32, #tpu.memory_space<hbm>>
    %dma_start3A_226 = arith.constant 128 : i32
    %dma_start3A_227 = tpu.memref_slice %arg6[%dma_start3A_226] : memref<1280xi32, #tpu.memory_space<vmem>> -> memref<64xi32, #tpu.memory_space<vmem>>
    %dma_start3A_228 = tpu.memref_slice %arg2[%add3A_198, %dma_start3A_221, %add3A_202] : memref<26x20x16384xi32, #tpu.memory_space<hbm>> -> memref<1x1x64xi32, #tpu.memory_space<hbm>>
    %dma_start3A_229 = tpu.memref_squeeze %dma_start3A_228 : memref<1x1x64xi32, #tpu.memory_space<hbm>> -> memref<64xi32, #tpu.memory_space<hbm>>
    tpu.enqueue_dma source(%dma_start3A_229 : memref<64xi32, #tpu.memory_space<hbm>>) target(%dma_start3A_227 : memref<64xi32, #tpu.memory_space<vmem>>) target_semaphore(%arg12 : memref<!tpu.dma_semaphore, #tpu.memory_space<semaphore_mem>>)
    %dma_start3A_230 = arith.constant 3 : i32
    %dma_start3A_231 = arith.constant 192 : i32
    %dma_start3A_232 = tpu.memref_slice %arg6[%dma_start3A_231] : memref<1280xi32, #tpu.memory_space<vmem>> -> memref<64xi32, #tpu.memory_space<vmem>>
    %dma_start3A_233 = tpu.memref_slice %arg2[%add3A_198, %dma_start3A_230, %add3A_202] : memref<26x20x16384xi32, #tpu.memory_space<hbm>> -> memref<1x1x64xi32, #tpu.memory_space<hbm>>
    %dma_start3A_234 = tpu.memref_squeeze %dma_start3A_233 : memref<1x1x64xi32, #tpu.memory_space<hbm>> -> memref<64xi32, #tpu.memory_space<hbm>>
    %dma_start3A_235 = arith.constant 192 : i32
    %dma_start3A_236 = tpu.memref_slice %arg6[%dma_start3A_235] : memref<1280xi32, #tpu.memory_space<vmem>> -> memref<64xi32, #tpu.memory_space<vmem>>
    %dma_start3A_237 = tpu.memref_slice %arg2[%add3A_198, %dma_start3A_230, %add3A_202] : memref<26x20x16384xi32, #tpu.memory_space<hbm>> -> memref<1x1x64xi32, #tpu.memory_space<hbm>>
    %dma_start3A_238 = tpu.memref_squeeze %dma_start3A_237 : memref<1x1x64xi32, #tpu.memory_space<hbm>> -> memref<64xi32, #tpu.memory_space<hbm>>
    tpu.enqueue_dma source(%dma_start3A_238 : memref<64xi32, #tpu.memory_space<hbm>>) target(%dma_start3A_236 : memref<64xi32, #tpu.memory_space<vmem>>) target_semaphore(%arg12 : memref<!tpu.dma_semaphore, #tpu.memory_space<semaphore_mem>>)
    %dma_start3A_239 = arith.constant 4 : i32
    %dma_start3A_240 = arith.constant 256 : i32
    %dma_start3A_241 = tpu.memref_slice %arg6[%dma_start3A_240] : memref<1280xi32, #tpu.memory_space<vmem>> -> memref<64xi32, #tpu.memory_space<vmem>>
    %dma_start3A_242 = tpu.memref_slice %arg2[%add3A_198, %dma_start3A_239, %add3A_202] : memref<26x20x16384xi32, #tpu.memory_space<hbm>> -> memref<1x1x64xi32, #tpu.memory_space<hbm>>
    %dma_start3A_243 = tpu.memref_squeeze %dma_start3A_242 : memref<1x1x64xi32, #tpu.memory_space<hbm>> -> memref<64xi32, #tpu.memory_space<hbm>>
    %dma_start3A_244 = arith.constant 256 : i32
    %dma_start3A_245 = tpu.memref_slice %arg6[%dma_start3A_244] : memref<1280xi32, #tpu.memory_space<vmem>> -> memref<64xi32, #tpu.memory_space<vmem>>
    %dma_start3A_246 = tpu.memref_slice %arg2[%add3A_198, %dma_start3A_239, %add3A_202] : memref<26x20x16384xi32, #tpu.memory_space<hbm>> -> memref<1x1x64xi32, #tpu.memory_space<hbm>>
    %dma_start3A_247 = tpu.memref_squeeze %dma_start3A_246 : memref<1x1x64xi32, #tpu.memory_space<hbm>> -> memref<64xi32, #tpu.memory_space<hbm>>
    tpu.enqueue_dma source(%dma_start3A_247 : memref<64xi32, #tpu.memory_space<hbm>>) target(%dma_start3A_245 : memref<64xi32, #tpu.memory_space<vmem>>) target_semaphore(%arg12 : memref<!tpu.dma_semaphore, #tpu.memory_space<semaphore_mem>>)
    %dma_start3A_248 = arith.constant 5 : i32
    %dma_start3A_249 = arith.constant 320 : i32
    %dma_start3A_250 = tpu.memref_slice %arg6[%dma_start3A_249] : memref<1280xi32, #tpu.memory_space<vmem>> -> memref<64xi32, #tpu.memory_space<vmem>>
    %dma_start3A_251 = tpu.memref_slice %arg2[%add3A_198, %dma_start3A_248, %add3A_202] : memref<26x20x16384xi32, #tpu.memory_space<hbm>> -> memref<1x1x64xi32, #tpu.memory_space<hbm>>
    %dma_start3A_252 = tpu.memref_squeeze %dma_start3A_251 : memref<1x1x64xi32, #tpu.memory_space<hbm>> -> memref<64xi32, #tpu.memory_space<hbm>>
    %dma_start3A_253 = arith.constant 320 : i32
    %dma_start3A_254 = tpu.memref_slice %arg6[%dma_start3A_253] : memref<1280xi32, #tpu.memory_space<vmem>> -> memref<64xi32, #tpu.memory_space<vmem>>
    %dma_start3A_255 = tpu.memref_slice %arg2[%add3A_198, %dma_start3A_248, %add3A_202] : memref<26x20x16384xi32, #tpu.memory_space<hbm>> -> memref<1x1x64xi32, #tpu.memory_space<hbm>>
    %dma_start3A_256 = tpu.memref_squeeze %dma_start3A_255 : memref<1x1x64xi32, #tpu.memory_space<hbm>> -> memref<64xi32, #tpu.memory_space<hbm>>
    tpu.enqueue_dma source(%dma_start3A_256 : memref<64xi32, #tpu.memory_space<hbm>>) target(%dma_start3A_254 : memref<64xi32, #tpu.memory_space<vmem>>) target_semaphore(%arg12 : memref<!tpu.dma_semaphore, #tpu.memory_space<semaphore_mem>>)
    %dma_start3A_257 = arith.constant 6 : i32
    %dma_start3A_258 = arith.constant 384 : i32
    %dma_start3A_259 = tpu.memref_slice %arg6[%dma_start3A_258] : memref<1280xi32, #tpu.memory_space<vmem>> -> memref<64xi32, #tpu.memory_space<vmem>>
    %dma_start3A_260 = tpu.memref_slice %arg2[%add3A_198, %dma_start3A_257, %add3A_202] : memref<26x20x16384xi32, #tpu.memory_space<hbm>> -> memref<1x1x64xi32, #tpu.memory_space<hbm>>
    %dma_start3A_261 = tpu.memref_squeeze %dma_start3A_260 : memref<1x1x64xi32, #tpu.memory_space<hbm>> -> memref<64xi32, #tpu.memory_space<hbm>>
    %dma_start3A_262 = arith.constant 384 : i32
    %dma_start3A_263 = tpu.memref_slice %arg6[%dma_start3A_262] : memref<1280xi32, #tpu.memory_space<vmem>> -> memref<64xi32, #tpu.memory_space<vmem>>
    %dma_start3A_264 = tpu.memref_slice %arg2[%add3A_198, %dma_start3A_257, %add3A_202] : memref<26x20x16384xi32, #tpu.memory_space<hbm>> -> memref<1x1x64xi32, #tpu.memory_space<hbm>>
    %dma_start3A_265 = tpu.memref_squeeze %dma_start3A_264 : memref<1x1x64xi32, #tpu.memory_space<hbm>> -> memref<64xi32, #tpu.memory_space<hbm>>
    tpu.enqueue_dma source(%dma_start3A_265 : memref<64xi32, #tpu.memory_space<hbm>>) target(%dma_start3A_263 : memref<64xi32, #tpu.memory_space<vmem>>) target_semaphore(%arg12 : memref<!tpu.dma_semaphore, #tpu.memory_space<semaphore_mem>>)
    %dma_start3A_266 = arith.constant 7 : i32
    %dma_start3A_267 = arith.constant 448 : i32
    %dma_start3A_268 = tpu.memref_slice %arg6[%dma_start3A_267] : memref<1280xi32, #tpu.memory_space<vmem>> -> memref<64xi32, #tpu.memory_space<vmem>>
    %dma_start3A_269 = tpu.memref_slice %arg2[%add3A_198, %dma_start3A_266, %add3A_202] : memref<26x20x16384xi32, #tpu.memory_space<hbm>> -> memref<1x1x64xi32, #tpu.memory_space<hbm>>
    %dma_start3A_270 = tpu.memref_squeeze %dma_start3A_269 : memref<1x1x64xi32, #tpu.memory_space<hbm>> -> memref<64xi32, #tpu.memory_space<hbm>>
    %dma_start3A_271 = arith.constant 448 : i32
    %dma_start3A_272 = tpu.memref_slice %arg6[%dma_start3A_271] : memref<1280xi32, #tpu.memory_space<vmem>> -> memref<64xi32, #tpu.memory_space<vmem>>
    %dma_start3A_273 = tpu.memref_slice %arg2[%add3A_198, %dma_start3A_266, %add3A_202] : memref<26x20x16384xi32, #tpu.memory_space<hbm>> -> memref<1x1x64xi32, #tpu.memory_space<hbm>>
    %dma_start3A_274 = tpu.memref_squeeze %dma_start3A_273 : memref<1x1x64xi32, #tpu.memory_space<hbm>> -> memref<64xi32, #tpu.memory_space<hbm>>
    tpu.enqueue_dma source(%dma_start3A_274 : memref<64xi32, #tpu.memory_space<hbm>>) target(%dma_start3A_272 : memref<64xi32, #tpu.memory_space<vmem>>) target_semaphore(%arg12 : memref<!tpu.dma_semaphore, #tpu.memory_space<semaphore_mem>>)
    %dma_start3A_275 = arith.constant 8 : i32
    %dma_start3A_276 = arith.constant 512 : i32
    %dma_start3A_277 = tpu.memref_slice %arg6[%dma_start3A_276] : memref<1280xi32, #tpu.memory_space<vmem>> -> memref<64xi32, #tpu.memory_space<vmem>>
    %dma_start3A_278 = tpu.memref_slice %arg2[%add3A_198, %dma_start3A_275, %add3A_202] : memref<26x20x16384xi32, #tpu.memory_space<hbm>> -> memref<1x1x64xi32, #tpu.memory_space<hbm>>
    %dma_start3A_279 = tpu.memref_squeeze %dma_start3A_278 : memref<1x1x64xi32, #tpu.memory_space<hbm>> -> memref<64xi32, #tpu.memory_space<hbm>>
    %dma_start3A_280 = arith.constant 512 : i32
    %dma_start3A_281 = tpu.memref_slice %arg6[%dma_start3A_280] : memref<1280xi32, #tpu.memory_space<vmem>> -> memref<64xi32, #tpu.memory_space<vmem>>
    %dma_start3A_282 = tpu.memref_slice %arg2[%add3A_198, %dma_start3A_275, %add3A_202] : memref<26x20x16384xi32, #tpu.memory_space<hbm>> -> memref<1x1x64xi32, #tpu.memory_space<hbm>>
    %dma_start3A_283 = tpu.memref_squeeze %dma_start3A_282 : memref<1x1x64xi32, #tpu.memory_space<hbm>> -> memref<64xi32, #tpu.memory_space<hbm>>
    tpu.enqueue_dma source(%dma_start3A_283 : memref<64xi32, #tpu.memory_space<hbm>>) target(%dma_start3A_281 : memref<64xi32, #tpu.memory_space<vmem>>) target_semaphore(%arg12 : memref<!tpu.dma_semaphore, #tpu.memory_space<semaphore_mem>>)
    %dma_start3A_284 = arith.constant 9 : i32
    %dma_start3A_285 = arith.constant 576 : i32
    %dma_start3A_286 = tpu.memref_slice %arg6[%dma_start3A_285] : memref<1280xi32, #tpu.memory_space<vmem>> -> memref<64xi32, #tpu.memory_space<vmem>>
    %dma_start3A_287 = tpu.memref_slice %arg2[%add3A_198, %dma_start3A_284, %add3A_202] : memref<26x20x16384xi32, #tpu.memory_space<hbm>> -> memref<1x1x64xi32, #tpu.memory_space<hbm>>
    %dma_start3A_288 = tpu.memref_squeeze %dma_start3A_287 : memref<1x1x64xi32, #tpu.memory_space<hbm>> -> memref<64xi32, #tpu.memory_space<hbm>>
    %dma_start3A_289 = arith.constant 576 : i32
    %dma_start3A_290 = tpu.memref_slice %arg6[%dma_start3A_289] : memref<1280xi32, #tpu.memory_space<vmem>> -> memref<64xi32, #tpu.memory_space<vmem>>
    %dma_start3A_291 = tpu.memref_slice %arg2[%add3A_198, %dma_start3A_284, %add3A_202] : memref<26x20x16384xi32, #tpu.memory_space<hbm>> -> memref<1x1x64xi32, #tpu.memory_space<hbm>>
    %dma_start3A_292 = tpu.memref_squeeze %dma_start3A_291 : memref<1x1x64xi32, #tpu.memory_space<hbm>> -> memref<64xi32, #tpu.memory_space<hbm>>
    tpu.enqueue_dma source(%dma_start3A_292 : memref<64xi32, #tpu.memory_space<hbm>>) target(%dma_start3A_290 : memref<64xi32, #tpu.memory_space<vmem>>) target_semaphore(%arg12 : memref<!tpu.dma_semaphore, #tpu.memory_space<semaphore_mem>>)
    %dma_start3A_293 = arith.constant 10 : i32
    %dma_start3A_294 = arith.constant 640 : i32
    %dma_start3A_295 = tpu.memref_slice %arg6[%dma_start3A_294] : memref<1280xi32, #tpu.memory_space<vmem>> -> memref<64xi32, #tpu.memory_space<vmem>>
    %dma_start3A_296 = tpu.memref_slice %arg2[%add3A_198, %dma_start3A_293, %add3A_202] : memref<26x20x16384xi32, #tpu.memory_space<hbm>> -> memref<1x1x64xi32, #tpu.memory_space<hbm>>
    %dma_start3A_297 = tpu.memref_squeeze %dma_start3A_296 : memref<1x1x64xi32, #tpu.memory_space<hbm>> -> memref<64xi32, #tpu.memory_space<hbm>>
    %dma_start3A_298 = arith.constant 640 : i32
    %dma_start3A_299 = tpu.memref_slice %arg6[%dma_start3A_298] : memref<1280xi32, #tpu.memory_space<vmem>> -> memref<64xi32, #tpu.memory_space<vmem>>
    %dma_start3A_300 = tpu.memref_slice %arg2[%add3A_198, %dma_start3A_293, %add3A_202] : memref<26x20x16384xi32, #tpu.memory_space<hbm>> -> memref<1x1x64xi32, #tpu.memory_space<hbm>>
    %dma_start3A_301 = tpu.memref_squeeze %dma_start3A_300 : memref<1x1x64xi32, #tpu.memory_space<hbm>> -> memref<64xi32, #tpu.memory_space<hbm>>
    tpu.enqueue_dma source(%dma_start3A_301 : memref<64xi32, #tpu.memory_space<hbm>>) target(%dma_start3A_299 : memref<64xi32, #tpu.memory_space<vmem>>) target_semaphore(%arg12 : memref<!tpu.dma_semaphore, #tpu.memory_space<semaphore_mem>>)
    %dma_start3A_302 = arith.constant 11 : i32
    %dma_start3A_303 = arith.constant 704 : i32
    %dma_start3A_304 = tpu.memref_slice %arg6[%dma_start3A_303] : memref<1280xi32, #tpu.memory_space<vmem>> -> memref<64xi32, #tpu.memory_space<vmem>>
    %dma_start3A_305 = tpu.memref_slice %arg2[%add3A_198, %dma_start3A_302, %add3A_202] : memref<26x20x16384xi32, #tpu.memory_space<hbm>> -> memref<1x1x64xi32, #tpu.memory_space<hbm>>
    %dma_start3A_306 = tpu.memref_squeeze %dma_start3A_305 : memref<1x1x64xi32, #tpu.memory_space<hbm>> -> memref<64xi32, #tpu.memory_space<hbm>>
    %dma_start3A_307 = arith.constant 704 : i32
    %dma_start3A_308 = tpu.memref_slice %arg6[%dma_start3A_307] : memref<1280xi32, #tpu.memory_space<vmem>> -> memref<64xi32, #tpu.memory_space<vmem>>
    %dma_start3A_309 = tpu.memref_slice %arg2[%add3A_198, %dma_start3A_302, %add3A_202] : memref<26x20x16384xi32, #tpu.memory_space<hbm>> -> memref<1x1x64xi32, #tpu.memory_space<hbm>>
    %dma_start3A_310 = tpu.memref_squeeze %dma_start3A_309 : memref<1x1x64xi32, #tpu.memory_space<hbm>> -> memref<64xi32, #tpu.memory_space<hbm>>
    tpu.enqueue_dma source(%dma_start3A_310 : memref<64xi32, #tpu.memory_space<hbm>>) target(%dma_start3A_308 : memref<64xi32, #tpu.memory_space<vmem>>) target_semaphore(%arg12 : memref<!tpu.dma_semaphore, #tpu.memory_space<semaphore_mem>>)
    %dma_start3A_311 = arith.constant 12 : i32
    %dma_start3A_312 = arith.constant 768 : i32
    %dma_start3A_313 = tpu.memref_slice %arg6[%dma_start3A_312] : memref<1280xi32, #tpu.memory_space<vmem>> -> memref<64xi32, #tpu.memory_space<vmem>>
    %dma_start3A_314 = tpu.memref_slice %arg2[%add3A_198, %dma_start3A_311, %add3A_202] : memref<26x20x16384xi32, #tpu.memory_space<hbm>> -> memref<1x1x64xi32, #tpu.memory_space<hbm>>
    %dma_start3A_315 = tpu.memref_squeeze %dma_start3A_314 : memref<1x1x64xi32, #tpu.memory_space<hbm>> -> memref<64xi32, #tpu.memory_space<hbm>>
    %dma_start3A_316 = arith.constant 768 : i32
    %dma_start3A_317 = tpu.memref_slice %arg6[%dma_start3A_316] : memref<1280xi32, #tpu.memory_space<vmem>> -> memref<64xi32, #tpu.memory_space<vmem>>
    %dma_start3A_318 = tpu.memref_slice %arg2[%add3A_198, %dma_start3A_311, %add3A_202] : memref<26x20x16384xi32, #tpu.memory_space<hbm>> -> memref<1x1x64xi32, #tpu.memory_space<hbm>>
    %dma_start3A_319 = tpu.memref_squeeze %dma_start3A_318 : memref<1x1x64xi32, #tpu.memory_space<hbm>> -> memref<64xi32, #tpu.memory_space<hbm>>
    tpu.enqueue_dma source(%dma_start3A_319 : memref<64xi32, #tpu.memory_space<hbm>>) target(%dma_start3A_317 : memref<64xi32, #tpu.memory_space<vmem>>) target_semaphore(%arg12 : memref<!tpu.dma_semaphore, #tpu.memory_space<semaphore_mem>>)
    %dma_start3A_320 = arith.constant 13 : i32
    %dma_start3A_321 = arith.constant 832 : i32
    %dma_start3A_322 = tpu.memref_slice %arg6[%dma_start3A_321] : memref<1280xi32, #tpu.memory_space<vmem>> -> memref<64xi32, #tpu.memory_space<vmem>>
    %dma_start3A_323 = tpu.memref_slice %arg2[%add3A_198, %dma_start3A_320, %add3A_202] : memref<26x20x16384xi32, #tpu.memory_space<hbm>> -> memref<1x1x64xi32, #tpu.memory_space<hbm>>
    %dma_start3A_324 = tpu.memref_squeeze %dma_start3A_323 : memref<1x1x64xi32, #tpu.memory_space<hbm>> -> memref<64xi32, #tpu.memory_space<hbm>>
    %dma_start3A_325 = arith.constant 832 : i32
    %dma_start3A_326 = tpu.memref_slice %arg6[%dma_start3A_325] : memref<1280xi32, #tpu.memory_space<vmem>> -> memref<64xi32, #tpu.memory_space<vmem>>
    %dma_start3A_327 = tpu.memref_slice %arg2[%add3A_198, %dma_start3A_320, %add3A_202] : memref<26x20x16384xi32, #tpu.memory_space<hbm>> -> memref<1x1x64xi32, #tpu.memory_space<hbm>>
    %dma_start3A_328 = tpu.memref_squeeze %dma_start3A_327 : memref<1x1x64xi32, #tpu.memory_space<hbm>> -> memref<64xi32, #tpu.memory_space<hbm>>
    tpu.enqueue_dma source(%dma_start3A_328 : memref<64xi32, #tpu.memory_space<hbm>>) target(%dma_start3A_326 : memref<64xi32, #tpu.memory_space<vmem>>) target_semaphore(%arg12 : memref<!tpu.dma_semaphore, #tpu.memory_space<semaphore_mem>>)
    %dma_start3A_329 = arith.constant 14 : i32
    %dma_start3A_330 = arith.constant 896 : i32
    %dma_start3A_331 = tpu.memref_slice %arg6[%dma_start3A_330] : memref<1280xi32, #tpu.memory_space<vmem>> -> memref<64xi32, #tpu.memory_space<vmem>>
    %dma_start3A_332 = tpu.memref_slice %arg2[%add3A_198, %dma_start3A_329, %add3A_202] : memref<26x20x16384xi32, #tpu.memory_space<hbm>> -> memref<1x1x64xi32, #tpu.memory_space<hbm>>
    %dma_start3A_333 = tpu.memref_squeeze %dma_start3A_332 : memref<1x1x64xi32, #tpu.memory_space<hbm>> -> memref<64xi32, #tpu.memory_space<hbm>>
    %dma_start3A_334 = arith.constant 896 : i32
    %dma_start3A_335 = tpu.memref_slice %arg6[%dma_start3A_334] : memref<1280xi32, #tpu.memory_space<vmem>> -> memref<64xi32, #tpu.memory_space<vmem>>
    %dma_start3A_336 = tpu.memref_slice %arg2[%add3A_198, %dma_start3A_329, %add3A_202] : memref<26x20x16384xi32, #tpu.memory_space<hbm>> -> memref<1x1x64xi32, #tpu.memory_space<hbm>>
    %dma_start3A_337 = tpu.memref_squeeze %dma_start3A_336 : memref<1x1x64xi32, #tpu.memory_space<hbm>> -> memref<64xi32, #tpu.memory_space<hbm>>
    tpu.enqueue_dma source(%dma_start3A_337 : memref<64xi32, #tpu.memory_space<hbm>>) target(%dma_start3A_335 : memref<64xi32, #tpu.memory_space<vmem>>) target_semaphore(%arg12 : memref<!tpu.dma_semaphore, #tpu.memory_space<semaphore_mem>>)
    %dma_start3A_338 = arith.constant 15 : i32
    %dma_start3A_339 = arith.constant 960 : i32
    %dma_start3A_340 = tpu.memref_slice %arg6[%dma_start3A_339] : memref<1280xi32, #tpu.memory_space<vmem>> -> memref<64xi32, #tpu.memory_space<vmem>>
    %dma_start3A_341 = tpu.memref_slice %arg2[%add3A_198, %dma_start3A_338, %add3A_202] : memref<26x20x16384xi32, #tpu.memory_space<hbm>> -> memref<1x1x64xi32, #tpu.memory_space<hbm>>
    %dma_start3A_342 = tpu.memref_squeeze %dma_start3A_341 : memref<1x1x64xi32, #tpu.memory_space<hbm>> -> memref<64xi32, #tpu.memory_space<hbm>>
    %dma_start3A_343 = arith.constant 960 : i32
    %dma_start3A_344 = tpu.memref_slice %arg6[%dma_start3A_343] : memref<1280xi32, #tpu.memory_space<vmem>> -> memref<64xi32, #tpu.memory_space<vmem>>
    %dma_start3A_345 = tpu.memref_slice %arg2[%add3A_198, %dma_start3A_338, %add3A_202] : memref<26x20x16384xi32, #tpu.memory_space<hbm>> -> memref<1x1x64xi32, #tpu.memory_space<hbm>>
    %dma_start3A_346 = tpu.memref_squeeze %dma_start3A_345 : memref<1x1x64xi32, #tpu.memory_space<hbm>> -> memref<64xi32, #tpu.memory_space<hbm>>
    tpu.enqueue_dma source(%dma_start3A_346 : memref<64xi32, #tpu.memory_space<hbm>>) target(%dma_start3A_344 : memref<64xi32, #tpu.memory_space<vmem>>) target_semaphore(%arg12 : memref<!tpu.dma_semaphore, #tpu.memory_space<semaphore_mem>>)
    %dma_start3A_347 = arith.constant 16 : i32
    %dma_start3A_348 = arith.constant 1024 : i32
    %dma_start3A_349 = tpu.memref_slice %arg6[%dma_start3A_348] : memref<1280xi32, #tpu.memory_space<vmem>> -> memref<64xi32, #tpu.memory_space<vmem>>
    %dma_start3A_350 = tpu.memref_slice %arg2[%add3A_198, %dma_start3A_347, %add3A_202] : memref<26x20x16384xi32, #tpu.memory_space<hbm>> -> memref<1x1x64xi32, #tpu.memory_space<hbm>>
    %dma_start3A_351 = tpu.memref_squeeze %dma_start3A_350 : memref<1x1x64xi32, #tpu.memory_space<hbm>> -> memref<64xi32, #tpu.memory_space<hbm>>
    %dma_start3A_352 = arith.constant 1024 : i32
    %dma_start3A_353 = tpu.memref_slice %arg6[%dma_start3A_352] : memref<1280xi32, #tpu.memory_space<vmem>> -> memref<64xi32, #tpu.memory_space<vmem>>
    %dma_start3A_354 = tpu.memref_slice %arg2[%add3A_198, %dma_start3A_347, %add3A_202] : memref<26x20x16384xi32, #tpu.memory_space<hbm>> -> memref<1x1x64xi32, #tpu.memory_space<hbm>>
    %dma_start3A_355 = tpu.memref_squeeze %dma_start3A_354 : memref<1x1x64xi32, #tpu.memory_space<hbm>> -> memref<64xi32, #tpu.memory_space<hbm>>
    tpu.enqueue_dma source(%dma_start3A_355 : memref<64xi32, #tpu.memory_space<hbm>>) target(%dma_start3A_353 : memref<64xi32, #tpu.memory_space<vmem>>) target_semaphore(%arg12 : memref<!tpu.dma_semaphore, #tpu.memory_space<semaphore_mem>>)
    %dma_start3A_356 = arith.constant 17 : i32
    %dma_start3A_357 = arith.constant 1088 : i32
    %dma_start3A_358 = tpu.memref_slice %arg6[%dma_start3A_357] : memref<1280xi32, #tpu.memory_space<vmem>> -> memref<64xi32, #tpu.memory_space<vmem>>
    %dma_start3A_359 = tpu.memref_slice %arg2[%add3A_198, %dma_start3A_356, %add3A_202] : memref<26x20x16384xi32, #tpu.memory_space<hbm>> -> memref<1x1x64xi32, #tpu.memory_space<hbm>>
    %dma_start3A_360 = tpu.memref_squeeze %dma_start3A_359 : memref<1x1x64xi32, #tpu.memory_space<hbm>> -> memref<64xi32, #tpu.memory_space<hbm>>
    %dma_start3A_361 = arith.constant 1088 : i32
    %dma_start3A_362 = tpu.memref_slice %arg6[%dma_start3A_361] : memref<1280xi32, #tpu.memory_space<vmem>> -> memref<64xi32, #tpu.memory_space<vmem>>
    %dma_start3A_363 = tpu.memref_slice %arg2[%add3A_198, %dma_start3A_356, %add3A_202] : memref<26x20x16384xi32, #tpu.memory_space<hbm>> -> memref<1x1x64xi32, #tpu.memory_space<hbm>>
    %dma_start3A_364 = tpu.memref_squeeze %dma_start3A_363 : memref<1x1x64xi32, #tpu.memory_space<hbm>> -> memref<64xi32, #tpu.memory_space<hbm>>
    tpu.enqueue_dma source(%dma_start3A_364 : memref<64xi32, #tpu.memory_space<hbm>>) target(%dma_start3A_362 : memref<64xi32, #tpu.memory_space<vmem>>) target_semaphore(%arg12 : memref<!tpu.dma_semaphore, #tpu.memory_space<semaphore_mem>>)
    %dma_start3A_365 = arith.constant 18 : i32
    %dma_start3A_366 = arith.constant 1152 : i32
    %dma_start3A_367 = tpu.memref_slice %arg6[%dma_start3A_366] : memref<1280xi32, #tpu.memory_space<vmem>> -> memref<64xi32, #tpu.memory_space<vmem>>
    %dma_start3A_368 = tpu.memref_slice %arg2[%add3A_198, %dma_start3A_365, %add3A_202] : memref<26x20x16384xi32, #tpu.memory_space<hbm>> -> memref<1x1x64xi32, #tpu.memory_space<hbm>>
    %dma_start3A_369 = tpu.memref_squeeze %dma_start3A_368 : memref<1x1x64xi32, #tpu.memory_space<hbm>> -> memref<64xi32, #tpu.memory_space<hbm>>
    %dma_start3A_370 = arith.constant 1152 : i32
    %dma_start3A_371 = tpu.memref_slice %arg6[%dma_start3A_370] : memref<1280xi32, #tpu.memory_space<vmem>> -> memref<64xi32, #tpu.memory_space<vmem>>
    %dma_start3A_372 = tpu.memref_slice %arg2[%add3A_198, %dma_start3A_365, %add3A_202] : memref<26x20x16384xi32, #tpu.memory_space<hbm>> -> memref<1x1x64xi32, #tpu.memory_space<hbm>>
    %dma_start3A_373 = tpu.memref_squeeze %dma_start3A_372 : memref<1x1x64xi32, #tpu.memory_space<hbm>> -> memref<64xi32, #tpu.memory_space<hbm>>
    tpu.enqueue_dma source(%dma_start3A_373 : memref<64xi32, #tpu.memory_space<hbm>>) target(%dma_start3A_371 : memref<64xi32, #tpu.memory_space<vmem>>) target_semaphore(%arg12 : memref<!tpu.dma_semaphore, #tpu.memory_space<semaphore_mem>>)
    %dma_start3A_374 = arith.constant 19 : i32
    %dma_start3A_375 = arith.constant 1216 : i32
    %dma_start3A_376 = tpu.memref_slice %arg6[%dma_start3A_375] : memref<1280xi32, #tpu.memory_space<vmem>> -> memref<64xi32, #tpu.memory_space<vmem>>
    %dma_start3A_377 = tpu.memref_slice %arg2[%add3A_198, %dma_start3A_374, %add3A_202] : memref<26x20x16384xi32, #tpu.memory_space<hbm>> -> memref<1x1x64xi32, #tpu.memory_space<hbm>>
    %dma_start3A_378 = tpu.memref_squeeze %dma_start3A_377 : memref<1x1x64xi32, #tpu.memory_space<hbm>> -> memref<64xi32, #tpu.memory_space<hbm>>
    %dma_start3A_379 = arith.constant 1216 : i32
    %dma_start3A_380 = tpu.memref_slice %arg6[%dma_start3A_379] : memref<1280xi32, #tpu.memory_space<vmem>> -> memref<64xi32, #tpu.memory_space<vmem>>
    %dma_start3A_381 = tpu.memref_slice %arg2[%add3A_198, %dma_start3A_374, %add3A_202] : memref<26x20x16384xi32, #tpu.memory_space<hbm>> -> memref<1x1x64xi32, #tpu.memory_space<hbm>>
    %dma_start3A_382 = tpu.memref_squeeze %dma_start3A_381 : memref<1x1x64xi32, #tpu.memory_space<hbm>> -> memref<64xi32, #tpu.memory_space<hbm>>
    tpu.enqueue_dma source(%dma_start3A_382 : memref<64xi32, #tpu.memory_space<hbm>>) target(%dma_start3A_380 : memref<64xi32, #tpu.memory_space<vmem>>) target_semaphore(%arg12 : memref<!tpu.dma_semaphore, #tpu.memory_space<semaphore_mem>>)
    %dma_wait3A = arith.constant 0 : i32
    %dma_wait3A_383 = arith.constant 0 : i32
    %dma_wait3A_384 = arith.constant 0 : i32
    %dma_wait3A_385 = tpu.memref_slice %arg2[%dma_wait3A, %dma_wait3A_383, %dma_wait3A_384] : memref<26x20x16384xi32, #tpu.memory_space<hbm>> -> memref<1x1x1280xi32, #tpu.memory_space<hbm>>
    %dma_wait3A_386 = tpu.memref_squeeze %dma_wait3A_385 : memref<1x1x1280xi32, #tpu.memory_space<hbm>> -> memref<1280xi32, #tpu.memory_space<hbm>>
    %dma_wait3A_387 = arith.constant 0 : i32
    %dma_wait3A_388 = tpu.memref_slice %arg2[%dma_wait3A, %dma_wait3A_383, %dma_wait3A_387] : memref<26x20x16384xi32, #tpu.memory_space<hbm>> -> memref<1x1x1280xi32, #tpu.memory_space<hbm>>
    %dma_wait3A_389 = tpu.memref_squeeze %dma_wait3A_388 : memref<1x1x1280xi32, #tpu.memory_space<hbm>> -> memref<1280xi32, #tpu.memory_space<hbm>>
    tpu.wait_dma2 semaphore(%arg11 : memref<!tpu.dma_semaphore, #tpu.memory_space<semaphore_mem>>) src(%dma_wait3A_389 : memref<1280xi32, #tpu.memory_space<hbm>>) dst(%arg5 : memref<1280xi32, #tpu.memory_space<vmem>>)
    %add3A_390 = arith.constant 0 : i32
    %add3A_391 = arith.addi %mul3A_0, %add3A_390 : i32
    %mul3A_392 = arith.constant 1024 : i32
    %mul3A_393 = arith.muli %arg1, %mul3A_392 : i32
    %add3A_394 = arith.constant 0 : i32
    %add3A_395 = arith.addi %mul3A_393, %add3A_394 : i32
    %dma_start3A_396 = arith.constant 0 : i32
    %dma_start3A_397 = arith.constant 0 : i32
    %dma_start3A_398 = tpu.memref_slice %arg3[%add3A_391, %dma_start3A_396, %dma_start3A_397] : memref<26x100000x32xf32, #tpu.memory_space<hbm>> -> memref<1x100000x32xf32, #tpu.memory_space<hbm>>
    %dma_start3A_399 = tpu.memref_squeeze %dma_start3A_398 : memref<1x100000x32xf32, #tpu.memory_space<hbm>> -> memref<100000x32xf32, #tpu.memory_space<hbm>>
    %dma_start3A_400 = arith.constant 0 : i32
    %dma_start3A_401 = arith.constant 0 : i32
    %dma_start3A_402 = tpu.memref_slice %dma_start3A_399[%dma_start3A_400, %dma_start3A_401] : memref<100000x32xf32, #tpu.memory_space<hbm>> -> memref<100000x32xf32, #tpu.memory_space<hbm>>
    tpu.enqueue_indirect_dma source(%dma_start3A_402 : memref<100000x32xf32, #tpu.memory_space<hbm>>) target(%arg7 : memref<1280x32xf32, #tpu.memory_space<vmem>>) offsets(%arg5 : memref<1280xi32, #tpu.memory_space<vmem>>) semaphore(%arg13 : memref<!tpu.dma_semaphore, #tpu.memory_space<semaphore_mem>>)
    %scan3A = arith.constant 0 : i32
    %scan3A_403 = arith.constant 0 : i32
    %scan3A_404 = arith.constant 103 : i32
    %scan3A_405 = arith.addi %scan3A_403, %scan3A_404 : i32
    %scan3A_406 = arith.constant 1 : i32
    %scan3A_407 = scf.for %scan3A_506 = %scan3A_403 to %scan3A_405 step %scan3A_406 iter_args(%scan3A_507 = %scan3A) -> (i32)  : i32 {
      %mul3A_508 = arith.constant 2 : i32
      %mul3A_509 = arith.muli %mul3A_508, %scan3A_506 : i32
      %dma_wait3A_510 = arith.constant 0 : i32
      %dma_wait3A_511 = arith.constant 0 : i32
      %dma_wait3A_512 = arith.constant 0 : i32
      %dma_wait3A_513 = tpu.memref_slice %arg3[%dma_wait3A_510, %dma_wait3A_511, %dma_wait3A_512] : memref<26x100000x32xf32, #tpu.memory_space<hbm>> -> memref<1x1280x32xf32, #tpu.memory_space<hbm>>
      %dma_wait3A_514 = tpu.memref_squeeze %dma_wait3A_513 : memref<1x1280x32xf32, #tpu.memory_space<hbm>> -> memref<1280x32xf32, #tpu.memory_space<hbm>>
      %dma_wait3A_515 = arith.constant 0 : i32
      %dma_wait3A_516 = arith.constant 0 : i32
      %dma_wait3A_517 = tpu.memref_slice %arg3[%dma_wait3A_510, %dma_wait3A_515, %dma_wait3A_516] : memref<26x100000x32xf32, #tpu.memory_space<hbm>> -> memref<1x1280x32xf32, #tpu.memory_space<hbm>>
      %dma_wait3A_518 = tpu.memref_squeeze %dma_wait3A_517 : memref<1x1280x32xf32, #tpu.memory_space<hbm>> -> memref<1280x32xf32, #tpu.memory_space<hbm>>
      tpu.wait_dma2 semaphore(%arg13 : memref<!tpu.dma_semaphore, #tpu.memory_space<semaphore_mem>>) src(%dma_wait3A_518 : memref<1280x32xf32, #tpu.memory_space<hbm>>) dst(%arg7 : memref<1280x32xf32, #tpu.memory_space<vmem>>)
      %add3A_519 = arith.constant 2 : i32
      %add3A_520 = arith.addi %mul3A_509, %add3A_519 : i32
      %jit3A = arith.constant 16 : i32
      %div3A = arith.divsi %add3A_520, %jit3A : i32
      %sign3A = arith.constant 0 : i32
      %sign3A_521 = arith.cmpi sgt, %add3A_520, %sign3A : i32
      %sign3A_522 = arith.extui %sign3A_521 : i1 to i32
      %sign3A_523 = arith.constant 0 : i32
      %sign3A_524 = arith.cmpi slt, %add3A_520, %sign3A_523 : i32
      %sign3A_525 = arith.extui %sign3A_524 : i1 to i32
      %sign3A_526 = arith.subi %sign3A_522, %sign3A_525 : i32
      %sign3A_527 = arith.constant 0 : i32
      %sign3A_528 = arith.cmpi sgt, %jit3A, %sign3A_527 : i32
      %sign3A_529 = arith.extui %sign3A_528 : i1 to i32
      %sign3A_530 = arith.constant 0 : i32
      %sign3A_531 = arith.cmpi slt, %jit3A, %sign3A_530 : i32
      %sign3A_532 = arith.extui %sign3A_531 : i1 to i32
      %sign3A_533 = arith.subi %sign3A_529, %sign3A_532 : i32
      %ne3A = arith.cmpi ne, %sign3A_526, %sign3A_533 : i32
      %rem3A = arith.remsi %add3A_520, %jit3A : i32
      %ne3A_534 = arith.constant 0 : i32
      %ne3A_535 = arith.cmpi ne, %rem3A, %ne3A_534 : i32
      %and3A = arith.andi %ne3A, %ne3A_535 : i1
      %sub3A = arith.constant 1 : i32
      %sub3A_536 = arith.subi %div3A, %sub3A : i32
      %select_n3A = arith.select %and3A, %sub3A_536, %div3A : i32
      %add3A_537 = arith.addi %mul3A_0, %select_n3A : i32
      %mul3A_538 = arith.constant 1024 : i32
      %mul3A_539 = arith.muli %arg1, %mul3A_538 : i32
      %jit3A_540 = arith.constant 16 : i32
      %eq3A = arith.constant 0 : i32
      %eq3A_541 = arith.cmpi eq, %jit3A_540, %eq3A : i32
      %jit3A_542 = arith.constant 1 : i32
      %select_n3A_543 = arith.select %eq3A_541, %jit3A_542, %jit3A_540 : i32
      %rem3A_544 = arith.remsi %add3A_520, %select_n3A_543 : i32
      %ne3A_545 = arith.constant 0 : i32
      %ne3A_546 = arith.cmpi ne, %rem3A_544, %ne3A_545 : i32
      %lt3A = arith.constant 0 : i32
      %lt3A_547 = arith.cmpi slt, %rem3A_544, %lt3A : i32
      %lt3A_548 = arith.constant 0 : i32
      %lt3A_549 = arith.cmpi slt, %select_n3A_543, %lt3A_548 : i32
      %ne3A_550 = arith.xori %lt3A_547, %lt3A_549 : i1
      %and3A_551 = arith.andi %ne3A_550, %ne3A_546 : i1
      %add3A_552 = arith.addi %rem3A_544, %select_n3A_543 : i32
      %select_n3A_553 = arith.select %and3A_551, %add3A_552, %rem3A_544 : i32
      %mul3A_554 = arith.constant 64 : i32
      %mul3A_555 = arith.muli %select_n3A_553, %mul3A_554 : i32
      %add3A_556 = arith.addi %mul3A_539, %mul3A_555 : i32
      %dma_start3A_557 = arith.constant 0 : i32
      %dma_start3A_558 = arith.constant 0 : i32
      %dma_start3A_559 = tpu.memref_slice %arg5[%dma_start3A_558] : memref<1280xi32, #tpu.memory_space<vmem>> -> memref<64xi32, #tpu.memory_space<vmem>>
      %dma_start3A_560 = tpu.memref_slice %arg2[%add3A_537, %dma_start3A_557, %add3A_556] : memref<26x20x16384xi32, #tpu.memory_space<hbm>> -> memref<1x1x64xi32, #tpu.memory_space<hbm>>
      %dma_start3A_561 = tpu.memref_squeeze %dma_start3A_560 : memref<1x1x64xi32, #tpu.memory_space<hbm>> -> memref<64xi32, #tpu.memory_space<hbm>>
      %dma_start3A_562 = arith.constant 0 : i32
      %dma_start3A_563 = tpu.memref_slice %arg5[%dma_start3A_562] : memref<1280xi32, #tpu.memory_space<vmem>> -> memref<64xi32, #tpu.memory_space<vmem>>
      %dma_start3A_564 = tpu.memref_slice %arg2[%add3A_537, %dma_start3A_557, %add3A_556] : memref<26x20x16384xi32, #tpu.memory_space<hbm>> -> memref<1x1x64xi32, #tpu.memory_space<hbm>>
      %dma_start3A_565 = tpu.memref_squeeze %dma_start3A_564 : memref<1x1x64xi32, #tpu.memory_space<hbm>> -> memref<64xi32, #tpu.memory_space<hbm>>
      tpu.enqueue_dma source(%dma_start3A_565 : memref<64xi32, #tpu.memory_space<hbm>>) target(%dma_start3A_563 : memref<64xi32, #tpu.memory_space<vmem>>) target_semaphore(%arg11 : memref<!tpu.dma_semaphore, #tpu.memory_space<semaphore_mem>>)
      %dma_start3A_566 = arith.constant 1 : i32
      %dma_start3A_567 = arith.constant 64 : i32
      %dma_start3A_568 = tpu.memref_slice %arg5[%dma_start3A_567] : memref<1280xi32, #tpu.memory_space<vmem>> -> memref<64xi32, #tpu.memory_space<vmem>>
      %dma_start3A_569 = tpu.memref_slice %arg2[%add3A_537, %dma_start3A_566, %add3A_556] : memref<26x20x16384xi32, #tpu.memory_space<hbm>> -> memref<1x1x64xi32, #tpu.memory_space<hbm>>
      %dma_start3A_570 = tpu.memref_squeeze %dma_start3A_569 : memref<1x1x64xi32, #tpu.memory_space<hbm>> -> memref<64xi32, #tpu.memory_space<hbm>>
      %dma_start3A_571 = arith.constant 64 : i32
      %dma_start3A_572 = tpu.memref_slice %arg5[%dma_start3A_571] : memref<1280xi32, #tpu.memory_space<vmem>> -> memref<64xi32, #tpu.memory_space<vmem>>
      %dma_start3A_573 = tpu.memref_slice %arg2[%add3A_537, %dma_start3A_566, %add3A_556] : memref<26x20x16384xi32, #tpu.memory_space<hbm>> -> memref<1x1x64xi32, #tpu.memory_space<hbm>>
      %dma_start3A_574 = tpu.memref_squeeze %dma_start3A_573 : memref<1x1x64xi32, #tpu.memory_space<hbm>> -> memref<64xi32, #tpu.memory_space<hbm>>
      tpu.enqueue_dma source(%dma_start3A_574 : memref<64xi32, #tpu.memory_space<hbm>>) target(%dma_start3A_572 : memref<64xi32, #tpu.memory_space<vmem>>) target_semaphore(%arg11 : memref<!tpu.dma_semaphore, #tpu.memory_space<semaphore_mem>>)
      %dma_start3A_575 = arith.constant 2 : i32
      %dma_start3A_576 = arith.constant 128 : i32
      %dma_start3A_577 = tpu.memref_slice %arg5[%dma_start3A_576] : memref<1280xi32, #tpu.memory_space<vmem>> -> memref<64xi32, #tpu.memory_space<vmem>>
      %dma_start3A_578 = tpu.memref_slice %arg2[%add3A_537, %dma_start3A_575, %add3A_556] : memref<26x20x16384xi32, #tpu.memory_space<hbm>> -> memref<1x1x64xi32, #tpu.memory_space<hbm>>
      %dma_start3A_579 = tpu.memref_squeeze %dma_start3A_578 : memref<1x1x64xi32, #tpu.memory_space<hbm>> -> memref<64xi32, #tpu.memory_space<hbm>>
      %dma_start3A_580 = arith.constant 128 : i32
      %dma_start3A_581 = tpu.memref_slice %arg5[%dma_start3A_580] : memref<1280xi32, #tpu.memory_space<vmem>> -> memref<64xi32, #tpu.memory_space<vmem>>
      %dma_start3A_582 = tpu.memref_slice %arg2[%add3A_537, %dma_start3A_575, %add3A_556] : memref<26x20x16384xi32, #tpu.memory_space<hbm>> -> memref<1x1x64xi32, #tpu.memory_space<hbm>>
      %dma_start3A_583 = tpu.memref_squeeze %dma_start3A_582 : memref<1x1x64xi32, #tpu.memory_space<hbm>> -> memref<64xi32, #tpu.memory_space<hbm>>
      tpu.enqueue_dma source(%dma_start3A_583 : memref<64xi32, #tpu.memory_space<hbm>>) target(%dma_start3A_581 : memref<64xi32, #tpu.memory_space<vmem>>) target_semaphore(%arg11 : memref<!tpu.dma_semaphore, #tpu.memory_space<semaphore_mem>>)
      %dma_start3A_584 = arith.constant 3 : i32
      %dma_start3A_585 = arith.constant 192 : i32
      %dma_start3A_586 = tpu.memref_slice %arg5[%dma_start3A_585] : memref<1280xi32, #tpu.memory_space<vmem>> -> memref<64xi32, #tpu.memory_space<vmem>>
      %dma_start3A_587 = tpu.memref_slice %arg2[%add3A_537, %dma_start3A_584, %add3A_556] : memref<26x20x16384xi32, #tpu.memory_space<hbm>> -> memref<1x1x64xi32, #tpu.memory_space<hbm>>
      %dma_start3A_588 = tpu.memref_squeeze %dma_start3A_587 : memref<1x1x64xi32, #tpu.memory_space<hbm>> -> memref<64xi32, #tpu.memory_space<hbm>>
      %dma_start3A_589 = arith.constant 192 : i32
      %dma_start3A_590 = tpu.memref_slice %arg5[%dma_start3A_589] : memref<1280xi32, #tpu.memory_space<vmem>> -> memref<64xi32, #tpu.memory_space<vmem>>
      %dma_start3A_591 = tpu.memref_slice %arg2[%add3A_537, %dma_start3A_584, %add3A_556] : memref<26x20x16384xi32, #tpu.memory_space<hbm>> -> memref<1x1x64xi32, #tpu.memory_space<hbm>>
      %dma_start3A_592 = tpu.memref_squeeze %dma_start3A_591 : memref<1x1x64xi32, #tpu.memory_space<hbm>> -> memref<64xi32, #tpu.memory_space<hbm>>
      tpu.enqueue_dma source(%dma_start3A_592 : memref<64xi32, #tpu.memory_space<hbm>>) target(%dma_start3A_590 : memref<64xi32, #tpu.memory_space<vmem>>) target_semaphore(%arg11 : memref<!tpu.dma_semaphore, #tpu.memory_space<semaphore_mem>>)
      %dma_start3A_593 = arith.constant 4 : i32
      %dma_start3A_594 = arith.constant 256 : i32
      %dma_start3A_595 = tpu.memref_slice %arg5[%dma_start3A_594] : memref<1280xi32, #tpu.memory_space<vmem>> -> memref<64xi32, #tpu.memory_space<vmem>>
      %dma_start3A_596 = tpu.memref_slice %arg2[%add3A_537, %dma_start3A_593, %add3A_556] : memref<26x20x16384xi32, #tpu.memory_space<hbm>> -> memref<1x1x64xi32, #tpu.memory_space<hbm>>
      %dma_start3A_597 = tpu.memref_squeeze %dma_start3A_596 : memref<1x1x64xi32, #tpu.memory_space<hbm>> -> memref<64xi32, #tpu.memory_space<hbm>>
      %dma_start3A_598 = arith.constant 256 : i32
      %dma_start3A_599 = tpu.memref_slice %arg5[%dma_start3A_598] : memref<1280xi32, #tpu.memory_space<vmem>> -> memref<64xi32, #tpu.memory_space<vmem>>
      %dma_start3A_600 = tpu.memref_slice %arg2[%add3A_537, %dma_start3A_593, %add3A_556] : memref<26x20x16384xi32, #tpu.memory_space<hbm>> -> memref<1x1x64xi32, #tpu.memory_space<hbm>>
      %dma_start3A_601 = tpu.memref_squeeze %dma_start3A_600 : memref<1x1x64xi32, #tpu.memory_space<hbm>> -> memref<64xi32, #tpu.memory_space<hbm>>
      tpu.enqueue_dma source(%dma_start3A_601 : memref<64xi32, #tpu.memory_space<hbm>>) target(%dma_start3A_599 : memref<64xi32, #tpu.memory_space<vmem>>) target_semaphore(%arg11 : memref<!tpu.dma_semaphore, #tpu.memory_space<semaphore_mem>>)
      %dma_start3A_602 = arith.constant 5 : i32
      %dma_start3A_603 = arith.constant 320 : i32
      %dma_start3A_604 = tpu.memref_slice %arg5[%dma_start3A_603] : memref<1280xi32, #tpu.memory_space<vmem>> -> memref<64xi32, #tpu.memory_space<vmem>>
      %dma_start3A_605 = tpu.memref_slice %arg2[%add3A_537, %dma_start3A_602, %add3A_556] : memref<26x20x16384xi32, #tpu.memory_space<hbm>> -> memref<1x1x64xi32, #tpu.memory_space<hbm>>
      %dma_start3A_606 = tpu.memref_squeeze %dma_start3A_605 : memref<1x1x64xi32, #tpu.memory_space<hbm>> -> memref<64xi32, #tpu.memory_space<hbm>>
      %dma_start3A_607 = arith.constant 320 : i32
      %dma_start3A_608 = tpu.memref_slice %arg5[%dma_start3A_607] : memref<1280xi32, #tpu.memory_space<vmem>> -> memref<64xi32, #tpu.memory_space<vmem>>
      %dma_start3A_609 = tpu.memref_slice %arg2[%add3A_537, %dma_start3A_602, %add3A_556] : memref<26x20x16384xi32, #tpu.memory_space<hbm>> -> memref<1x1x64xi32, #tpu.memory_space<hbm>>
      %dma_start3A_610 = tpu.memref_squeeze %dma_start3A_609 : memref<1x1x64xi32, #tpu.memory_space<hbm>> -> memref<64xi32, #tpu.memory_space<hbm>>
      tpu.enqueue_dma source(%dma_start3A_610 : memref<64xi32, #tpu.memory_space<hbm>>) target(%dma_start3A_608 : memref<64xi32, #tpu.memory_space<vmem>>) target_semaphore(%arg11 : memref<!tpu.dma_semaphore, #tpu.memory_space<semaphore_mem>>)
      %dma_start3A_611 = arith.constant 6 : i32
      %dma_start3A_612 = arith.constant 384 : i32
      %dma_start3A_613 = tpu.memref_slice %arg5[%dma_start3A_612] : memref<1280xi32, #tpu.memory_space<vmem>> -> memref<64xi32, #tpu.memory_space<vmem>>
      %dma_start3A_614 = tpu.memref_slice %arg2[%add3A_537, %dma_start3A_611, %add3A_556] : memref<26x20x16384xi32, #tpu.memory_space<hbm>> -> memref<1x1x64xi32, #tpu.memory_space<hbm>>
      %dma_start3A_615 = tpu.memref_squeeze %dma_start3A_614 : memref<1x1x64xi32, #tpu.memory_space<hbm>> -> memref<64xi32, #tpu.memory_space<hbm>>
      %dma_start3A_616 = arith.constant 384 : i32
      %dma_start3A_617 = tpu.memref_slice %arg5[%dma_start3A_616] : memref<1280xi32, #tpu.memory_space<vmem>> -> memref<64xi32, #tpu.memory_space<vmem>>
      %dma_start3A_618 = tpu.memref_slice %arg2[%add3A_537, %dma_start3A_611, %add3A_556] : memref<26x20x16384xi32, #tpu.memory_space<hbm>> -> memref<1x1x64xi32, #tpu.memory_space<hbm>>
      %dma_start3A_619 = tpu.memref_squeeze %dma_start3A_618 : memref<1x1x64xi32, #tpu.memory_space<hbm>> -> memref<64xi32, #tpu.memory_space<hbm>>
      tpu.enqueue_dma source(%dma_start3A_619 : memref<64xi32, #tpu.memory_space<hbm>>) target(%dma_start3A_617 : memref<64xi32, #tpu.memory_space<vmem>>) target_semaphore(%arg11 : memref<!tpu.dma_semaphore, #tpu.memory_space<semaphore_mem>>)
      %dma_start3A_620 = arith.constant 7 : i32
      %dma_start3A_621 = arith.constant 448 : i32
      %dma_start3A_622 = tpu.memref_slice %arg5[%dma_start3A_621] : memref<1280xi32, #tpu.memory_space<vmem>> -> memref<64xi32, #tpu.memory_space<vmem>>
      %dma_start3A_623 = tpu.memref_slice %arg2[%add3A_537, %dma_start3A_620, %add3A_556] : memref<26x20x16384xi32, #tpu.memory_space<hbm>> -> memref<1x1x64xi32, #tpu.memory_space<hbm>>
      %dma_start3A_624 = tpu.memref_squeeze %dma_start3A_623 : memref<1x1x64xi32, #tpu.memory_space<hbm>> -> memref<64xi32, #tpu.memory_space<hbm>>
      %dma_start3A_625 = arith.constant 448 : i32
      %dma_start3A_626 = tpu.memref_slice %arg5[%dma_start3A_625] : memref<1280xi32, #tpu.memory_space<vmem>> -> memref<64xi32, #tpu.memory_space<vmem>>
      %dma_start3A_627 = tpu.memref_slice %arg2[%add3A_537, %dma_start3A_620, %add3A_556] : memref<26x20x16384xi32, #tpu.memory_space<hbm>> -> memref<1x1x64xi32, #tpu.memory_space<hbm>>
      %dma_start3A_628 = tpu.memref_squeeze %dma_start3A_627 : memref<1x1x64xi32, #tpu.memory_space<hbm>> -> memref<64xi32, #tpu.memory_space<hbm>>
      tpu.enqueue_dma source(%dma_start3A_628 : memref<64xi32, #tpu.memory_space<hbm>>) target(%dma_start3A_626 : memref<64xi32, #tpu.memory_space<vmem>>) target_semaphore(%arg11 : memref<!tpu.dma_semaphore, #tpu.memory_space<semaphore_mem>>)
      %dma_start3A_629 = arith.constant 8 : i32
      %dma_start3A_630 = arith.constant 512 : i32
      %dma_start3A_631 = tpu.memref_slice %arg5[%dma_start3A_630] : memref<1280xi32, #tpu.memory_space<vmem>> -> memref<64xi32, #tpu.memory_space<vmem>>
      %dma_start3A_632 = tpu.memref_slice %arg2[%add3A_537, %dma_start3A_629, %add3A_556] : memref<26x20x16384xi32, #tpu.memory_space<hbm>> -> memref<1x1x64xi32, #tpu.memory_space<hbm>>
      %dma_start3A_633 = tpu.memref_squeeze %dma_start3A_632 : memref<1x1x64xi32, #tpu.memory_space<hbm>> -> memref<64xi32, #tpu.memory_space<hbm>>
      %dma_start3A_634 = arith.constant 512 : i32
      %dma_start3A_635 = tpu.memref_slice %arg5[%dma_start3A_634] : memref<1280xi32, #tpu.memory_space<vmem>> -> memref<64xi32, #tpu.memory_space<vmem>>
      %dma_start3A_636 = tpu.memref_slice %arg2[%add3A_537, %dma_start3A_629, %add3A_556] : memref<26x20x16384xi32, #tpu.memory_space<hbm>> -> memref<1x1x64xi32, #tpu.memory_space<hbm>>
      %dma_start3A_637 = tpu.memref_squeeze %dma_start3A_636 : memref<1x1x64xi32, #tpu.memory_space<hbm>> -> memref<64xi32, #tpu.memory_space<hbm>>
      tpu.enqueue_dma source(%dma_start3A_637 : memref<64xi32, #tpu.memory_space<hbm>>) target(%dma_start3A_635 : memref<64xi32, #tpu.memory_space<vmem>>) target_semaphore(%arg11 : memref<!tpu.dma_semaphore, #tpu.memory_space<semaphore_mem>>)
      %dma_start3A_638 = arith.constant 9 : i32
      %dma_start3A_639 = arith.constant 576 : i32
      %dma_start3A_640 = tpu.memref_slice %arg5[%dma_start3A_639] : memref<1280xi32, #tpu.memory_space<vmem>> -> memref<64xi32, #tpu.memory_space<vmem>>
      %dma_start3A_641 = tpu.memref_slice %arg2[%add3A_537, %dma_start3A_638, %add3A_556] : memref<26x20x16384xi32, #tpu.memory_space<hbm>> -> memref<1x1x64xi32, #tpu.memory_space<hbm>>
      %dma_start3A_642 = tpu.memref_squeeze %dma_start3A_641 : memref<1x1x64xi32, #tpu.memory_space<hbm>> -> memref<64xi32, #tpu.memory_space<hbm>>
      %dma_start3A_643 = arith.constant 576 : i32
      %dma_start3A_644 = tpu.memref_slice %arg5[%dma_start3A_643] : memref<1280xi32, #tpu.memory_space<vmem>> -> memref<64xi32, #tpu.memory_space<vmem>>
      %dma_start3A_645 = tpu.memref_slice %arg2[%add3A_537, %dma_start3A_638, %add3A_556] : memref<26x20x16384xi32, #tpu.memory_space<hbm>> -> memref<1x1x64xi32, #tpu.memory_space<hbm>>
      %dma_start3A_646 = tpu.memref_squeeze %dma_start3A_645 : memref<1x1x64xi32, #tpu.memory_space<hbm>> -> memref<64xi32, #tpu.memory_space<hbm>>
      tpu.enqueue_dma source(%dma_start3A_646 : memref<64xi32, #tpu.memory_space<hbm>>) target(%dma_start3A_644 : memref<64xi32, #tpu.memory_space<vmem>>) target_semaphore(%arg11 : memref<!tpu.dma_semaphore, #tpu.memory_space<semaphore_mem>>)
      %dma_start3A_647 = arith.constant 10 : i32
      %dma_start3A_648 = arith.constant 640 : i32
      %dma_start3A_649 = tpu.memref_slice %arg5[%dma_start3A_648] : memref<1280xi32, #tpu.memory_space<vmem>> -> memref<64xi32, #tpu.memory_space<vmem>>
      %dma_start3A_650 = tpu.memref_slice %arg2[%add3A_537, %dma_start3A_647, %add3A_556] : memref<26x20x16384xi32, #tpu.memory_space<hbm>> -> memref<1x1x64xi32, #tpu.memory_space<hbm>>
      %dma_start3A_651 = tpu.memref_squeeze %dma_start3A_650 : memref<1x1x64xi32, #tpu.memory_space<hbm>> -> memref<64xi32, #tpu.memory_space<hbm>>
      %dma_start3A_652 = arith.constant 640 : i32
      %dma_start3A_653 = tpu.memref_slice %arg5[%dma_start3A_652] : memref<1280xi32, #tpu.memory_space<vmem>> -> memref<64xi32, #tpu.memory_space<vmem>>
      %dma_start3A_654 = tpu.memref_slice %arg2[%add3A_537, %dma_start3A_647, %add3A_556] : memref<26x20x16384xi32, #tpu.memory_space<hbm>> -> memref<1x1x64xi32, #tpu.memory_space<hbm>>
      %dma_start3A_655 = tpu.memref_squeeze %dma_start3A_654 : memref<1x1x64xi32, #tpu.memory_space<hbm>> -> memref<64xi32, #tpu.memory_space<hbm>>
      tpu.enqueue_dma source(%dma_start3A_655 : memref<64xi32, #tpu.memory_space<hbm>>) target(%dma_start3A_653 : memref<64xi32, #tpu.memory_space<vmem>>) target_semaphore(%arg11 : memref<!tpu.dma_semaphore, #tpu.memory_space<semaphore_mem>>)
      %dma_start3A_656 = arith.constant 11 : i32
      %dma_start3A_657 = arith.constant 704 : i32
      %dma_start3A_658 = tpu.memref_slice %arg5[%dma_start3A_657] : memref<1280xi32, #tpu.memory_space<vmem>> -> memref<64xi32, #tpu.memory_space<vmem>>
      %dma_start3A_659 = tpu.memref_slice %arg2[%add3A_537, %dma_start3A_656, %add3A_556] : memref<26x20x16384xi32, #tpu.memory_space<hbm>> -> memref<1x1x64xi32, #tpu.memory_space<hbm>>
      %dma_start3A_660 = tpu.memref_squeeze %dma_start3A_659 : memref<1x1x64xi32, #tpu.memory_space<hbm>> -> memref<64xi32, #tpu.memory_space<hbm>>
      %dma_start3A_661 = arith.constant 704 : i32
      %dma_start3A_662 = tpu.memref_slice %arg5[%dma_start3A_661] : memref<1280xi32, #tpu.memory_space<vmem>> -> memref<64xi32, #tpu.memory_space<vmem>>
      %dma_start3A_663 = tpu.memref_slice %arg2[%add3A_537, %dma_start3A_656, %add3A_556] : memref<26x20x16384xi32, #tpu.memory_space<hbm>> -> memref<1x1x64xi32, #tpu.memory_space<hbm>>
      %dma_start3A_664 = tpu.memref_squeeze %dma_start3A_663 : memref<1x1x64xi32, #tpu.memory_space<hbm>> -> memref<64xi32, #tpu.memory_space<hbm>>
      tpu.enqueue_dma source(%dma_start3A_664 : memref<64xi32, #tpu.memory_space<hbm>>) target(%dma_start3A_662 : memref<64xi32, #tpu.memory_space<vmem>>) target_semaphore(%arg11 : memref<!tpu.dma_semaphore, #tpu.memory_space<semaphore_mem>>)
      %dma_start3A_665 = arith.constant 12 : i32
      %dma_start3A_666 = arith.constant 768 : i32
      %dma_start3A_667 = tpu.memref_slice %arg5[%dma_start3A_666] : memref<1280xi32, #tpu.memory_space<vmem>> -> memref<64xi32, #tpu.memory_space<vmem>>
      %dma_start3A_668 = tpu.memref_slice %arg2[%add3A_537, %dma_start3A_665, %add3A_556] : memref<26x20x16384xi32, #tpu.memory_space<hbm>> -> memref<1x1x64xi32, #tpu.memory_space<hbm>>
      %dma_start3A_669 = tpu.memref_squeeze %dma_start3A_668 : memref<1x1x64xi32, #tpu.memory_space<hbm>> -> memref<64xi32, #tpu.memory_space<hbm>>
      %dma_start3A_670 = arith.constant 768 : i32
      %dma_start3A_671 = tpu.memref_slice %arg5[%dma_start3A_670] : memref<1280xi32, #tpu.memory_space<vmem>> -> memref<64xi32, #tpu.memory_space<vmem>>
      %dma_start3A_672 = tpu.memref_slice %arg2[%add3A_537, %dma_start3A_665, %add3A_556] : memref<26x20x16384xi32, #tpu.memory_space<hbm>> -> memref<1x1x64xi32, #tpu.memory_space<hbm>>
      %dma_start3A_673 = tpu.memref_squeeze %dma_start3A_672 : memref<1x1x64xi32, #tpu.memory_space<hbm>> -> memref<64xi32, #tpu.memory_space<hbm>>
      tpu.enqueue_dma source(%dma_start3A_673 : memref<64xi32, #tpu.memory_space<hbm>>) target(%dma_start3A_671 : memref<64xi32, #tpu.memory_space<vmem>>) target_semaphore(%arg11 : memref<!tpu.dma_semaphore, #tpu.memory_space<semaphore_mem>>)
      %dma_start3A_674 = arith.constant 13 : i32
      %dma_start3A_675 = arith.constant 832 : i32
      %dma_start3A_676 = tpu.memref_slice %arg5[%dma_start3A_675] : memref<1280xi32, #tpu.memory_space<vmem>> -> memref<64xi32, #tpu.memory_space<vmem>>
      %dma_start3A_677 = tpu.memref_slice %arg2[%add3A_537, %dma_start3A_674, %add3A_556] : memref<26x20x16384xi32, #tpu.memory_space<hbm>> -> memref<1x1x64xi32, #tpu.memory_space<hbm>>
      %dma_start3A_678 = tpu.memref_squeeze %dma_start3A_677 : memref<1x1x64xi32, #tpu.memory_space<hbm>> -> memref<64xi32, #tpu.memory_space<hbm>>
      %dma_start3A_679 = arith.constant 832 : i32
      %dma_start3A_680 = tpu.memref_slice %arg5[%dma_start3A_679] : memref<1280xi32, #tpu.memory_space<vmem>> -> memref<64xi32, #tpu.memory_space<vmem>>
      %dma_start3A_681 = tpu.memref_slice %arg2[%add3A_537, %dma_start3A_674, %add3A_556] : memref<26x20x16384xi32, #tpu.memory_space<hbm>> -> memref<1x1x64xi32, #tpu.memory_space<hbm>>
      %dma_start3A_682 = tpu.memref_squeeze %dma_start3A_681 : memref<1x1x64xi32, #tpu.memory_space<hbm>> -> memref<64xi32, #tpu.memory_space<hbm>>
      tpu.enqueue_dma source(%dma_start3A_682 : memref<64xi32, #tpu.memory_space<hbm>>) target(%dma_start3A_680 : memref<64xi32, #tpu.memory_space<vmem>>) target_semaphore(%arg11 : memref<!tpu.dma_semaphore, #tpu.memory_space<semaphore_mem>>)
      %dma_start3A_683 = arith.constant 14 : i32
      %dma_start3A_684 = arith.constant 896 : i32
      %dma_start3A_685 = tpu.memref_slice %arg5[%dma_start3A_684] : memref<1280xi32, #tpu.memory_space<vmem>> -> memref<64xi32, #tpu.memory_space<vmem>>
      %dma_start3A_686 = tpu.memref_slice %arg2[%add3A_537, %dma_start3A_683, %add3A_556] : memref<26x20x16384xi32, #tpu.memory_space<hbm>> -> memref<1x1x64xi32, #tpu.memory_space<hbm>>
      %dma_start3A_687 = tpu.memref_squeeze %dma_start3A_686 : memref<1x1x64xi32, #tpu.memory_space<hbm>> -> memref<64xi32, #tpu.memory_space<hbm>>
      %dma_start3A_688 = arith.constant 896 : i32
      %dma_start3A_689 = tpu.memref_slice %arg5[%dma_start3A_688] : memref<1280xi32, #tpu.memory_space<vmem>> -> memref<64xi32, #tpu.memory_space<vmem>>
      %dma_start3A_690 = tpu.memref_slice %arg2[%add3A_537, %dma_start3A_683, %add3A_556] : memref<26x20x16384xi32, #tpu.memory_space<hbm>> -> memref<1x1x64xi32, #tpu.memory_space<hbm>>
      %dma_start3A_691 = tpu.memref_squeeze %dma_start3A_690 : memref<1x1x64xi32, #tpu.memory_space<hbm>> -> memref<64xi32, #tpu.memory_space<hbm>>
      tpu.enqueue_dma source(%dma_start3A_691 : memref<64xi32, #tpu.memory_space<hbm>>) target(%dma_start3A_689 : memref<64xi32, #tpu.memory_space<vmem>>) target_semaphore(%arg11 : memref<!tpu.dma_semaphore, #tpu.memory_space<semaphore_mem>>)
      %dma_start3A_692 = arith.constant 15 : i32
      %dma_start3A_693 = arith.constant 960 : i32
      %dma_start3A_694 = tpu.memref_slice %arg5[%dma_start3A_693] : memref<1280xi32, #tpu.memory_space<vmem>> -> memref<64xi32, #tpu.memory_space<vmem>>
      %dma_start3A_695 = tpu.memref_slice %arg2[%add3A_537, %dma_start3A_692, %add3A_556] : memref<26x20x16384xi32, #tpu.memory_space<hbm>> -> memref<1x1x64xi32, #tpu.memory_space<hbm>>
      %dma_start3A_696 = tpu.memref_squeeze %dma_start3A_695 : memref<1x1x64xi32, #tpu.memory_space<hbm>> -> memref<64xi32, #tpu.memory_space<hbm>>
      %dma_start3A_697 = arith.constant 960 : i32
      %dma_start3A_698 = tpu.memref_slice %arg5[%dma_start3A_697] : memref<1280xi32, #tpu.memory_space<vmem>> -> memref<64xi32, #tpu.memory_space<vmem>>
      %dma_start3A_699 = tpu.memref_slice %arg2[%add3A_537, %dma_start3A_692, %add3A_556] : memref<26x20x16384xi32, #tpu.memory_space<hbm>> -> memref<1x1x64xi32, #tpu.memory_space<hbm>>
      %dma_start3A_700 = tpu.memref_squeeze %dma_start3A_699 : memref<1x1x64xi32, #tpu.memory_space<hbm>> -> memref<64xi32, #tpu.memory_space<hbm>>
      tpu.enqueue_dma source(%dma_start3A_700 : memref<64xi32, #tpu.memory_space<hbm>>) target(%dma_start3A_698 : memref<64xi32, #tpu.memory_space<vmem>>) target_semaphore(%arg11 : memref<!tpu.dma_semaphore, #tpu.memory_space<semaphore_mem>>)
      %dma_start3A_701 = arith.constant 16 : i32
      %dma_start3A_702 = arith.constant 1024 : i32
      %dma_start3A_703 = tpu.memref_slice %arg5[%dma_start3A_702] : memref<1280xi32, #tpu.memory_space<vmem>> -> memref<64xi32, #tpu.memory_space<vmem>>
      %dma_start3A_704 = tpu.memref_slice %arg2[%add3A_537, %dma_start3A_701, %add3A_556] : memref<26x20x16384xi32, #tpu.memory_space<hbm>> -> memref<1x1x64xi32, #tpu.memory_space<hbm>>
      %dma_start3A_705 = tpu.memref_squeeze %dma_start3A_704 : memref<1x1x64xi32, #tpu.memory_space<hbm>> -> memref<64xi32, #tpu.memory_space<hbm>>
      %dma_start3A_706 = arith.constant 1024 : i32
      %dma_start3A_707 = tpu.memref_slice %arg5[%dma_start3A_706] : memref<1280xi32, #tpu.memory_space<vmem>> -> memref<64xi32, #tpu.memory_space<vmem>>
      %dma_start3A_708 = tpu.memref_slice %arg2[%add3A_537, %dma_start3A_701, %add3A_556] : memref<26x20x16384xi32, #tpu.memory_space<hbm>> -> memref<1x1x64xi32, #tpu.memory_space<hbm>>
      %dma_start3A_709 = tpu.memref_squeeze %dma_start3A_708 : memref<1x1x64xi32, #tpu.memory_space<hbm>> -> memref<64xi32, #tpu.memory_space<hbm>>
      tpu.enqueue_dma source(%dma_start3A_709 : memref<64xi32, #tpu.memory_space<hbm>>) target(%dma_start3A_707 : memref<64xi32, #tpu.memory_space<vmem>>) target_semaphore(%arg11 : memref<!tpu.dma_semaphore, #tpu.memory_space<semaphore_mem>>)
      %dma_start3A_710 = arith.constant 17 : i32
      %dma_start3A_711 = arith.constant 1088 : i32
      %dma_start3A_712 = tpu.memref_slice %arg5[%dma_start3A_711] : memref<1280xi32, #tpu.memory_space<vmem>> -> memref<64xi32, #tpu.memory_space<vmem>>
      %dma_start3A_713 = tpu.memref_slice %arg2[%add3A_537, %dma_start3A_710, %add3A_556] : memref<26x20x16384xi32, #tpu.memory_space<hbm>> -> memref<1x1x64xi32, #tpu.memory_space<hbm>>
      %dma_start3A_714 = tpu.memref_squeeze %dma_start3A_713 : memref<1x1x64xi32, #tpu.memory_space<hbm>> -> memref<64xi32, #tpu.memory_space<hbm>>
      %dma_start3A_715 = arith.constant 1088 : i32
      %dma_start3A_716 = tpu.memref_slice %arg5[%dma_start3A_715] : memref<1280xi32, #tpu.memory_space<vmem>> -> memref<64xi32, #tpu.memory_space<vmem>>
      %dma_start3A_717 = tpu.memref_slice %arg2[%add3A_537, %dma_start3A_710, %add3A_556] : memref<26x20x16384xi32, #tpu.memory_space<hbm>> -> memref<1x1x64xi32, #tpu.memory_space<hbm>>
      %dma_start3A_718 = tpu.memref_squeeze %dma_start3A_717 : memref<1x1x64xi32, #tpu.memory_space<hbm>> -> memref<64xi32, #tpu.memory_space<hbm>>
      tpu.enqueue_dma source(%dma_start3A_718 : memref<64xi32, #tpu.memory_space<hbm>>) target(%dma_start3A_716 : memref<64xi32, #tpu.memory_space<vmem>>) target_semaphore(%arg11 : memref<!tpu.dma_semaphore, #tpu.memory_space<semaphore_mem>>)
      %dma_start3A_719 = arith.constant 18 : i32
      %dma_start3A_720 = arith.constant 1152 : i32
      %dma_start3A_721 = tpu.memref_slice %arg5[%dma_start3A_720] : memref<1280xi32, #tpu.memory_space<vmem>> -> memref<64xi32, #tpu.memory_space<vmem>>
      %dma_start3A_722 = tpu.memref_slice %arg2[%add3A_537, %dma_start3A_719, %add3A_556] : memref<26x20x16384xi32, #tpu.memory_space<hbm>> -> memref<1x1x64xi32, #tpu.memory_space<hbm>>
      %dma_start3A_723 = tpu.memref_squeeze %dma_start3A_722 : memref<1x1x64xi32, #tpu.memory_space<hbm>> -> memref<64xi32, #tpu.memory_space<hbm>>
      %dma_start3A_724 = arith.constant 1152 : i32
      %dma_start3A_725 = tpu.memref_slice %arg5[%dma_start3A_724] : memref<1280xi32, #tpu.memory_space<vmem>> -> memref<64xi32, #tpu.memory_space<vmem>>
      %dma_start3A_726 = tpu.memref_slice %arg2[%add3A_537, %dma_start3A_719, %add3A_556] : memref<26x20x16384xi32, #tpu.memory_space<hbm>> -> memref<1x1x64xi32, #tpu.memory_space<hbm>>
      %dma_start3A_727 = tpu.memref_squeeze %dma_start3A_726 : memref<1x1x64xi32, #tpu.memory_space<hbm>> -> memref<64xi32, #tpu.memory_space<hbm>>
      tpu.enqueue_dma source(%dma_start3A_727 : memref<64xi32, #tpu.memory_space<hbm>>) target(%dma_start3A_725 : memref<64xi32, #tpu.memory_space<vmem>>) target_semaphore(%arg11 : memref<!tpu.dma_semaphore, #tpu.memory_space<semaphore_mem>>)
      %dma_start3A_728 = arith.constant 19 : i32
      %dma_start3A_729 = arith.constant 1216 : i32
      %dma_start3A_730 = tpu.memref_slice %arg5[%dma_start3A_729] : memref<1280xi32, #tpu.memory_space<vmem>> -> memref<64xi32, #tpu.memory_space<vmem>>
      %dma_start3A_731 = tpu.memref_slice %arg2[%add3A_537, %dma_start3A_728, %add3A_556] : memref<26x20x16384xi32, #tpu.memory_space<hbm>> -> memref<1x1x64xi32, #tpu.memory_space<hbm>>
      %dma_start3A_732 = tpu.memref_squeeze %dma_start3A_731 : memref<1x1x64xi32, #tpu.memory_space<hbm>> -> memref<64xi32, #tpu.memory_space<hbm>>
      %dma_start3A_733 = arith.constant 1216 : i32
      %dma_start3A_734 = tpu.memref_slice %arg5[%dma_start3A_733] : memref<1280xi32, #tpu.memory_space<vmem>> -> memref<64xi32, #tpu.memory_space<vmem>>
      %dma_start3A_735 = tpu.memref_slice %arg2[%add3A_537, %dma_start3A_728, %add3A_556] : memref<26x20x16384xi32, #tpu.memory_space<hbm>> -> memref<1x1x64xi32, #tpu.memory_space<hbm>>
      %dma_start3A_736 = tpu.memref_squeeze %dma_start3A_735 : memref<1x1x64xi32, #tpu.memory_space<hbm>> -> memref<64xi32, #tpu.memory_space<hbm>>
      tpu.enqueue_dma source(%dma_start3A_736 : memref<64xi32, #tpu.memory_space<hbm>>) target(%dma_start3A_734 : memref<64xi32, #tpu.memory_space<vmem>>) target_semaphore(%arg11 : memref<!tpu.dma_semaphore, #tpu.memory_space<semaphore_mem>>)
      %dma_wait3A_737 = arith.constant 0 : i32
      %dma_wait3A_738 = arith.constant 0 : i32
      %dma_wait3A_739 = arith.constant 0 : i32
      %dma_wait3A_740 = tpu.memref_slice %arg2[%dma_wait3A_737, %dma_wait3A_738, %dma_wait3A_739] : memref<26x20x16384xi32, #tpu.memory_space<hbm>> -> memref<1x1x1280xi32, #tpu.memory_space<hbm>>
      %dma_wait3A_741 = tpu.memref_squeeze %dma_wait3A_740 : memref<1x1x1280xi32, #tpu.memory_space<hbm>> -> memref<1280xi32, #tpu.memory_space<hbm>>
      %dma_wait3A_742 = arith.constant 0 : i32
      %dma_wait3A_743 = tpu.memref_slice %arg2[%dma_wait3A_737, %dma_wait3A_738, %dma_wait3A_742] : memref<26x20x16384xi32, #tpu.memory_space<hbm>> -> memref<1x1x1280xi32, #tpu.memory_space<hbm>>
      %dma_wait3A_744 = tpu.memref_squeeze %dma_wait3A_743 : memref<1x1x1280xi32, #tpu.memory_space<hbm>> -> memref<1280xi32, #tpu.memory_space<hbm>>
      tpu.wait_dma2 semaphore(%arg12 : memref<!tpu.dma_semaphore, #tpu.memory_space<semaphore_mem>>) src(%dma_wait3A_744 : memref<1280xi32, #tpu.memory_space<hbm>>) dst(%arg6 : memref<1280xi32, #tpu.memory_space<vmem>>)
      %add3A_745 = arith.constant 1 : i32
      %add3A_746 = arith.addi %mul3A_509, %add3A_745 : i32
      %jit3A_747 = arith.constant 16 : i32
      %div3A_748 = arith.divsi %add3A_746, %jit3A_747 : i32
      %sign3A_749 = arith.constant 0 : i32
      %sign3A_750 = arith.cmpi sgt, %add3A_746, %sign3A_749 : i32
      %sign3A_751 = arith.extui %sign3A_750 : i1 to i32
      %sign3A_752 = arith.constant 0 : i32
      %sign3A_753 = arith.cmpi slt, %add3A_746, %sign3A_752 : i32
      %sign3A_754 = arith.extui %sign3A_753 : i1 to i32
      %sign3A_755 = arith.subi %sign3A_751, %sign3A_754 : i32
      %sign3A_756 = arith.constant 0 : i32
      %sign3A_757 = arith.cmpi sgt, %jit3A_747, %sign3A_756 : i32
      %sign3A_758 = arith.extui %sign3A_757 : i1 to i32
      %sign3A_759 = arith.constant 0 : i32
      %sign3A_760 = arith.cmpi slt, %jit3A_747, %sign3A_759 : i32
      %sign3A_761 = arith.extui %sign3A_760 : i1 to i32
      %sign3A_762 = arith.subi %sign3A_758, %sign3A_761 : i32
      %ne3A_763 = arith.cmpi ne, %sign3A_755, %sign3A_762 : i32
      %rem3A_764 = arith.remsi %add3A_746, %jit3A_747 : i32
      %ne3A_765 = arith.constant 0 : i32
      %ne3A_766 = arith.cmpi ne, %rem3A_764, %ne3A_765 : i32
      %and3A_767 = arith.andi %ne3A_763, %ne3A_766 : i1
      %sub3A_768 = arith.constant 1 : i32
      %sub3A_769 = arith.subi %div3A_748, %sub3A_768 : i32
      %select_n3A_770 = arith.select %and3A_767, %sub3A_769, %div3A_748 : i32
      %add3A_771 = arith.addi %mul3A_0, %select_n3A_770 : i32
      %mul3A_772 = arith.constant 1024 : i32
      %mul3A_773 = arith.muli %arg1, %mul3A_772 : i32
      %jit3A_774 = arith.constant 16 : i32
      %eq3A_775 = arith.constant 0 : i32
      %eq3A_776 = arith.cmpi eq, %jit3A_774, %eq3A_775 : i32
      %jit3A_777 = arith.constant 1 : i32
      %select_n3A_778 = arith.select %eq3A_776, %jit3A_777, %jit3A_774 : i32
      %rem3A_779 = arith.remsi %add3A_746, %select_n3A_778 : i32
      %ne3A_780 = arith.constant 0 : i32
      %ne3A_781 = arith.cmpi ne, %rem3A_779, %ne3A_780 : i32
      %lt3A_782 = arith.constant 0 : i32
      %lt3A_783 = arith.cmpi slt, %rem3A_779, %lt3A_782 : i32
      %lt3A_784 = arith.constant 0 : i32
      %lt3A_785 = arith.cmpi slt, %select_n3A_778, %lt3A_784 : i32
      %ne3A_786 = arith.xori %lt3A_783, %lt3A_785 : i1
      %and3A_787 = arith.andi %ne3A_786, %ne3A_781 : i1
      %add3A_788 = arith.addi %rem3A_779, %select_n3A_778 : i32
      %select_n3A_789 = arith.select %and3A_787, %add3A_788, %rem3A_779 : i32
      %mul3A_790 = arith.constant 64 : i32
      %mul3A_791 = arith.muli %select_n3A_789, %mul3A_790 : i32
      %add3A_792 = arith.addi %mul3A_773, %mul3A_791 : i32
      %dma_start3A_793 = arith.constant 0 : i32
      %dma_start3A_794 = arith.constant 0 : i32
      %dma_start3A_795 = tpu.memref_slice %arg3[%add3A_771, %dma_start3A_793, %dma_start3A_794] : memref<26x100000x32xf32, #tpu.memory_space<hbm>> -> memref<1x100000x32xf32, #tpu.memory_space<hbm>>
      %dma_start3A_796 = tpu.memref_squeeze %dma_start3A_795 : memref<1x100000x32xf32, #tpu.memory_space<hbm>> -> memref<100000x32xf32, #tpu.memory_space<hbm>>
      %dma_start3A_797 = arith.constant 0 : i32
      %dma_start3A_798 = arith.constant 0 : i32
      %dma_start3A_799 = tpu.memref_slice %dma_start3A_796[%dma_start3A_797, %dma_start3A_798] : memref<100000x32xf32, #tpu.memory_space<hbm>> -> memref<100000x32xf32, #tpu.memory_space<hbm>>
      tpu.enqueue_indirect_dma source(%dma_start3A_799 : memref<100000x32xf32, #tpu.memory_space<hbm>>) target(%arg8 : memref<1280x32xf32, #tpu.memory_space<vmem>>) offsets(%arg6 : memref<1280xi32, #tpu.memory_space<vmem>>) semaphore(%arg14 : memref<!tpu.dma_semaphore, #tpu.memory_space<semaphore_mem>>)
      %dma_wait3A_800 = arith.constant 0 : i32
      %dma_wait3A_801 = arith.constant 0 : i32
      %dma_wait3A_802 = tpu.memref_slice %arg4[%dma_wait3A_800, %dma_wait3A_801] : memref<16384x832xf32, #tpu.memory_space<hbm>> -> memref<64x32xf32, #tpu.memory_space<hbm>>
      %dma_wait3A_803 = arith.constant 0 : i32
      %dma_wait3A_804 = arith.constant 0 : i32
      %dma_wait3A_805 = tpu.memref_slice %arg4[%dma_wait3A_803, %dma_wait3A_804] : memref<16384x832xf32, #tpu.memory_space<hbm>> -> memref<64x32xf32, #tpu.memory_space<hbm>>
      tpu.wait_dma2 semaphore(%arg15 : memref<!tpu.dma_semaphore, #tpu.memory_space<semaphore_mem>>) src(%dma_wait3A_805 : memref<64x32xf32, #tpu.memory_space<hbm>>) dst(%arg9 : memref<64x32xf32, #tpu.memory_space<vmem>>)
      %scan3A_806 = arith.constant 0 : i32
      %scan3A_807 = arith.constant 0 : i32
      %scan3A_808 = arith.constant 64 : i32
      %scan3A_809 = arith.addi %scan3A_807, %scan3A_808 : i32
      %scan3A_810 = arith.constant 1 : i32
      %scan3A_811 = scf.for %scan3A_1229 = %scan3A_807 to %scan3A_809 step %scan3A_810 iter_args(%scan3A_1230 = %scan3A_806) -> (i32)  : i32 {
        %get3A = arith.index_cast %scan3A_1229 : i32 to index
        %get3A_1231 = arith.constant 0 : index
        %get3A_1232 = tpu.vector_load %arg7[%get3A, %get3A_1231] {strides = array<i32>} : memref<1280x32xf32, #tpu.memory_space<vmem>>, vector<16xf32>,
        %get3A_1233 = arith.index_cast %scan3A_1229 : i32 to index
        %get3A_1234 = arith.constant 16 : index
        %get3A_1235 = tpu.vector_load %arg7[%get3A_1233, %get3A_1234] {strides = array<i32>} : memref<1280x32xf32, #tpu.memory_space<vmem>>, vector<16xf32>,
        %add3A_1236 = arith.constant 64 : i32
        %add3A_1237 = arith.addi %add3A_1236, %scan3A_1229 : i32
        %get3A_1238 = arith.index_cast %add3A_1237 : i32 to index
        %get3A_1239 = arith.constant 0 : index
        %get3A_1240 = tpu.vector_load %arg7[%get3A_1238, %get3A_1239] {strides = array<i32>} : memref<1280x32xf32, #tpu.memory_space<vmem>>, vector<16xf32>,
        %add3A_1241 = arith.addf %get3A_1232, %get3A_1240 : vector<16xf32>
        %add3A_1242 = arith.constant 64 : i32
        %add3A_1243 = arith.addi %add3A_1242, %scan3A_1229 : i32
        %get3A_1244 = arith.index_cast %add3A_1243 : i32 to index
        %get3A_1245 = arith.constant 16 : index
        %get3A_1246 = tpu.vector_load %arg7[%get3A_1244, %get3A_1245] {strides = array<i32>} : memref<1280x32xf32, #tpu.memory_space<vmem>>, vector<16xf32>,
        %add3A_1247 = arith.addf %get3A_1235, %get3A_1246 : vector<16xf32>
        %add3A_1248 = arith.constant 128 : i32
        %add3A_1249 = arith.addi %add3A_1248, %scan3A_1229 : i32
        %get3A_1250 = arith.index_cast %add3A_1249 : i32 to index
        %get3A_1251 = arith.constant 0 : index
        %get3A_1252 = tpu.vector_load %arg7[%get3A_1250, %get3A_1251] {strides = array<i32>} : memref<1280x32xf32, #tpu.memory_space<vmem>>, vector<16xf32>,
        %add3A_1253 = arith.addf %add3A_1241, %get3A_1252 : vector<16xf32>
        %add3A_1254 = arith.constant 128 : i32
        %add3A_1255 = arith.addi %add3A_1254, %scan3A_1229 : i32
        %get3A_1256 = arith.index_cast %add3A_1255 : i32 to index
        %get3A_1257 = arith.constant 16 : index
        %get3A_1258 = tpu.vector_load %arg7[%get3A_1256, %get3A_1257] {strides = array<i32>} : memref<1280x32xf32, #tpu.memory_space<vmem>>, vector<16xf32>,
        %add3A_1259 = arith.addf %add3A_1247, %get3A_1258 : vector<16xf32>
        %add3A_1260 = arith.constant 192 : i32
        %add3A_1261 = arith.addi %add3A_1260, %scan3A_1229 : i32
        %get3A_1262 = arith.index_cast %add3A_1261 : i32 to index
        %get3A_1263 = arith.constant 0 : index
        %get3A_1264 = tpu.vector_load %arg7[%get3A_1262, %get3A_1263] {strides = array<i32>} : memref<1280x32xf32, #tpu.memory_space<vmem>>, vector<16xf32>,
        %add3A_1265 = arith.addf %add3A_1253, %get3A_1264 : vector<16xf32>
        %add3A_1266 = arith.constant 192 : i32
        %add3A_1267 = arith.addi %add3A_1266, %scan3A_1229 : i32
        %get3A_1268 = arith.index_cast %add3A_1267 : i32 to index
        %get3A_1269 = arith.constant 16 : index
        %get3A_1270 = tpu.vector_load %arg7[%get3A_1268, %get3A_1269] {strides = array<i32>} : memref<1280x32xf32, #tpu.memory_space<vmem>>, vector<16xf32>,
        %add3A_1271 = arith.addf %add3A_1259, %get3A_1270 : vector<16xf32>
        %add3A_1272 = arith.constant 256 : i32
        %add3A_1273 = arith.addi %add3A_1272, %scan3A_1229 : i32
        %get3A_1274 = arith.index_cast %add3A_1273 : i32 to index
        %get3A_1275 = arith.constant 0 : index
        %get3A_1276 = tpu.vector_load %arg7[%get3A_1274, %get3A_1275] {strides = array<i32>} : memref<1280x32xf32, #tpu.memory_space<vmem>>, vector<16xf32>,
        %add3A_1277 = arith.addf %add3A_1265, %get3A_1276 : vector<16xf32>
        %add3A_1278 = arith.constant 256 : i32
        %add3A_1279 = arith.addi %add3A_1278, %scan3A_1229 : i32
        %get3A_1280 = arith.index_cast %add3A_1279 : i32 to index
        %get3A_1281 = arith.constant 16 : index
        %get3A_1282 = tpu.vector_load %arg7[%get3A_1280, %get3A_1281] {strides = array<i32>} : memref<1280x32xf32, #tpu.memory_space<vmem>>, vector<16xf32>,
        %add3A_1283 = arith.addf %add3A_1271, %get3A_1282 : vector<16xf32>
        %add3A_1284 = arith.constant 320 : i32
        %add3A_1285 = arith.addi %add3A_1284, %scan3A_1229 : i32
        %get3A_1286 = arith.index_cast %add3A_1285 : i32 to index
        %get3A_1287 = arith.constant 0 : index
        %get3A_1288 = tpu.vector_load %arg7[%get3A_1286, %get3A_1287] {strides = array<i32>} : memref<1280x32xf32, #tpu.memory_space<vmem>>, vector<16xf32>,
        %add3A_1289 = arith.addf %add3A_1277, %get3A_1288 : vector<16xf32>
        %add3A_1290 = arith.constant 320 : i32
        %add3A_1291 = arith.addi %add3A_1290, %scan3A_1229 : i32
        %get3A_1292 = arith.index_cast %add3A_1291 : i32 to index
        %get3A_1293 = arith.constant 16 : index
        %get3A_1294 = tpu.vector_load %arg7[%get3A_1292, %get3A_1293] {strides = array<i32>} : memref<1280x32xf32, #tpu.memory_space<vmem>>, vector<16xf32>,
        %add3A_1295 = arith.addf %add3A_1283, %get3A_1294 : vector<16xf32>
        %add3A_1296 = arith.constant 384 : i32
        %add3A_1297 = arith.addi %add3A_1296, %scan3A_1229 : i32
        %get3A_1298 = arith.index_cast %add3A_1297 : i32 to index
        %get3A_1299 = arith.constant 0 : index
        %get3A_1300 = tpu.vector_load %arg7[%get3A_1298, %get3A_1299] {strides = array<i32>} : memref<1280x32xf32, #tpu.memory_space<vmem>>, vector<16xf32>,
        %add3A_1301 = arith.addf %add3A_1289, %get3A_1300 : vector<16xf32>
        %add3A_1302 = arith.constant 384 : i32
        %add3A_1303 = arith.addi %add3A_1302, %scan3A_1229 : i32
        %get3A_1304 = arith.index_cast %add3A_1303 : i32 to index
        %get3A_1305 = arith.constant 16 : index
        %get3A_1306 = tpu.vector_load %arg7[%get3A_1304, %get3A_1305] {strides = array<i32>} : memref<1280x32xf32, #tpu.memory_space<vmem>>, vector<16xf32>,
        %add3A_1307 = arith.addf %add3A_1295, %get3A_1306 : vector<16xf32>
        %add3A_1308 = arith.constant 448 : i32
        %add3A_1309 = arith.addi %add3A_1308, %scan3A_1229 : i32
        %get3A_1310 = arith.index_cast %add3A_1309 : i32 to index
        %get3A_1311 = arith.constant 0 : index
        %get3A_1312 = tpu.vector_load %arg7[%get3A_1310, %get3A_1311] {strides = array<i32>} : memref<1280x32xf32, #tpu.memory_space<vmem>>, vector<16xf32>,
        %add3A_1313 = arith.addf %add3A_1301, %get3A_1312 : vector<16xf32>
        %add3A_1314 = arith.constant 448 : i32
        %add3A_1315 = arith.addi %add3A_1314, %scan3A_1229 : i32
        %get3A_1316 = arith.index_cast %add3A_1315 : i32 to index
        %get3A_1317 = arith.constant 16 : index
        %get3A_1318 = tpu.vector_load %arg7[%get3A_1316, %get3A_1317] {strides = array<i32>} : memref<1280x32xf32, #tpu.memory_space<vmem>>, vector<16xf32>,
        %add3A_1319 = arith.addf %add3A_1307, %get3A_1318 : vector<16xf32>
        %add3A_1320 = arith.constant 512 : i32
        %add3A_1321 = arith.addi %add3A_1320, %scan3A_1229 : i32
        %get3A_1322 = arith.index_cast %add3A_1321 : i32 to index
        %get3A_1323 = arith.constant 0 : index
        %get3A_1324 = tpu.vector_load %arg7[%get3A_1322, %get3A_1323] {strides = array<i32>} : memref<1280x32xf32, #tpu.memory_space<vmem>>, vector<16xf32>,
        %add3A_1325 = arith.addf %add3A_1313, %get3A_1324 : vector<16xf32>
        %add3A_1326 = arith.constant 512 : i32
        %add3A_1327 = arith.addi %add3A_1326, %scan3A_1229 : i32
        %get3A_1328 = arith.index_cast %add3A_1327 : i32 to index
        %get3A_1329 = arith.constant 16 : index
        %get3A_1330 = tpu.vector_load %arg7[%get3A_1328, %get3A_1329] {strides = array<i32>} : memref<1280x32xf32, #tpu.memory_space<vmem>>, vector<16xf32>,
        %add3A_1331 = arith.addf %add3A_1319, %get3A_1330 : vector<16xf32>
        %add3A_1332 = arith.constant 576 : i32
        %add3A_1333 = arith.addi %add3A_1332, %scan3A_1229 : i32
        %get3A_1334 = arith.index_cast %add3A_1333 : i32 to index
        %get3A_1335 = arith.constant 0 : index
        %get3A_1336 = tpu.vector_load %arg7[%get3A_1334, %get3A_1335] {strides = array<i32>} : memref<1280x32xf32, #tpu.memory_space<vmem>>, vector<16xf32>,
        %add3A_1337 = arith.addf %add3A_1325, %get3A_1336 : vector<16xf32>
        %add3A_1338 = arith.constant 576 : i32
        %add3A_1339 = arith.addi %add3A_1338, %scan3A_1229 : i32
        %get3A_1340 = arith.index_cast %add3A_1339 : i32 to index
        %get3A_1341 = arith.constant 16 : index
        %get3A_1342 = tpu.vector_load %arg7[%get3A_1340, %get3A_1341] {strides = array<i32>} : memref<1280x32xf32, #tpu.memory_space<vmem>>, vector<16xf32>,
        %add3A_1343 = arith.addf %add3A_1331, %get3A_1342 : vector<16xf32>
        %add3A_1344 = arith.constant 640 : i32
        %add3A_1345 = arith.addi %add3A_1344, %scan3A_1229 : i32
        %get3A_1346 = arith.index_cast %add3A_1345 : i32 to index
        %get3A_1347 = arith.constant 0 : index
        %get3A_1348 = tpu.vector_load %arg7[%get3A_1346, %get3A_1347] {strides = array<i32>} : memref<1280x32xf32, #tpu.memory_space<vmem>>, vector<16xf32>,
        %add3A_1349 = arith.addf %add3A_1337, %get3A_1348 : vector<16xf32>
        %add3A_1350 = arith.constant 640 : i32
        %add3A_1351 = arith.addi %add3A_1350, %scan3A_1229 : i32
        %get3A_1352 = arith.index_cast %add3A_1351 : i32 to index
        %get3A_1353 = arith.constant 16 : index
        %get3A_1354 = tpu.vector_load %arg7[%get3A_1352, %get3A_1353] {strides = array<i32>} : memref<1280x32xf32, #tpu.memory_space<vmem>>, vector<16xf32>,
        %add3A_1355 = arith.addf %add3A_1343, %get3A_1354 : vector<16xf32>
        %add3A_1356 = arith.constant 704 : i32
        %add3A_1357 = arith.addi %add3A_1356, %scan3A_1229 : i32
        %get3A_1358 = arith.index_cast %add3A_1357 : i32 to index
        %get3A_1359 = arith.constant 0 : index
        %get3A_1360 = tpu.vector_load %arg7[%get3A_1358, %get3A_1359] {strides = array<i32>} : memref<1280x32xf32, #tpu.memory_space<vmem>>, vector<16xf32>,
        %add3A_1361 = arith.addf %add3A_1349, %get3A_1360 : vector<16xf32>
        %add3A_1362 = arith.constant 704 : i32
        %add3A_1363 = arith.addi %add3A_1362, %scan3A_1229 : i32
        %get3A_1364 = arith.index_cast %add3A_1363 : i32 to index
        %get3A_1365 = arith.constant 16 : index
        %get3A_1366 = tpu.vector_load %arg7[%get3A_1364, %get3A_1365] {strides = array<i32>} : memref<1280x32xf32, #tpu.memory_space<vmem>>, vector<16xf32>,
        %add3A_1367 = arith.addf %add3A_1355, %get3A_1366 : vector<16xf32>
        %add3A_1368 = arith.constant 768 : i32
        %add3A_1369 = arith.addi %add3A_1368, %scan3A_1229 : i32
        %get3A_1370 = arith.index_cast %add3A_1369 : i32 to index
        %get3A_1371 = arith.constant 0 : index
        %get3A_1372 = tpu.vector_load %arg7[%get3A_1370, %get3A_1371] {strides = array<i32>} : memref<1280x32xf32, #tpu.memory_space<vmem>>, vector<16xf32>,
        %add3A_1373 = arith.addf %add3A_1361, %get3A_1372 : vector<16xf32>
        %add3A_1374 = arith.constant 768 : i32
        %add3A_1375 = arith.addi %add3A_1374, %scan3A_1229 : i32
        %get3A_1376 = arith.index_cast %add3A_1375 : i32 to index
        %get3A_1377 = arith.constant 16 : index
        %get3A_1378 = tpu.vector_load %arg7[%get3A_1376, %get3A_1377] {strides = array<i32>} : memref<1280x32xf32, #tpu.memory_space<vmem>>, vector<16xf32>,
        %add3A_1379 = arith.addf %add3A_1367, %get3A_1378 : vector<16xf32>
        %add3A_1380 = arith.constant 832 : i32
        %add3A_1381 = arith.addi %add3A_1380, %scan3A_1229 : i32
        %get3A_1382 = arith.index_cast %add3A_1381 : i32 to index
        %get3A_1383 = arith.constant 0 : index
        %get3A_1384 = tpu.vector_load %arg7[%get3A_1382, %get3A_1383] {strides = array<i32>} : memref<1280x32xf32, #tpu.memory_space<vmem>>, vector<16xf32>,
        %add3A_1385 = arith.addf %add3A_1373, %get3A_1384 : vector<16xf32>
        %add3A_1386 = arith.constant 832 : i32
        %add3A_1387 = arith.addi %add3A_1386, %scan3A_1229 : i32
        %get3A_1388 = arith.index_cast %add3A_1387 : i32 to index
        %get3A_1389 = arith.constant 16 : index
        %get3A_1390 = tpu.vector_load %arg7[%get3A_1388, %get3A_1389] {strides = array<i32>} : memref<1280x32xf32, #tpu.memory_space<vmem>>, vector<16xf32>,
        %add3A_1391 = arith.addf %add3A_1379, %get3A_1390 : vector<16xf32>
        %add3A_1392 = arith.constant 896 : i32
        %add3A_1393 = arith.addi %add3A_1392, %scan3A_1229 : i32
        %get3A_1394 = arith.index_cast %add3A_1393 : i32 to index
        %get3A_1395 = arith.constant 0 : index
        %get3A_1396 = tpu.vector_load %arg7[%get3A_1394, %get3A_1395] {strides = array<i32>} : memref<1280x32xf32, #tpu.memory_space<vmem>>, vector<16xf32>,
        %add3A_1397 = arith.addf %add3A_1385, %get3A_1396 : vector<16xf32>
        %add3A_1398 = arith.constant 896 : i32
        %add3A_1399 = arith.addi %add3A_1398, %scan3A_1229 : i32
        %get3A_1400 = arith.index_cast %add3A_1399 : i32 to index
        %get3A_1401 = arith.constant 16 : index
        %get3A_1402 = tpu.vector_load %arg7[%get3A_1400, %get3A_1401] {strides = array<i32>} : memref<1280x32xf32, #tpu.memory_space<vmem>>, vector<16xf32>,
        %add3A_1403 = arith.addf %add3A_1391, %get3A_1402 : vector<16xf32>
        %add3A_1404 = arith.constant 960 : i32
        %add3A_1405 = arith.addi %add3A_1404, %scan3A_1229 : i32
        %get3A_1406 = arith.index_cast %add3A_1405 : i32 to index
        %get3A_1407 = arith.constant 0 : index
        %get3A_1408 = tpu.vector_load %arg7[%get3A_1406, %get3A_1407] {strides = array<i32>} : memref<1280x32xf32, #tpu.memory_space<vmem>>, vector<16xf32>,
        %add3A_1409 = arith.addf %add3A_1397, %get3A_1408 : vector<16xf32>
        %add3A_1410 = arith.constant 960 : i32
        %add3A_1411 = arith.addi %add3A_1410, %scan3A_1229 : i32
        %get3A_1412 = arith.index_cast %add3A_1411 : i32 to index
        %get3A_1413 = arith.constant 16 : index
        %get3A_1414 = tpu.vector_load %arg7[%get3A_1412, %get3A_1413] {strides = array<i32>} : memref<1280x32xf32, #tpu.memory_space<vmem>>, vector<16xf32>,
        %add3A_1415 = arith.addf %add3A_1403, %get3A_1414 : vector<16xf32>
        %add3A_1416 = arith.constant 1024 : i32
        %add3A_1417 = arith.addi %add3A_1416, %scan3A_1229 : i32
        %get3A_1418 = arith.index_cast %add3A_1417 : i32 to index
        %get3A_1419 = arith.constant 0 : index
        %get3A_1420 = tpu.vector_load %arg7[%get3A_1418, %get3A_1419] {strides = array<i32>} : memref<1280x32xf32, #tpu.memory_space<vmem>>, vector<16xf32>,
        %add3A_1421 = arith.addf %add3A_1409, %get3A_1420 : vector<16xf32>
        %add3A_1422 = arith.constant 1024 : i32
        %add3A_1423 = arith.addi %add3A_1422, %scan3A_1229 : i32
        %get3A_1424 = arith.index_cast %add3A_1423 : i32 to index
        %get3A_1425 = arith.constant 16 : index
        %get3A_1426 = tpu.vector_load %arg7[%get3A_1424, %get3A_1425] {strides = array<i32>} : memref<1280x32xf32, #tpu.memory_space<vmem>>, vector<16xf32>,
        %add3A_1427 = arith.addf %add3A_1415, %get3A_1426 : vector<16xf32>
        %add3A_1428 = arith.constant 1088 : i32
        %add3A_1429 = arith.addi %add3A_1428, %scan3A_1229 : i32
        %get3A_1430 = arith.index_cast %add3A_1429 : i32 to index
        %get3A_1431 = arith.constant 0 : index
        %get3A_1432 = tpu.vector_load %arg7[%get3A_1430, %get3A_1431] {strides = array<i32>} : memref<1280x32xf32, #tpu.memory_space<vmem>>, vector<16xf32>,
        %add3A_1433 = arith.addf %add3A_1421, %get3A_1432 : vector<16xf32>
        %add3A_1434 = arith.constant 1088 : i32
        %add3A_1435 = arith.addi %add3A_1434, %scan3A_1229 : i32
        %get3A_1436 = arith.index_cast %add3A_1435 : i32 to index
        %get3A_1437 = arith.constant 16 : index
        %get3A_1438 = tpu.vector_load %arg7[%get3A_1436, %get3A_1437] {strides = array<i32>} : memref<1280x32xf32, #tpu.memory_space<vmem>>, vector<16xf32>,
        %add3A_1439 = arith.addf %add3A_1427, %get3A_1438 : vector<16xf32>
        %add3A_1440 = arith.constant 1152 : i32
        %add3A_1441 = arith.addi %add3A_1440, %scan3A_1229 : i32
        %get3A_1442 = arith.index_cast %add3A_1441 : i32 to index
        %get3A_1443 = arith.constant 0 : index
        %get3A_1444 = tpu.vector_load %arg7[%get3A_1442, %get3A_1443] {strides = array<i32>} : memref<1280x32xf32, #tpu.memory_space<vmem>>, vector<16xf32>,
        %add3A_1445 = arith.addf %add3A_1433, %get3A_1444 : vector<16xf32>
        %add3A_1446 = arith.constant 1152 : i32
        %add3A_1447 = arith.addi %add3A_1446, %scan3A_1229 : i32
        %get3A_1448 = arith.index_cast %add3A_1447 : i32 to index
        %get3A_1449 = arith.constant 16 : index
        %get3A_1450 = tpu.vector_load %arg7[%get3A_1448, %get3A_1449] {strides = array<i32>} : memref<1280x32xf32, #tpu.memory_space<vmem>>, vector<16xf32>,
        %add3A_1451 = arith.addf %add3A_1439, %get3A_1450 : vector<16xf32>
        %add3A_1452 = arith.constant 1216 : i32
        %add3A_1453 = arith.addi %add3A_1452, %scan3A_1229 : i32
        %get3A_1454 = arith.index_cast %add3A_1453 : i32 to index
        %get3A_1455 = arith.constant 0 : index
        %get3A_1456 = tpu.vector_load %arg7[%get3A_1454, %get3A_1455] {strides = array<i32>} : memref<1280x32xf32, #tpu.memory_space<vmem>>, vector<16xf32>,
        %add3A_1457 = arith.addf %add3A_1445, %get3A_1456 : vector<16xf32>
        %add3A_1458 = arith.constant 1216 : i32
        %add3A_1459 = arith.addi %add3A_1458, %scan3A_1229 : i32
        %get3A_1460 = arith.index_cast %add3A_1459 : i32 to index
        %get3A_1461 = arith.constant 16 : index
        %get3A_1462 = tpu.vector_load %arg7[%get3A_1460, %get3A_1461] {strides = array<i32>} : memref<1280x32xf32, #tpu.memory_space<vmem>>, vector<16xf32>,
        %add3A_1463 = arith.addf %add3A_1451, %get3A_1462 : vector<16xf32>
        %swap3A = arith.index_cast %scan3A_1229 : i32 to index
        %swap3A_1464 = arith.constant 0 : index
        %swap3A_1465 = tpu.vector_load %arg9[%swap3A, %swap3A_1464] {strides = array<i32>} : memref<64x32xf32, #tpu.memory_space<vmem>>, vector<16xf32>,
        tpu.vector_store %arg9[%swap3A, %swap3A_1464], %add3A_1457 {strides = array<i32>} : memref<64x32xf32, #tpu.memory_space<vmem>>, vector<16xf32>,
        %swap3A_1466 = arith.index_cast %scan3A_1229 : i32 to index
        %swap3A_1467 = arith.constant 16 : index
        %swap3A_1468 = tpu.vector_load %arg9[%swap3A_1466, %swap3A_1467] {strides = array<i32>} : memref<64x32xf32, #tpu.memory_space<vmem>>, vector<16xf32>,
        tpu.vector_store %arg9[%swap3A_1466, %swap3A_1467], %add3A_1463 {strides = array<i32>} : memref<64x32xf32, #tpu.memory_space<vmem>>, vector<16xf32>,
        %scan3A_1469 = arith.constant 0 : i32
        scf.yield %scan3A_1469 : i32
      }
      %scan3A_812 = arith.constant 64 : i32
      %jit3A_813 = arith.constant 16 : i32
      %div3A_814 = arith.divsi %mul3A_509, %jit3A_813 : i32
      %sign3A_815 = arith.constant 0 : i32
      %sign3A_816 = arith.cmpi sgt, %mul3A_509, %sign3A_815 : i32
      %sign3A_817 = arith.extui %sign3A_816 : i1 to i32
      %sign3A_818 = arith.constant 0 : i32
      %sign3A_819 = arith.cmpi slt, %mul3A_509, %sign3A_818 : i32
      %sign3A_820 = arith.extui %sign3A_819 : i1 to i32
      %sign3A_821 = arith.subi %sign3A_817, %sign3A_820 : i32
      %sign3A_822 = arith.constant 0 : i32
      %sign3A_823 = arith.cmpi sgt, %jit3A_813, %sign3A_822 : i32
      %sign3A_824 = arith.extui %sign3A_823 : i1 to i32
      %sign3A_825 = arith.constant 0 : i32
      %sign3A_826 = arith.cmpi slt, %jit3A_813, %sign3A_825 : i32
      %sign3A_827 = arith.extui %sign3A_826 : i1 to i32
      %sign3A_828 = arith.subi %sign3A_824, %sign3A_827 : i32
      %ne3A_829 = arith.cmpi ne, %sign3A_821, %sign3A_828 : i32
      %rem3A_830 = arith.remsi %mul3A_509, %jit3A_813 : i32
      %ne3A_831 = arith.constant 0 : i32
      %ne3A_832 = arith.cmpi ne, %rem3A_830, %ne3A_831 : i32
      %and3A_833 = arith.andi %ne3A_829, %ne3A_832 : i1
      %sub3A_834 = arith.constant 1 : i32
      %sub3A_835 = arith.subi %div3A_814, %sub3A_834 : i32
      %select_n3A_836 = arith.select %and3A_833, %sub3A_835, %div3A_814 : i32
      %add3A_837 = arith.addi %mul3A_0, %select_n3A_836 : i32
      %mul3A_838 = arith.constant 1024 : i32
      %mul3A_839 = arith.muli %arg1, %mul3A_838 : i32
      %jit3A_840 = arith.constant 16 : i32
      %eq3A_841 = arith.constant 0 : i32
      %eq3A_842 = arith.cmpi eq, %jit3A_840, %eq3A_841 : i32
      %jit3A_843 = arith.constant 1 : i32
      %select_n3A_844 = arith.select %eq3A_842, %jit3A_843, %jit3A_840 : i32
      %rem3A_845 = arith.remsi %mul3A_509, %select_n3A_844 : i32
      %ne3A_846 = arith.constant 0 : i32
      %ne3A_847 = arith.cmpi ne, %rem3A_845, %ne3A_846 : i32
      %lt3A_848 = arith.constant 0 : i32
      %lt3A_849 = arith.cmpi slt, %rem3A_845, %lt3A_848 : i32
      %lt3A_850 = arith.constant 0 : i32
      %lt3A_851 = arith.cmpi slt, %select_n3A_844, %lt3A_850 : i32
      %ne3A_852 = arith.xori %lt3A_849, %lt3A_851 : i1
      %and3A_853 = arith.andi %ne3A_852, %ne3A_847 : i1
      %add3A_854 = arith.addi %rem3A_845, %select_n3A_844 : i32
      %select_n3A_855 = arith.select %and3A_853, %add3A_854, %rem3A_845 : i32
      %mul3A_856 = arith.constant 64 : i32
      %mul3A_857 = arith.muli %select_n3A_855, %mul3A_856 : i32
      %add3A_858 = arith.addi %mul3A_839, %mul3A_857 : i32
      %mul3A_859 = arith.constant 32 : i32
      %mul3A_860 = arith.muli %add3A_837, %mul3A_859 : i32
      %dma_start3A_861 = tpu.memref_slice %arg4[%add3A_858, %mul3A_860] : memref<16384x832xf32, #tpu.memory_space<hbm>> -> memref<64x32xf32, #tpu.memory_space<hbm>>
      %dma_start3A_862 = tpu.memref_slice %arg4[%add3A_858, %mul3A_860] : memref<16384x832xf32, #tpu.memory_space<hbm>> -> memref<64x32xf32, #tpu.memory_space<hbm>>
      tpu.enqueue_dma source(%arg9 : memref<64x32xf32, #tpu.memory_space<vmem>>) target(%dma_start3A_862 : memref<64x32xf32, #tpu.memory_space<hbm>>) target_semaphore(%arg15 : memref<!tpu.dma_semaphore, #tpu.memory_space<semaphore_mem>>)
      %dma_wait3A_863 = arith.constant 0 : i32
      %dma_wait3A_864 = arith.constant 0 : i32
      %dma_wait3A_865 = arith.constant 0 : i32
      %dma_wait3A_866 = tpu.memref_slice %arg3[%dma_wait3A_863, %dma_wait3A_864, %dma_wait3A_865] : memref<26x100000x32xf32, #tpu.memory_space<hbm>> -> memref<1x1280x32xf32, #tpu.memory_space<hbm>>
      %dma_wait3A_867 = tpu.memref_squeeze %dma_wait3A_866 : memref<1x1280x32xf32, #tpu.memory_space<hbm>> -> memref<1280x32xf32, #tpu.memory_space<hbm>>
      %dma_wait3A_868 = arith.constant 0 : i32
      %dma_wait3A_869 = arith.constant 0 : i32
      %dma_wait3A_870 = tpu.memref_slice %arg3[%dma_wait3A_863, %dma_wait3A_868, %dma_wait3A_869] : memref<26x100000x32xf32, #tpu.memory_space<hbm>> -> memref<1x1280x32xf32, #tpu.memory_space<hbm>>
      %dma_wait3A_871 = tpu.memref_squeeze %dma_wait3A_870 : memref<1x1280x32xf32, #tpu.memory_space<hbm>> -> memref<1280x32xf32, #tpu.memory_space<hbm>>
      tpu.wait_dma2 semaphore(%arg14 : memref<!tpu.dma_semaphore, #tpu.memory_space<semaphore_mem>>) src(%dma_wait3A_871 : memref<1280x32xf32, #tpu.memory_space<hbm>>) dst(%arg8 : memref<1280x32xf32, #tpu.memory_space<vmem>>)
      %add3A_872 = arith.constant 3 : i32
      %add3A_873 = arith.addi %mul3A_509, %add3A_872 : i32
      %jit3A_874 = arith.constant 16 : i32
      %div3A_875 = arith.divsi %add3A_873, %jit3A_874 : i32
      %sign3A_876 = arith.constant 0 : i32
      %sign3A_877 = arith.cmpi sgt, %add3A_873, %sign3A_876 : i32
      %sign3A_878 = arith.extui %sign3A_877 : i1 to i32
      %sign3A_879 = arith.constant 0 : i32
      %sign3A_880 = arith.cmpi slt, %add3A_873, %sign3A_879 : i32
      %sign3A_881 = arith.extui %sign3A_880 : i1 to i32
      %sign3A_882 = arith.subi %sign3A_878, %sign3A_881 : i32
      %sign3A_883 = arith.constant 0 : i32
      %sign3A_884 = arith.cmpi sgt, %jit3A_874, %sign3A_883 : i32
      %sign3A_885 = arith.extui %sign3A_884 : i1 to i32
      %sign3A_886 = arith.constant 0 : i32
      %sign3A_887 = arith.cmpi slt, %jit3A_874, %sign3A_886 : i32
      %sign3A_888 = arith.extui %sign3A_887 : i1 to i32
      %sign3A_889 = arith.subi %sign3A_885, %sign3A_888 : i32
      %ne3A_890 = arith.cmpi ne, %sign3A_882, %sign3A_889 : i32
      %rem3A_891 = arith.remsi %add3A_873, %jit3A_874 : i32
      %ne3A_892 = arith.constant 0 : i32
      %ne3A_893 = arith.cmpi ne, %rem3A_891, %ne3A_892 : i32
      %and3A_894 = arith.andi %ne3A_890, %ne3A_893 : i1
      %sub3A_895 = arith.constant 1 : i32
      %sub3A_896 = arith.subi %div3A_875, %sub3A_895 : i32
      %select_n3A_897 = arith.select %and3A_894, %sub3A_896, %div3A_875 : i32
      %add3A_898 = arith.addi %mul3A_0, %select_n3A_897 : i32
      %mul3A_899 = arith.constant 1024 : i32
      %mul3A_900 = arith.muli %arg1, %mul3A_899 : i32
      %jit3A_901 = arith.constant 16 : i32
      %eq3A_902 = arith.constant 0 : i32
      %eq3A_903 = arith.cmpi eq, %jit3A_901, %eq3A_902 : i32
      %jit3A_904 = arith.constant 1 : i32
      %select_n3A_905 = arith.select %eq3A_903, %jit3A_904, %jit3A_901 : i32
      %rem3A_906 = arith.remsi %add3A_873, %select_n3A_905 : i32
      %ne3A_907 = arith.constant 0 : i32
      %ne3A_908 = arith.cmpi ne, %rem3A_906, %ne3A_907 : i32
      %lt3A_909 = arith.constant 0 : i32
      %lt3A_910 = arith.cmpi slt, %rem3A_906, %lt3A_909 : i32
      %lt3A_911 = arith.constant 0 : i32
      %lt3A_912 = arith.cmpi slt, %select_n3A_905, %lt3A_911 : i32
      %ne3A_913 = arith.xori %lt3A_910, %lt3A_912 : i1
      %and3A_914 = arith.andi %ne3A_913, %ne3A_908 : i1
      %add3A_915 = arith.addi %rem3A_906, %select_n3A_905 : i32
      %select_n3A_916 = arith.select %and3A_914, %add3A_915, %rem3A_906 : i32
      %mul3A_917 = arith.constant 64 : i32
      %mul3A_918 = arith.muli %select_n3A_916, %mul3A_917 : i32
      %add3A_919 = arith.addi %mul3A_900, %mul3A_918 : i32
      %dma_start3A_920 = arith.constant 0 : i32
      %dma_start3A_921 = arith.constant 0 : i32
      %dma_start3A_922 = tpu.memref_slice %arg6[%dma_start3A_921] : memref<1280xi32, #tpu.memory_space<vmem>> -> memref<64xi32, #tpu.memory_space<vmem>>
      %dma_start3A_923 = tpu.memref_slice %arg2[%add3A_898, %dma_start3A_920, %add3A_919] : memref<26x20x16384xi32, #tpu.memory_space<hbm>> -> memref<1x1x64xi32, #tpu.memory_space<hbm>>
      %dma_start3A_924 = tpu.memref_squeeze %dma_start3A_923 : memref<1x1x64xi32, #tpu.memory_space<hbm>> -> memref<64xi32, #tpu.memory_space<hbm>>
      %dma_start3A_925 = arith.constant 0 : i32
      %dma_start3A_926 = tpu.memref_slice %arg6[%dma_start3A_925] : memref<1280xi32, #tpu.memory_space<vmem>> -> memref<64xi32, #tpu.memory_space<vmem>>
      %dma_start3A_927 = tpu.memref_slice %arg2[%add3A_898, %dma_start3A_920, %add3A_919] : memref<26x20x16384xi32, #tpu.memory_space<hbm>> -> memref<1x1x64xi32, #tpu.memory_space<hbm>>
      %dma_start3A_928 = tpu.memref_squeeze %dma_start3A_927 : memref<1x1x64xi32, #tpu.memory_space<hbm>> -> memref<64xi32, #tpu.memory_space<hbm>>
      tpu.enqueue_dma source(%dma_start3A_928 : memref<64xi32, #tpu.memory_space<hbm>>) target(%dma_start3A_926 : memref<64xi32, #tpu.memory_space<vmem>>) target_semaphore(%arg12 : memref<!tpu.dma_semaphore, #tpu.memory_space<semaphore_mem>>)
      %dma_start3A_929 = arith.constant 1 : i32
      %dma_start3A_930 = arith.constant 64 : i32
      %dma_start3A_931 = tpu.memref_slice %arg6[%dma_start3A_930] : memref<1280xi32, #tpu.memory_space<vmem>> -> memref<64xi32, #tpu.memory_space<vmem>>
      %dma_start3A_932 = tpu.memref_slice %arg2[%add3A_898, %dma_start3A_929, %add3A_919] : memref<26x20x16384xi32, #tpu.memory_space<hbm>> -> memref<1x1x64xi32, #tpu.memory_space<hbm>>
      %dma_start3A_933 = tpu.memref_squeeze %dma_start3A_932 : memref<1x1x64xi32, #tpu.memory_space<hbm>> -> memref<64xi32, #tpu.memory_space<hbm>>
      %dma_start3A_934 = arith.constant 64 : i32
      %dma_start3A_935 = tpu.memref_slice %arg6[%dma_start3A_934] : memref<1280xi32, #tpu.memory_space<vmem>> -> memref<64xi32, #tpu.memory_space<vmem>>
      %dma_start3A_936 = tpu.memref_slice %arg2[%add3A_898, %dma_start3A_929, %add3A_919] : memref<26x20x16384xi32, #tpu.memory_space<hbm>> -> memref<1x1x64xi32, #tpu.memory_space<hbm>>
      %dma_start3A_937 = tpu.memref_squeeze %dma_start3A_936 : memref<1x1x64xi32, #tpu.memory_space<hbm>> -> memref<64xi32, #tpu.memory_space<hbm>>
      tpu.enqueue_dma source(%dma_start3A_937 : memref<64xi32, #tpu.memory_space<hbm>>) target(%dma_start3A_935 : memref<64xi32, #tpu.memory_space<vmem>>) target_semaphore(%arg12 : memref<!tpu.dma_semaphore, #tpu.memory_space<semaphore_mem>>)
      %dma_start3A_938 = arith.constant 2 : i32
      %dma_start3A_939 = arith.constant 128 : i32
      %dma_start3A_940 = tpu.memref_slice %arg6[%dma_start3A_939] : memref<1280xi32, #tpu.memory_space<vmem>> -> memref<64xi32, #tpu.memory_space<vmem>>
      %dma_start3A_941 = tpu.memref_slice %arg2[%add3A_898, %dma_start3A_938, %add3A_919] : memref<26x20x16384xi32, #tpu.memory_space<hbm>> -> memref<1x1x64xi32, #tpu.memory_space<hbm>>
      %dma_start3A_942 = tpu.memref_squeeze %dma_start3A_941 : memref<1x1x64xi32, #tpu.memory_space<hbm>> -> memref<64xi32, #tpu.memory_space<hbm>>
      %dma_start3A_943 = arith.constant 128 : i32
      %dma_start3A_944 = tpu.memref_slice %arg6[%dma_start3A_943] : memref<1280xi32, #tpu.memory_space<vmem>> -> memref<64xi32, #tpu.memory_space<vmem>>
      %dma_start3A_945 = tpu.memref_slice %arg2[%add3A_898, %dma_start3A_938, %add3A_919] : memref<26x20x16384xi32, #tpu.memory_space<hbm>> -> memref<1x1x64xi32, #tpu.memory_space<hbm>>
      %dma_start3A_946 = tpu.memref_squeeze %dma_start3A_945 : memref<1x1x64xi32, #tpu.memory_space<hbm>> -> memref<64xi32, #tpu.memory_space<hbm>>
      tpu.enqueue_dma source(%dma_start3A_946 : memref<64xi32, #tpu.memory_space<hbm>>) target(%dma_start3A_944 : memref<64xi32, #tpu.memory_space<vmem>>) target_semaphore(%arg12 : memref<!tpu.dma_semaphore, #tpu.memory_space<semaphore_mem>>)
      %dma_start3A_947 = arith.constant 3 : i32
      %dma_start3A_948 = arith.constant 192 : i32
      %dma_start3A_949 = tpu.memref_slice %arg6[%dma_start3A_948] : memref<1280xi32, #tpu.memory_space<vmem>> -> memref<64xi32, #tpu.memory_space<vmem>>
      %dma_start3A_950 = tpu.memref_slice %arg2[%add3A_898, %dma_start3A_947, %add3A_919] : memref<26x20x16384xi32, #tpu.memory_space<hbm>> -> memref<1x1x64xi32, #tpu.memory_space<hbm>>
      %dma_start3A_951 = tpu.memref_squeeze %dma_start3A_950 : memref<1x1x64xi32, #tpu.memory_space<hbm>> -> memref<64xi32, #tpu.memory_space<hbm>>
      %dma_start3A_952 = arith.constant 192 : i32
      %dma_start3A_953 = tpu.memref_slice %arg6[%dma_start3A_952] : memref<1280xi32, #tpu.memory_space<vmem>> -> memref<64xi32, #tpu.memory_space<vmem>>
      %dma_start3A_954 = tpu.memref_slice %arg2[%add3A_898, %dma_start3A_947, %add3A_919] : memref<26x20x16384xi32, #tpu.memory_space<hbm>> -> memref<1x1x64xi32, #tpu.memory_space<hbm>>
      %dma_start3A_955 = tpu.memref_squeeze %dma_start3A_954 : memref<1x1x64xi32, #tpu.memory_space<hbm>> -> memref<64xi32, #tpu.memory_space<hbm>>
      tpu.enqueue_dma source(%dma_start3A_955 : memref<64xi32, #tpu.memory_space<hbm>>) target(%dma_start3A_953 : memref<64xi32, #tpu.memory_space<vmem>>) target_semaphore(%arg12 : memref<!tpu.dma_semaphore, #tpu.memory_space<semaphore_mem>>)
      %dma_start3A_956 = arith.constant 4 : i32
      %dma_start3A_957 = arith.constant 256 : i32
      %dma_start3A_958 = tpu.memref_slice %arg6[%dma_start3A_957] : memref<1280xi32, #tpu.memory_space<vmem>> -> memref<64xi32, #tpu.memory_space<vmem>>
      %dma_start3A_959 = tpu.memref_slice %arg2[%add3A_898, %dma_start3A_956, %add3A_919] : memref<26x20x16384xi32, #tpu.memory_space<hbm>> -> memref<1x1x64xi32, #tpu.memory_space<hbm>>
      %dma_start3A_960 = tpu.memref_squeeze %dma_start3A_959 : memref<1x1x64xi32, #tpu.memory_space<hbm>> -> memref<64xi32, #tpu.memory_space<hbm>>
      %dma_start3A_961 = arith.constant 256 : i32
      %dma_start3A_962 = tpu.memref_slice %arg6[%dma_start3A_961] : memref<1280xi32, #tpu.memory_space<vmem>> -> memref<64xi32, #tpu.memory_space<vmem>>
      %dma_start3A_963 = tpu.memref_slice %arg2[%add3A_898, %dma_start3A_956, %add3A_919] : memref<26x20x16384xi32, #tpu.memory_space<hbm>> -> memref<1x1x64xi32, #tpu.memory_space<hbm>>
      %dma_start3A_964 = tpu.memref_squeeze %dma_start3A_963 : memref<1x1x64xi32, #tpu.memory_space<hbm>> -> memref<64xi32, #tpu.memory_space<hbm>>
      tpu.enqueue_dma source(%dma_start3A_964 : memref<64xi32, #tpu.memory_space<hbm>>) target(%dma_start3A_962 : memref<64xi32, #tpu.memory_space<vmem>>) target_semaphore(%arg12 : memref<!tpu.dma_semaphore, #tpu.memory_space<semaphore_mem>>)
      %dma_start3A_965 = arith.constant 5 : i32
      %dma_start3A_966 = arith.constant 320 : i32
      %dma_start3A_967 = tpu.memref_slice %arg6[%dma_start3A_966] : memref<1280xi32, #tpu.memory_space<vmem>> -> memref<64xi32, #tpu.memory_space<vmem>>
      %dma_start3A_968 = tpu.memref_slice %arg2[%add3A_898, %dma_start3A_965, %add3A_919] : memref<26x20x16384xi32, #tpu.memory_space<hbm>> -> memref<1x1x64xi32, #tpu.memory_space<hbm>>
      %dma_start3A_969 = tpu.memref_squeeze %dma_start3A_968 : memref<1x1x64xi32, #tpu.memory_space<hbm>> -> memref<64xi32, #tpu.memory_space<hbm>>
      %dma_start3A_970 = arith.constant 320 : i32
      %dma_start3A_971 = tpu.memref_slice %arg6[%dma_start3A_970] : memref<1280xi32, #tpu.memory_space<vmem>> -> memref<64xi32, #tpu.memory_space<vmem>>
      %dma_start3A_972 = tpu.memref_slice %arg2[%add3A_898, %dma_start3A_965, %add3A_919] : memref<26x20x16384xi32, #tpu.memory_space<hbm>> -> memref<1x1x64xi32, #tpu.memory_space<hbm>>
      %dma_start3A_973 = tpu.memref_squeeze %dma_start3A_972 : memref<1x1x64xi32, #tpu.memory_space<hbm>> -> memref<64xi32, #tpu.memory_space<hbm>>
      tpu.enqueue_dma source(%dma_start3A_973 : memref<64xi32, #tpu.memory_space<hbm>>) target(%dma_start3A_971 : memref<64xi32, #tpu.memory_space<vmem>>) target_semaphore(%arg12 : memref<!tpu.dma_semaphore, #tpu.memory_space<semaphore_mem>>)
      %dma_start3A_974 = arith.constant 6 : i32
      %dma_start3A_975 = arith.constant 384 : i32
      %dma_start3A_976 = tpu.memref_slice %arg6[%dma_start3A_975] : memref<1280xi32, #tpu.memory_space<vmem>> -> memref<64xi32, #tpu.memory_space<vmem>>
      %dma_start3A_977 = tpu.memref_slice %arg2[%add3A_898, %dma_start3A_974, %add3A_919] : memref<26x20x16384xi32, #tpu.memory_space<hbm>> -> memref<1x1x64xi32, #tpu.memory_space<hbm>>
      %dma_start3A_978 = tpu.memref_squeeze %dma_start3A_977 : memref<1x1x64xi32, #tpu.memory_space<hbm>> -> memref<64xi32, #tpu.memory_space<hbm>>
      %dma_start3A_979 = arith.constant 384 : i32
      %dma_start3A_980 = tpu.memref_slice %arg6[%dma_start3A_979] : memref<1280xi32, #tpu.memory_space<vmem>> -> memref<64xi32, #tpu.memory_space<vmem>>
      %dma_start3A_981 = tpu.memref_slice %arg2[%add3A_898, %dma_start3A_974, %add3A_919] : memref<26x20x16384xi32, #tpu.memory_space<hbm>> -> memref<1x1x64xi32, #tpu.memory_space<hbm>>
      %dma_start3A_982 = tpu.memref_squeeze %dma_start3A_981 : memref<1x1x64xi32, #tpu.memory_space<hbm>> -> memref<64xi32, #tpu.memory_space<hbm>>
      tpu.enqueue_dma source(%dma_start3A_982 : memref<64xi32, #tpu.memory_space<hbm>>) target(%dma_start3A_980 : memref<64xi32, #tpu.memory_space<vmem>>) target_semaphore(%arg12 : memref<!tpu.dma_semaphore, #tpu.memory_space<semaphore_mem>>)
      %dma_start3A_983 = arith.constant 7 : i32
      %dma_start3A_984 = arith.constant 448 : i32
      %dma_start3A_985 = tpu.memref_slice %arg6[%dma_start3A_984] : memref<1280xi32, #tpu.memory_space<vmem>> -> memref<64xi32, #tpu.memory_space<vmem>>
      %dma_start3A_986 = tpu.memref_slice %arg2[%add3A_898, %dma_start3A_983, %add3A_919] : memref<26x20x16384xi32, #tpu.memory_space<hbm>> -> memref<1x1x64xi32, #tpu.memory_space<hbm>>
      %dma_start3A_987 = tpu.memref_squeeze %dma_start3A_986 : memref<1x1x64xi32, #tpu.memory_space<hbm>> -> memref<64xi32, #tpu.memory_space<hbm>>
      %dma_start3A_988 = arith.constant 448 : i32
      %dma_start3A_989 = tpu.memref_slice %arg6[%dma_start3A_988] : memref<1280xi32, #tpu.memory_space<vmem>> -> memref<64xi32, #tpu.memory_space<vmem>>
      %dma_start3A_990 = tpu.memref_slice %arg2[%add3A_898, %dma_start3A_983, %add3A_919] : memref<26x20x16384xi32, #tpu.memory_space<hbm>> -> memref<1x1x64xi32, #tpu.memory_space<hbm>>
      %dma_start3A_991 = tpu.memref_squeeze %dma_start3A_990 : memref<1x1x64xi32, #tpu.memory_space<hbm>> -> memref<64xi32, #tpu.memory_space<hbm>>
      tpu.enqueue_dma source(%dma_start3A_991 : memref<64xi32, #tpu.memory_space<hbm>>) target(%dma_start3A_989 : memref<64xi32, #tpu.memory_space<vmem>>) target_semaphore(%arg12 : memref<!tpu.dma_semaphore, #tpu.memory_space<semaphore_mem>>)
      %dma_start3A_992 = arith.constant 8 : i32
      %dma_start3A_993 = arith.constant 512 : i32
      %dma_start3A_994 = tpu.memref_slice %arg6[%dma_start3A_993] : memref<1280xi32, #tpu.memory_space<vmem>> -> memref<64xi32, #tpu.memory_space<vmem>>
      %dma_start3A_995 = tpu.memref_slice %arg2[%add3A_898, %dma_start3A_992, %add3A_919] : memref<26x20x16384xi32, #tpu.memory_space<hbm>> -> memref<1x1x64xi32, #tpu.memory_space<hbm>>
      %dma_start3A_996 = tpu.memref_squeeze %dma_start3A_995 : memref<1x1x64xi32, #tpu.memory_space<hbm>> -> memref<64xi32, #tpu.memory_space<hbm>>
      %dma_start3A_997 = arith.constant 512 : i32
      %dma_start3A_998 = tpu.memref_slice %arg6[%dma_start3A_997] : memref<1280xi32, #tpu.memory_space<vmem>> -> memref<64xi32, #tpu.memory_space<vmem>>
      %dma_start3A_999 = tpu.memref_slice %arg2[%add3A_898, %dma_start3A_992, %add3A_919] : memref<26x20x16384xi32, #tpu.memory_space<hbm>> -> memref<1x1x64xi32, #tpu.memory_space<hbm>>
      %dma_start3A_1000 = tpu.memref_squeeze %dma_start3A_999 : memref<1x1x64xi32, #tpu.memory_space<hbm>> -> memref<64xi32, #tpu.memory_space<hbm>>
      tpu.enqueue_dma source(%dma_start3A_1000 : memref<64xi32, #tpu.memory_space<hbm>>) target(%dma_start3A_998 : memref<64xi32, #tpu.memory_space<vmem>>) target_semaphore(%arg12 : memref<!tpu.dma_semaphore, #tpu.memory_space<semaphore_mem>>)
      %dma_start3A_1001 = arith.constant 9 : i32
      %dma_start3A_1002 = arith.constant 576 : i32
      %dma_start3A_1003 = tpu.memref_slice %arg6[%dma_start3A_1002] : memref<1280xi32, #tpu.memory_space<vmem>> -> memref<64xi32, #tpu.memory_space<vmem>>
      %dma_start3A_1004 = tpu.memref_slice %arg2[%add3A_898, %dma_start3A_1001, %add3A_919] : memref<26x20x16384xi32, #tpu.memory_space<hbm>> -> memref<1x1x64xi32, #tpu.memory_space<hbm>>
      %dma_start3A_1005 = tpu.memref_squeeze %dma_start3A_1004 : memref<1x1x64xi32, #tpu.memory_space<hbm>> -> memref<64xi32, #tpu.memory_space<hbm>>
      %dma_start3A_1006 = arith.constant 576 : i32
      %dma_start3A_1007 = tpu.memref_slice %arg6[%dma_start3A_1006] : memref<1280xi32, #tpu.memory_space<vmem>> -> memref<64xi32, #tpu.memory_space<vmem>>
      %dma_start3A_1008 = tpu.memref_slice %arg2[%add3A_898, %dma_start3A_1001, %add3A_919] : memref<26x20x16384xi32, #tpu.memory_space<hbm>> -> memref<1x1x64xi32, #tpu.memory_space<hbm>>
      %dma_start3A_1009 = tpu.memref_squeeze %dma_start3A_1008 : memref<1x1x64xi32, #tpu.memory_space<hbm>> -> memref<64xi32, #tpu.memory_space<hbm>>
      tpu.enqueue_dma source(%dma_start3A_1009 : memref<64xi32, #tpu.memory_space<hbm>>) target(%dma_start3A_1007 : memref<64xi32, #tpu.memory_space<vmem>>) target_semaphore(%arg12 : memref<!tpu.dma_semaphore, #tpu.memory_space<semaphore_mem>>)
      %dma_start3A_1010 = arith.constant 10 : i32
      %dma_start3A_1011 = arith.constant 640 : i32
      %dma_start3A_1012 = tpu.memref_slice %arg6[%dma_start3A_1011] : memref<1280xi32, #tpu.memory_space<vmem>> -> memref<64xi32, #tpu.memory_space<vmem>>
      %dma_start3A_1013 = tpu.memref_slice %arg2[%add3A_898, %dma_start3A_1010, %add3A_919] : memref<26x20x16384xi32, #tpu.memory_space<hbm>> -> memref<1x1x64xi32, #tpu.memory_space<hbm>>
      %dma_start3A_1014 = tpu.memref_squeeze %dma_start3A_1013 : memref<1x1x64xi32, #tpu.memory_space<hbm>> -> memref<64xi32, #tpu.memory_space<hbm>>
      %dma_start3A_1015 = arith.constant 640 : i32
      %dma_start3A_1016 = tpu.memref_slice %arg6[%dma_start3A_1015] : memref<1280xi32, #tpu.memory_space<vmem>> -> memref<64xi32, #tpu.memory_space<vmem>>
      %dma_start3A_1017 = tpu.memref_slice %arg2[%add3A_898, %dma_start3A_1010, %add3A_919] : memref<26x20x16384xi32, #tpu.memory_space<hbm>> -> memref<1x1x64xi32, #tpu.memory_space<hbm>>
      %dma_start3A_1018 = tpu.memref_squeeze %dma_start3A_1017 : memref<1x1x64xi32, #tpu.memory_space<hbm>> -> memref<64xi32, #tpu.memory_space<hbm>>
      tpu.enqueue_dma source(%dma_start3A_1018 : memref<64xi32, #tpu.memory_space<hbm>>) target(%dma_start3A_1016 : memref<64xi32, #tpu.memory_space<vmem>>) target_semaphore(%arg12 : memref<!tpu.dma_semaphore, #tpu.memory_space<semaphore_mem>>)
      %dma_start3A_1019 = arith.constant 11 : i32
      %dma_start3A_1020 = arith.constant 704 : i32
      %dma_start3A_1021 = tpu.memref_slice %arg6[%dma_start3A_1020] : memref<1280xi32, #tpu.memory_space<vmem>> -> memref<64xi32, #tpu.memory_space<vmem>>
      %dma_start3A_1022 = tpu.memref_slice %arg2[%add3A_898, %dma_start3A_1019, %add3A_919] : memref<26x20x16384xi32, #tpu.memory_space<hbm>> -> memref<1x1x64xi32, #tpu.memory_space<hbm>>
      %dma_start3A_1023 = tpu.memref_squeeze %dma_start3A_1022 : memref<1x1x64xi32, #tpu.memory_space<hbm>> -> memref<64xi32, #tpu.memory_space<hbm>>
      %dma_start3A_1024 = arith.constant 704 : i32
      %dma_start3A_1025 = tpu.memref_slice %arg6[%dma_start3A_1024] : memref<1280xi32, #tpu.memory_space<vmem>> -> memref<64xi32, #tpu.memory_space<vmem>>
      %dma_start3A_1026 = tpu.memref_slice %arg2[%add3A_898, %dma_start3A_1019, %add3A_919] : memref<26x20x16384xi32, #tpu.memory_space<hbm>> -> memref<1x1x64xi32, #tpu.memory_space<hbm>>
      %dma_start3A_1027 = tpu.memref_squeeze %dma_start3A_1026 : memref<1x1x64xi32, #tpu.memory_space<hbm>> -> memref<64xi32, #tpu.memory_space<hbm>>
      tpu.enqueue_dma source(%dma_start3A_1027 : memref<64xi32, #tpu.memory_space<hbm>>) target(%dma_start3A_1025 : memref<64xi32, #tpu.memory_space<vmem>>) target_semaphore(%arg12 : memref<!tpu.dma_semaphore, #tpu.memory_space<semaphore_mem>>)
      %dma_start3A_1028 = arith.constant 12 : i32
      %dma_start3A_1029 = arith.constant 768 : i32
      %dma_start3A_1030 = tpu.memref_slice %arg6[%dma_start3A_1029] : memref<1280xi32, #tpu.memory_space<vmem>> -> memref<64xi32, #tpu.memory_space<vmem>>
      %dma_start3A_1031 = tpu.memref_slice %arg2[%add3A_898, %dma_start3A_1028, %add3A_919] : memref<26x20x16384xi32, #tpu.memory_space<hbm>> -> memref<1x1x64xi32, #tpu.memory_space<hbm>>
      %dma_start3A_1032 = tpu.memref_squeeze %dma_start3A_1031 : memref<1x1x64xi32, #tpu.memory_space<hbm>> -> memref<64xi32, #tpu.memory_space<hbm>>
      %dma_start3A_1033 = arith.constant 768 : i32
      %dma_start3A_1034 = tpu.memref_slice %arg6[%dma_start3A_1033] : memref<1280xi32, #tpu.memory_space<vmem>> -> memref<64xi32, #tpu.memory_space<vmem>>
      %dma_start3A_1035 = tpu.memref_slice %arg2[%add3A_898, %dma_start3A_1028, %add3A_919] : memref<26x20x16384xi32, #tpu.memory_space<hbm>> -> memref<1x1x64xi32, #tpu.memory_space<hbm>>
      %dma_start3A_1036 = tpu.memref_squeeze %dma_start3A_1035 : memref<1x1x64xi32, #tpu.memory_space<hbm>> -> memref<64xi32, #tpu.memory_space<hbm>>
      tpu.enqueue_dma source(%dma_start3A_1036 : memref<64xi32, #tpu.memory_space<hbm>>) target(%dma_start3A_1034 : memref<64xi32, #tpu.memory_space<vmem>>) target_semaphore(%arg12 : memref<!tpu.dma_semaphore, #tpu.memory_space<semaphore_mem>>)
      %dma_start3A_1037 = arith.constant 13 : i32
      %dma_start3A_1038 = arith.constant 832 : i32
      %dma_start3A_1039 = tpu.memref_slice %arg6[%dma_start3A_1038] : memref<1280xi32, #tpu.memory_space<vmem>> -> memref<64xi32, #tpu.memory_space<vmem>>
      %dma_start3A_1040 = tpu.memref_slice %arg2[%add3A_898, %dma_start3A_1037, %add3A_919] : memref<26x20x16384xi32, #tpu.memory_space<hbm>> -> memref<1x1x64xi32, #tpu.memory_space<hbm>>
      %dma_start3A_1041 = tpu.memref_squeeze %dma_start3A_1040 : memref<1x1x64xi32, #tpu.memory_space<hbm>> -> memref<64xi32, #tpu.memory_space<hbm>>
      %dma_start3A_1042 = arith.constant 832 : i32
      %dma_start3A_1043 = tpu.memref_slice %arg6[%dma_start3A_1042] : memref<1280xi32, #tpu.memory_space<vmem>> -> memref<64xi32, #tpu.memory_space<vmem>>
      %dma_start3A_1044 = tpu.memref_slice %arg2[%add3A_898, %dma_start3A_1037, %add3A_919] : memref<26x20x16384xi32, #tpu.memory_space<hbm>> -> memref<1x1x64xi32, #tpu.memory_space<hbm>>
      %dma_start3A_1045 = tpu.memref_squeeze %dma_start3A_1044 : memref<1x1x64xi32, #tpu.memory_space<hbm>> -> memref<64xi32, #tpu.memory_space<hbm>>
      tpu.enqueue_dma source(%dma_start3A_1045 : memref<64xi32, #tpu.memory_space<hbm>>) target(%dma_start3A_1043 : memref<64xi32, #tpu.memory_space<vmem>>) target_semaphore(%arg12 : memref<!tpu.dma_semaphore, #tpu.memory_space<semaphore_mem>>)
      %dma_start3A_1046 = arith.constant 14 : i32
      %dma_start3A_1047 = arith.constant 896 : i32
      %dma_start3A_1048 = tpu.memref_slice %arg6[%dma_start3A_1047] : memref<1280xi32, #tpu.memory_space<vmem>> -> memref<64xi32, #tpu.memory_space<vmem>>
      %dma_start3A_1049 = tpu.memref_slice %arg2[%add3A_898, %dma_start3A_1046, %add3A_919] : memref<26x20x16384xi32, #tpu.memory_space<hbm>> -> memref<1x1x64xi32, #tpu.memory_space<hbm>>
      %dma_start3A_1050 = tpu.memref_squeeze %dma_start3A_1049 : memref<1x1x64xi32, #tpu.memory_space<hbm>> -> memref<64xi32, #tpu.memory_space<hbm>>
      %dma_start3A_1051 = arith.constant 896 : i32
      %dma_start3A_1052 = tpu.memref_slice %arg6[%dma_start3A_1051] : memref<1280xi32, #tpu.memory_space<vmem>> -> memref<64xi32, #tpu.memory_space<vmem>>
      %dma_start3A_1053 = tpu.memref_slice %arg2[%add3A_898, %dma_start3A_1046, %add3A_919] : memref<26x20x16384xi32, #tpu.memory_space<hbm>> -> memref<1x1x64xi32, #tpu.memory_space<hbm>>
      %dma_start3A_1054 = tpu.memref_squeeze %dma_start3A_1053 : memref<1x1x64xi32, #tpu.memory_space<hbm>> -> memref<64xi32, #tpu.memory_space<hbm>>
      tpu.enqueue_dma source(%dma_start3A_1054 : memref<64xi32, #tpu.memory_space<hbm>>) target(%dma_start3A_1052 : memref<64xi32, #tpu.memory_space<vmem>>) target_semaphore(%arg12 : memref<!tpu.dma_semaphore, #tpu.memory_space<semaphore_mem>>)
      %dma_start3A_1055 = arith.constant 15 : i32
      %dma_start3A_1056 = arith.constant 960 : i32
      %dma_start3A_1057 = tpu.memref_slice %arg6[%dma_start3A_1056] : memref<1280xi32, #tpu.memory_space<vmem>> -> memref<64xi32, #tpu.memory_space<vmem>>
      %dma_start3A_1058 = tpu.memref_slice %arg2[%add3A_898, %dma_start3A_1055, %add3A_919] : memref<26x20x16384xi32, #tpu.memory_space<hbm>> -> memref<1x1x64xi32, #tpu.memory_space<hbm>>
      %dma_start3A_1059 = tpu.memref_squeeze %dma_start3A_1058 : memref<1x1x64xi32, #tpu.memory_space<hbm>> -> memref<64xi32, #tpu.memory_space<hbm>>
      %dma_start3A_1060 = arith.constant 960 : i32
      %dma_start3A_1061 = tpu.memref_slice %arg6[%dma_start3A_1060] : memref<1280xi32, #tpu.memory_space<vmem>> -> memref<64xi32, #tpu.memory_space<vmem>>
      %dma_start3A_1062 = tpu.memref_slice %arg2[%add3A_898, %dma_start3A_1055, %add3A_919] : memref<26x20x16384xi32, #tpu.memory_space<hbm>> -> memref<1x1x64xi32, #tpu.memory_space<hbm>>
      %dma_start3A_1063 = tpu.memref_squeeze %dma_start3A_1062 : memref<1x1x64xi32, #tpu.memory_space<hbm>> -> memref<64xi32, #tpu.memory_space<hbm>>
      tpu.enqueue_dma source(%dma_start3A_1063 : memref<64xi32, #tpu.memory_space<hbm>>) target(%dma_start3A_1061 : memref<64xi32, #tpu.memory_space<vmem>>) target_semaphore(%arg12 : memref<!tpu.dma_semaphore, #tpu.memory_space<semaphore_mem>>)
      %dma_start3A_1064 = arith.constant 16 : i32
      %dma_start3A_1065 = arith.constant 1024 : i32
      %dma_start3A_1066 = tpu.memref_slice %arg6[%dma_start3A_1065] : memref<1280xi32, #tpu.memory_space<vmem>> -> memref<64xi32, #tpu.memory_space<vmem>>
      %dma_start3A_1067 = tpu.memref_slice %arg2[%add3A_898, %dma_start3A_1064, %add3A_919] : memref<26x20x16384xi32, #tpu.memory_space<hbm>> -> memref<1x1x64xi32, #tpu.memory_space<hbm>>
      %dma_start3A_1068 = tpu.memref_squeeze %dma_start3A_1067 : memref<1x1x64xi32, #tpu.memory_space<hbm>> -> memref<64xi32, #tpu.memory_space<hbm>>
      %dma_start3A_1069 = arith.constant 1024 : i32
      %dma_start3A_1070 = tpu.memref_slice %arg6[%dma_start3A_1069] : memref<1280xi32, #tpu.memory_space<vmem>> -> memref<64xi32, #tpu.memory_space<vmem>>
      %dma_start3A_1071 = tpu.memref_slice %arg2[%add3A_898, %dma_start3A_1064, %add3A_919] : memref<26x20x16384xi32, #tpu.memory_space<hbm>> -> memref<1x1x64xi32, #tpu.memory_space<hbm>>
      %dma_start3A_1072 = tpu.memref_squeeze %dma_start3A_1071 : memref<1x1x64xi32, #tpu.memory_space<hbm>> -> memref<64xi32, #tpu.memory_space<hbm>>
      tpu.enqueue_dma source(%dma_start3A_1072 : memref<64xi32, #tpu.memory_space<hbm>>) target(%dma_start3A_1070 : memref<64xi32, #tpu.memory_space<vmem>>) target_semaphore(%arg12 : memref<!tpu.dma_semaphore, #tpu.memory_space<semaphore_mem>>)
      %dma_start3A_1073 = arith.constant 17 : i32
      %dma_start3A_1074 = arith.constant 1088 : i32
      %dma_start3A_1075 = tpu.memref_slice %arg6[%dma_start3A_1074] : memref<1280xi32, #tpu.memory_space<vmem>> -> memref<64xi32, #tpu.memory_space<vmem>>
      %dma_start3A_1076 = tpu.memref_slice %arg2[%add3A_898, %dma_start3A_1073, %add3A_919] : memref<26x20x16384xi32, #tpu.memory_space<hbm>> -> memref<1x1x64xi32, #tpu.memory_space<hbm>>
      %dma_start3A_1077 = tpu.memref_squeeze %dma_start3A_1076 : memref<1x1x64xi32, #tpu.memory_space<hbm>> -> memref<64xi32, #tpu.memory_space<hbm>>
      %dma_start3A_1078 = arith.constant 1088 : i32
      %dma_start3A_1079 = tpu.memref_slice %arg6[%dma_start3A_1078] : memref<1280xi32, #tpu.memory_space<vmem>> -> memref<64xi32, #tpu.memory_space<vmem>>
      %dma_start3A_1080 = tpu.memref_slice %arg2[%add3A_898, %dma_start3A_1073, %add3A_919] : memref<26x20x16384xi32, #tpu.memory_space<hbm>> -> memref<1x1x64xi32, #tpu.memory_space<hbm>>
      %dma_start3A_1081 = tpu.memref_squeeze %dma_start3A_1080 : memref<1x1x64xi32, #tpu.memory_space<hbm>> -> memref<64xi32, #tpu.memory_space<hbm>>
      tpu.enqueue_dma source(%dma_start3A_1081 : memref<64xi32, #tpu.memory_space<hbm>>) target(%dma_start3A_1079 : memref<64xi32, #tpu.memory_space<vmem>>) target_semaphore(%arg12 : memref<!tpu.dma_semaphore, #tpu.memory_space<semaphore_mem>>)
      %dma_start3A_1082 = arith.constant 18 : i32
      %dma_start3A_1083 = arith.constant 1152 : i32
      %dma_start3A_1084 = tpu.memref_slice %arg6[%dma_start3A_1083] : memref<1280xi32, #tpu.memory_space<vmem>> -> memref<64xi32, #tpu.memory_space<vmem>>
      %dma_start3A_1085 = tpu.memref_slice %arg2[%add3A_898, %dma_start3A_1082, %add3A_919] : memref<26x20x16384xi32, #tpu.memory_space<hbm>> -> memref<1x1x64xi32, #tpu.memory_space<hbm>>
      %dma_start3A_1086 = tpu.memref_squeeze %dma_start3A_1085 : memref<1x1x64xi32, #tpu.memory_space<hbm>> -> memref<64xi32, #tpu.memory_space<hbm>>
      %dma_start3A_1087 = arith.constant 1152 : i32
      %dma_start3A_1088 = tpu.memref_slice %arg6[%dma_start3A_1087] : memref<1280xi32, #tpu.memory_space<vmem>> -> memref<64xi32, #tpu.memory_space<vmem>>
      %dma_start3A_1089 = tpu.memref_slice %arg2[%add3A_898, %dma_start3A_1082, %add3A_919] : memref<26x20x16384xi32, #tpu.memory_space<hbm>> -> memref<1x1x64xi32, #tpu.memory_space<hbm>>
      %dma_start3A_1090 = tpu.memref_squeeze %dma_start3A_1089 : memref<1x1x64xi32, #tpu.memory_space<hbm>> -> memref<64xi32, #tpu.memory_space<hbm>>
      tpu.enqueue_dma source(%dma_start3A_1090 : memref<64xi32, #tpu.memory_space<hbm>>) target(%dma_start3A_1088 : memref<64xi32, #tpu.memory_space<vmem>>) target_semaphore(%arg12 : memref<!tpu.dma_semaphore, #tpu.memory_space<semaphore_mem>>)
      %dma_start3A_1091 = arith.constant 19 : i32
      %dma_start3A_1092 = arith.constant 1216 : i32
      %dma_start3A_1093 = tpu.memref_slice %arg6[%dma_start3A_1092] : memref<1280xi32, #tpu.memory_space<vmem>> -> memref<64xi32, #tpu.memory_space<vmem>>
      %dma_start3A_1094 = tpu.memref_slice %arg2[%add3A_898, %dma_start3A_1091, %add3A_919] : memref<26x20x16384xi32, #tpu.memory_space<hbm>> -> memref<1x1x64xi32, #tpu.memory_space<hbm>>
      %dma_start3A_1095 = tpu.memref_squeeze %dma_start3A_1094 : memref<1x1x64xi32, #tpu.memory_space<hbm>> -> memref<64xi32, #tpu.memory_space<hbm>>
      %dma_start3A_1096 = arith.constant 1216 : i32
      %dma_start3A_1097 = tpu.memref_slice %arg6[%dma_start3A_1096] : memref<1280xi32, #tpu.memory_space<vmem>> -> memref<64xi32, #tpu.memory_space<vmem>>
      %dma_start3A_1098 = tpu.memref_slice %arg2[%add3A_898, %dma_start3A_1091, %add3A_919] : memref<26x20x16384xi32, #tpu.memory_space<hbm>> -> memref<1x1x64xi32, #tpu.memory_space<hbm>>
      %dma_start3A_1099 = tpu.memref_squeeze %dma_start3A_1098 : memref<1x1x64xi32, #tpu.memory_space<hbm>> -> memref<64xi32, #tpu.memory_space<hbm>>
      tpu.enqueue_dma source(%dma_start3A_1099 : memref<64xi32, #tpu.memory_space<hbm>>) target(%dma_start3A_1097 : memref<64xi32, #tpu.memory_space<vmem>>) target_semaphore(%arg12 : memref<!tpu.dma_semaphore, #tpu.memory_space<semaphore_mem>>)
      %dma_wait3A_1100 = arith.constant 0 : i32
      %dma_wait3A_1101 = arith.constant 0 : i32
      %dma_wait3A_1102 = arith.constant 0 : i32
      %dma_wait3A_1103 = tpu.memref_slice %arg2[%dma_wait3A_1100, %dma_wait3A_1101, %dma_wait3A_1102] : memref<26x20x16384xi32, #tpu.memory_space<hbm>> -> memref<1x1x1280xi32, #tpu.memory_space<hbm>>
      %dma_wait3A_1104 = tpu.memref_squeeze %dma_wait3A_1103 : memref<1x1x1280xi32, #tpu.memory_space<hbm>> -> memref<1280xi32, #tpu.memory_space<hbm>>
      %dma_wait3A_1105 = arith.constant 0 : i32
      %dma_wait3A_1106 = tpu.memref_slice %arg2[%dma_wait3A_1100, %dma_wait3A_1101, %dma_wait3A_1105] : memref<26x20x16384xi32, #tpu.memory_space<hbm>> -> memref<1x1x1280xi32, #tpu.memory_space<hbm>>
      %dma_wait3A_1107 = tpu.memref_squeeze %dma_wait3A_1106 : memref<1x1x1280xi32, #tpu.memory_space<hbm>> -> memref<1280xi32, #tpu.memory_space<hbm>>
      tpu.wait_dma2 semaphore(%arg11 : memref<!tpu.dma_semaphore, #tpu.memory_space<semaphore_mem>>) src(%dma_wait3A_1107 : memref<1280xi32, #tpu.memory_space<hbm>>) dst(%arg5 : memref<1280xi32, #tpu.memory_space<vmem>>)
      %add3A_1108 = arith.constant 2 : i32
      %add3A_1109 = arith.addi %mul3A_509, %add3A_1108 : i32
      %jit3A_1110 = arith.constant 16 : i32
      %div3A_1111 = arith.divsi %add3A_1109, %jit3A_1110 : i32
      %sign3A_1112 = arith.constant 0 : i32
      %sign3A_1113 = arith.cmpi sgt, %add3A_1109, %sign3A_1112 : i32
      %sign3A_1114 = arith.extui %sign3A_1113 : i1 to i32
      %sign3A_1115 = arith.constant 0 : i32
      %sign3A_1116 = arith.cmpi slt, %add3A_1109, %sign3A_1115 : i32
      %sign3A_1117 = arith.extui %sign3A_1116 : i1 to i32
      %sign3A_1118 = arith.subi %sign3A_1114, %sign3A_1117 : i32
      %sign3A_1119 = arith.constant 0 : i32
      %sign3A_1120 = arith.cmpi sgt, %jit3A_1110, %sign3A_1119 : i32
      %sign3A_1121 = arith.extui %sign3A_1120 : i1 to i32
      %sign3A_1122 = arith.constant 0 : i32
      %sign3A_1123 = arith.cmpi slt, %jit3A_1110, %sign3A_1122 : i32
      %sign3A_1124 = arith.extui %sign3A_1123 : i1 to i32
      %sign3A_1125 = arith.subi %sign3A_1121, %sign3A_1124 : i32
      %ne3A_1126 = arith.cmpi ne, %sign3A_1118, %sign3A_1125 : i32
      %rem3A_1127 = arith.remsi %add3A_1109, %jit3A_1110 : i32
      %ne3A_1128 = arith.constant 0 : i32
      %ne3A_1129 = arith.cmpi ne, %rem3A_1127, %ne3A_1128 : i32
      %and3A_1130 = arith.andi %ne3A_1126, %ne3A_1129 : i1
      %sub3A_1131 = arith.constant 1 : i32
      %sub3A_1132 = arith.subi %div3A_1111, %sub3A_1131 : i32
      %select_n3A_1133 = arith.select %and3A_1130, %sub3A_1132, %div3A_1111 : i32
      %add3A_1134 = arith.addi %mul3A_0, %select_n3A_1133 : i32
      %mul3A_1135 = arith.constant 1024 : i32
      %mul3A_1136 = arith.muli %arg1, %mul3A_1135 : i32
      %jit3A_1137 = arith.constant 16 : i32
      %eq3A_1138 = arith.constant 0 : i32
      %eq3A_1139 = arith.cmpi eq, %jit3A_1137, %eq3A_1138 : i32
      %jit3A_1140 = arith.constant 1 : i32
      %select_n3A_1141 = arith.select %eq3A_1139, %jit3A_1140, %jit3A_1137 : i32
      %rem3A_1142 = arith.remsi %add3A_1109, %select_n3A_1141 : i32
      %ne3A_1143 = arith.constant 0 : i32
      %ne3A_1144 = arith.cmpi ne, %rem3A_1142, %ne3A_1143 : i32
      %lt3A_1145 = arith.constant 0 : i32
      %lt3A_1146 = arith.cmpi slt, %rem3A_1142, %lt3A_1145 : i32
      %lt3A_1147 = arith.constant 0 : i32
      %lt3A_1148 = arith.cmpi slt, %select_n3A_1141, %lt3A_1147 : i32
      %ne3A_1149 = arith.xori %lt3A_1146, %lt3A_1148 : i1
      %and3A_1150 = arith.andi %ne3A_1149, %ne3A_1144 : i1
      %add3A_1151 = arith.addi %rem3A_1142, %select_n3A_1141 : i32
      %select_n3A_1152 = arith.select %and3A_1150, %add3A_1151, %rem3A_1142 : i32
      %mul3A_1153 = arith.constant 64 : i32
      %mul3A_1154 = arith.muli %select_n3A_1152, %mul3A_1153 : i32
      %add3A_1155 = arith.addi %mul3A_1136, %mul3A_1154 : i32
      %dma_start3A_1156 = arith.constant 0 : i32
      %dma_start3A_1157 = arith.constant 0 : i32
      %dma_start3A_1158 = tpu.memref_slice %arg3[%add3A_1134, %dma_start3A_1156, %dma_start3A_1157] : memref<26x100000x32xf32, #tpu.memory_space<hbm>> -> memref<1x100000x32xf32, #tpu.memory_space<hbm>>
      %dma_start3A_1159 = tpu.memref_squeeze %dma_start3A_1158 : memref<1x100000x32xf32, #tpu.memory_space<hbm>> -> memref<100000x32xf32, #tpu.memory_space<hbm>>
      %dma_start3A_1160 = arith.constant 0 : i32
      %dma_start3A_1161 = arith.constant 0 : i32
      %dma_start3A_1162 = tpu.memref_slice %dma_start3A_1159[%dma_start3A_1160, %dma_start3A_1161] : memref<100000x32xf32, #tpu.memory_space<hbm>> -> memref<100000x32xf32, #tpu.memory_space<hbm>>
      tpu.enqueue_indirect_dma source(%dma_start3A_1162 : memref<100000x32xf32, #tpu.memory_space<hbm>>) target(%arg7 : memref<1280x32xf32, #tpu.memory_space<vmem>>) offsets(%arg5 : memref<1280xi32, #tpu.memory_space<vmem>>) semaphore(%arg13 : memref<!tpu.dma_semaphore, #tpu.memory_space<semaphore_mem>>)
      %dma_wait3A_1163 = arith.constant 0 : i32
      %dma_wait3A_1164 = arith.constant 0 : i32
      %dma_wait3A_1165 = tpu.memref_slice %arg4[%dma_wait3A_1163, %dma_wait3A_1164] : memref<16384x832xf32, #tpu.memory_space<hbm>> -> memref<64x32xf32, #tpu.memory_space<hbm>>
      %dma_wait3A_1166 = arith.constant 0 : i32
      %dma_wait3A_1167 = arith.constant 0 : i32
      %dma_wait3A_1168 = tpu.memref_slice %arg4[%dma_wait3A_1166, %dma_wait3A_1167] : memref<16384x832xf32, #tpu.memory_space<hbm>> -> memref<64x32xf32, #tpu.memory_space<hbm>>
      tpu.wait_dma2 semaphore(%arg16 : memref<!tpu.dma_semaphore, #tpu.memory_space<semaphore_mem>>) src(%dma_wait3A_1168 : memref<64x32xf32, #tpu.memory_space<hbm>>) dst(%arg10 : memref<64x32xf32, #tpu.memory_space<vmem>>)
      %add3A_1169 = arith.constant 1 : i32
      %add3A_1170 = arith.addi %mul3A_509, %add3A_1169 : i32
      %scan3A_1171 = arith.constant 0 : i32
      %scan3A_1172 = arith.constant 0 : i32
      %scan3A_1173 = arith.constant 64 : i32
      %scan3A_1174 = arith.addi %scan3A_1172, %scan3A_1173 : i32
      %scan3A_1175 = arith.constant 1 : i32
      %scan3A_1176 = scf.for %scan3A_1229 = %scan3A_1172 to %scan3A_1174 step %scan3A_1175 iter_args(%scan3A_1230 = %scan3A_1171) -> (i32)  : i32 {
        %get3A = arith.index_cast %scan3A_1229 : i32 to index
        %get3A_1231 = arith.constant 0 : index
        %get3A_1232 = tpu.vector_load %arg8[%get3A, %get3A_1231] {strides = array<i32>} : memref<1280x32xf32, #tpu.memory_space<vmem>>, vector<16xf32>,
        %get3A_1233 = arith.index_cast %scan3A_1229 : i32 to index
        %get3A_1234 = arith.constant 16 : index
        %get3A_1235 = tpu.vector_load %arg8[%get3A_1233, %get3A_1234] {strides = array<i32>} : memref<1280x32xf32, #tpu.memory_space<vmem>>, vector<16xf32>,
        %add3A_1236 = arith.constant 64 : i32
        %add3A_1237 = arith.addi %add3A_1236, %scan3A_1229 : i32
        %get3A_1238 = arith.index_cast %add3A_1237 : i32 to index
        %get3A_1239 = arith.constant 0 : index
        %get3A_1240 = tpu.vector_load %arg8[%get3A_1238, %get3A_1239] {strides = array<i32>} : memref<1280x32xf32, #tpu.memory_space<vmem>>, vector<16xf32>,
        %add3A_1241 = arith.addf %get3A_1232, %get3A_1240 : vector<16xf32>
        %add3A_1242 = arith.constant 64 : i32
        %add3A_1243 = arith.addi %add3A_1242, %scan3A_1229 : i32
        %get3A_1244 = arith.index_cast %add3A_1243 : i32 to index
        %get3A_1245 = arith.constant 16 : index
        %get3A_1246 = tpu.vector_load %arg8[%get3A_1244, %get3A_1245] {strides = array<i32>} : memref<1280x32xf32, #tpu.memory_space<vmem>>, vector<16xf32>,
        %add3A_1247 = arith.addf %get3A_1235, %get3A_1246 : vector<16xf32>
        %add3A_1248 = arith.constant 128 : i32
        %add3A_1249 = arith.addi %add3A_1248, %scan3A_1229 : i32
        %get3A_1250 = arith.index_cast %add3A_1249 : i32 to index
        %get3A_1251 = arith.constant 0 : index
        %get3A_1252 = tpu.vector_load %arg8[%get3A_1250, %get3A_1251] {strides = array<i32>} : memref<1280x32xf32, #tpu.memory_space<vmem>>, vector<16xf32>,
        %add3A_1253 = arith.addf %add3A_1241, %get3A_1252 : vector<16xf32>
        %add3A_1254 = arith.constant 128 : i32
        %add3A_1255 = arith.addi %add3A_1254, %scan3A_1229 : i32
        %get3A_1256 = arith.index_cast %add3A_1255 : i32 to index
        %get3A_1257 = arith.constant 16 : index
        %get3A_1258 = tpu.vector_load %arg8[%get3A_1256, %get3A_1257] {strides = array<i32>} : memref<1280x32xf32, #tpu.memory_space<vmem>>, vector<16xf32>,
        %add3A_1259 = arith.addf %add3A_1247, %get3A_1258 : vector<16xf32>
        %add3A_1260 = arith.constant 192 : i32
        %add3A_1261 = arith.addi %add3A_1260, %scan3A_1229 : i32
        %get3A_1262 = arith.index_cast %add3A_1261 : i32 to index
        %get3A_1263 = arith.constant 0 : index
        %get3A_1264 = tpu.vector_load %arg8[%get3A_1262, %get3A_1263] {strides = array<i32>} : memref<1280x32xf32, #tpu.memory_space<vmem>>, vector<16xf32>,
        %add3A_1265 = arith.addf %add3A_1253, %get3A_1264 : vector<16xf32>
        %add3A_1266 = arith.constant 192 : i32
        %add3A_1267 = arith.addi %add3A_1266, %scan3A_1229 : i32
        %get3A_1268 = arith.index_cast %add3A_1267 : i32 to index
        %get3A_1269 = arith.constant 16 : index
        %get3A_1270 = tpu.vector_load %arg8[%get3A_1268, %get3A_1269] {strides = array<i32>} : memref<1280x32xf32, #tpu.memory_space<vmem>>, vector<16xf32>,
        %add3A_1271 = arith.addf %add3A_1259, %get3A_1270 : vector<16xf32>
        %add3A_1272 = arith.constant 256 : i32
        %add3A_1273 = arith.addi %add3A_1272, %scan3A_1229 : i32
        %get3A_1274 = arith.index_cast %add3A_1273 : i32 to index
        %get3A_1275 = arith.constant 0 : index
        %get3A_1276 = tpu.vector_load %arg8[%get3A_1274, %get3A_1275] {strides = array<i32>} : memref<1280x32xf32, #tpu.memory_space<vmem>>, vector<16xf32>,
        %add3A_1277 = arith.addf %add3A_1265, %get3A_1276 : vector<16xf32>
        %add3A_1278 = arith.constant 256 : i32
        %add3A_1279 = arith.addi %add3A_1278, %scan3A_1229 : i32
        %get3A_1280 = arith.index_cast %add3A_1279 : i32 to index
        %get3A_1281 = arith.constant 16 : index
        %get3A_1282 = tpu.vector_load %arg8[%get3A_1280, %get3A_1281] {strides = array<i32>} : memref<1280x32xf32, #tpu.memory_space<vmem>>, vector<16xf32>,
        %add3A_1283 = arith.addf %add3A_1271, %get3A_1282 : vector<16xf32>
        %add3A_1284 = arith.constant 320 : i32
        %add3A_1285 = arith.addi %add3A_1284, %scan3A_1229 : i32
        %get3A_1286 = arith.index_cast %add3A_1285 : i32 to index
        %get3A_1287 = arith.constant 0 : index
        %get3A_1288 = tpu.vector_load %arg8[%get3A_1286, %get3A_1287] {strides = array<i32>} : memref<1280x32xf32, #tpu.memory_space<vmem>>, vector<16xf32>,
        %add3A_1289 = arith.addf %add3A_1277, %get3A_1288 : vector<16xf32>
        %add3A_1290 = arith.constant 320 : i32
        %add3A_1291 = arith.addi %add3A_1290, %scan3A_1229 : i32
        %get3A_1292 = arith.index_cast %add3A_1291 : i32 to index
        %get3A_1293 = arith.constant 16 : index
        %get3A_1294 = tpu.vector_load %arg8[%get3A_1292, %get3A_1293] {strides = array<i32>} : memref<1280x32xf32, #tpu.memory_space<vmem>>, vector<16xf32>,
        %add3A_1295 = arith.addf %add3A_1283, %get3A_1294 : vector<16xf32>
        %add3A_1296 = arith.constant 384 : i32
        %add3A_1297 = arith.addi %add3A_1296, %scan3A_1229 : i32
        %get3A_1298 = arith.index_cast %add3A_1297 : i32 to index
        %get3A_1299 = arith.constant 0 : index
        %get3A_1300 = tpu.vector_load %arg8[%get3A_1298, %get3A_1299] {strides = array<i32>} : memref<1280x32xf32, #tpu.memory_space<vmem>>, vector<16xf32>,
        %add3A_1301 = arith.addf %add3A_1289, %get3A_1300 : vector<16xf32>
        %add3A_1302 = arith.constant 384 : i32
        %add3A_1303 = arith.addi %add3A_1302, %scan3A_1229 : i32
        %get3A_1304 = arith.index_cast %add3A_1303 : i32 to index
        %get3A_1305 = arith.constant 16 : index
        %get3A_1306 = tpu.vector_load %arg8[%get3A_1304, %get3A_1305] {strides = array<i32>} : memref<1280x32xf32, #tpu.memory_space<vmem>>, vector<16xf32>,
        %add3A_1307 = arith.addf %add3A_1295, %get3A_1306 : vector<16xf32>
        %add3A_1308 = arith.constant 448 : i32
        %add3A_1309 = arith.addi %add3A_1308, %scan3A_1229 : i32
        %get3A_1310 = arith.index_cast %add3A_1309 : i32 to index
        %get3A_1311 = arith.constant 0 : index
        %get3A_1312 = tpu.vector_load %arg8[%get3A_1310, %get3A_1311] {strides = array<i32>} : memref<1280x32xf32, #tpu.memory_space<vmem>>, vector<16xf32>,
        %add3A_1313 = arith.addf %add3A_1301, %get3A_1312 : vector<16xf32>
        %add3A_1314 = arith.constant 448 : i32
        %add3A_1315 = arith.addi %add3A_1314, %scan3A_1229 : i32
        %get3A_1316 = arith.index_cast %add3A_1315 : i32 to index
        %get3A_1317 = arith.constant 16 : index
        %get3A_1318 = tpu.vector_load %arg8[%get3A_1316, %get3A_1317] {strides = array<i32>} : memref<1280x32xf32, #tpu.memory_space<vmem>>, vector<16xf32>,
        %add3A_1319 = arith.addf %add3A_1307, %get3A_1318 : vector<16xf32>
        %add3A_1320 = arith.constant 512 : i32
        %add3A_1321 = arith.addi %add3A_1320, %scan3A_1229 : i32
        %get3A_1322 = arith.index_cast %add3A_1321 : i32 to index
        %get3A_1323 = arith.constant 0 : index
        %get3A_1324 = tpu.vector_load %arg8[%get3A_1322, %get3A_1323] {strides = array<i32>} : memref<1280x32xf32, #tpu.memory_space<vmem>>, vector<16xf32>,
        %add3A_1325 = arith.addf %add3A_1313, %get3A_1324 : vector<16xf32>
        %add3A_1326 = arith.constant 512 : i32
        %add3A_1327 = arith.addi %add3A_1326, %scan3A_1229 : i32
        %get3A_1328 = arith.index_cast %add3A_1327 : i32 to index
        %get3A_1329 = arith.constant 16 : index
        %get3A_1330 = tpu.vector_load %arg8[%get3A_1328, %get3A_1329] {strides = array<i32>} : memref<1280x32xf32, #tpu.memory_space<vmem>>, vector<16xf32>,
        %add3A_1331 = arith.addf %add3A_1319, %get3A_1330 : vector<16xf32>
        %add3A_1332 = arith.constant 576 : i32
        %add3A_1333 = arith.addi %add3A_1332, %scan3A_1229 : i32
        %get3A_1334 = arith.index_cast %add3A_1333 : i32 to index
        %get3A_1335 = arith.constant 0 : index
        %get3A_1336 = tpu.vector_load %arg8[%get3A_1334, %get3A_1335] {strides = array<i32>} : memref<1280x32xf32, #tpu.memory_space<vmem>>, vector<16xf32>,
        %add3A_1337 = arith.addf %add3A_1325, %get3A_1336 : vector<16xf32>
        %add3A_1338 = arith.constant 576 : i32
        %add3A_1339 = arith.addi %add3A_1338, %scan3A_1229 : i32
        %get3A_1340 = arith.index_cast %add3A_1339 : i32 to index
        %get3A_1341 = arith.constant 16 : index
        %get3A_1342 = tpu.vector_load %arg8[%get3A_1340, %get3A_1341] {strides = array<i32>} : memref<1280x32xf32, #tpu.memory_space<vmem>>, vector<16xf32>,
        %add3A_1343 = arith.addf %add3A_1331, %get3A_1342 : vector<16xf32>
        %add3A_1344 = arith.constant 640 : i32
        %add3A_1345 = arith.addi %add3A_1344, %scan3A_1229 : i32
        %get3A_1346 = arith.index_cast %add3A_1345 : i32 to index
        %get3A_1347 = arith.constant 0 : index
        %get3A_1348 = tpu.vector_load %arg8[%get3A_1346, %get3A_1347] {strides = array<i32>} : memref<1280x32xf32, #tpu.memory_space<vmem>>, vector<16xf32>,
        %add3A_1349 = arith.addf %add3A_1337, %get3A_1348 : vector<16xf32>
        %add3A_1350 = arith.constant 640 : i32
        %add3A_1351 = arith.addi %add3A_1350, %scan3A_1229 : i32
        %get3A_1352 = arith.index_cast %add3A_1351 : i32 to index
        %get3A_1353 = arith.constant 16 : index
        %get3A_1354 = tpu.vector_load %arg8[%get3A_1352, %get3A_1353] {strides = array<i32>} : memref<1280x32xf32, #tpu.memory_space<vmem>>, vector<16xf32>,
        %add3A_1355 = arith.addf %add3A_1343, %get3A_1354 : vector<16xf32>
        %add3A_1356 = arith.constant 704 : i32
        %add3A_1357 = arith.addi %add3A_1356, %scan3A_1229 : i32
        %get3A_1358 = arith.index_cast %add3A_1357 : i32 to index
        %get3A_1359 = arith.constant 0 : index
        %get3A_1360 = tpu.vector_load %arg8[%get3A_1358, %get3A_1359] {strides = array<i32>} : memref<1280x32xf32, #tpu.memory_space<vmem>>, vector<16xf32>,
        %add3A_1361 = arith.addf %add3A_1349, %get3A_1360 : vector<16xf32>
        %add3A_1362 = arith.constant 704 : i32
        %add3A_1363 = arith.addi %add3A_1362, %scan3A_1229 : i32
        %get3A_1364 = arith.index_cast %add3A_1363 : i32 to index
        %get3A_1365 = arith.constant 16 : index
        %get3A_1366 = tpu.vector_load %arg8[%get3A_1364, %get3A_1365] {strides = array<i32>} : memref<1280x32xf32, #tpu.memory_space<vmem>>, vector<16xf32>,
        %add3A_1367 = arith.addf %add3A_1355, %get3A_1366 : vector<16xf32>
        %add3A_1368 = arith.constant 768 : i32
        %add3A_1369 = arith.addi %add3A_1368, %scan3A_1229 : i32
        %get3A_1370 = arith.index_cast %add3A_1369 : i32 to index
        %get3A_1371 = arith.constant 0 : index
        %get3A_1372 = tpu.vector_load %arg8[%get3A_1370, %get3A_1371] {strides = array<i32>} : memref<1280x32xf32, #tpu.memory_space<vmem>>, vector<16xf32>,
        %add3A_1373 = arith.addf %add3A_1361, %get3A_1372 : vector<16xf32>
        %add3A_1374 = arith.constant 768 : i32
        %add3A_1375 = arith.addi %add3A_1374, %scan3A_1229 : i32
        %get3A_1376 = arith.index_cast %add3A_1375 : i32 to index
        %get3A_1377 = arith.constant 16 : index
        %get3A_1378 = tpu.vector_load %arg8[%get3A_1376, %get3A_1377] {strides = array<i32>} : memref<1280x32xf32, #tpu.memory_space<vmem>>, vector<16xf32>,
        %add3A_1379 = arith.addf %add3A_1367, %get3A_1378 : vector<16xf32>
        %add3A_1380 = arith.constant 832 : i32
        %add3A_1381 = arith.addi %add3A_1380, %scan3A_1229 : i32
        %get3A_1382 = arith.index_cast %add3A_1381 : i32 to index
        %get3A_1383 = arith.constant 0 : index
        %get3A_1384 = tpu.vector_load %arg8[%get3A_1382, %get3A_1383] {strides = array<i32>} : memref<1280x32xf32, #tpu.memory_space<vmem>>, vector<16xf32>,
        %add3A_1385 = arith.addf %add3A_1373, %get3A_1384 : vector<16xf32>
        %add3A_1386 = arith.constant 832 : i32
        %add3A_1387 = arith.addi %add3A_1386, %scan3A_1229 : i32
        %get3A_1388 = arith.index_cast %add3A_1387 : i32 to index
        %get3A_1389 = arith.constant 16 : index
        %get3A_1390 = tpu.vector_load %arg8[%get3A_1388, %get3A_1389] {strides = array<i32>} : memref<1280x32xf32, #tpu.memory_space<vmem>>, vector<16xf32>,
        %add3A_1391 = arith.addf %add3A_1379, %get3A_1390 : vector<16xf32>
        %add3A_1392 = arith.constant 896 : i32
        %add3A_1393 = arith.addi %add3A_1392, %scan3A_1229 : i32
        %get3A_1394 = arith.index_cast %add3A_1393 : i32 to index
        %get3A_1395 = arith.constant 0 : index
        %get3A_1396 = tpu.vector_load %arg8[%get3A_1394, %get3A_1395] {strides = array<i32>} : memref<1280x32xf32, #tpu.memory_space<vmem>>, vector<16xf32>,
        %add3A_1397 = arith.addf %add3A_1385, %get3A_1396 : vector<16xf32>
        %add3A_1398 = arith.constant 896 : i32
        %add3A_1399 = arith.addi %add3A_1398, %scan3A_1229 : i32
        %get3A_1400 = arith.index_cast %add3A_1399 : i32 to index
        %get3A_1401 = arith.constant 16 : index
        %get3A_1402 = tpu.vector_load %arg8[%get3A_1400, %get3A_1401] {strides = array<i32>} : memref<1280x32xf32, #tpu.memory_space<vmem>>, vector<16xf32>,
        %add3A_1403 = arith.addf %add3A_1391, %get3A_1402 : vector<16xf32>
        %add3A_1404 = arith.constant 960 : i32
        %add3A_1405 = arith.addi %add3A_1404, %scan3A_1229 : i32
        %get3A_1406 = arith.index_cast %add3A_1405 : i32 to index
        %get3A_1407 = arith.constant 0 : index
        %get3A_1408 = tpu.vector_load %arg8[%get3A_1406, %get3A_1407] {strides = array<i32>} : memref<1280x32xf32, #tpu.memory_space<vmem>>, vector<16xf32>,
        %add3A_1409 = arith.addf %add3A_1397, %get3A_1408 : vector<16xf32>
        %add3A_1410 = arith.constant 960 : i32
        %add3A_1411 = arith.addi %add3A_1410, %scan3A_1229 : i32
        %get3A_1412 = arith.index_cast %add3A_1411 : i32 to index
        %get3A_1413 = arith.constant 16 : index
        %get3A_1414 = tpu.vector_load %arg8[%get3A_1412, %get3A_1413] {strides = array<i32>} : memref<1280x32xf32, #tpu.memory_space<vmem>>, vector<16xf32>,
        %add3A_1415 = arith.addf %add3A_1403, %get3A_1414 : vector<16xf32>
        %add3A_1416 = arith.constant 1024 : i32
        %add3A_1417 = arith.addi %add3A_1416, %scan3A_1229 : i32
        %get3A_1418 = arith.index_cast %add3A_1417 : i32 to index
        %get3A_1419 = arith.constant 0 : index
        %get3A_1420 = tpu.vector_load %arg8[%get3A_1418, %get3A_1419] {strides = array<i32>} : memref<1280x32xf32, #tpu.memory_space<vmem>>, vector<16xf32>,
        %add3A_1421 = arith.addf %add3A_1409, %get3A_1420 : vector<16xf32>
        %add3A_1422 = arith.constant 1024 : i32
        %add3A_1423 = arith.addi %add3A_1422, %scan3A_1229 : i32
        %get3A_1424 = arith.index_cast %add3A_1423 : i32 to index
        %get3A_1425 = arith.constant 16 : index
        %get3A_1426 = tpu.vector_load %arg8[%get3A_1424, %get3A_1425] {strides = array<i32>} : memref<1280x32xf32, #tpu.memory_space<vmem>>, vector<16xf32>,
        %add3A_1427 = arith.addf %add3A_1415, %get3A_1426 : vector<16xf32>
        %add3A_1428 = arith.constant 1088 : i32
        %add3A_1429 = arith.addi %add3A_1428, %scan3A_1229 : i32
        %get3A_1430 = arith.index_cast %add3A_1429 : i32 to index
        %get3A_1431 = arith.constant 0 : index
        %get3A_1432 = tpu.vector_load %arg8[%get3A_1430, %get3A_1431] {strides = array<i32>} : memref<1280x32xf32, #tpu.memory_space<vmem>>, vector<16xf32>,
        %add3A_1433 = arith.addf %add3A_1421, %get3A_1432 : vector<16xf32>
        %add3A_1434 = arith.constant 1088 : i32
        %add3A_1435 = arith.addi %add3A_1434, %scan3A_1229 : i32
        %get3A_1436 = arith.index_cast %add3A_1435 : i32 to index
        %get3A_1437 = arith.constant 16 : index
        %get3A_1438 = tpu.vector_load %arg8[%get3A_1436, %get3A_1437] {strides = array<i32>} : memref<1280x32xf32, #tpu.memory_space<vmem>>, vector<16xf32>,
        %add3A_1439 = arith.addf %add3A_1427, %get3A_1438 : vector<16xf32>
        %add3A_1440 = arith.constant 1152 : i32
        %add3A_1441 = arith.addi %add3A_1440, %scan3A_1229 : i32
        %get3A_1442 = arith.index_cast %add3A_1441 : i32 to index
        %get3A_1443 = arith.constant 0 : index
        %get3A_1444 = tpu.vector_load %arg8[%get3A_1442, %get3A_1443] {strides = array<i32>} : memref<1280x32xf32, #tpu.memory_space<vmem>>, vector<16xf32>,
        %add3A_1445 = arith.addf %add3A_1433, %get3A_1444 : vector<16xf32>
        %add3A_1446 = arith.constant 1152 : i32
        %add3A_1447 = arith.addi %add3A_1446, %scan3A_1229 : i32
        %get3A_1448 = arith.index_cast %add3A_1447 : i32 to index
        %get3A_1449 = arith.constant 16 : index
        %get3A_1450 = tpu.vector_load %arg8[%get3A_1448, %get3A_1449] {strides = array<i32>} : memref<1280x32xf32, #tpu.memory_space<vmem>>, vector<16xf32>,
        %add3A_1451 = arith.addf %add3A_1439, %get3A_1450 : vector<16xf32>
        %add3A_1452 = arith.constant 1216 : i32
        %add3A_1453 = arith.addi %add3A_1452, %scan3A_1229 : i32
        %get3A_1454 = arith.index_cast %add3A_1453 : i32 to index
        %get3A_1455 = arith.constant 0 : index
        %get3A_1456 = tpu.vector_load %arg8[%get3A_1454, %get3A_1455] {strides = array<i32>} : memref<1280x32xf32, #tpu.memory_space<vmem>>, vector<16xf32>,
        %add3A_1457 = arith.addf %add3A_1445, %get3A_1456 : vector<16xf32>
        %add3A_1458 = arith.constant 1216 : i32
        %add3A_1459 = arith.addi %add3A_1458, %scan3A_1229 : i32
        %get3A_1460 = arith.index_cast %add3A_1459 : i32 to index
        %get3A_1461 = arith.constant 16 : index
        %get3A_1462 = tpu.vector_load %arg8[%get3A_1460, %get3A_1461] {strides = array<i32>} : memref<1280x32xf32, #tpu.memory_space<vmem>>, vector<16xf32>,
        %add3A_1463 = arith.addf %add3A_1451, %get3A_1462 : vector<16xf32>
        %swap3A = arith.index_cast %scan3A_1229 : i32 to index
        %swap3A_1464 = arith.constant 0 : index
        %swap3A_1465 = tpu.vector_load %arg10[%swap3A, %swap3A_1464] {strides = array<i32>} : memref<64x32xf32, #tpu.memory_space<vmem>>, vector<16xf32>,
        tpu.vector_store %arg10[%swap3A, %swap3A_1464], %add3A_1457 {strides = array<i32>} : memref<64x32xf32, #tpu.memory_space<vmem>>, vector<16xf32>,
        %swap3A_1466 = arith.index_cast %scan3A_1229 : i32 to index
        %swap3A_1467 = arith.constant 16 : index
        %swap3A_1468 = tpu.vector_load %arg10[%swap3A_1466, %swap3A_1467] {strides = array<i32>} : memref<64x32xf32, #tpu.memory_space<vmem>>, vector<16xf32>,
        tpu.vector_store %arg10[%swap3A_1466, %swap3A_1467], %add3A_1463 {strides = array<i32>} : memref<64x32xf32, #tpu.memory_space<vmem>>, vector<16xf32>,
        %scan3A_1469 = arith.constant 0 : i32
        scf.yield %scan3A_1469 : i32
      }
      %scan3A_1177 = arith.constant 64 : i32
      %jit3A_1178 = arith.constant 16 : i32
      %div3A_1179 = arith.divsi %add3A_1170, %jit3A_1178 : i32
      %sign3A_1180 = arith.constant 0 : i32
      %sign3A_1181 = arith.cmpi sgt, %add3A_1170, %sign3A_1180 : i32
      %sign3A_1182 = arith.extui %sign3A_1181 : i1 to i32
      %sign3A_1183 = arith.constant 0 : i32
      %sign3A_1184 = arith.cmpi slt, %add3A_1170, %sign3A_1183 : i32
      %sign3A_1185 = arith.extui %sign3A_1184 : i1 to i32
      %sign3A_1186 = arith.subi %sign3A_1182, %sign3A_1185 : i32
      %sign3A_1187 = arith.constant 0 : i32
      %sign3A_1188 = arith.cmpi sgt, %jit3A_1178, %sign3A_1187 : i32
      %sign3A_1189 = arith.extui %sign3A_1188 : i1 to i32
      %sign3A_1190 = arith.constant 0 : i32
      %sign3A_1191 = arith.cmpi slt, %jit3A_1178, %sign3A_1190 : i32
      %sign3A_1192 = arith.extui %sign3A_1191 : i1 to i32
      %sign3A_1193 = arith.subi %sign3A_1189, %sign3A_1192 : i32
      %ne3A_1194 = arith.cmpi ne, %sign3A_1186, %sign3A_1193 : i32
      %rem3A_1195 = arith.remsi %add3A_1170, %jit3A_1178 : i32
      %ne3A_1196 = arith.constant 0 : i32
      %ne3A_1197 = arith.cmpi ne, %rem3A_1195, %ne3A_1196 : i32
      %and3A_1198 = arith.andi %ne3A_1194, %ne3A_1197 : i1
      %sub3A_1199 = arith.constant 1 : i32
      %sub3A_1200 = arith.subi %div3A_1179, %sub3A_1199 : i32
      %select_n3A_1201 = arith.select %and3A_1198, %sub3A_1200, %div3A_1179 : i32
      %add3A_1202 = arith.addi %mul3A_0, %select_n3A_1201 : i32
      %mul3A_1203 = arith.constant 1024 : i32
      %mul3A_1204 = arith.muli %arg1, %mul3A_1203 : i32
      %jit3A_1205 = arith.constant 16 : i32
      %eq3A_1206 = arith.constant 0 : i32
      %eq3A_1207 = arith.cmpi eq, %jit3A_1205, %eq3A_1206 : i32
      %jit3A_1208 = arith.constant 1 : i32
      %select_n3A_1209 = arith.select %eq3A_1207, %jit3A_1208, %jit3A_1205 : i32
      %rem3A_1210 = arith.remsi %add3A_1170, %select_n3A_1209 : i32
      %ne3A_1211 = arith.constant 0 : i32
      %ne3A_1212 = arith.cmpi ne, %rem3A_1210, %ne3A_1211 : i32
      %lt3A_1213 = arith.constant 0 : i32
      %lt3A_1214 = arith.cmpi slt, %rem3A_1210, %lt3A_1213 : i32
      %lt3A_1215 = arith.constant 0 : i32
      %lt3A_1216 = arith.cmpi slt, %select_n3A_1209, %lt3A_1215 : i32
      %ne3A_1217 = arith.xori %lt3A_1214, %lt3A_1216 : i1
      %and3A_1218 = arith.andi %ne3A_1217, %ne3A_1212 : i1
      %add3A_1219 = arith.addi %rem3A_1210, %select_n3A_1209 : i32
      %select_n3A_1220 = arith.select %and3A_1218, %add3A_1219, %rem3A_1210 : i32
      %mul3A_1221 = arith.constant 64 : i32
      %mul3A_1222 = arith.muli %select_n3A_1220, %mul3A_1221 : i32
      %add3A_1223 = arith.addi %mul3A_1204, %mul3A_1222 : i32
      %mul3A_1224 = arith.constant 32 : i32
      %mul3A_1225 = arith.muli %add3A_1202, %mul3A_1224 : i32
      %dma_start3A_1226 = tpu.memref_slice %arg4[%add3A_1223, %mul3A_1225] : memref<16384x832xf32, #tpu.memory_space<hbm>> -> memref<64x32xf32, #tpu.memory_space<hbm>>
      %dma_start3A_1227 = tpu.memref_slice %arg4[%add3A_1223, %mul3A_1225] : memref<16384x832xf32, #tpu.memory_space<hbm>> -> memref<64x32xf32, #tpu.memory_space<hbm>>
      tpu.enqueue_dma source(%arg10 : memref<64x32xf32, #tpu.memory_space<vmem>>) target(%dma_start3A_1227 : memref<64x32xf32, #tpu.memory_space<hbm>>) target_semaphore(%arg16 : memref<!tpu.dma_semaphore, #tpu.memory_space<semaphore_mem>>)
      %scan3A_1228 = arith.constant 0 : i32
      scf.yield %scan3A_1228 : i32
    }
    %scan3A_408 = arith.constant 103 : i32
    %dma_wait3A_409 = arith.constant 0 : i32
    %dma_wait3A_410 = arith.constant 0 : i32
    %dma_wait3A_411 = arith.constant 0 : i32
    %dma_wait3A_412 = tpu.memref_slice %arg3[%dma_wait3A_409, %dma_wait3A_410, %dma_wait3A_411] : memref<26x100000x32xf32, #tpu.memory_space<hbm>> -> memref<1x1280x32xf32, #tpu.memory_space<hbm>>
    %dma_wait3A_413 = tpu.memref_squeeze %dma_wait3A_412 : memref<1x1280x32xf32, #tpu.memory_space<hbm>> -> memref<1280x32xf32, #tpu.memory_space<hbm>>
    %dma_wait3A_414 = arith.constant 0 : i32
    %dma_wait3A_415 = arith.constant 0 : i32
    %dma_wait3A_416 = tpu.memref_slice %arg3[%dma_wait3A_409, %dma_wait3A_414, %dma_wait3A_415] : memref<26x100000x32xf32, #tpu.memory_space<hbm>> -> memref<1x1280x32xf32, #tpu.memory_space<hbm>>
    %dma_wait3A_417 = tpu.memref_squeeze %dma_wait3A_416 : memref<1x1280x32xf32, #tpu.memory_space<hbm>> -> memref<1280x32xf32, #tpu.memory_space<hbm>>
    tpu.wait_dma2 semaphore(%arg13 : memref<!tpu.dma_semaphore, #tpu.memory_space<semaphore_mem>>) src(%dma_wait3A_417 : memref<1280x32xf32, #tpu.memory_space<hbm>>) dst(%arg7 : memref<1280x32xf32, #tpu.memory_space<vmem>>)
    %dma_wait3A_418 = arith.constant 0 : i32
    %dma_wait3A_419 = arith.constant 0 : i32
    %dma_wait3A_420 = arith.constant 0 : i32
    %dma_wait3A_421 = tpu.memref_slice %arg2[%dma_wait3A_418, %dma_wait3A_419, %dma_wait3A_420] : memref<26x20x16384xi32, #tpu.memory_space<hbm>> -> memref<1x1x1280xi32, #tpu.memory_space<hbm>>
    %dma_wait3A_422 = tpu.memref_squeeze %dma_wait3A_421 : memref<1x1x1280xi32, #tpu.memory_space<hbm>> -> memref<1280xi32, #tpu.memory_space<hbm>>
    %dma_wait3A_423 = arith.constant 0 : i32
    %dma_wait3A_424 = tpu.memref_slice %arg2[%dma_wait3A_418, %dma_wait3A_419, %dma_wait3A_423] : memref<26x20x16384xi32, #tpu.memory_space<hbm>> -> memref<1x1x1280xi32, #tpu.memory_space<hbm>>
    %dma_wait3A_425 = tpu.memref_squeeze %dma_wait3A_424 : memref<1x1x1280xi32, #tpu.memory_space<hbm>> -> memref<1280xi32, #tpu.memory_space<hbm>>
    tpu.wait_dma2 semaphore(%arg12 : memref<!tpu.dma_semaphore, #tpu.memory_space<semaphore_mem>>) src(%dma_wait3A_425 : memref<1280xi32, #tpu.memory_space<hbm>>) dst(%arg6 : memref<1280xi32, #tpu.memory_space<vmem>>)
    %add3A_426 = arith.constant 12 : i32
    %add3A_427 = arith.addi %mul3A_0, %add3A_426 : i32
    %mul3A_428 = arith.constant 1024 : i32
    %mul3A_429 = arith.muli %arg1, %mul3A_428 : i32
    %add3A_430 = arith.constant 960 : i32
    %add3A_431 = arith.addi %mul3A_429, %add3A_430 : i32
    %dma_start3A_432 = arith.constant 0 : i32
    %dma_start3A_433 = arith.constant 0 : i32
    %dma_start3A_434 = tpu.memref_slice %arg3[%add3A_427, %dma_start3A_432, %dma_start3A_433] : memref<26x100000x32xf32, #tpu.memory_space<hbm>> -> memref<1x100000x32xf32, #tpu.memory_space<hbm>>
    %dma_start3A_435 = tpu.memref_squeeze %dma_start3A_434 : memref<1x100000x32xf32, #tpu.memory_space<hbm>> -> memref<100000x32xf32, #tpu.memory_space<hbm>>
    %dma_start3A_436 = arith.constant 0 : i32
    %dma_start3A_437 = arith.constant 0 : i32
    %dma_start3A_438 = tpu.memref_slice %dma_start3A_435[%dma_start3A_436, %dma_start3A_437] : memref<100000x32xf32, #tpu.memory_space<hbm>> -> memref<100000x32xf32, #tpu.memory_space<hbm>>
    tpu.enqueue_indirect_dma source(%dma_start3A_438 : memref<100000x32xf32, #tpu.memory_space<hbm>>) target(%arg8 : memref<1280x32xf32, #tpu.memory_space<vmem>>) offsets(%arg6 : memref<1280xi32, #tpu.memory_space<vmem>>) semaphore(%arg14 : memref<!tpu.dma_semaphore, #tpu.memory_space<semaphore_mem>>)
    %dma_wait3A_439 = arith.constant 0 : i32
    %dma_wait3A_440 = arith.constant 0 : i32
    %dma_wait3A_441 = tpu.memref_slice %arg4[%dma_wait3A_439, %dma_wait3A_440] : memref<16384x832xf32, #tpu.memory_space<hbm>> -> memref<64x32xf32, #tpu.memory_space<hbm>>
    %dma_wait3A_442 = arith.constant 0 : i32
    %dma_wait3A_443 = arith.constant 0 : i32
    %dma_wait3A_444 = tpu.memref_slice %arg4[%dma_wait3A_442, %dma_wait3A_443] : memref<16384x832xf32, #tpu.memory_space<hbm>> -> memref<64x32xf32, #tpu.memory_space<hbm>>
    tpu.wait_dma2 semaphore(%arg15 : memref<!tpu.dma_semaphore, #tpu.memory_space<semaphore_mem>>) src(%dma_wait3A_444 : memref<64x32xf32, #tpu.memory_space<hbm>>) dst(%arg9 : memref<64x32xf32, #tpu.memory_space<vmem>>)
    %scan3A_445 = arith.constant 0 : i32
    %scan3A_446 = arith.constant 0 : i32
    %scan3A_447 = arith.constant 64 : i32
    %scan3A_448 = arith.addi %scan3A_446, %scan3A_447 : i32
    %scan3A_449 = arith.constant 1 : i32
    %scan3A_450 = scf.for %scan3A_506 = %scan3A_446 to %scan3A_448 step %scan3A_449 iter_args(%scan3A_507 = %scan3A_445) -> (i32)  : i32 {
      %get3A = arith.index_cast %scan3A_506 : i32 to index
      %get3A_508 = arith.constant 0 : index
      %get3A_509 = tpu.vector_load %arg7[%get3A, %get3A_508] {strides = array<i32>} : memref<1280x32xf32, #tpu.memory_space<vmem>>, vector<16xf32>,
      %get3A_510 = arith.index_cast %scan3A_506 : i32 to index
      %get3A_511 = arith.constant 16 : index
      %get3A_512 = tpu.vector_load %arg7[%get3A_510, %get3A_511] {strides = array<i32>} : memref<1280x32xf32, #tpu.memory_space<vmem>>, vector<16xf32>,
      %add3A_513 = arith.constant 64 : i32
      %add3A_514 = arith.addi %add3A_513, %scan3A_506 : i32
      %get3A_515 = arith.index_cast %add3A_514 : i32 to index
      %get3A_516 = arith.constant 0 : index
      %get3A_517 = tpu.vector_load %arg7[%get3A_515, %get3A_516] {strides = array<i32>} : memref<1280x32xf32, #tpu.memory_space<vmem>>, vector<16xf32>,
      %add3A_518 = arith.addf %get3A_509, %get3A_517 : vector<16xf32>
      %add3A_519 = arith.constant 64 : i32
      %add3A_520 = arith.addi %add3A_519, %scan3A_506 : i32
      %get3A_521 = arith.index_cast %add3A_520 : i32 to index
      %get3A_522 = arith.constant 16 : index
      %get3A_523 = tpu.vector_load %arg7[%get3A_521, %get3A_522] {strides = array<i32>} : memref<1280x32xf32, #tpu.memory_space<vmem>>, vector<16xf32>,
      %add3A_524 = arith.addf %get3A_512, %get3A_523 : vector<16xf32>
      %add3A_525 = arith.constant 128 : i32
      %add3A_526 = arith.addi %add3A_525, %scan3A_506 : i32
      %get3A_527 = arith.index_cast %add3A_526 : i32 to index
      %get3A_528 = arith.constant 0 : index
      %get3A_529 = tpu.vector_load %arg7[%get3A_527, %get3A_528] {strides = array<i32>} : memref<1280x32xf32, #tpu.memory_space<vmem>>, vector<16xf32>,
      %add3A_530 = arith.addf %add3A_518, %get3A_529 : vector<16xf32>
      %add3A_531 = arith.constant 128 : i32
      %add3A_532 = arith.addi %add3A_531, %scan3A_506 : i32
      %get3A_533 = arith.index_cast %add3A_532 : i32 to index
      %get3A_534 = arith.constant 16 : index
      %get3A_535 = tpu.vector_load %arg7[%get3A_533, %get3A_534] {strides = array<i32>} : memref<1280x32xf32, #tpu.memory_space<vmem>>, vector<16xf32>,
      %add3A_536 = arith.addf %add3A_524, %get3A_535 : vector<16xf32>
      %add3A_537 = arith.constant 192 : i32
      %add3A_538 = arith.addi %add3A_537, %scan3A_506 : i32
      %get3A_539 = arith.index_cast %add3A_538 : i32 to index
      %get3A_540 = arith.constant 0 : index
      %get3A_541 = tpu.vector_load %arg7[%get3A_539, %get3A_540] {strides = array<i32>} : memref<1280x32xf32, #tpu.memory_space<vmem>>, vector<16xf32>,
      %add3A_542 = arith.addf %add3A_530, %get3A_541 : vector<16xf32>
      %add3A_543 = arith.constant 192 : i32
      %add3A_544 = arith.addi %add3A_543, %scan3A_506 : i32
      %get3A_545 = arith.index_cast %add3A_544 : i32 to index
      %get3A_546 = arith.constant 16 : index
      %get3A_547 = tpu.vector_load %arg7[%get3A_545, %get3A_546] {strides = array<i32>} : memref<1280x32xf32, #tpu.memory_space<vmem>>, vector<16xf32>,
      %add3A_548 = arith.addf %add3A_536, %get3A_547 : vector<16xf32>
      %add3A_549 = arith.constant 256 : i32
      %add3A_550 = arith.addi %add3A_549, %scan3A_506 : i32
      %get3A_551 = arith.index_cast %add3A_550 : i32 to index
      %get3A_552 = arith.constant 0 : index
      %get3A_553 = tpu.vector_load %arg7[%get3A_551, %get3A_552] {strides = array<i32>} : memref<1280x32xf32, #tpu.memory_space<vmem>>, vector<16xf32>,
      %add3A_554 = arith.addf %add3A_542, %get3A_553 : vector<16xf32>
      %add3A_555 = arith.constant 256 : i32
      %add3A_556 = arith.addi %add3A_555, %scan3A_506 : i32
      %get3A_557 = arith.index_cast %add3A_556 : i32 to index
      %get3A_558 = arith.constant 16 : index
      %get3A_559 = tpu.vector_load %arg7[%get3A_557, %get3A_558] {strides = array<i32>} : memref<1280x32xf32, #tpu.memory_space<vmem>>, vector<16xf32>,
      %add3A_560 = arith.addf %add3A_548, %get3A_559 : vector<16xf32>
      %add3A_561 = arith.constant 320 : i32
      %add3A_562 = arith.addi %add3A_561, %scan3A_506 : i32
      %get3A_563 = arith.index_cast %add3A_562 : i32 to index
      %get3A_564 = arith.constant 0 : index
      %get3A_565 = tpu.vector_load %arg7[%get3A_563, %get3A_564] {strides = array<i32>} : memref<1280x32xf32, #tpu.memory_space<vmem>>, vector<16xf32>,
      %add3A_566 = arith.addf %add3A_554, %get3A_565 : vector<16xf32>
      %add3A_567 = arith.constant 320 : i32
      %add3A_568 = arith.addi %add3A_567, %scan3A_506 : i32
      %get3A_569 = arith.index_cast %add3A_568 : i32 to index
      %get3A_570 = arith.constant 16 : index
      %get3A_571 = tpu.vector_load %arg7[%get3A_569, %get3A_570] {strides = array<i32>} : memref<1280x32xf32, #tpu.memory_space<vmem>>, vector<16xf32>,
      %add3A_572 = arith.addf %add3A_560, %get3A_571 : vector<16xf32>
      %add3A_573 = arith.constant 384 : i32
      %add3A_574 = arith.addi %add3A_573, %scan3A_506 : i32
      %get3A_575 = arith.index_cast %add3A_574 : i32 to index
      %get3A_576 = arith.constant 0 : index
      %get3A_577 = tpu.vector_load %arg7[%get3A_575, %get3A_576] {strides = array<i32>} : memref<1280x32xf32, #tpu.memory_space<vmem>>, vector<16xf32>,
      %add3A_578 = arith.addf %add3A_566, %get3A_577 : vector<16xf32>
      %add3A_579 = arith.constant 384 : i32
      %add3A_580 = arith.addi %add3A_579, %scan3A_506 : i32
      %get3A_581 = arith.index_cast %add3A_580 : i32 to index
      %get3A_582 = arith.constant 16 : index
      %get3A_583 = tpu.vector_load %arg7[%get3A_581, %get3A_582] {strides = array<i32>} : memref<1280x32xf32, #tpu.memory_space<vmem>>, vector<16xf32>,
      %add3A_584 = arith.addf %add3A_572, %get3A_583 : vector<16xf32>
      %add3A_585 = arith.constant 448 : i32
      %add3A_586 = arith.addi %add3A_585, %scan3A_506 : i32
      %get3A_587 = arith.index_cast %add3A_586 : i32 to index
      %get3A_588 = arith.constant 0 : index
      %get3A_589 = tpu.vector_load %arg7[%get3A_587, %get3A_588] {strides = array<i32>} : memref<1280x32xf32, #tpu.memory_space<vmem>>, vector<16xf32>,
      %add3A_590 = arith.addf %add3A_578, %get3A_589 : vector<16xf32>
      %add3A_591 = arith.constant 448 : i32
      %add3A_592 = arith.addi %add3A_591, %scan3A_506 : i32
      %get3A_593 = arith.index_cast %add3A_592 : i32 to index
      %get3A_594 = arith.constant 16 : index
      %get3A_595 = tpu.vector_load %arg7[%get3A_593, %get3A_594] {strides = array<i32>} : memref<1280x32xf32, #tpu.memory_space<vmem>>, vector<16xf32>,
      %add3A_596 = arith.addf %add3A_584, %get3A_595 : vector<16xf32>
      %add3A_597 = arith.constant 512 : i32
      %add3A_598 = arith.addi %add3A_597, %scan3A_506 : i32
      %get3A_599 = arith.index_cast %add3A_598 : i32 to index
      %get3A_600 = arith.constant 0 : index
      %get3A_601 = tpu.vector_load %arg7[%get3A_599, %get3A_600] {strides = array<i32>} : memref<1280x32xf32, #tpu.memory_space<vmem>>, vector<16xf32>,
      %add3A_602 = arith.addf %add3A_590, %get3A_601 : vector<16xf32>
      %add3A_603 = arith.constant 512 : i32
      %add3A_604 = arith.addi %add3A_603, %scan3A_506 : i32
      %get3A_605 = arith.index_cast %add3A_604 : i32 to index
      %get3A_606 = arith.constant 16 : index
      %get3A_607 = tpu.vector_load %arg7[%get3A_605, %get3A_606] {strides = array<i32>} : memref<1280x32xf32, #tpu.memory_space<vmem>>, vector<16xf32>,
      %add3A_608 = arith.addf %add3A_596, %get3A_607 : vector<16xf32>
      %add3A_609 = arith.constant 576 : i32
      %add3A_610 = arith.addi %add3A_609, %scan3A_506 : i32
      %get3A_611 = arith.index_cast %add3A_610 : i32 to index
      %get3A_612 = arith.constant 0 : index
      %get3A_613 = tpu.vector_load %arg7[%get3A_611, %get3A_612] {strides = array<i32>} : memref<1280x32xf32, #tpu.memory_space<vmem>>, vector<16xf32>,
      %add3A_614 = arith.addf %add3A_602, %get3A_613 : vector<16xf32>
      %add3A_615 = arith.constant 576 : i32
      %add3A_616 = arith.addi %add3A_615, %scan3A_506 : i32
      %get3A_617 = arith.index_cast %add3A_616 : i32 to index
      %get3A_618 = arith.constant 16 : index
      %get3A_619 = tpu.vector_load %arg7[%get3A_617, %get3A_618] {strides = array<i32>} : memref<1280x32xf32, #tpu.memory_space<vmem>>, vector<16xf32>,
      %add3A_620 = arith.addf %add3A_608, %get3A_619 : vector<16xf32>
      %add3A_621 = arith.constant 640 : i32
      %add3A_622 = arith.addi %add3A_621, %scan3A_506 : i32
      %get3A_623 = arith.index_cast %add3A_622 : i32 to index
      %get3A_624 = arith.constant 0 : index
      %get3A_625 = tpu.vector_load %arg7[%get3A_623, %get3A_624] {strides = array<i32>} : memref<1280x32xf32, #tpu.memory_space<vmem>>, vector<16xf32>,
      %add3A_626 = arith.addf %add3A_614, %get3A_625 : vector<16xf32>
      %add3A_627 = arith.constant 640 : i32
      %add3A_628 = arith.addi %add3A_627, %scan3A_506 : i32
      %get3A_629 = arith.index_cast %add3A_628 : i32 to index
      %get3A_630 = arith.constant 16 : index
      %get3A_631 = tpu.vector_load %arg7[%get3A_629, %get3A_630] {strides = array<i32>} : memref<1280x32xf32, #tpu.memory_space<vmem>>, vector<16xf32>,
      %add3A_632 = arith.addf %add3A_620, %get3A_631 : vector<16xf32>
      %add3A_633 = arith.constant 704 : i32
      %add3A_634 = arith.addi %add3A_633, %scan3A_506 : i32
      %get3A_635 = arith.index_cast %add3A_634 : i32 to index
      %get3A_636 = arith.constant 0 : index
      %get3A_637 = tpu.vector_load %arg7[%get3A_635, %get3A_636] {strides = array<i32>} : memref<1280x32xf32, #tpu.memory_space<vmem>>, vector<16xf32>,
      %add3A_638 = arith.addf %add3A_626, %get3A_637 : vector<16xf32>
      %add3A_639 = arith.constant 704 : i32
      %add3A_640 = arith.addi %add3A_639, %scan3A_506 : i32
      %get3A_641 = arith.index_cast %add3A_640 : i32 to index
      %get3A_642 = arith.constant 16 : index
      %get3A_643 = tpu.vector_load %arg7[%get3A_641, %get3A_642] {strides = array<i32>} : memref<1280x32xf32, #tpu.memory_space<vmem>>, vector<16xf32>,
      %add3A_644 = arith.addf %add3A_632, %get3A_643 : vector<16xf32>
      %add3A_645 = arith.constant 768 : i32
      %add3A_646 = arith.addi %add3A_645, %scan3A_506 : i32
      %get3A_647 = arith.index_cast %add3A_646 : i32 to index
      %get3A_648 = arith.constant 0 : index
      %get3A_649 = tpu.vector_load %arg7[%get3A_647, %get3A_648] {strides = array<i32>} : memref<1280x32xf32, #tpu.memory_space<vmem>>, vector<16xf32>,
      %add3A_650 = arith.addf %add3A_638, %get3A_649 : vector<16xf32>
      %add3A_651 = arith.constant 768 : i32
      %add3A_652 = arith.addi %add3A_651, %scan3A_506 : i32
      %get3A_653 = arith.index_cast %add3A_652 : i32 to index
      %get3A_654 = arith.constant 16 : index
      %get3A_655 = tpu.vector_load %arg7[%get3A_653, %get3A_654] {strides = array<i32>} : memref<1280x32xf32, #tpu.memory_space<vmem>>, vector<16xf32>,
      %add3A_656 = arith.addf %add3A_644, %get3A_655 : vector<16xf32>
      %add3A_657 = arith.constant 832 : i32
      %add3A_658 = arith.addi %add3A_657, %scan3A_506 : i32
      %get3A_659 = arith.index_cast %add3A_658 : i32 to index
      %get3A_660 = arith.constant 0 : index
      %get3A_661 = tpu.vector_load %arg7[%get3A_659, %get3A_660] {strides = array<i32>} : memref<1280x32xf32, #tpu.memory_space<vmem>>, vector<16xf32>,
      %add3A_662 = arith.addf %add3A_650, %get3A_661 : vector<16xf32>
      %add3A_663 = arith.constant 832 : i32
      %add3A_664 = arith.addi %add3A_663, %scan3A_506 : i32
      %get3A_665 = arith.index_cast %add3A_664 : i32 to index
      %get3A_666 = arith.constant 16 : index
      %get3A_667 = tpu.vector_load %arg7[%get3A_665, %get3A_666] {strides = array<i32>} : memref<1280x32xf32, #tpu.memory_space<vmem>>, vector<16xf32>,
      %add3A_668 = arith.addf %add3A_656, %get3A_667 : vector<16xf32>
      %add3A_669 = arith.constant 896 : i32
      %add3A_670 = arith.addi %add3A_669, %scan3A_506 : i32
      %get3A_671 = arith.index_cast %add3A_670 : i32 to index
      %get3A_672 = arith.constant 0 : index
      %get3A_673 = tpu.vector_load %arg7[%get3A_671, %get3A_672] {strides = array<i32>} : memref<1280x32xf32, #tpu.memory_space<vmem>>, vector<16xf32>,
      %add3A_674 = arith.addf %add3A_662, %get3A_673 : vector<16xf32>
      %add3A_675 = arith.constant 896 : i32
      %add3A_676 = arith.addi %add3A_675, %scan3A_506 : i32
      %get3A_677 = arith.index_cast %add3A_676 : i32 to index
      %get3A_678 = arith.constant 16 : index
      %get3A_679 = tpu.vector_load %arg7[%get3A_677, %get3A_678] {strides = array<i32>} : memref<1280x32xf32, #tpu.memory_space<vmem>>, vector<16xf32>,
      %add3A_680 = arith.addf %add3A_668, %get3A_679 : vector<16xf32>
      %add3A_681 = arith.constant 960 : i32
      %add3A_682 = arith.addi %add3A_681, %scan3A_506 : i32
      %get3A_683 = arith.index_cast %add3A_682 : i32 to index
      %get3A_684 = arith.constant 0 : index
      %get3A_685 = tpu.vector_load %arg7[%get3A_683, %get3A_684] {strides = array<i32>} : memref<1280x32xf32, #tpu.memory_space<vmem>>, vector<16xf32>,
      %add3A_686 = arith.addf %add3A_674, %get3A_685 : vector<16xf32>
      %add3A_687 = arith.constant 960 : i32
      %add3A_688 = arith.addi %add3A_687, %scan3A_506 : i32
      %get3A_689 = arith.index_cast %add3A_688 : i32 to index
      %get3A_690 = arith.constant 16 : index
      %get3A_691 = tpu.vector_load %arg7[%get3A_689, %get3A_690] {strides = array<i32>} : memref<1280x32xf32, #tpu.memory_space<vmem>>, vector<16xf32>,
      %add3A_692 = arith.addf %add3A_680, %get3A_691 : vector<16xf32>
      %add3A_693 = arith.constant 1024 : i32
      %add3A_694 = arith.addi %add3A_693, %scan3A_506 : i32
      %get3A_695 = arith.index_cast %add3A_694 : i32 to index
      %get3A_696 = arith.constant 0 : index
      %get3A_697 = tpu.vector_load %arg7[%get3A_695, %get3A_696] {strides = array<i32>} : memref<1280x32xf32, #tpu.memory_space<vmem>>, vector<16xf32>,
      %add3A_698 = arith.addf %add3A_686, %get3A_697 : vector<16xf32>
      %add3A_699 = arith.constant 1024 : i32
      %add3A_700 = arith.addi %add3A_699, %scan3A_506 : i32
      %get3A_701 = arith.index_cast %add3A_700 : i32 to index
      %get3A_702 = arith.constant 16 : index
      %get3A_703 = tpu.vector_load %arg7[%get3A_701, %get3A_702] {strides = array<i32>} : memref<1280x32xf32, #tpu.memory_space<vmem>>, vector<16xf32>,
      %add3A_704 = arith.addf %add3A_692, %get3A_703 : vector<16xf32>
      %add3A_705 = arith.constant 1088 : i32
      %add3A_706 = arith.addi %add3A_705, %scan3A_506 : i32
      %get3A_707 = arith.index_cast %add3A_706 : i32 to index
      %get3A_708 = arith.constant 0 : index
      %get3A_709 = tpu.vector_load %arg7[%get3A_707, %get3A_708] {strides = array<i32>} : memref<1280x32xf32, #tpu.memory_space<vmem>>, vector<16xf32>,
      %add3A_710 = arith.addf %add3A_698, %get3A_709 : vector<16xf32>
      %add3A_711 = arith.constant 1088 : i32
      %add3A_712 = arith.addi %add3A_711, %scan3A_506 : i32
      %get3A_713 = arith.index_cast %add3A_712 : i32 to index
      %get3A_714 = arith.constant 16 : index
      %get3A_715 = tpu.vector_load %arg7[%get3A_713, %get3A_714] {strides = array<i32>} : memref<1280x32xf32, #tpu.memory_space<vmem>>, vector<16xf32>,
      %add3A_716 = arith.addf %add3A_704, %get3A_715 : vector<16xf32>
      %add3A_717 = arith.constant 1152 : i32
      %add3A_718 = arith.addi %add3A_717, %scan3A_506 : i32
      %get3A_719 = arith.index_cast %add3A_718 : i32 to index
      %get3A_720 = arith.constant 0 : index
      %get3A_721 = tpu.vector_load %arg7[%get3A_719, %get3A_720] {strides = array<i32>} : memref<1280x32xf32, #tpu.memory_space<vmem>>, vector<16xf32>,
      %add3A_722 = arith.addf %add3A_710, %get3A_721 : vector<16xf32>
      %add3A_723 = arith.constant 1152 : i32
      %add3A_724 = arith.addi %add3A_723, %scan3A_506 : i32
      %get3A_725 = arith.index_cast %add3A_724 : i32 to index
      %get3A_726 = arith.constant 16 : index
      %get3A_727 = tpu.vector_load %arg7[%get3A_725, %get3A_726] {strides = array<i32>} : memref<1280x32xf32, #tpu.memory_space<vmem>>, vector<16xf32>,
      %add3A_728 = arith.addf %add3A_716, %get3A_727 : vector<16xf32>
      %add3A_729 = arith.constant 1216 : i32
      %add3A_730 = arith.addi %add3A_729, %scan3A_506 : i32
      %get3A_731 = arith.index_cast %add3A_730 : i32 to index
      %get3A_732 = arith.constant 0 : index
      %get3A_733 = tpu.vector_load %arg7[%get3A_731, %get3A_732] {strides = array<i32>} : memref<1280x32xf32, #tpu.memory_space<vmem>>, vector<16xf32>,
      %add3A_734 = arith.addf %add3A_722, %get3A_733 : vector<16xf32>
      %add3A_735 = arith.constant 1216 : i32
      %add3A_736 = arith.addi %add3A_735, %scan3A_506 : i32
      %get3A_737 = arith.index_cast %add3A_736 : i32 to index
      %get3A_738 = arith.constant 16 : index
      %get3A_739 = tpu.vector_load %arg7[%get3A_737, %get3A_738] {strides = array<i32>} : memref<1280x32xf32, #tpu.memory_space<vmem>>, vector<16xf32>,
      %add3A_740 = arith.addf %add3A_728, %get3A_739 : vector<16xf32>
      %swap3A = arith.index_cast %scan3A_506 : i32 to index
      %swap3A_741 = arith.constant 0 : index
      %swap3A_742 = tpu.vector_load %arg9[%swap3A, %swap3A_741] {strides = array<i32>} : memref<64x32xf32, #tpu.memory_space<vmem>>, vector<16xf32>,
      tpu.vector_store %arg9[%swap3A, %swap3A_741], %add3A_734 {strides = array<i32>} : memref<64x32xf32, #tpu.memory_space<vmem>>, vector<16xf32>,
      %swap3A_743 = arith.index_cast %scan3A_506 : i32 to index
      %swap3A_744 = arith.constant 16 : index
      %swap3A_745 = tpu.vector_load %arg9[%swap3A_743, %swap3A_744] {strides = array<i32>} : memref<64x32xf32, #tpu.memory_space<vmem>>, vector<16xf32>,
      tpu.vector_store %arg9[%swap3A_743, %swap3A_744], %add3A_740 {strides = array<i32>} : memref<64x32xf32, #tpu.memory_space<vmem>>, vector<16xf32>,
      %scan3A_746 = arith.constant 0 : i32
      scf.yield %scan3A_746 : i32
    }
    %scan3A_451 = arith.constant 64 : i32
    %add3A_452 = arith.constant 12 : i32
    %add3A_453 = arith.addi %mul3A_0, %add3A_452 : i32
    %mul3A_454 = arith.constant 1024 : i32
    %mul3A_455 = arith.muli %arg1, %mul3A_454 : i32
    %add3A_456 = arith.constant 896 : i32
    %add3A_457 = arith.addi %mul3A_455, %add3A_456 : i32
    %mul3A_458 = arith.constant 32 : i32
    %mul3A_459 = arith.muli %add3A_453, %mul3A_458 : i32
    %dma_start3A_460 = tpu.memref_slice %arg4[%add3A_457, %mul3A_459] : memref<16384x832xf32, #tpu.memory_space<hbm>> -> memref<64x32xf32, #tpu.memory_space<hbm>>
    %dma_start3A_461 = tpu.memref_slice %arg4[%add3A_457, %mul3A_459] : memref<16384x832xf32, #tpu.memory_space<hbm>> -> memref<64x32xf32, #tpu.memory_space<hbm>>
    tpu.enqueue_dma source(%arg9 : memref<64x32xf32, #tpu.memory_space<vmem>>) target(%dma_start3A_461 : memref<64x32xf32, #tpu.memory_space<hbm>>) target_semaphore(%arg15 : memref<!tpu.dma_semaphore, #tpu.memory_space<semaphore_mem>>)
    %dma_wait3A_462 = arith.constant 0 : i32
    %dma_wait3A_463 = arith.constant 0 : i32
    %dma_wait3A_464 = arith.constant 0 : i32
    %dma_wait3A_465 = tpu.memref_slice %arg3[%dma_wait3A_462, %dma_wait3A_463, %dma_wait3A_464] : memref<26x100000x32xf32, #tpu.memory_space<hbm>> -> memref<1x1280x32xf32, #tpu.memory_space<hbm>>
    %dma_wait3A_466 = tpu.memref_squeeze %dma_wait3A_465 : memref<1x1280x32xf32, #tpu.memory_space<hbm>> -> memref<1280x32xf32, #tpu.memory_space<hbm>>
    %dma_wait3A_467 = arith.constant 0 : i32
    %dma_wait3A_468 = arith.constant 0 : i32
    %dma_wait3A_469 = tpu.memref_slice %arg3[%dma_wait3A_462, %dma_wait3A_467, %dma_wait3A_468] : memref<26x100000x32xf32, #tpu.memory_space<hbm>> -> memref<1x1280x32xf32, #tpu.memory_space<hbm>>
    %dma_wait3A_470 = tpu.memref_squeeze %dma_wait3A_469 : memref<1x1280x32xf32, #tpu.memory_space<hbm>> -> memref<1280x32xf32, #tpu.memory_space<hbm>>
    tpu.wait_dma2 semaphore(%arg14 : memref<!tpu.dma_semaphore, #tpu.memory_space<semaphore_mem>>) src(%dma_wait3A_470 : memref<1280x32xf32, #tpu.memory_space<hbm>>) dst(%arg8 : memref<1280x32xf32, #tpu.memory_space<vmem>>)
    %dma_wait3A_471 = arith.constant 0 : i32
    %dma_wait3A_472 = arith.constant 0 : i32
    %dma_wait3A_473 = tpu.memref_slice %arg4[%dma_wait3A_471, %dma_wait3A_472] : memref<16384x832xf32, #tpu.memory_space<hbm>> -> memref<64x32xf32, #tpu.memory_space<hbm>>
    %dma_wait3A_474 = arith.constant 0 : i32
    %dma_wait3A_475 = arith.constant 0 : i32
    %dma_wait3A_476 = tpu.memref_slice %arg4[%dma_wait3A_474, %dma_wait3A_475] : memref<16384x832xf32, #tpu.memory_space<hbm>> -> memref<64x32xf32, #tpu.memory_space<hbm>>
    tpu.wait_dma2 semaphore(%arg16 : memref<!tpu.dma_semaphore, #tpu.memory_space<semaphore_mem>>) src(%dma_wait3A_476 : memref<64x32xf32, #tpu.memory_space<hbm>>) dst(%arg10 : memref<64x32xf32, #tpu.memory_space<vmem>>)
    %scan3A_477 = arith.constant 0 : i32
    %scan3A_478 = arith.constant 0 : i32
    %scan3A_479 = arith.constant 64 : i32
    %scan3A_480 = arith.addi %scan3A_478, %scan3A_479 : i32
    %scan3A_481 = arith.constant 1 : i32
    %scan3A_482 = scf.for %scan3A_506 = %scan3A_478 to %scan3A_480 step %scan3A_481 iter_args(%scan3A_507 = %scan3A_477) -> (i32)  : i32 {
      %get3A = arith.index_cast %scan3A_506 : i32 to index
      %get3A_508 = arith.constant 0 : index
      %get3A_509 = tpu.vector_load %arg8[%get3A, %get3A_508] {strides = array<i32>} : memref<1280x32xf32, #tpu.memory_space<vmem>>, vector<16xf32>,
      %get3A_510 = arith.index_cast %scan3A_506 : i32 to index
      %get3A_511 = arith.constant 16 : index
      %get3A_512 = tpu.vector_load %arg8[%get3A_510, %get3A_511] {strides = array<i32>} : memref<1280x32xf32, #tpu.memory_space<vmem>>, vector<16xf32>,
      %add3A_513 = arith.constant 64 : i32
      %add3A_514 = arith.addi %add3A_513, %scan3A_506 : i32
      %get3A_515 = arith.index_cast %add3A_514 : i32 to index
      %get3A_516 = arith.constant 0 : index
      %get3A_517 = tpu.vector_load %arg8[%get3A_515, %get3A_516] {strides = array<i32>} : memref<1280x32xf32, #tpu.memory_space<vmem>>, vector<16xf32>,
      %add3A_518 = arith.addf %get3A_509, %get3A_517 : vector<16xf32>
      %add3A_519 = arith.constant 64 : i32
      %add3A_520 = arith.addi %add3A_519, %scan3A_506 : i32
      %get3A_521 = arith.index_cast %add3A_520 : i32 to index
      %get3A_522 = arith.constant 16 : index
      %get3A_523 = tpu.vector_load %arg8[%get3A_521, %get3A_522] {strides = array<i32>} : memref<1280x32xf32, #tpu.memory_space<vmem>>, vector<16xf32>,
      %add3A_524 = arith.addf %get3A_512, %get3A_523 : vector<16xf32>
      %add3A_525 = arith.constant 128 : i32
      %add3A_526 = arith.addi %add3A_525, %scan3A_506 : i32
      %get3A_527 = arith.index_cast %add3A_526 : i32 to index
      %get3A_528 = arith.constant 0 : index
      %get3A_529 = tpu.vector_load %arg8[%get3A_527, %get3A_528] {strides = array<i32>} : memref<1280x32xf32, #tpu.memory_space<vmem>>, vector<16xf32>,
      %add3A_530 = arith.addf %add3A_518, %get3A_529 : vector<16xf32>
      %add3A_531 = arith.constant 128 : i32
      %add3A_532 = arith.addi %add3A_531, %scan3A_506 : i32
      %get3A_533 = arith.index_cast %add3A_532 : i32 to index
      %get3A_534 = arith.constant 16 : index
      %get3A_535 = tpu.vector_load %arg8[%get3A_533, %get3A_534] {strides = array<i32>} : memref<1280x32xf32, #tpu.memory_space<vmem>>, vector<16xf32>,
      %add3A_536 = arith.addf %add3A_524, %get3A_535 : vector<16xf32>
      %add3A_537 = arith.constant 192 : i32
      %add3A_538 = arith.addi %add3A_537, %scan3A_506 : i32
      %get3A_539 = arith.index_cast %add3A_538 : i32 to index
      %get3A_540 = arith.constant 0 : index
      %get3A_541 = tpu.vector_load %arg8[%get3A_539, %get3A_540] {strides = array<i32>} : memref<1280x32xf32, #tpu.memory_space<vmem>>, vector<16xf32>,
      %add3A_542 = arith.addf %add3A_530, %get3A_541 : vector<16xf32>
      %add3A_543 = arith.constant 192 : i32
      %add3A_544 = arith.addi %add3A_543, %scan3A_506 : i32
      %get3A_545 = arith.index_cast %add3A_544 : i32 to index
      %get3A_546 = arith.constant 16 : index
      %get3A_547 = tpu.vector_load %arg8[%get3A_545, %get3A_546] {strides = array<i32>} : memref<1280x32xf32, #tpu.memory_space<vmem>>, vector<16xf32>,
      %add3A_548 = arith.addf %add3A_536, %get3A_547 : vector<16xf32>
      %add3A_549 = arith.constant 256 : i32
      %add3A_550 = arith.addi %add3A_549, %scan3A_506 : i32
      %get3A_551 = arith.index_cast %add3A_550 : i32 to index
      %get3A_552 = arith.constant 0 : index
      %get3A_553 = tpu.vector_load %arg8[%get3A_551, %get3A_552] {strides = array<i32>} : memref<1280x32xf32, #tpu.memory_space<vmem>>, vector<16xf32>,
      %add3A_554 = arith.addf %add3A_542, %get3A_553 : vector<16xf32>
      %add3A_555 = arith.constant 256 : i32
      %add3A_556 = arith.addi %add3A_555, %scan3A_506 : i32
      %get3A_557 = arith.index_cast %add3A_556 : i32 to index
      %get3A_558 = arith.constant 16 : index
      %get3A_559 = tpu.vector_load %arg8[%get3A_557, %get3A_558] {strides = array<i32>} : memref<1280x32xf32, #tpu.memory_space<vmem>>, vector<16xf32>,
      %add3A_560 = arith.addf %add3A_548, %get3A_559 : vector<16xf32>
      %add3A_561 = arith.constant 320 : i32
      %add3A_562 = arith.addi %add3A_561, %scan3A_506 : i32
      %get3A_563 = arith.index_cast %add3A_562 : i32 to index
      %get3A_564 = arith.constant 0 : index
      %get3A_565 = tpu.vector_load %arg8[%get3A_563, %get3A_564] {strides = array<i32>} : memref<1280x32xf32, #tpu.memory_space<vmem>>, vector<16xf32>,
      %add3A_566 = arith.addf %add3A_554, %get3A_565 : vector<16xf32>
      %add3A_567 = arith.constant 320 : i32
      %add3A_568 = arith.addi %add3A_567, %scan3A_506 : i32
      %get3A_569 = arith.index_cast %add3A_568 : i32 to index
      %get3A_570 = arith.constant 16 : index
      %get3A_571 = tpu.vector_load %arg8[%get3A_569, %get3A_570] {strides = array<i32>} : memref<1280x32xf32, #tpu.memory_space<vmem>>, vector<16xf32>,
      %add3A_572 = arith.addf %add3A_560, %get3A_571 : vector<16xf32>
      %add3A_573 = arith.constant 384 : i32
      %add3A_574 = arith.addi %add3A_573, %scan3A_506 : i32
      %get3A_575 = arith.index_cast %add3A_574 : i32 to index
      %get3A_576 = arith.constant 0 : index
      %get3A_577 = tpu.vector_load %arg8[%get3A_575, %get3A_576] {strides = array<i32>} : memref<1280x32xf32, #tpu.memory_space<vmem>>, vector<16xf32>,
      %add3A_578 = arith.addf %add3A_566, %get3A_577 : vector<16xf32>
      %add3A_579 = arith.constant 384 : i32
      %add3A_580 = arith.addi %add3A_579, %scan3A_506 : i32
      %get3A_581 = arith.index_cast %add3A_580 : i32 to index
      %get3A_582 = arith.constant 16 : index
      %get3A_583 = tpu.vector_load %arg8[%get3A_581, %get3A_582] {strides = array<i32>} : memref<1280x32xf32, #tpu.memory_space<vmem>>, vector<16xf32>,
      %add3A_584 = arith.addf %add3A_572, %get3A_583 : vector<16xf32>
      %add3A_585 = arith.constant 448 : i32
      %add3A_586 = arith.addi %add3A_585, %scan3A_506 : i32
      %get3A_587 = arith.index_cast %add3A_586 : i32 to index
      %get3A_588 = arith.constant 0 : index
      %get3A_589 = tpu.vector_load %arg8[%get3A_587, %get3A_588] {strides = array<i32>} : memref<1280x32xf32, #tpu.memory_space<vmem>>, vector<16xf32>,
      %add3A_590 = arith.addf %add3A_578, %get3A_589 : vector<16xf32>
      %add3A_591 = arith.constant 448 : i32
      %add3A_592 = arith.addi %add3A_591, %scan3A_506 : i32
      %get3A_593 = arith.index_cast %add3A_592 : i32 to index
      %get3A_594 = arith.constant 16 : index
      %get3A_595 = tpu.vector_load %arg8[%get3A_593, %get3A_594] {strides = array<i32>} : memref<1280x32xf32, #tpu.memory_space<vmem>>, vector<16xf32>,
      %add3A_596 = arith.addf %add3A_584, %get3A_595 : vector<16xf32>
      %add3A_597 = arith.constant 512 : i32
      %add3A_598 = arith.addi %add3A_597, %scan3A_506 : i32
      %get3A_599 = arith.index_cast %add3A_598 : i32 to index
      %get3A_600 = arith.constant 0 : index
      %get3A_601 = tpu.vector_load %arg8[%get3A_599, %get3A_600] {strides = array<i32>} : memref<1280x32xf32, #tpu.memory_space<vmem>>, vector<16xf32>,
      %add3A_602 = arith.addf %add3A_590, %get3A_601 : vector<16xf32>
      %add3A_603 = arith.constant 512 : i32
      %add3A_604 = arith.addi %add3A_603, %scan3A_506 : i32
      %get3A_605 = arith.index_cast %add3A_604 : i32 to index
      %get3A_606 = arith.constant 16 : index
      %get3A_607 = tpu.vector_load %arg8[%get3A_605, %get3A_606] {strides = array<i32>} : memref<1280x32xf32, #tpu.memory_space<vmem>>, vector<16xf32>,
      %add3A_608 = arith.addf %add3A_596, %get3A_607 : vector<16xf32>
      %add3A_609 = arith.constant 576 : i32
      %add3A_610 = arith.addi %add3A_609, %scan3A_506 : i32
      %get3A_611 = arith.index_cast %add3A_610 : i32 to index
      %get3A_612 = arith.constant 0 : index
      %get3A_613 = tpu.vector_load %arg8[%get3A_611, %get3A_612] {strides = array<i32>} : memref<1280x32xf32, #tpu.memory_space<vmem>>, vector<16xf32>,
      %add3A_614 = arith.addf %add3A_602, %get3A_613 : vector<16xf32>
      %add3A_615 = arith.constant 576 : i32
      %add3A_616 = arith.addi %add3A_615, %scan3A_506 : i32
      %get3A_617 = arith.index_cast %add3A_616 : i32 to index
      %get3A_618 = arith.constant 16 : index
      %get3A_619 = tpu.vector_load %arg8[%get3A_617, %get3A_618] {strides = array<i32>} : memref<1280x32xf32, #tpu.memory_space<vmem>>, vector<16xf32>,
      %add3A_620 = arith.addf %add3A_608, %get3A_619 : vector<16xf32>
      %add3A_621 = arith.constant 640 : i32
      %add3A_622 = arith.addi %add3A_621, %scan3A_506 : i32
      %get3A_623 = arith.index_cast %add3A_622 : i32 to index
      %get3A_624 = arith.constant 0 : index
      %get3A_625 = tpu.vector_load %arg8[%get3A_623, %get3A_624] {strides = array<i32>} : memref<1280x32xf32, #tpu.memory_space<vmem>>, vector<16xf32>,
      %add3A_626 = arith.addf %add3A_614, %get3A_625 : vector<16xf32>
      %add3A_627 = arith.constant 640 : i32
      %add3A_628 = arith.addi %add3A_627, %scan3A_506 : i32
      %get3A_629 = arith.index_cast %add3A_628 : i32 to index
      %get3A_630 = arith.constant 16 : index
      %get3A_631 = tpu.vector_load %arg8[%get3A_629, %get3A_630] {strides = array<i32>} : memref<1280x32xf32, #tpu.memory_space<vmem>>, vector<16xf32>,
      %add3A_632 = arith.addf %add3A_620, %get3A_631 : vector<16xf32>
      %add3A_633 = arith.constant 704 : i32
      %add3A_634 = arith.addi %add3A_633, %scan3A_506 : i32
      %get3A_635 = arith.index_cast %add3A_634 : i32 to index
      %get3A_636 = arith.constant 0 : index
      %get3A_637 = tpu.vector_load %arg8[%get3A_635, %get3A_636] {strides = array<i32>} : memref<1280x32xf32, #tpu.memory_space<vmem>>, vector<16xf32>,
      %add3A_638 = arith.addf %add3A_626, %get3A_637 : vector<16xf32>
      %add3A_639 = arith.constant 704 : i32
      %add3A_640 = arith.addi %add3A_639, %scan3A_506 : i32
      %get3A_641 = arith.index_cast %add3A_640 : i32 to index
      %get3A_642 = arith.constant 16 : index
      %get3A_643 = tpu.vector_load %arg8[%get3A_641, %get3A_642] {strides = array<i32>} : memref<1280x32xf32, #tpu.memory_space<vmem>>, vector<16xf32>,
      %add3A_644 = arith.addf %add3A_632, %get3A_643 : vector<16xf32>
      %add3A_645 = arith.constant 768 : i32
      %add3A_646 = arith.addi %add3A_645, %scan3A_506 : i32
      %get3A_647 = arith.index_cast %add3A_646 : i32 to index
      %get3A_648 = arith.constant 0 : index
      %get3A_649 = tpu.vector_load %arg8[%get3A_647, %get3A_648] {strides = array<i32>} : memref<1280x32xf32, #tpu.memory_space<vmem>>, vector<16xf32>,
      %add3A_650 = arith.addf %add3A_638, %get3A_649 : vector<16xf32>
      %add3A_651 = arith.constant 768 : i32
      %add3A_652 = arith.addi %add3A_651, %scan3A_506 : i32
      %get3A_653 = arith.index_cast %add3A_652 : i32 to index
      %get3A_654 = arith.constant 16 : index
      %get3A_655 = tpu.vector_load %arg8[%get3A_653, %get3A_654] {strides = array<i32>} : memref<1280x32xf32, #tpu.memory_space<vmem>>, vector<16xf32>,
      %add3A_656 = arith.addf %add3A_644, %get3A_655 : vector<16xf32>
      %add3A_657 = arith.constant 832 : i32
      %add3A_658 = arith.addi %add3A_657, %scan3A_506 : i32
      %get3A_659 = arith.index_cast %add3A_658 : i32 to index
      %get3A_660 = arith.constant 0 : index
      %get3A_661 = tpu.vector_load %arg8[%get3A_659, %get3A_660] {strides = array<i32>} : memref<1280x32xf32, #tpu.memory_space<vmem>>, vector<16xf32>,
      %add3A_662 = arith.addf %add3A_650, %get3A_661 : vector<16xf32>
      %add3A_663 = arith.constant 832 : i32
      %add3A_664 = arith.addi %add3A_663, %scan3A_506 : i32
      %get3A_665 = arith.index_cast %add3A_664 : i32 to index
      %get3A_666 = arith.constant 16 : index
      %get3A_667 = tpu.vector_load %arg8[%get3A_665, %get3A_666] {strides = array<i32>} : memref<1280x32xf32, #tpu.memory_space<vmem>>, vector<16xf32>,
      %add3A_668 = arith.addf %add3A_656, %get3A_667 : vector<16xf32>
      %add3A_669 = arith.constant 896 : i32
      %add3A_670 = arith.addi %add3A_669, %scan3A_506 : i32
      %get3A_671 = arith.index_cast %add3A_670 : i32 to index
      %get3A_672 = arith.constant 0 : index
      %get3A_673 = tpu.vector_load %arg8[%get3A_671, %get3A_672] {strides = array<i32>} : memref<1280x32xf32, #tpu.memory_space<vmem>>, vector<16xf32>,
      %add3A_674 = arith.addf %add3A_662, %get3A_673 : vector<16xf32>
      %add3A_675 = arith.constant 896 : i32
      %add3A_676 = arith.addi %add3A_675, %scan3A_506 : i32
      %get3A_677 = arith.index_cast %add3A_676 : i32 to index
      %get3A_678 = arith.constant 16 : index
      %get3A_679 = tpu.vector_load %arg8[%get3A_677, %get3A_678] {strides = array<i32>} : memref<1280x32xf32, #tpu.memory_space<vmem>>, vector<16xf32>,
      %add3A_680 = arith.addf %add3A_668, %get3A_679 : vector<16xf32>
      %add3A_681 = arith.constant 960 : i32
      %add3A_682 = arith.addi %add3A_681, %scan3A_506 : i32
      %get3A_683 = arith.index_cast %add3A_682 : i32 to index
      %get3A_684 = arith.constant 0 : index
      %get3A_685 = tpu.vector_load %arg8[%get3A_683, %get3A_684] {strides = array<i32>} : memref<1280x32xf32, #tpu.memory_space<vmem>>, vector<16xf32>,
      %add3A_686 = arith.addf %add3A_674, %get3A_685 : vector<16xf32>
      %add3A_687 = arith.constant 960 : i32
      %add3A_688 = arith.addi %add3A_687, %scan3A_506 : i32
      %get3A_689 = arith.index_cast %add3A_688 : i32 to index
      %get3A_690 = arith.constant 16 : index
      %get3A_691 = tpu.vector_load %arg8[%get3A_689, %get3A_690] {strides = array<i32>} : memref<1280x32xf32, #tpu.memory_space<vmem>>, vector<16xf32>,
      %add3A_692 = arith.addf %add3A_680, %get3A_691 : vector<16xf32>
      %add3A_693 = arith.constant 1024 : i32
      %add3A_694 = arith.addi %add3A_693, %scan3A_506 : i32
      %get3A_695 = arith.index_cast %add3A_694 : i32 to index
      %get3A_696 = arith.constant 0 : index
      %get3A_697 = tpu.vector_load %arg8[%get3A_695, %get3A_696] {strides = array<i32>} : memref<1280x32xf32, #tpu.memory_space<vmem>>, vector<16xf32>,
      %add3A_698 = arith.addf %add3A_686, %get3A_697 : vector<16xf32>
      %add3A_699 = arith.constant 1024 : i32
      %add3A_700 = arith.addi %add3A_699, %scan3A_506 : i32
      %get3A_701 = arith.index_cast %add3A_700 : i32 to index
      %get3A_702 = arith.constant 16 : index
      %get3A_703 = tpu.vector_load %arg8[%get3A_701, %get3A_702] {strides = array<i32>} : memref<1280x32xf32, #tpu.memory_space<vmem>>, vector<16xf32>,
      %add3A_704 = arith.addf %add3A_692, %get3A_703 : vector<16xf32>
      %add3A_705 = arith.constant 1088 : i32
      %add3A_706 = arith.addi %add3A_705, %scan3A_506 : i32
      %get3A_707 = arith.index_cast %add3A_706 : i32 to index
      %get3A_708 = arith.constant 0 : index
      %get3A_709 = tpu.vector_load %arg8[%get3A_707, %get3A_708] {strides = array<i32>} : memref<1280x32xf32, #tpu.memory_space<vmem>>, vector<16xf32>,
      %add3A_710 = arith.addf %add3A_698, %get3A_709 : vector<16xf32>
      %add3A_711 = arith.constant 1088 : i32
      %add3A_712 = arith.addi %add3A_711, %scan3A_506 : i32
      %get3A_713 = arith.index_cast %add3A_712 : i32 to index
      %get3A_714 = arith.constant 16 : index
      %get3A_715 = tpu.vector_load %arg8[%get3A_713, %get3A_714] {strides = array<i32>} : memref<1280x32xf32, #tpu.memory_space<vmem>>, vector<16xf32>,
      %add3A_716 = arith.addf %add3A_704, %get3A_715 : vector<16xf32>
      %add3A_717 = arith.constant 1152 : i32
      %add3A_718 = arith.addi %add3A_717, %scan3A_506 : i32
      %get3A_719 = arith.index_cast %add3A_718 : i32 to index
      %get3A_720 = arith.constant 0 : index
      %get3A_721 = tpu.vector_load %arg8[%get3A_719, %get3A_720] {strides = array<i32>} : memref<1280x32xf32, #tpu.memory_space<vmem>>, vector<16xf32>,
      %add3A_722 = arith.addf %add3A_710, %get3A_721 : vector<16xf32>
      %add3A_723 = arith.constant 1152 : i32
      %add3A_724 = arith.addi %add3A_723, %scan3A_506 : i32
      %get3A_725 = arith.index_cast %add3A_724 : i32 to index
      %get3A_726 = arith.constant 16 : index
      %get3A_727 = tpu.vector_load %arg8[%get3A_725, %get3A_726] {strides = array<i32>} : memref<1280x32xf32, #tpu.memory_space<vmem>>, vector<16xf32>,
      %add3A_728 = arith.addf %add3A_716, %get3A_727 : vector<16xf32>
      %add3A_729 = arith.constant 1216 : i32
      %add3A_730 = arith.addi %add3A_729, %scan3A_506 : i32
      %get3A_731 = arith.index_cast %add3A_730 : i32 to index
      %get3A_732 = arith.constant 0 : index
      %get3A_733 = tpu.vector_load %arg8[%get3A_731, %get3A_732] {strides = array<i32>} : memref<1280x32xf32, #tpu.memory_space<vmem>>, vector<16xf32>,
      %add3A_734 = arith.addf %add3A_722, %get3A_733 : vector<16xf32>
      %add3A_735 = arith.constant 1216 : i32
      %add3A_736 = arith.addi %add3A_735, %scan3A_506 : i32
      %get3A_737 = arith.index_cast %add3A_736 : i32 to index
      %get3A_738 = arith.constant 16 : index
      %get3A_739 = tpu.vector_load %arg8[%get3A_737, %get3A_738] {strides = array<i32>} : memref<1280x32xf32, #tpu.memory_space<vmem>>, vector<16xf32>,
      %add3A_740 = arith.addf %add3A_728, %get3A_739 : vector<16xf32>
      %swap3A = arith.index_cast %scan3A_506 : i32 to index
      %swap3A_741 = arith.constant 0 : index
      %swap3A_742 = tpu.vector_load %arg10[%swap3A, %swap3A_741] {strides = array<i32>} : memref<64x32xf32, #tpu.memory_space<vmem>>, vector<16xf32>,
      tpu.vector_store %arg10[%swap3A, %swap3A_741], %add3A_734 {strides = array<i32>} : memref<64x32xf32, #tpu.memory_space<vmem>>, vector<16xf32>,
      %swap3A_743 = arith.index_cast %scan3A_506 : i32 to index
      %swap3A_744 = arith.constant 16 : index
      %swap3A_745 = tpu.vector_load %arg10[%swap3A_743, %swap3A_744] {strides = array<i32>} : memref<64x32xf32, #tpu.memory_space<vmem>>, vector<16xf32>,
      tpu.vector_store %arg10[%swap3A_743, %swap3A_744], %add3A_740 {strides = array<i32>} : memref<64x32xf32, #tpu.memory_space<vmem>>, vector<16xf32>,
      %scan3A_746 = arith.constant 0 : i32
      scf.yield %scan3A_746 : i32
    }
    %scan3A_483 = arith.constant 64 : i32
    %add3A_484 = arith.constant 12 : i32
    %add3A_485 = arith.addi %mul3A_0, %add3A_484 : i32
    %mul3A_486 = arith.constant 1024 : i32
    %mul3A_487 = arith.muli %arg1, %mul3A_486 : i32
    %add3A_488 = arith.constant 960 : i32
    %add3A_489 = arith.addi %mul3A_487, %add3A_488 : i32
    %mul3A_490 = arith.constant 32 : i32
    %mul3A_491 = arith.muli %add3A_485, %mul3A_490 : i32
    %dma_start3A_492 = tpu.memref_slice %arg4[%add3A_489, %mul3A_491] : memref<16384x832xf32, #tpu.memory_space<hbm>> -> memref<64x32xf32, #tpu.memory_space<hbm>>
    %dma_start3A_493 = tpu.memref_slice %arg4[%add3A_489, %mul3A_491] : memref<16384x832xf32, #tpu.memory_space<hbm>> -> memref<64x32xf32, #tpu.memory_space<hbm>>
    tpu.enqueue_dma source(%arg10 : memref<64x32xf32, #tpu.memory_space<vmem>>) target(%dma_start3A_493 : memref<64x32xf32, #tpu.memory_space<hbm>>) target_semaphore(%arg16 : memref<!tpu.dma_semaphore, #tpu.memory_space<semaphore_mem>>)
    %dma_wait3A_494 = arith.constant 0 : i32
    %dma_wait3A_495 = arith.constant 0 : i32
    %dma_wait3A_496 = tpu.memref_slice %arg4[%dma_wait3A_494, %dma_wait3A_495] : memref<16384x832xf32, #tpu.memory_space<hbm>> -> memref<64x32xf32, #tpu.memory_space<hbm>>
    %dma_wait3A_497 = arith.constant 0 : i32
    %dma_wait3A_498 = arith.constant 0 : i32
    %dma_wait3A_499 = tpu.memref_slice %arg4[%dma_wait3A_497, %dma_wait3A_498] : memref<16384x832xf32, #tpu.memory_space<hbm>> -> memref<64x32xf32, #tpu.memory_space<hbm>>
    tpu.wait_dma2 semaphore(%arg15 : memref<!tpu.dma_semaphore, #tpu.memory_space<semaphore_mem>>) src(%dma_wait3A_499 : memref<64x32xf32, #tpu.memory_space<hbm>>) dst(%arg9 : memref<64x32xf32, #tpu.memory_space<vmem>>)
    %dma_wait3A_500 = arith.constant 0 : i32
    %dma_wait3A_501 = arith.constant 0 : i32
    %dma_wait3A_502 = tpu.memref_slice %arg4[%dma_wait3A_500, %dma_wait3A_501] : memref<16384x832xf32, #tpu.memory_space<hbm>> -> memref<64x32xf32, #tpu.memory_space<hbm>>
    %dma_wait3A_503 = arith.constant 0 : i32
    %dma_wait3A_504 = arith.constant 0 : i32
    %dma_wait3A_505 = tpu.memref_slice %arg4[%dma_wait3A_503, %dma_wait3A_504] : memref<16384x832xf32, #tpu.memory_space<hbm>> -> memref<64x32xf32, #tpu.memory_space<hbm>>
    tpu.wait_dma2 semaphore(%arg16 : memref<!tpu.dma_semaphore, #tpu.memory_space<semaphore_mem>>) src(%dma_wait3A_505 : memref<64x32xf32, #tpu.memory_space<hbm>>) dst(%arg10 : memref<64x32xf32, #tpu.memory_space<vmem>>)
    return
  }
}

</mosaic_0001>

<sc_bundles>
// kernel: kernel.3.cloned.1.call-start
scs
__scs_entry_jumppad:
0x0: {  	(pc) =	sbr.rel $0x88, $3  }
0x1: {  	(tag) =	ssettag $0x0;
	lr =	simm.s32 $0x1  }
0x2: {  	[smem:$0x3F9F] =	sst lr;
	_ =	strace $0xD0000000  }
0x3: {  	_ = 	snop  }
0x4: {  	_ = 	snop  }
0x5: {  	_ = 	snop  }
0x6: {  	_ = 	snop  }
0x7: {  	_ = 	snop  }
__scs_overlays_trampoline_lowered:
0x8: {  	[smem:$0x3FAE] =	sst s0  }
0x9: {  	[smem:$0x3FAF] =	sst s1  }
0xa: {  	[smem:$0x3FB0] =	sst s2  }
0xb: {  	[smem:$0x3FB1] =	sst s3  }
0xc: {  	[smem:$0x3FB2] =	sst s4  }
0xd: {  	[smem:$0x3FB3] =	sst s5  }
0xe: {  	[smem:$0x3FB4] =	sst s6  }
0xf: {  	[smem:$0x3FB5] =	sst s7  }
0x10: {  	[smem:$0x3FB6] =	sst s8  }
0x11: {  	[smem:$0x3FB7] =	sst s9;
	s0 =	simm.s32 @!p0 $0x0  }
0x12: {  	s1 =	sld [smem:$0x3F9D];
	s0 =	simm.s32 @p0 $0x1  }
0x13: {  	[smem:$0x3FB8] =	sst s0;
	s0 =	simm.s32 @!p1 $0x0  }
0x14: {  	s2 =	sld [smem:$0x3F9C];
	s0 =	simm.s32 @p1 $0x1  }
0x15: {  	[smem:$0x3FB9] =	sst s0;
	s0 =	simm.s32 @!p2 $0x0  }
0x16: {  	s3 =	sld [smem:$0x3FDB];
	s0 =	simm.s32 @p2 $0x1  }
0x17: {  	s4 =	simm.s32 $0x1BF5;
	[smem:$0x3FBB] =	sst s0  }
0x18: {  	s0 =	sld [smem:$0x3F9E];
	_ =	swait.ge [sflag:s4], $0x0  }
0x19: {  	s7 =	sld [smem:$0x3F9F]  }
0x1a: {  	s8 =	sadd.s32 $0xFFFFE003, lr  }
0x1b: {  	s9 =	sadd.s32 $0xFFFFFEF7, lr;
	s5 =	simm.s32 $0xFFFFFFFF;
	p2 =	slt.u32 s8, $0xFFFFF086  }
0x1c: {  	p1 =	slt.u32 s9, $0xF7A;
	s5 =	simm.s32 @!p2 $0x0  }
0x1d: {  	s5 =	simm.s32 @p1 $0x1;
	p0 =	seq.s32 s7, s2  }
0x1e: {  	s7 =	smul.u32 @!p0 $0xF7A, s2;
	p2 =	seq.s32 @!p0 s5, $0x0  }
0x1f: {  	s9 =	smul.u32 $0xF7A, s1;
	s8 =	simm.s32 @!p0 $0x1BF5;
	p2 =	por !p2, p0  }
0x20: {  	[sflag:s8] =	ssyncset.s32 @!p0 $0xFFFFF086;
	s6 =	sadd.s32 @!p0 s3, s7;
	s7 =	simm.s32 @!p0 $0x108  }
0x21: {  	s3 =	sadd.s32 s3, s9;
	s6 =	sadd.s32 @!p0 $0x88, s6;
	s7 =	simm.s32 @p2 $0x1082  }
0x22: {  	[simem:s7], [sflag:s8] =	dma.local @!p0 [hbm:s6], $0xF7A  }
0x23: {  	s9 =	sor.u32 $0xD0000000, s2;
	s6 =	simm.s32 $0x108;
	_ =	swait.ge @!p0 [sflag:s8], $0x0  }
0x24: {  	s3 =	sadd.s32 $0x88, s3;
	s6 =	simm.s32 @!p1 $0x1082;
	[sflag:s4] =	ssyncset.s32 $0xFFFFF086  }
0x25: {  	[simem:s6], [sflag:s4] =	dma.local [hbm:s3], $0xF7A  }
0x26: {  	[smem:$0x3F9F] =	sst s1;
	(tag) =	ssettag s2;
	_ =	strace s9  }
0x27: {  	s1 =	sld [smem:$0x3FAF]  }
0x28: {  	s2 =	sld [smem:$0x3FB0]  }
0x29: {  	s4 =	sld [smem:$0x3FB2]  }
0x2a: {  	p0 =	seq.s32 s5, $0x0;
	s5 =	sld [smem:$0x3FB3]  }
0x2b: {  	s6 =	sld [smem:$0x3FB4]  }
0x2c: {  	s7 =	sld [smem:$0x3FB5]  }
0x2d: {  	s3 =	simm.s32 $0x108;
	s8 =	sld [smem:$0x3FB6]  }
0x2e: {  	s3 =	simm.s32 @!p0 $0x1082;
	s9 =	sld [smem:$0x3FB7]  }
0x2f: {  	lr =	sadd.s32 s0, s3;
	s0 =	sld [smem:$0x3FAE]  }
0x30: {  	s3 =	sld [smem:$0x3FB1]  }
0x31: {  	[smem:$0x3FBA] =	sst s10  }
0x32: {  	s10 =	sld [smem:$0x3FB8];
	_ =	sdelay $0x3  }
0x33: {  	p0 =	seq.s32 s10, $0x1;
	s10 =	sld [smem:$0x3FBA];
	_ =	sdelay $0x3  }
0x34: {  	[smem:$0x3FBA] =	sst s10  }
0x35: {  	s10 =	sld [smem:$0x3FB9];
	_ =	sdelay $0x3  }
0x36: {  	p1 =	seq.s32 s10, $0x1;
	s10 =	sld [smem:$0x3FBA];
	_ =	sdelay $0x3  }
0x37: {  	[smem:$0x3FBA] =	sst s10  }
0x38: {  	s10 =	sld [smem:$0x3FBB]  }
0x39: {  	_ = 	snop;
	(pc) =	sbr.ind lr, $3  }
0x3a: {  	_ = 	snop  }
0x3b: {  	_ = 	snop  }
0x3c: {  	p2 =	seq.s32 s10, $0x1;
	s10 =	sld [smem:$0x3FBA]  }
0x3d: {  	_ =	shalt  }
0x3e: {  	_ =	shalt  }
0x3f: {  	_ =	shalt  }
0x40: {  	_ =	shalt  }
0x41: {  	_ =	shalt  }
0x42: {  	_ =	shalt  }
0x43: {  	_ =	shalt  }
0x44: {  	_ =	shalt  }
0x45: {  	_ =	shalt  }
0x46: {  	_ =	shalt  }
0x47: {  	_ =	shalt  }
0x48: {  	_ =	shalt  }
0x49: {  	_ =	shalt  }
0x4a: {  	_ =	shalt  }
0x4b: {  	_ =	shalt  }
0x4c: {  	_ =	shalt  }
0x4d: {  	_ =	shalt  }
0x4e: {  	_ =	shalt  }
0x4f: {  	_ =	shalt  }
0x50: {  	_ =	shalt  }
0x51: {  	_ =	shalt  }
0x52: {  	_ =	shalt  }
0x53: {  	_ =	shalt  }
0x54: {  	_ =	shalt  }
0x55: {  	_ =	shalt  }
0x56: {  	_ =	shalt  }
0x57: {  	_ =	shalt  }
0x58: {  	_ =	shalt  }
0x59: {  	_ =	shalt  }
0x5a: {  	_ =	shalt  }
0x5b: {  	_ =	shalt  }
0x5c: {  	_ =	shalt  }
0x5d: {  	_ =	shalt  }
0x5e: {  	_ =	shalt  }
0x5f: {  	_ =	shalt  }
0x60: {  	_ =	shalt  }
0x61: {  	_ =	shalt  }
0x62: {  	_ =	shalt  }
0x63: {  	_ =	shalt  }
0x64: {  	_ =	shalt  }
0x65: {  	_ =	shalt  }
0x66: {  	_ =	shalt  }
0x67: {  	_ =	shalt  }
0x68: {  	_ =	shalt  }
0x69: {  	_ =	shalt  }
0x6a: {  	_ =	shalt  }
0x6b: {  	_ =	shalt  }
0x6c: {  	_ =	shalt  }
0x6d: {  	_ =	shalt  }
0x6e: {  	_ =	shalt  }
0x6f: {  	_ =	shalt  }
0x70: {  	_ =	shalt  }
0x71: {  	_ =	shalt  }
0x72: {  	_ =	shalt  }
0x73: {  	_ =	shalt  }
0x74: {  	_ =	shalt  }
0x75: {  	_ =	shalt  }
0x76: {  	_ =	shalt  }
0x77: {  	_ =	shalt  }
0x78: {  	_ =	shalt  }
0x79: {  	_ =	shalt  }
0x7a: {  	_ =	shalt  }
0x7b: {  	_ =	shalt  }
0x7c: {  	_ =	shalt  }
0x7d: {  	_ =	shalt  }
0x7e: {  	_ =	shalt  }
0x7f: {  	_ =	shalt  }
0x80: {  	_ =	shalt  }
0x81: {  	_ =	shalt  }
0x82: {  	_ =	shalt  }
0x83: {  	_ =	shalt  }
0x84: {  	_ =	shalt  }
0x85: {  	_ =	shalt  }
0x86: {  	_ =	shalt  }
0x87: {  	_ =	shalt  }
.Lfunc_end0:
.L_simem_size_0:
called_computation.1_lowered:
.L_overlay_start_0:
0x88: {  	s2 =	sld [smem:$0x3FD9]  }
0x89: {  	s3 =	sld [smem:$0x3FFE];
	_ =	sdelay $0x1  }
0x8a: {  	s1 =	srdreg.scid  }
0x8b: {  	s0 =	sand.u32 $0x1, s1  }
0x8c: {  	s17 =	sshll.u32 s0, $0xA;
	s2 =	sadd.s32 s3, s2  }
0x8d: {  	s2 =	sadd.s32 s2, s17  }
0x8e: {  	[smem:$0x3FC6] =	sst s2  }
0x8f: {  	_ = 	snop  }
0x90: {  	s2 =	sld [smem:$0x3FD0];
	(tm) =	ssettm $0x1  }
0x91: {  	s18 =	sld [smem:$0x3FFB];
	_ =	sdelay $0x3  }
0x92: {  	_ =	strace s18  }
0x93: {  	s3 =	sld [smem:$0x3FFC];
	_ =	sdelay $0x3  }
0x94: {  	_ =	strace s3  }
0x95: {  	s3 =	sld [smem:$0x3FFD];
	_ =	sdelay $0x3  }
0x96: {  	_ =	strace s3  }
0x97: {  	_ =	strace $0x8FFFFFFF  }
0x98: {  	s19 =	sld [smem:$0x3FDB];
	_ =	sdelay $0x1  }
0x99: {  	s4 =	simm.s32 $_scs_section_size  }
0x9a: {  	s5 =	simm.s32 $_size__tile_overlayer_lowered;
	s6 =	simm.s32 $_tile_overlayer_lowered  }
0x9b: {  	s22 =	simm.s32 $0x1BFF;
	s21 =	sshll.u32 s6, $0x1;
	s3 =	sadd.s32 s4, s19  }
0x9c: {  	s7 =	simm.s32 $0x0;
	s20 =	sshll.u32 s5, $0x1;
	s5 =	sadd.s32 s21, s3  }
0x9d: {  	[timem:s7], [sflag:s22] =	dma.local [hbm:s5], s20  }
0x9e: {  	_ =	swait.ge [sflag:s22], s20  }
0x9f: {  	s4 =	ssub.s32 $0x0, s20;
	[sflag:s22] =	ssyncset.done $0x0  }
0xa0: {  	[sflag:s22] =	ssyncadd.s32 s4;
	_ =	sdelay $0x1  }
0xa1: {  	s23 =	simm.s32 $0x1B8B  }
0xa2: {  	_ =	swait.ge [sflag:s23], $0x1  }
0xa3: {  	[sflag:s23] =	ssyncset.done $0x0  }
0xa4: {  	s25 =	simm.s32 $0x1B8E;
	s24 =	sld [smem:$0x3FFE];
	[sflag:s23] =	ssyncadd.s32 $0xFFFFFFFF  }
0xa5: {  	s26 =	simm.s32 $execute0_lowered;
	[smem:$0x3FD2] =	sst s25  }
0xa6: {  	s5 =	sshll.u32 s26, $0x1;
	_ =	strace $0x80000046;
	[dreg:$0x1] =	wrdreg $0xFFFFFFFF  }
0xa7: {  	s28 =	simm.s32 $_size_execute0_lowered;
	s3 =	sadd.s32 s3, s5;
	[dreg:$0x0] =	wrdreg $0x0  }
0xa8: {  	s5 =	sshll.u32 s28, $0x1;
	[dreg:$0x2] =	wrdreg s3  }
0xa9: {  	[dreg:$0x3] =	wrdreg s5  }
0xaa: {  	[dreg:$0x4] =	wrdreg $0xC0  }
0xab: {  	_ =	task [dreg:s7], $0x5FFFF  }
0xac: {  	[dreg:$0x1] =	wrdreg $0xFFFFFFFF  }
0xad: {  	[dreg:$0x0] =	wrdreg $0x60  }
0xae: {  	[dreg:$0x2] =	wrdreg s24  }
0xaf: {  	[dreg:$0x3] =	wrdreg s2  }
0xb0: {  	[dreg:$0x4] =	wrdreg $0x9  }
0xb1: {  	_ =	task.clear_ibuf [dreg:s7], $0x5FFFF;
	_ =	strace $0x90000046  }
0xb2: {  	s29 =	simm.s32 $0x9;
	_ =	strace $0x80000048  }
0xb3: {  	_ =	swait.ge [sflag:s29], $0x1  }
0xb4: {  	[sflag:s29] =	ssyncadd.s32 $0xFFFFFFFF  }
0xb5: {  	_ =	strace $0x90000048  }
0xb6: {  	_ =	sfence  }
0xb7: {  	s30 =	sld [smem:$0x0];
	_ =	sdelay $0x2  }
0xb8: {  	s31 =	sshll.u32 s1, $0xD;
	s1 =	sshrl.u32 s1, $0x2  }
0xb9: {  	s3 =	sand.u32 $0x4000, s31;
	s1 =	sadd.s32 s1, s30  }
0xba: {  	s0 =	sor.u32 s3, s0;
	s1 =	sshll.u32 s1, $0x11  }
0xbb: {  	s0 =	sor.u32 s1, s0  }
0xbc: {  	s0 =	sadd.s32 $0x8F2B, s0  }
0xbd: {  	[sflag:s0] =	ssyncadd.remote.s32 $0x1  }
0xbe: {  	_ =	sfence.sel $0xFFFF  }
0xbf: {  	[dreg:$0x0] =	wrdreg $0xFFFFFFFF;
	(pc) =	sbr.abs _section_cstart, $3  }
0xc0: {  	[dreg:$0x1] =	wrdreg $0xFFFFFFFF  }
0xc1: {  	_ =	task.clear_ibuf [dreg:s7], $0x2FFFF;
	_ =	strace $0x9FFFFFFF  }
0xc2: {  	(tm) =	ssettm $0x7FFFFFFF  }
0xc3: {  	_ =	shalt  }
tec
execute0_lowered:
.L_overlay_start_1:
0x0: {  	(tag) =	ssettag $0x1  }
0x1: {  	s0 =	rddreg [dreg:$0x0]  }
0x2: {  	s14 =	rddreg [dreg:$0x1];
	s1 =	srdreg.scid  }
0x3: {  	s3 =	simm.s32 $0x0;
	s10 =	stileid.u32;
	s1 =	sand.u32 $0x1, s1  }
0x4: {  	[smem:$0x7FF] =	sst s3;
	s2 =	smul.u32 $0x410000, s1  }
0x5: {  	s4 =	sshll.u32 s10, $0xA;
	s6 =	sadd.s32 $0x27ACC00, s0;
	s7 =	ssub.s32 $0x2, s1  }
0x6: {  	s9 =	sadd.s32 $0x1000, s0;
	s8 =	sshrl.u32 s7, $0x1;
	s2 =	sor.u32 s4, s2  }
0x7: {  	s8 =	ssub.s32 s7, s8;
	s7 =	smul.u32 $0xD, s1;
	s2 =	sshrl.u32 s2, $0x3  }
0x8: {  	s12 =	sadd.s32 $0x2000, s0;
	s1 =	smul.u32 $0x4F5880, s1;
	s11 =	sadd.s32 s2, s9  }
0x9: {  	_ =	strace $0x80000047;
	s22 =	sadd.s32 s2, s12;
	[dreg:$0x4] =	wrdreg s11  }
0xa: {  	s5 =	sadd.s32 $0x800, s0;
	s1 =	sadd.s32 s6, s1;
	[dreg:$0x6] =	wrdreg s22  }
0xb: {  	s15 =	sadd.s32 s5, s2;
	[dreg:$0xd] =	wrdreg s1  }
0xc: {  	s24 =	sadd.s32 $0x2000, s15;
	[dreg:$0x3] =	wrdreg s15  }
0xd: {  	s23 =	sor.u32 $0x8, s2;
	s25 =	sadd.s32 $0x2800, s15;
	[dreg:$0x7] =	wrdreg s24  }
0xe: {  	s26 =	sadd.s32 s5, s23;
	[dreg:$0x8] =	wrdreg s25  }
0xf: {  	s29 =	sadd.s32 $0xC, s7;
	s28 =	sadd.s32 s23, s9;
	[dreg:$0x9] =	wrdreg s26  }
0x10: {  	s11 =	sadd.s32 $0x1800, s0;
	s0 =	sadd.s32 s23, s12;
	[dreg:$0xa] =	wrdreg s28  }
0x11: {  	s30 =	sshll.u32 s29, $0x5;
	s22 =	sadd.s32 $0x3000, s15;
	[dreg:$0xc] =	wrdreg s0  }
0x12: {  	s31 =	smul.u32 $0x61A80, s29;
	s29 =	sadd.s32 $0x6000, s15;
	[dreg:$0x12] =	wrdreg s22  }
0x13: {  	s1 =	sadd.s32 $0x7800, s15;
	[dreg:$0x18] =	wrdreg s29  }
0x14: {  	s21 =	sadd.s32 s2, s11;
	[dreg:$0x1b] =	wrdreg s1  }
0x15: {  	s13 =	sadd.s32 s23, s11;
	[dreg:$0x5] =	wrdreg s21  }
0x16: {  	s23 =	sadd.s32 $0x3800, s15;
	[dreg:$0xb] =	wrdreg s13  }
0x17: {  	s24 =	sadd.s32 $0x4000, s15;
	[dreg:$0x13] =	wrdreg s23  }
0x18: {  	s25 =	sadd.s32 $0x4800, s15;
	[dreg:$0x14] =	wrdreg s24  }
0x19: {  	s10 =	smul.u32 $0xD0000, s10;
	s26 =	sadd.s32 $0x5000, s15;
	[dreg:$0x15] =	wrdreg s25  }
0x1a: {  	s28 =	sadd.s32 $0x5800, s15;
	[dreg:$0x16] =	wrdreg s26  }
0x1b: {  	s16 =	sor.u32 s30, s10;
	s30 =	sadd.s32 $0x6800, s15;
	[dreg:$0x17] =	wrdreg s28  }
0x1c: {  	s10 =	sadd.s32 $0x9000, s15;
	[dreg:$0x19] =	wrdreg s30  }
0x1d: {  	s22 =	sadd.s32 $0x5808, s15;
	[dreg:$0x1e] =	wrdreg s10  }
0x1e: {  	s29 =	sadd.s32 $0x8808, s15;
	[smem:$0x7F5] =	sst s22  }
0x1f: {  	s0 =	sadd.s32 s6, s31;
	[smem:$0x7FB] =	sst s29  }
0x20: {  	s21 =	smax.u32 s8, $0x1;
	[dreg:$0xe] =	wrdreg s0  }
0x21: {  	s31 =	sadd.s32 $0x7000, s15;
	[dreg:$0x11] =	wrdreg s21  }
0x22: {  	s8 =	sadd.s32 $0x8800, s15;
	[dreg:$0x1a] =	wrdreg s31  }
0x23: {  	s17 =	sadd.s32 $0xB6000, s16;
	s13 =	sadd.s32 $0x9800, s15;
	[dreg:$0x1d] =	wrdreg s8  }
0x24: {  	s2 =	sadd.s32 $0xC3000, s16;
	s16 =	sadd.s32 $0x2808, s15;
	[dreg:$0x1f] =	wrdreg s13  }
0x25: {  	s23 =	sadd.s32 $0x6008, s15;
	[smem:$0x7EF] =	sst s16  }
0x26: {  	s24 =	sadd.s32 $0x6808, s15;
	[smem:$0x7F6] =	sst s23  }
0x27: {  	s25 =	sadd.s32 $0x7008, s15;
	[smem:$0x7F7] =	sst s24  }
0x28: {  	s1 =	simm.s32 $0x500;
	s26 =	sadd.s32 $0x7808, s15;
	[smem:$0x7F8] =	sst s25  }
0x29: {  	s28 =	sadd.s32 $0x8008, s15;
	s30 =	sadd.s32 $0x9008, s15;
	[smem:$0x7F9] =	sst s26  }
0x2a: {  	s22 =	simm.s32 $0x2;
	s18 =	sshrl.u32 s17, $0x3;
	[smem:$0x7FA] =	sst s28  }
0x2b: {  	s19 =	sshrl.u32 s2, $0x3;
	s2 =	sadd.s32 $0x8000, s15;
	[smem:$0x7FC] =	sst s30  }
0x2c: {  	s17 =	sadd.s32 $0x3008, s15;
	s21 =	sadd.s32 $0x5008, s15;
	[dreg:$0x1c] =	wrdreg s2  }
0x2d: {  	s31 =	sadd.s32 $0x9808, s15;
	s16 =	simm.s32 $0x14A00;
	[smem:$0x7F0] =	sst s17  }
0x2e: {  	s8 =	simm.s32 $0x980;
	s23 =	simm.s32 $0xAA00;
	[smem:$0x7F4] =	sst s21  }
0x2f: {  	s24 =	simm.s32 $0x5;
	s0 =	sadd.s32 s14, s18;
	[smem:$0x7FD] =	sst s31  }
0x30: {  	s25 =	simm.s32 $0x4;
	s20 =	sadd.s32 s14, s19;
	[dreg:$0xf] =	wrdreg s0  }
0x31: {  	s26 =	simm.s32 $0x6;
	s14 =	sadd.s32 $0x2008, s15;
	[dreg:$0x10] =	wrdreg s20  }
0x32: {  	s18 =	sadd.s32 $0x3808, s15;
	s19 =	sadd.s32 $0x4008, s15;
	[smem:$0x7EE] =	sst s14  }
0x33: {  	s17 =	simm.s32 $0x15200;
	s21 =	simm.s32 $0x3;
	[smem:$0x7F1] =	sst s18  }
0x34: {  	s2 =	simm.s32 $0x0;
	[smem:$0x7F2] =	sst s19;
	s20 =	sadd.s32 $0x4808, s15  }
0x35: {  	s14 =	simm.s32 $0x20;
	s15 =	simm.s32 $0x340;
	s18 =	simm.s32 $0x9C0  }
0x36: {  	s19 =	simm.s32 $0x1;
	[smem:$0x7F3] =	sst s20;
	s20 =	simm.s32 $0xA00  }
.LBB2_1:
0x37: {  	[smem:$0x7ED] =	sst s2  }
0x38: {  	s0 =	rddreg [dreg:$0x1]  }
0x39: {  	[tilespmem:s16], [sflag:$0x5] =	stream.strided.gather [hbm4b:s0+s14], $0x800, s15, s14, $0x38;
	[tilespmem:$0x15A00] =	vst v63  }
0x3a: {  	s31 =	rddreg [dreg:$0x3]  }
0x3b: {  	[tilespmem:s17], [sflag:$0x6] =	stream.strided.gather [hbm4b:s0+s14], $0x800, s15, s14, $0x38;
	[tilespmem:$0x15A00] =	vst v63  }
0x3c: {  	s2 =	rddreg [dreg:$0x4]  }
0x3d: {  	[tilespmem:s3], [sflag:$0x1] =	stream.linear.gather [hbm4b:s31+s3], $0x40, $0x38;
	[tilespmem:$0x15A00] =	vst v63  }
0x3e: {  	s10 =	simm.s32 $0x40;
	s13 =	rddreg [dreg:$0x5]  }
0x3f: {  	[tilespmem:s10], [sflag:$0x1] =	stream.linear.gather [hbm4b:s2+s3], $0x40, $0x38;
	[tilespmem:$0x15A00] =	vst v63  }
0x40: {  	s29 =	simm.s32 $0x80;
	s30 =	rddreg [dreg:$0x6]  }
0x41: {  	[tilespmem:s29], [sflag:$0x1] =	stream.linear.gather [hbm4b:s13+s3], $0x40, $0x38;
	[tilespmem:$0x15A00] =	vst v63  }
0x42: {  	s31 =	simm.s32 $0xC0;
	s2 =	rddreg [dreg:$0x7]  }
0x43: {  	[tilespmem:s31], [sflag:$0x1] =	stream.linear.gather [hbm4b:s30+s3], $0x40, $0x38;
	[tilespmem:$0x15A00] =	vst v63  }
0x44: {  	s10 =	simm.s32 $0x100;
	s13 =	rddreg [dreg:$0x8]  }
0x45: {  	[tilespmem:s10], [sflag:$0x1] =	stream.linear.gather [hbm4b:s2+s3], $0x40, $0x38;
	[tilespmem:$0x15A00] =	vst v63  }
0x46: {  	s29 =	simm.s32 $0x140;
	s30 =	rddreg [dreg:$0x12]  }
0x47: {  	[tilespmem:s29], [sflag:$0x1] =	stream.linear.gather [hbm4b:s13+s3], $0x40, $0x38;
	[tilespmem:$0x15A00] =	vst v63  }
0x48: {  	s31 =	simm.s32 $0x180;
	s2 =	rddreg [dreg:$0x13]  }
0x49: {  	[tilespmem:s31], [sflag:$0x1] =	stream.linear.gather [hbm4b:s30+s3], $0x40, $0x38;
	[tilespmem:$0x15A00] =	vst v63  }
0x4a: {  	s10 =	simm.s32 $0x1C0;
	s13 =	rddreg [dreg:$0x14]  }
0x4b: {  	[tilespmem:s10], [sflag:$0x1] =	stream.linear.gather [hbm4b:s2+s3], $0x40, $0x38;
	[tilespmem:$0x15A00] =	vst v63  }
0x4c: {  	s29 =	simm.s32 $0x200;
	s30 =	rddreg [dreg:$0x15]  }
0x4d: {  	[tilespmem:s29], [sflag:$0x1] =	stream.linear.gather [hbm4b:s13+s3], $0x40, $0x38;
	[tilespmem:$0x15A00] =	vst v63  }
0x4e: {  	s31 =	simm.s32 $0x240;
	s2 =	rddreg [dreg:$0x16]  }
0x4f: {  	[tilespmem:s31], [sflag:$0x1] =	stream.linear.gather [hbm4b:s30+s3], $0x40, $0x38;
	[tilespmem:$0x15A00] =	vst v63  }
0x50: {  	s10 =	simm.s32 $0x280;
	s13 =	rddreg [dreg:$0x17]  }
0x51: {  	[tilespmem:s10], [sflag:$0x1] =	stream.linear.gather [hbm4b:s2+s3], $0x40, $0x38;
	[tilespmem:$0x15A00] =	vst v63  }
0x52: {  	s29 =	simm.s32 $0x2C0;
	s30 =	rddreg [dreg:$0x18]  }
0x53: {  	[tilespmem:s29], [sflag:$0x1] =	stream.linear.gather [hbm4b:s13+s3], $0x40, $0x38;
	[tilespmem:$0x15A00] =	vst v63  }
0x54: {  	s31 =	simm.s32 $0x300;
	s10 =	rddreg [dreg:$0x19]  }
0x55: {  	[tilespmem:s31], [sflag:$0x1] =	stream.linear.gather [hbm4b:s30+s3], $0x40, $0x38;
	[tilespmem:$0x15A00] =	vst v63  }
0x56: {  	s2 =	rddreg [dreg:$0x1c]  }
0x57: {  	[tilespmem:s15], [sflag:$0x1] =	stream.linear.gather [hbm4b:s10+s3], $0x40, $0x38;
	[tilespmem:$0x15A00] =	vst v63  }
0x58: {  	s13 =	rddreg [dreg:$0x1a];
	s29 =	simm.s32 $0x380  }
0x59: {  	[tilespmem:s29], [sflag:$0x1] =	stream.linear.gather [hbm4b:s13+s3], $0x40, $0x38;
	[tilespmem:$0x15A00] =	vst v63  }
0x5a: {  	s30 =	rddreg [dreg:$0x1b];
	s31 =	simm.s32 $0x3C0  }
0x5b: {  	[tilespmem:s31], [sflag:$0x1] =	stream.linear.gather [hbm4b:s30+s3], $0x40, $0x38;
	[tilespmem:$0x15A00] =	vst v63  }
0x5c: {  	s10 =	simm.s32 $0x400;
	s13 =	rddreg [dreg:$0x1d]  }
0x5d: {  	[tilespmem:s10], [sflag:$0x1] =	stream.linear.gather [hbm4b:s2+s3], $0x40, $0x38;
	[tilespmem:$0x15A00] =	vst v63  }
0x5e: {  	s29 =	simm.s32 $0x440;
	s30 =	rddreg [dreg:$0x1e]  }
0x5f: {  	[tilespmem:s29], [sflag:$0x1] =	stream.linear.gather [hbm4b:s13+s3], $0x40, $0x38;
	[tilespmem:$0x15A00] =	vst v63  }
0x60: {  	s31 =	simm.s32 $0x480;
	s10 =	rddreg [dreg:$0x1f]  }
0x61: {  	[tilespmem:s31], [sflag:$0x1] =	stream.linear.gather [hbm4b:s30+s3], $0x40, $0x38;
	[tilespmem:$0x15A00] =	vst v63  }
0x62: {  	s2 =	rddreg [dreg:$0xb];
	s13 =	simm.s32 $0x4C0  }
0x63: {  	[tilespmem:s13], [sflag:$0x1] =	stream.linear.gather [hbm4b:s10+s3], $0x40, $0x38;
	[tilespmem:$0x15A00] =	vst v63  }
0x64: {  	s29 =	rddreg [dreg:$0x9]  }
0x65: {  	[tilespmem:s1], [sflag:$0x2] =	stream.linear.gather [hbm4b:s29+s3], $0x40, $0x38;
	[tilespmem:$0x15A00] =	vst v63  }
0x66: {  	s30 =	rddreg [dreg:$0xa];
	s31 =	simm.s32 $0x540  }
0x67: {  	[tilespmem:s31], [sflag:$0x2] =	stream.linear.gather [hbm4b:s30+s3], $0x40, $0x38;
	[tilespmem:$0x15A00] =	vst v63  }
0x68: {  	s10 =	simm.s32 $0x580;
	s13 =	rddreg [dreg:$0xc]  }
0x69: {  	[tilespmem:s10], [sflag:$0x2] =	stream.linear.gather [hbm4b:s2+s3], $0x40, $0x38;
	[tilespmem:$0x15A00] =	vst v63  }
0x6a: {  	s29 =	simm.s32 $0x5C0;
	s30 =	sld [smem:$0x7EE]  }
0x6b: {  	[tilespmem:s29], [sflag:$0x2] =	stream.linear.gather [hbm4b:s13+s3], $0x40, $0x38;
	[tilespmem:$0x15A00] =	vst v63  }
0x6c: {  	s31 =	simm.s32 $0x600;
	s2 =	sld [smem:$0x7EF]  }
0x6d: {  	[tilespmem:s31], [sflag:$0x2] =	stream.linear.gather [hbm4b:s30+s3], $0x40, $0x38;
	[tilespmem:$0x15A00] =	vst v63  }
0x6e: {  	s10 =	simm.s32 $0x640;
	s13 =	sld [smem:$0x7F0]  }
0x6f: {  	[tilespmem:s10], [sflag:$0x2] =	stream.linear.gather [hbm4b:s2+s3], $0x40, $0x38;
	[tilespmem:$0x15A00] =	vst v63  }
0x70: {  	s29 =	simm.s32 $0x680;
	s30 =	sld [smem:$0x7F1]  }
0x71: {  	[tilespmem:s29], [sflag:$0x2] =	stream.linear.gather [hbm4b:s13+s3], $0x40, $0x38;
	[tilespmem:$0x15A00] =	vst v63  }
0x72: {  	s31 =	simm.s32 $0x6C0;
	s2 =	sld [smem:$0x7F2]  }
0x73: {  	[tilespmem:s31], [sflag:$0x2] =	stream.linear.gather [hbm4b:s30+s3], $0x40, $0x38;
	[tilespmem:$0x15A00] =	vst v63  }
0x74: {  	s10 =	simm.s32 $0x700;
	s13 =	sld [smem:$0x7F3]  }
0x75: {  	[tilespmem:s10], [sflag:$0x2] =	stream.linear.gather [hbm4b:s2+s3], $0x40, $0x38;
	[tilespmem:$0x15A00] =	vst v63  }
0x76: {  	s29 =	simm.s32 $0x740;
	s30 =	sld [smem:$0x7F4]  }
0x77: {  	[tilespmem:s29], [sflag:$0x2] =	stream.linear.gather [hbm4b:s13+s3], $0x40, $0x38;
	[tilespmem:$0x15A00] =	vst v63  }
0x78: {  	s31 =	simm.s32 $0x780;
	s2 =	sld [smem:$0x7F5]  }
0x79: {  	[tilespmem:s31], [sflag:$0x2] =	stream.linear.gather [hbm4b:s30+s3], $0x40, $0x38;
	[tilespmem:$0x15A00] =	vst v63  }
0x7a: {  	s10 =	simm.s32 $0x7C0;
	s13 =	sld [smem:$0x7F6]  }
0x7b: {  	[tilespmem:s10], [sflag:$0x2] =	stream.linear.gather [hbm4b:s2+s3], $0x40, $0x38;
	[tilespmem:$0x15A00] =	vst v63  }
0x7c: {  	s29 =	simm.s32 $0x800;
	s30 =	sld [smem:$0x7F7]  }
0x7d: {  	[tilespmem:s29], [sflag:$0x2] =	stream.linear.gather [hbm4b:s13+s3], $0x40, $0x38;
	[tilespmem:$0x15A00] =	vst v63  }
0x7e: {  	s31 =	simm.s32 $0x840;
	s2 =	sld [smem:$0x7F8]  }
0x7f: {  	[tilespmem:s31], [sflag:$0x2] =	stream.linear.gather [hbm4b:s30+s3], $0x40, $0x38;
	[tilespmem:$0x15A00] =	vst v63  }
0x80: {  	s10 =	simm.s32 $0x880;
	s13 =	sld [smem:$0x7F9]  }
0x81: {  	[tilespmem:s10], [sflag:$0x2] =	stream.linear.gather [hbm4b:s2+s3], $0x40, $0x38;
	[tilespmem:$0x15A00] =	vst v63  }
0x82: {  	s29 =	simm.s32 $0x8C0;
	s30 =	sld [smem:$0x7FA]  }
0x83: {  	[tilespmem:s29], [sflag:$0x2] =	stream.linear.gather [hbm4b:s13+s3], $0x40, $0x38;
	[tilespmem:$0x15A00] =	vst v63  }
0x84: {  	s31 =	simm.s32 $0x900;
	s10 =	sld [smem:$0x7FB]  }
0x85: {  	[tilespmem:s31], [sflag:$0x2] =	stream.linear.gather [hbm4b:s30+s3], $0x40, $0x38;
	[tilespmem:$0x15A00] =	vst v63  }
0x86: {  	s13 =	simm.s32 $0x940;
	s29 =	sld [smem:$0x7FC]  }
0x87: {  	[tilespmem:s13], [sflag:$0x2] =	stream.linear.gather [hbm4b:s10+s3], $0x40, $0x38;
	[tilespmem:$0x15A00] =	vst v63  }
0x88: {  	s30 =	sld [smem:$0x7FD]  }
0x89: {  	[tilespmem:s8], [sflag:$0x2] =	stream.linear.gather [hbm4b:s29+s3], $0x40, $0x38;
	[tilespmem:$0x15A00] =	vst v63  }
0x8a: {  	_ = 	snop  }
0x8b: {  	[tilespmem:s18], [sflag:$0x2] =	stream.linear.gather [hbm4b:s30+s3], $0x40, $0x38;
	[tilespmem:$0x15A00] =	vst v63  }
0x8c: {  	_ =	swait.ge [sflag:s19], $0x500  }
0x8d: {  	[sflag:s19] =	ssyncset.done $0x0  }
0x8e: {  	s28 =	simm.s32 $0x0;
	s31 =	rddreg [dreg:$0xd];
	[sflag:s19] =	ssyncadd.s32 $0xFFFFFB00  }
0x8f: {  	[tilespmem:s20], [sflag:$0x3] =	stream.indirect.gather [hbm4b:s31+s1], $0x20, s3, s1, $0xb8;
	[tilespmem:$0x15A00] =	vst v63  }
.LBB2_2:
0x90: {  	s30 =	sshll.u32 s28, $0x1  }
0x91: {  	s0 =	sadd.s32 $0x2, s30  }
0x92: {  	s2 =	sshrl.u32 s0, $0x4  }
0x93: {  	s29 =	sadd.s32 s7, s2  }
0x94: {  	s0 =	sshll.u32 s0, $0x6;
	s2 =	smul.u32 $0x50000, s29  }
0x95: {  	s0 =	sand.u32 $0x380, s0  }
0x96: {  	s0 =	sor.u32 s0, s2  }
0x97: {  	_ =	swait.ge [sflag:s21], $0xA000;
	s0 =	sor.u32 s4, s0  }
0x98: {  	[sflag:s21] =	ssyncset.done $0x0;
	s0 =	sshrl.u32 s0, $0x3  }
0x99: {  	s10 =	simm.s32 $0x0;
	[sflag:s21] =	ssyncadd.s32 $0xFFFF6000;
	s2 =	sadd.s32 s5, s0  }
0x9a: {  	[tilespmem:s10], [sflag:$0x1] =	stream.linear.gather [hbm4b:s2+s10], $0x40, $0x38;
	[tilespmem:$0x15A00] =	vst v63  }
0x9b: {  	s13 =	simm.s32 $0x40;
	s31 =	sadd.s32 s0, s9  }
0x9c: {  	[tilespmem:s13], [sflag:$0x1] =	stream.linear.gather [hbm4b:s31+s10], $0x40, $0x38;
	[tilespmem:$0x15A00] =	vst v63  }
0x9d: {  	s31 =	sadd.s32 s0, s11;
	s13 =	simm.s32 $0x80  }
0x9e: {  	[tilespmem:s13], [sflag:$0x1] =	stream.linear.gather [hbm4b:s31+s10], $0x40, $0x38;
	[tilespmem:$0x15A00] =	vst v63  }
0x9f: {  	s0 =	sadd.s32 s0, s12;
	s13 =	simm.s32 $0xC0  }
0xa0: {  	[tilespmem:s13], [sflag:$0x1] =	stream.linear.gather [hbm4b:s0+s10], $0x40, $0x38;
	[tilespmem:$0x15A00] =	vst v63  }
0xa1: {  	s0 =	sadd.s32 $0x2000, s2;
	s13 =	simm.s32 $0x100  }
0xa2: {  	[tilespmem:s13], [sflag:$0x1] =	stream.linear.gather [hbm4b:s0+s10], $0x40, $0x38;
	[tilespmem:$0x15A00] =	vst v63  }
0xa3: {  	s0 =	sadd.s32 $0x2800, s2;
	s13 =	simm.s32 $0x140  }
0xa4: {  	[tilespmem:s13], [sflag:$0x1] =	stream.linear.gather [hbm4b:s0+s10], $0x40, $0x38;
	[tilespmem:$0x15A00] =	vst v63  }
0xa5: {  	s0 =	sadd.s32 $0x3000, s2;
	s13 =	simm.s32 $0x180  }
0xa6: {  	[tilespmem:s13], [sflag:$0x1] =	stream.linear.gather [hbm4b:s0+s10], $0x40, $0x38;
	[tilespmem:$0x15A00] =	vst v63  }
0xa7: {  	s0 =	sadd.s32 $0x3800, s2;
	s13 =	simm.s32 $0x1C0  }
0xa8: {  	[tilespmem:s13], [sflag:$0x1] =	stream.linear.gather [hbm4b:s0+s10], $0x40, $0x38;
	[tilespmem:$0x15A00] =	vst v63  }
0xa9: {  	s0 =	sadd.s32 $0x4000, s2;
	s13 =	simm.s32 $0x200  }
0xaa: {  	[tilespmem:s13], [sflag:$0x1] =	stream.linear.gather [hbm4b:s0+s10], $0x40, $0x38;
	[tilespmem:$0x15A00] =	vst v63  }
0xab: {  	s0 =	sadd.s32 $0x4800, s2;
	s13 =	simm.s32 $0x240  }
0xac: {  	[tilespmem:s13], [sflag:$0x1] =	stream.linear.gather [hbm4b:s0+s10], $0x40, $0x38;
	[tilespmem:$0x15A00] =	vst v63  }
0xad: {  	s0 =	sadd.s32 $0x5000, s2;
	s13 =	simm.s32 $0x280  }
0xae: {  	[tilespmem:s13], [sflag:$0x1] =	stream.linear.gather [hbm4b:s0+s10], $0x40, $0x38;
	[tilespmem:$0x15A00] =	vst v63  }
0xaf: {  	s0 =	sadd.s32 $0x5800, s2;
	s13 =	simm.s32 $0x2C0  }
0xb0: {  	[tilespmem:s13], [sflag:$0x1] =	stream.linear.gather [hbm4b:s0+s10], $0x40, $0x38;
	[tilespmem:$0x15A00] =	vst v63  }
0xb1: {  	s0 =	sadd.s32 $0x6000, s2;
	s13 =	simm.s32 $0x300  }
0xb2: {  	[tilespmem:s13], [sflag:$0x1] =	stream.linear.gather [hbm4b:s0+s10], $0x40, $0x38;
	[tilespmem:$0x15A00] =	vst v63  }
0xb3: {  	s13 =	sadd.s32 $0x6800, s2  }
0xb4: {  	[tilespmem:s15], [sflag:$0x1] =	stream.linear.gather [hbm4b:s13+s10], $0x40, $0x38;
	[tilespmem:$0x15A00] =	vst v63  }
0xb5: {  	s0 =	sadd.s32 $0x7000, s2;
	s13 =	simm.s32 $0x380  }
0xb6: {  	[tilespmem:s13], [sflag:$0x1] =	stream.linear.gather [hbm4b:s0+s10], $0x40, $0x38;
	[tilespmem:$0x15A00] =	vst v63  }
0xb7: {  	s0 =	sadd.s32 $0x7800, s2;
	s13 =	simm.s32 $0x3C0  }
0xb8: {  	[tilespmem:s13], [sflag:$0x1] =	stream.linear.gather [hbm4b:s0+s10], $0x40, $0x38;
	[tilespmem:$0x15A00] =	vst v63  }
0xb9: {  	s0 =	sadd.s32 $0x8000, s2;
	s13 =	simm.s32 $0x400  }
0xba: {  	[tilespmem:s13], [sflag:$0x1] =	stream.linear.gather [hbm4b:s0+s10], $0x40, $0x38;
	[tilespmem:$0x15A00] =	vst v63  }
0xbb: {  	s0 =	sadd.s32 $0x8800, s2;
	s13 =	simm.s32 $0x440  }
0xbc: {  	[tilespmem:s13], [sflag:$0x1] =	stream.linear.gather [hbm4b:s0+s10], $0x40, $0x38;
	[tilespmem:$0x15A00] =	vst v63  }
0xbd: {  	s0 =	sadd.s32 $0x9000, s2;
	s13 =	simm.s32 $0x480  }
0xbe: {  	[tilespmem:s13], [sflag:$0x1] =	stream.linear.gather [hbm4b:s0+s10], $0x40, $0x38;
	[tilespmem:$0x15A00] =	vst v63  }
0xbf: {  	s2 =	sadd.s32 $0x9800, s2;
	s13 =	simm.s32 $0x4C0  }
0xc0: {  	[tilespmem:s13], [sflag:$0x1] =	stream.linear.gather [hbm4b:s2+s10], $0x40, $0x38;
	[tilespmem:$0x15A00] =	vst v63  }
0xc1: {  	s13 =	sshrl.u32 s28, $0x3  }
0xc2: {  	s31 =	sadd.s32 s7, s13  }
0xc3: {  	_ =	swait.ge [sflag:s22], $0x500;
	s0 =	smul.u32 $0x61A80, s31  }
0xc4: {  	[sflag:s22] =	ssyncset.done $0x0  }
0xc5: {  	[sflag:s22] =	ssyncadd.s32 $0xFFFFFB00;
	s0 =	sadd.s32 s6, s0  }
0xc6: {  	[tilespmem:s23], [sflag:$0x4] =	stream.indirect.gather [hbm4b:s0+s1], $0x20, s1, s1, $0xb8;
	[tilespmem:$0x15A00] =	vst v63  }
0xc7: {  	_ =	swait.ge [sflag:s24], $0x800  }
0xc8: {  	[sflag:s24] =	ssyncset.done $0x0  }
0xc9: {  	s0 =	simm.s32 $0x0;
	[sflag:s24] =	ssyncadd.s32 $0xFFFFF800  }
0xca: {  	v0 =	vld [tilespmem:s0+$0xA10]  }
0xcb: {  	v1 =	vld [tilespmem:s0+$0x1210]  }
0xcc: {  	v2 =	vld [tilespmem:s0+$0xA00]  }
0xcd: {  	v3 =	vld [tilespmem:s0+$0x1A10]  }
0xce: {  	v4 =	vld [tilespmem:s0+$0x1200]  }
0xcf: {  	v5 =	vld [tilespmem:s0+$0x2210]  }
0xd0: {  	v0 =	vadd.f32 v1, v0;
	v1 =	vld [tilespmem:s0+$0x1A00]  }
0xd1: {  	v6 =	vld [tilespmem:s0+$0x2A10]  }
0xd2: {  	v0 =	vadd.f32 v3, v0;
	v3 =	vld [tilespmem:s0+$0x2200]  }
0xd3: {  	v7 =	vld [tilespmem:s0+$0x3210];
	v2 =	vadd.f32 v4, v2  }
0xd4: {  	v4 =	vld [tilespmem:s0+$0x2A00];
	v0 =	vadd.f32 v5, v0  }
0xd5: {  	v5 =	vld [tilespmem:s0+$0x3A10];
	v1 =	vadd.f32 v1, v2  }
0xd6: {  	v2 =	vld [tilespmem:s0+$0x3200];
	v0 =	vadd.f32 v6, v0  }
0xd7: {  	v6 =	vld [tilespmem:s0+$0x4210];
	v1 =	vadd.f32 v3, v1  }
0xd8: {  	v3 =	vld [tilespmem:s0+$0x3A00];
	v0 =	vadd.f32 v7, v0  }
0xd9: {  	v7 =	vld [tilespmem:s0+$0x4A10];
	v1 =	vadd.f32 v4, v1  }
0xda: {  	v4 =	vld [tilespmem:s0+$0x4200];
	v0 =	vadd.f32 v5, v0  }
0xdb: {  	v5 =	vld [tilespmem:s0+$0x5210];
	v1 =	vadd.f32 v2, v1  }
0xdc: {  	v2 =	vld [tilespmem:s0+$0x4A00];
	v0 =	vadd.f32 v6, v0  }
0xdd: {  	v6 =	vld [tilespmem:s0+$0x5A10];
	v1 =	vadd.f32 v3, v1  }
0xde: {  	v3 =	vld [tilespmem:s0+$0x5200];
	v0 =	vadd.f32 v7, v0  }
0xdf: {  	v7 =	vld [tilespmem:s0+$0x6210];
	v1 =	vadd.f32 v4, v1  }
0xe0: {  	v4 =	vld [tilespmem:s0+$0x5A00];
	v0 =	vadd.f32 v5, v0  }
0xe1: {  	v5 =	vld [tilespmem:s0+$0x6A10];
	v1 =	vadd.f32 v2, v1  }
0xe2: {  	v2 =	vld [tilespmem:s0+$0x6200];
	v0 =	vadd.f32 v6, v0  }
0xe3: {  	v6 =	vld [tilespmem:s0+$0x7210];
	v1 =	vadd.f32 v3, v1  }
0xe4: {  	v3 =	vld [tilespmem:s0+$0x6A00];
	v0 =	vadd.f32 v7, v0  }
0xe5: {  	v7 =	vld [tilespmem:s0+$0x7A10];
	v1 =	vadd.f32 v4, v1  }
0xe6: {  	v4 =	vld [tilespmem:s0+$0x7200];
	v0 =	vadd.f32 v5, v0  }
0xe7: {  	v5 =	vld [tilespmem:s0+$0x8210];
	v1 =	vadd.f32 v2, v1  }
0xe8: {  	v2 =	vld [tilespmem:s0+$0x7A00];
	v0 =	vadd.f32 v6, v0  }
0xe9: {  	v6 =	vld [tilespmem:s0+$0x8A10];
	v1 =	vadd.f32 v3, v1  }
0xea: {  	v0 =	vadd.f32 v7, v0;
	v7 =	vld [tilespmem:s0+$0x8200]  }
0xeb: {  	v8 =	vld [tilespmem:s0+$0x9210];
	v1 =	vadd.f32 v4, v1  }
0xec: {  	v0 =	vadd.f32 v5, v0;
	v5 =	vld [tilespmem:s0+$0x8A00]  }
0xed: {  	v9 =	vld [tilespmem:s0+$0x9A10];
	v1 =	vadd.f32 v2, v1  }
0xee: {  	v2 =	vld [tilespmem:s0+$0x9200];
	v0 =	vadd.f32 v6, v0  }
0xef: {  	v3 =	vld [tilespmem:s0+$0xA210];
	v6 =	vadd.f32 v7, v1  }
0xf0: {  	v4 =	vld [tilespmem:s0+$0x9A00];
	v7 =	vadd.f32 v8, v0  }
0xf1: {  	s2 =	simm.s32 $0x20;
	v1 =	vld [tilespmem:s0+$0xA200];
	v5 =	vadd.f32 v5, v6  }
0xf2: {  	s10 =	simm.s32 $0x100;
	v0 =	vld [tilespmem:s2+$0xA10];
	v6 =	vadd.f32 v9, v7  }
.LBB2_3:
0xf3: {  	p0 =	sne.s32 s10, $0x1F80;
	v7 =	vld [tilespmem:s2+$0x1210];
	v2 =	vadd.f32 v2, v5  }
0xf4: {  	v5 =	vld [tilespmem:s2+$0xA00];
	v3 =	vadd.f32 v3, v6  }
0xf5: {  	v6 =	vld [tilespmem:s2+$0x1A10];
	v2 =	vadd.f32 v4, v2  }
0xf6: {  	v4 =	vld [tilespmem:s2+$0x1200];
	[tilespmem:s0+$0x14A10] =	vst v3  }
0xf7: {  	v3 =	vld [tilespmem:s2+$0x2210];
	v1 =	vadd.f32 v1, v2  }
0xf8: {  	v0 =	vadd.f32 v7, v0;
	v2 =	vld [tilespmem:s2+$0x1A00]  }
0xf9: {  	v7 =	vld [tilespmem:s2+$0x2A10];
	[tilespmem:s0+$0x14A00] =	vst v1;
	s0 =	smov.u32 s2  }
0xfa: {  	v0 =	vadd.f32 v6, v0;
	v1 =	vld [tilespmem:s0+$0x2200]  }
0xfb: {  	v4 =	vadd.f32 v4, v5;
	v5 =	vld [tilespmem:s0+$0x3210]  }
0xfc: {  	v0 =	vadd.f32 v3, v0;
	v3 =	vld [tilespmem:s0+$0x2A00]  }
0xfd: {  	v2 =	vadd.f32 v2, v4;
	v4 =	vld [tilespmem:s0+$0x3A10]  }
0xfe: {  	v0 =	vadd.f32 v7, v0;
	v6 =	vld [tilespmem:s0+$0x3200]  }
0xff: {  	v1 =	vadd.f32 v1, v2;
	v2 =	vld [tilespmem:s0+$0x4210]  }
0x100: {  	v0 =	vadd.f32 v5, v0;
	v5 =	vld [tilespmem:s0+$0x3A00]  }
0x101: {  	v1 =	vadd.f32 v3, v1;
	v3 =	vld [tilespmem:s0+$0x4A10]  }
0x102: {  	v0 =	vadd.f32 v4, v0;
	v4 =	vld [tilespmem:s0+$0x4200]  }
0x103: {  	v1 =	vadd.f32 v6, v1;
	v6 =	vld [tilespmem:s0+$0x5210]  }
0x104: {  	v0 =	vadd.f32 v2, v0;
	v2 =	vld [tilespmem:s0+$0x4A00]  }
0x105: {  	v1 =	vadd.f32 v5, v1;
	v5 =	vld [tilespmem:s0+$0x5A10]  }
0x106: {  	v0 =	vadd.f32 v3, v0;
	v3 =	vld [tilespmem:s0+$0x5200]  }
0x107: {  	v1 =	vadd.f32 v4, v1;
	v4 =	vld [tilespmem:s0+$0x6210]  }
0x108: {  	v0 =	vadd.f32 v6, v0;
	v6 =	vld [tilespmem:s0+$0x5A00]  }
0x109: {  	v1 =	vadd.f32 v2, v1;
	v2 =	vld [tilespmem:s0+$0x6A10]  }
0x10a: {  	v0 =	vadd.f32 v5, v0;
	v5 =	vld [tilespmem:s0+$0x6200]  }
0x10b: {  	v1 =	vadd.f32 v3, v1;
	v3 =	vld [tilespmem:s0+$0x7210]  }
0x10c: {  	v0 =	vadd.f32 v4, v0;
	v4 =	vld [tilespmem:s0+$0x6A00]  }
0x10d: {  	v1 =	vadd.f32 v6, v1;
	v6 =	vld [tilespmem:s0+$0x7A10]  }
0x10e: {  	v0 =	vadd.f32 v2, v0;
	v2 =	vld [tilespmem:s0+$0x7200]  }
0x10f: {  	v1 =	vadd.f32 v5, v1;
	v5 =	vld [tilespmem:s0+$0x8210]  }
0x110: {  	v0 =	vadd.f32 v3, v0;
	v3 =	vld [tilespmem:s0+$0x7A00]  }
0x111: {  	v1 =	vadd.f32 v4, v1;
	v4 =	vld [tilespmem:s0+$0x8A10]  }
0x112: {  	v0 =	vadd.f32 v6, v0;
	v6 =	vld [tilespmem:s0+$0x8200]  }
0x113: {  	v1 =	vadd.f32 v2, v1;
	v7 =	vld [tilespmem:s0+$0x9210]  }
0x114: {  	v0 =	vadd.f32 v5, v0;
	v5 =	vld [tilespmem:s0+$0x8A00]  }
0x115: {  	v1 =	vadd.f32 v3, v1;
	v8 =	vld [tilespmem:s0+$0x9A10]  }
.Ltmp0:
0x116: {  	v0 =	vadd.f32 v4, v0;
	v2 =	vld [tilespmem:s0+$0x9200];
	(pc) =	sbr.rel @p0 .LBB2_3-.Ltmp0, $4  }
0x117: {  	v1 =	vadd.f32 v6, v1;
	v3 =	vld [tilespmem:s0+$0xA210]  }
0x118: {  	v6 =	vadd.f32 v7, v0;
	v4 =	vld [tilespmem:s0+$0x9A00]  }
0x119: {  	s2 =	sshra.s32 s10, $0x2;
	v5 =	vadd.f32 v5, v1;
	v1 =	vld [tilespmem:s0+$0xA200]  }
0x11a: {  	s10 =	sadd.s32 $0x80, s10;
	v0 =	vld [tilespmem:s2+$0xA10];
	v6 =	vadd.f32 v8, v6  }
0x11b: {  	v7 =	vld [tilespmem:s2+$0x1210];
	v2 =	vadd.f32 v2, v5  }
0x11c: {  	v8 =	vld [tilespmem:s2+$0xA00];
	v3 =	vadd.f32 v3, v6  }
0x11d: {  	v5 =	vld [tilespmem:s2+$0x1A10];
	v2 =	vadd.f32 v4, v2  }
0x11e: {  	v6 =	vld [tilespmem:s2+$0x1200];
	[tilespmem:s0+$0x14A10] =	vst v3  }
0x11f: {  	v3 =	vld [tilespmem:s2+$0x2210];
	v1 =	vadd.f32 v1, v2  }
0x120: {  	v2 =	vld [tilespmem:s2+$0x1A00]  }
0x121: {  	v4 =	vld [tilespmem:s2+$0x2A10];
	[tilespmem:s0+$0x14A00] =	vst v1  }
0x122: {  	v0 =	vadd.f32 v7, v0;
	v1 =	vld [tilespmem:s2+$0x2200]  }
0x123: {  	v6 =	vadd.f32 v6, v8  }
0x124: {  	v0 =	vadd.f32 v5, v0;
	v5 =	vld [tilespmem:s2+$0x2A00]  }
0x125: {  	v7 =	vld [tilespmem:s2+$0x3210];
	v2 =	vadd.f32 v2, v6  }
0x126: {  	v0 =	vadd.f32 v3, v0;
	v3 =	vld [tilespmem:s2+$0x3200]  }
0x127: {  	v6 =	vld [tilespmem:s2+$0x3A10];
	v1 =	vadd.f32 v1, v2  }
0x128: {  	v0 =	vadd.f32 v4, v0;
	v2 =	vld [tilespmem:s2+$0x3A00]  }
0x129: {  	v4 =	vld [tilespmem:s2+$0x4210];
	v1 =	vadd.f32 v5, v1  }
0x12a: {  	v0 =	vadd.f32 v7, v0;
	v5 =	vld [tilespmem:s2+$0x4200]  }
0x12b: {  	v7 =	vld [tilespmem:s2+$0x4A10];
	v1 =	vadd.f32 v3, v1  }
0x12c: {  	v0 =	vadd.f32 v6, v0;
	v3 =	vld [tilespmem:s2+$0x4A00]  }
0x12d: {  	v6 =	vld [tilespmem:s2+$0x5210];
	v1 =	vadd.f32 v2, v1  }
0x12e: {  	v0 =	vadd.f32 v4, v0;
	v2 =	vld [tilespmem:s2+$0x5200]  }
0x12f: {  	v4 =	vld [tilespmem:s2+$0x5A10];
	v1 =	vadd.f32 v5, v1  }
0x130: {  	v0 =	vadd.f32 v7, v0;
	v5 =	vld [tilespmem:s2+$0x5A00]  }
0x131: {  	v7 =	vld [tilespmem:s2+$0x6210];
	v1 =	vadd.f32 v3, v1  }
0x132: {  	v0 =	vadd.f32 v6, v0;
	v3 =	vld [tilespmem:s2+$0x6200]  }
0x133: {  	v6 =	vld [tilespmem:s2+$0x6A10];
	v1 =	vadd.f32 v2, v1  }
0x134: {  	v0 =	vadd.f32 v4, v0;
	v2 =	vld [tilespmem:s2+$0x6A00]  }
0x135: {  	v4 =	vld [tilespmem:s2+$0x7210];
	v1 =	vadd.f32 v5, v1  }
0x136: {  	v0 =	vadd.f32 v7, v0;
	v5 =	vld [tilespmem:s2+$0x7200]  }
0x137: {  	v7 =	vld [tilespmem:s2+$0x7A10];
	v1 =	vadd.f32 v3, v1  }
0x138: {  	v0 =	vadd.f32 v6, v0;
	v3 =	vld [tilespmem:s2+$0x7A00]  }
0x139: {  	v6 =	vld [tilespmem:s2+$0x8210];
	v1 =	vadd.f32 v2, v1  }
0x13a: {  	v0 =	vadd.f32 v4, v0;
	v2 =	vld [tilespmem:s2+$0x8200]  }
0x13b: {  	v4 =	vld [tilespmem:s2+$0x8A10];
	v1 =	vadd.f32 v5, v1  }
0x13c: {  	v0 =	vadd.f32 v7, v0;
	v5 =	vld [tilespmem:s2+$0x8A00]  }
0x13d: {  	v7 =	vld [tilespmem:s2+$0x9210];
	v1 =	vadd.f32 v3, v1  }
0x13e: {  	v0 =	vadd.f32 v6, v0;
	v3 =	vld [tilespmem:s2+$0x9200]  }
0x13f: {  	v6 =	vld [tilespmem:s2+$0x9A10];
	v1 =	vadd.f32 v2, v1  }
0x140: {  	v0 =	vadd.f32 v4, v0;
	v2 =	vld [tilespmem:s2+$0x9A00]  }
0x141: {  	s10 =	sshll.u32 s28, $0x7;
	v4 =	vld [tilespmem:s2+$0xA210];
	v1 =	vadd.f32 v5, v1  }
0x142: {  	s0 =	sand.u32 $0x380, s10;
	v0 =	vadd.f32 v7, v0;
	v5 =	vld [tilespmem:s2+$0xA200]  }
0x143: {  	s0 =	sor.u32 s4, s0;
	v1 =	vadd.f32 v3, v1  }
0x144: {  	s0 =	smul.u32 $0x340, s0;
	v0 =	vadd.f32 v6, v0  }
0x145: {  	s10 =	sshll.u32 s31, $0x5;
	v1 =	vadd.f32 v2, v1  }
0x146: {  	s0 =	sadd.s32 s10, s0;
	v0 =	vadd.f32 v4, v0  }
0x147: {  	s13 =	rddreg [dreg:$0x1];
	s10 =	sadd.s32 $0x3, s30;
	s0 =	sshrl.u32 s0, $0x3;
	v1 =	vadd.f32 v5, v1  }
0x148: {  	s31 =	sadd.s32 s13, s0;
	s13 =	sshrl.u32 s10, $0x4;
	[tilespmem:s2+$0x14A10] =	vst v0  }
0x149: {  	s0 =	sshll.u32 s10, $0x6;
	[tilespmem:s2+$0x14A00] =	vst v1;
	s2 =	sadd.s32 s7, s13  }
0x14a: {  	s0 =	sand.u32 $0x3C0, s0;
	s2 =	smul.u32 $0x50000, s2  }
0x14b: {  	[hbm4b:s31+s14] =	stream.strided.scatter [tilespmem:s16], [sflag:$0x5], $0x800, s15, s14, $0x38;
	[tilespmem:$0x15A00] =	vst v63  }
0x14c: {  	s0 =	sor.u32 s0, s2  }
0x14d: {  	_ =	swait.ge [sflag:s25], $0xA000;
	s0 =	sor.u32 s4, s0  }
0x14e: {  	[sflag:s25] =	ssyncset.done $0x0;
	s0 =	sshrl.u32 s0, $0x3  }
0x14f: {  	s10 =	simm.s32 $0x0;
	[sflag:s25] =	ssyncadd.s32 $0xFFFF6000;
	s2 =	sadd.s32 s5, s0  }
0x150: {  	[tilespmem:s1], [sflag:$0x2] =	stream.linear.gather [hbm4b:s2+s10], $0x40, $0x38;
	[tilespmem:$0x15A00] =	vst v63  }
0x151: {  	s13 =	simm.s32 $0x540;
	s30 =	sadd.s32 s0, s9  }
0x152: {  	[tilespmem:s13], [sflag:$0x2] =	stream.linear.gather [hbm4b:s30+s10], $0x40, $0x38;
	[tilespmem:$0x15A00] =	vst v63  }
0x153: {  	s30 =	sadd.s32 s0, s11;
	s13 =	simm.s32 $0x580  }
0x154: {  	[tilespmem:s13], [sflag:$0x2] =	stream.linear.gather [hbm4b:s30+s10], $0x40, $0x38;
	[tilespmem:$0x15A00] =	vst v63  }
0x155: {  	s0 =	sadd.s32 s0, s12;
	s30 =	simm.s32 $0x5C0  }
0x156: {  	[tilespmem:s30], [sflag:$0x2] =	stream.linear.gather [hbm4b:s0+s10], $0x40, $0x38;
	[tilespmem:$0x15A00] =	vst v63  }
0x157: {  	s13 =	sadd.s32 $0x2000, s2;
	s30 =	simm.s32 $0x600  }
0x158: {  	[tilespmem:s30], [sflag:$0x2] =	stream.linear.gather [hbm4b:s13+s10], $0x40, $0x38;
	[tilespmem:$0x15A00] =	vst v63  }
0x159: {  	s13 =	sadd.s32 $0x2800, s2;
	s30 =	simm.s32 $0x640  }
0x15a: {  	[tilespmem:s30], [sflag:$0x2] =	stream.linear.gather [hbm4b:s13+s10], $0x40, $0x38;
	[tilespmem:$0x15A00] =	vst v63  }
0x15b: {  	s13 =	sadd.s32 $0x3000, s2;
	s30 =	simm.s32 $0x680  }
0x15c: {  	[tilespmem:s30], [sflag:$0x2] =	stream.linear.gather [hbm4b:s13+s10], $0x40, $0x38;
	[tilespmem:$0x15A00] =	vst v63  }
0x15d: {  	s13 =	sadd.s32 $0x3800, s2;
	s30 =	simm.s32 $0x6C0  }
0x15e: {  	[tilespmem:s30], [sflag:$0x2] =	stream.linear.gather [hbm4b:s13+s10], $0x40, $0x38;
	[tilespmem:$0x15A00] =	vst v63  }
0x15f: {  	s13 =	sadd.s32 $0x4000, s2;
	s30 =	simm.s32 $0x700  }
0x160: {  	[tilespmem:s30], [sflag:$0x2] =	stream.linear.gather [hbm4b:s13+s10], $0x40, $0x38;
	[tilespmem:$0x15A00] =	vst v63  }
0x161: {  	s13 =	sadd.s32 $0x4800, s2;
	s30 =	simm.s32 $0x740  }
0x162: {  	[tilespmem:s30], [sflag:$0x2] =	stream.linear.gather [hbm4b:s13+s10], $0x40, $0x38;
	[tilespmem:$0x15A00] =	vst v63  }
0x163: {  	s13 =	sadd.s32 $0x5000, s2;
	s30 =	simm.s32 $0x780  }
0x164: {  	[tilespmem:s30], [sflag:$0x2] =	stream.linear.gather [hbm4b:s13+s10], $0x40, $0x38;
	[tilespmem:$0x15A00] =	vst v63  }
0x165: {  	s13 =	sadd.s32 $0x5800, s2;
	s30 =	simm.s32 $0x7C0  }
0x166: {  	[tilespmem:s30], [sflag:$0x2] =	stream.linear.gather [hbm4b:s13+s10], $0x40, $0x38;
	[tilespmem:$0x15A00] =	vst v63  }
0x167: {  	s13 =	sadd.s32 $0x6000, s2;
	s30 =	simm.s32 $0x800  }
0x168: {  	[tilespmem:s30], [sflag:$0x2] =	stream.linear.gather [hbm4b:s13+s10], $0x40, $0x38;
	[tilespmem:$0x15A00] =	vst v63  }
0x169: {  	s13 =	sadd.s32 $0x6800, s2;
	s30 =	simm.s32 $0x840  }
0x16a: {  	[tilespmem:s30], [sflag:$0x2] =	stream.linear.gather [hbm4b:s13+s10], $0x40, $0x38;
	[tilespmem:$0x15A00] =	vst v63  }
0x16b: {  	s13 =	sadd.s32 $0x7000, s2;
	s30 =	simm.s32 $0x880  }
0x16c: {  	[tilespmem:s30], [sflag:$0x2] =	stream.linear.gather [hbm4b:s13+s10], $0x40, $0x38;
	[tilespmem:$0x15A00] =	vst v63  }
0x16d: {  	s13 =	sadd.s32 $0x7800, s2;
	s30 =	simm.s32 $0x8C0  }
0x16e: {  	[tilespmem:s30], [sflag:$0x2] =	stream.linear.gather [hbm4b:s13+s10], $0x40, $0x38;
	[tilespmem:$0x15A00] =	vst v63  }
0x16f: {  	s13 =	sadd.s32 $0x8000, s2;
	s30 =	simm.s32 $0x900  }
0x170: {  	[tilespmem:s30], [sflag:$0x2] =	stream.linear.gather [hbm4b:s13+s10], $0x40, $0x38;
	[tilespmem:$0x15A00] =	vst v63  }
0x171: {  	s13 =	sadd.s32 $0x8800, s2;
	s30 =	simm.s32 $0x940  }
0x172: {  	[tilespmem:s30], [sflag:$0x2] =	stream.linear.gather [hbm4b:s13+s10], $0x40, $0x38;
	[tilespmem:$0x15A00] =	vst v63  }
0x173: {  	s30 =	sadd.s32 $0x9000, s2  }
0x174: {  	[tilespmem:s8], [sflag:$0x2] =	stream.linear.gather [hbm4b:s30+s10], $0x40, $0x38;
	[tilespmem:$0x15A00] =	vst v63  }
0x175: {  	s13 =	sadd.s32 $0x9800, s2  }
0x176: {  	[tilespmem:s18], [sflag:$0x2] =	stream.linear.gather [hbm4b:s13+s10], $0x40, $0x38;
	[tilespmem:$0x15A00] =	vst v63  }
0x177: {  	s30 =	smul.u32 $0x61A80, s29;
	_ =	swait.ge [sflag:s19], $0x500  }
0x178: {  	[sflag:s19] =	ssyncset.done $0x0  }
0x179: {  	s0 =	sadd.s32 s6, s30;
	[sflag:s19] =	ssyncadd.s32 $0xFFFFFB00  }
0x17a: {  	[tilespmem:s20], [sflag:$0x3] =	stream.indirect.gather [hbm4b:s0+s1], $0x20, s10, s1, $0xb8;
	[tilespmem:$0x15A00] =	vst v63  }
0x17b: {  	_ =	swait.ge [sflag:s26], $0x800  }
0x17c: {  	[sflag:s26] =	ssyncset.done $0x0  }
0x17d: {  	s0 =	simm.s32 $0x0;
	[sflag:s26] =	ssyncadd.s32 $0xFFFFF800  }
0x17e: {  	v0 =	vld [tilespmem:s0+$0xAA10]  }
0x17f: {  	v1 =	vld [tilespmem:s0+$0xB210]  }
0x180: {  	v2 =	vld [tilespmem:s0+$0xAA00]  }
0x181: {  	v3 =	vld [tilespmem:s0+$0xBA10]  }
0x182: {  	v4 =	vld [tilespmem:s0+$0xB200]  }
0x183: {  	v5 =	vld [tilespmem:s0+$0xC210]  }
0x184: {  	v0 =	vadd.f32 v1, v0;
	v1 =	vld [tilespmem:s0+$0xBA00]  }
0x185: {  	v6 =	vld [tilespmem:s0+$0xCA10]  }
0x186: {  	v0 =	vadd.f32 v3, v0;
	v3 =	vld [tilespmem:s0+$0xC200]  }
0x187: {  	v7 =	vld [tilespmem:s0+$0xD210];
	v2 =	vadd.f32 v4, v2  }
0x188: {  	v4 =	vld [tilespmem:s0+$0xCA00];
	v0 =	vadd.f32 v5, v0  }
0x189: {  	v5 =	vld [tilespmem:s0+$0xDA10];
	v1 =	vadd.f32 v1, v2  }
0x18a: {  	v2 =	vld [tilespmem:s0+$0xD200];
	v0 =	vadd.f32 v6, v0  }
0x18b: {  	v6 =	vld [tilespmem:s0+$0xE210];
	v1 =	vadd.f32 v3, v1  }
0x18c: {  	v3 =	vld [tilespmem:s0+$0xDA00];
	v0 =	vadd.f32 v7, v0  }
0x18d: {  	v7 =	vld [tilespmem:s0+$0xEA10];
	v1 =	vadd.f32 v4, v1  }
0x18e: {  	v4 =	vld [tilespmem:s0+$0xE200];
	v0 =	vadd.f32 v5, v0  }
0x18f: {  	v5 =	vld [tilespmem:s0+$0xF210];
	v1 =	vadd.f32 v2, v1  }
0x190: {  	v2 =	vld [tilespmem:s0+$0xEA00];
	v0 =	vadd.f32 v6, v0  }
0x191: {  	v6 =	vld [tilespmem:s0+$0xFA10];
	v1 =	vadd.f32 v3, v1  }
0x192: {  	v3 =	vld [tilespmem:s0+$0xF200];
	v0 =	vadd.f32 v7, v0  }
0x193: {  	v7 =	vld [tilespmem:s0+$0x10210];
	v1 =	vadd.f32 v4, v1  }
0x194: {  	v4 =	vld [tilespmem:s0+$0xFA00];
	v0 =	vadd.f32 v5, v0  }
0x195: {  	v5 =	vld [tilespmem:s0+$0x10A10];
	v1 =	vadd.f32 v2, v1  }
0x196: {  	v2 =	vld [tilespmem:s0+$0x10200];
	v0 =	vadd.f32 v6, v0  }
0x197: {  	v6 =	vld [tilespmem:s0+$0x11210];
	v1 =	vadd.f32 v3, v1  }
0x198: {  	v3 =	vld [tilespmem:s0+$0x10A00];
	v0 =	vadd.f32 v7, v0  }
0x199: {  	v7 =	vld [tilespmem:s0+$0x11A10];
	v1 =	vadd.f32 v4, v1  }
0x19a: {  	v4 =	vld [tilespmem:s0+$0x11200];
	v0 =	vadd.f32 v5, v0  }
0x19b: {  	v5 =	vld [tilespmem:s0+$0x12210];
	v1 =	vadd.f32 v2, v1  }
0x19c: {  	v2 =	vld [tilespmem:s0+$0x11A00];
	v0 =	vadd.f32 v6, v0  }
0x19d: {  	v6 =	vld [tilespmem:s0+$0x12A10];
	v1 =	vadd.f32 v3, v1  }
0x19e: {  	v0 =	vadd.f32 v7, v0;
	v7 =	vld [tilespmem:s0+$0x12200]  }
0x19f: {  	v8 =	vld [tilespmem:s0+$0x13210];
	v1 =	vadd.f32 v4, v1  }
0x1a0: {  	v0 =	vadd.f32 v5, v0;
	v5 =	vld [tilespmem:s0+$0x12A00]  }
0x1a1: {  	v9 =	vld [tilespmem:s0+$0x13A10];
	v1 =	vadd.f32 v2, v1  }
0x1a2: {  	v2 =	vld [tilespmem:s0+$0x13200];
	v0 =	vadd.f32 v6, v0  }
0x1a3: {  	v3 =	vld [tilespmem:s0+$0x14210];
	v6 =	vadd.f32 v7, v1  }
0x1a4: {  	v4 =	vld [tilespmem:s0+$0x13A00];
	v7 =	vadd.f32 v8, v0  }
0x1a5: {  	s10 =	simm.s32 $0x20;
	v1 =	vld [tilespmem:s0+$0x14200];
	v5 =	vadd.f32 v5, v6  }
0x1a6: {  	s2 =	simm.s32 $0x100;
	v0 =	vld [tilespmem:s10+$0xAA10];
	v6 =	vadd.f32 v9, v7  }
.LBB2_5:
0x1a7: {  	p0 =	sne.s32 s2, $0x1F80;
	v7 =	vld [tilespmem:s10+$0xB210];
	v2 =	vadd.f32 v2, v5  }
0x1a8: {  	v5 =	vld [tilespmem:s10+$0xAA00];
	v3 =	vadd.f32 v3, v6  }
0x1a9: {  	v6 =	vld [tilespmem:s10+$0xBA10];
	v2 =	vadd.f32 v4, v2  }
0x1aa: {  	v4 =	vld [tilespmem:s10+$0xB200];
	[tilespmem:s0+$0x15210] =	vst v3  }
0x1ab: {  	v3 =	vld [tilespmem:s10+$0xC210];
	v1 =	vadd.f32 v1, v2  }
0x1ac: {  	v0 =	vadd.f32 v7, v0;
	v2 =	vld [tilespmem:s10+$0xBA00]  }
0x1ad: {  	v7 =	vld [tilespmem:s10+$0xCA10];
	[tilespmem:s0+$0x15200] =	vst v1;
	s0 =	smov.u32 s10  }
0x1ae: {  	v0 =	vadd.f32 v6, v0;
	v1 =	vld [tilespmem:s0+$0xC200]  }
0x1af: {  	v4 =	vadd.f32 v4, v5;
	v5 =	vld [tilespmem:s0+$0xD210]  }
0x1b0: {  	v0 =	vadd.f32 v3, v0;
	v3 =	vld [tilespmem:s0+$0xCA00]  }
0x1b1: {  	v2 =	vadd.f32 v2, v4;
	v4 =	vld [tilespmem:s0+$0xDA10]  }
0x1b2: {  	v0 =	vadd.f32 v7, v0;
	v6 =	vld [tilespmem:s0+$0xD200]  }
0x1b3: {  	v1 =	vadd.f32 v1, v2;
	v2 =	vld [tilespmem:s0+$0xE210]  }
0x1b4: {  	v0 =	vadd.f32 v5, v0;
	v5 =	vld [tilespmem:s0+$0xDA00]  }
0x1b5: {  	v1 =	vadd.f32 v3, v1;
	v3 =	vld [tilespmem:s0+$0xEA10]  }
0x1b6: {  	v0 =	vadd.f32 v4, v0;
	v4 =	vld [tilespmem:s0+$0xE200]  }
0x1b7: {  	v1 =	vadd.f32 v6, v1;
	v6 =	vld [tilespmem:s0+$0xF210]  }
0x1b8: {  	v0 =	vadd.f32 v2, v0;
	v2 =	vld [tilespmem:s0+$0xEA00]  }
0x1b9: {  	v1 =	vadd.f32 v5, v1;
	v5 =	vld [tilespmem:s0+$0xFA10]  }
0x1ba: {  	v0 =	vadd.f32 v3, v0;
	v3 =	vld [tilespmem:s0+$0xF200]  }
0x1bb: {  	v1 =	vadd.f32 v4, v1;
	v4 =	vld [tilespmem:s0+$0x10210]  }
0x1bc: {  	v0 =	vadd.f32 v6, v0;
	v6 =	vld [tilespmem:s0+$0xFA00]  }
0x1bd: {  	v1 =	vadd.f32 v2, v1;
	v2 =	vld [tilespmem:s0+$0x10A10]  }
0x1be: {  	v0 =	vadd.f32 v5, v0;
	v5 =	vld [tilespmem:s0+$0x10200]  }
0x1bf: {  	v1 =	vadd.f32 v3, v1;
	v3 =	vld [tilespmem:s0+$0x11210]  }
0x1c0: {  	v0 =	vadd.f32 v4, v0;
	v4 =	vld [tilespmem:s0+$0x10A00]  }
0x1c1: {  	v1 =	vadd.f32 v6, v1;
	v6 =	vld [tilespmem:s0+$0x11A10]  }
0x1c2: {  	v0 =	vadd.f32 v2, v0;
	v2 =	vld [tilespmem:s0+$0x11200]  }
0x1c3: {  	v1 =	vadd.f32 v5, v1;
	v5 =	vld [tilespmem:s0+$0x12210]  }
0x1c4: {  	v0 =	vadd.f32 v3, v0;
	v3 =	vld [tilespmem:s0+$0x11A00]  }
0x1c5: {  	v1 =	vadd.f32 v4, v1;
	v4 =	vld [tilespmem:s0+$0x12A10]  }
0x1c6: {  	v0 =	vadd.f32 v6, v0;
	v6 =	vld [tilespmem:s0+$0x12200]  }
0x1c7: {  	v1 =	vadd.f32 v2, v1;
	v7 =	vld [tilespmem:s0+$0x13210]  }
0x1c8: {  	v0 =	vadd.f32 v5, v0;
	v5 =	vld [tilespmem:s0+$0x12A00]  }
0x1c9: {  	v1 =	vadd.f32 v3, v1;
	v8 =	vld [tilespmem:s0+$0x13A10]  }
.Ltmp1:
0x1ca: {  	v0 =	vadd.f32 v4, v0;
	v2 =	vld [tilespmem:s0+$0x13200];
	(pc) =	sbr.rel @p0 .LBB2_5-.Ltmp1, $4  }
0x1cb: {  	v1 =	vadd.f32 v6, v1;
	v3 =	vld [tilespmem:s0+$0x14210]  }
0x1cc: {  	v6 =	vadd.f32 v7, v0;
	v4 =	vld [tilespmem:s0+$0x13A00]  }
0x1cd: {  	s10 =	sshra.s32 s2, $0x2;
	v5 =	vadd.f32 v5, v1;
	v1 =	vld [tilespmem:s0+$0x14200]  }
0x1ce: {  	s2 =	sadd.s32 $0x80, s2;
	v0 =	vld [tilespmem:s10+$0xAA10];
	v6 =	vadd.f32 v8, v6  }
0x1cf: {  	v7 =	vld [tilespmem:s10+$0xB210];
	v2 =	vadd.f32 v2, v5  }
0x1d0: {  	v8 =	vld [tilespmem:s10+$0xAA00];
	v3 =	vadd.f32 v3, v6  }
0x1d1: {  	v29 =	vld [tilespmem:s10+$0xBA10];
	v2 =	vadd.f32 v4, v2  }
0x1d2: {  	v30 =	vld [tilespmem:s10+$0xB200];
	[tilespmem:s0+$0x15210] =	vst v3  }
0x1d3: {  	v3 =	vld [tilespmem:s10+$0xC210];
	v1 =	vadd.f32 v1, v2  }
0x1d4: {  	v31 =	vld [tilespmem:s10+$0xBA00]  }
0x1d5: {  	v32 =	vld [tilespmem:s10+$0xCA10];
	[tilespmem:s0+$0x15200] =	vst v1  }
0x1d6: {  	v0 =	vadd.f32 v7, v0;
	v1 =	vld [tilespmem:s10+$0xC200]  }
0x1d7: {  	v6 =	vadd.f32 v30, v8  }
0x1d8: {  	v0 =	vadd.f32 v29, v0;
	v33 =	vld [tilespmem:s10+$0xCA00]  }
0x1d9: {  	v34 =	vld [tilespmem:s10+$0xD210];
	v2 =	vadd.f32 v31, v6  }
0x1da: {  	v35 =	vld [tilespmem:s10+$0xD200];
	v0 =	vadd.f32 v3, v0  }
0x1db: {  	v36 =	vld [tilespmem:s10+$0xDA10];
	v1 =	vadd.f32 v1, v2  }
0x1dc: {  	v37 =	vld [tilespmem:s10+$0xDA00];
	v0 =	vadd.f32 v32, v0  }
0x1dd: {  	v38 =	vld [tilespmem:s10+$0xE210];
	v1 =	vadd.f32 v33, v1  }
0x1de: {  	v39 =	vld [tilespmem:s10+$0xE200];
	v0 =	vadd.f32 v34, v0  }
0x1df: {  	v40 =	vld [tilespmem:s10+$0xEA10];
	v1 =	vadd.f32 v35, v1  }
0x1e0: {  	v41 =	vld [tilespmem:s10+$0xEA00];
	v0 =	vadd.f32 v36, v0  }
0x1e1: {  	v42 =	vld [tilespmem:s10+$0xF210];
	v1 =	vadd.f32 v37, v1  }
0x1e2: {  	v43 =	vld [tilespmem:s10+$0xF200];
	v0 =	vadd.f32 v38, v0  }
0x1e3: {  	v44 =	vld [tilespmem:s10+$0xFA10];
	v1 =	vadd.f32 v39, v1  }
0x1e4: {  	v45 =	vld [tilespmem:s10+$0xFA00];
	v0 =	vadd.f32 v40, v0  }
0x1e5: {  	v46 =	vld [tilespmem:s10+$0x10210];
	v1 =	vadd.f32 v41, v1  }
0x1e6: {  	v47 =	vld [tilespmem:s10+$0x10200];
	v0 =	vadd.f32 v42, v0  }
0x1e7: {  	v48 =	vld [tilespmem:s10+$0x10A10];
	v1 =	vadd.f32 v43, v1  }
0x1e8: {  	v49 =	vld [tilespmem:s10+$0x10A00];
	v0 =	vadd.f32 v44, v0  }
0x1e9: {  	v50 =	vld [tilespmem:s10+$0x11210];
	v1 =	vadd.f32 v45, v1  }
0x1ea: {  	v51 =	vld [tilespmem:s10+$0x11200];
	v0 =	vadd.f32 v46, v0  }
0x1eb: {  	v52 =	vld [tilespmem:s10+$0x11A10];
	v1 =	vadd.f32 v47, v1  }
0x1ec: {  	v53 =	vld [tilespmem:s10+$0x11A00];
	v0 =	vadd.f32 v48, v0  }
0x1ed: {  	v54 =	vld [tilespmem:s10+$0x12210];
	v1 =	vadd.f32 v49, v1  }
0x1ee: {  	v55 =	vld [tilespmem:s10+$0x12200];
	v0 =	vadd.f32 v50, v0  }
0x1ef: {  	v56 =	vld [tilespmem:s10+$0x12A10];
	v1 =	vadd.f32 v51, v1  }
0x1f0: {  	v57 =	vld [tilespmem:s10+$0x12A00];
	v0 =	vadd.f32 v52, v0  }
0x1f1: {  	v58 =	vld [tilespmem:s10+$0x13210];
	v1 =	vadd.f32 v53, v1  }
0x1f2: {  	v59 =	vld [tilespmem:s10+$0x13200];
	v0 =	vadd.f32 v54, v0  }
0x1f3: {  	v60 =	vld [tilespmem:s10+$0x13A10];
	v1 =	vadd.f32 v55, v1  }
0x1f4: {  	v61 =	vld [tilespmem:s10+$0x13A00];
	v0 =	vadd.f32 v56, v0  }
0x1f5: {  	v62 =	vld [tilespmem:s10+$0x14210];
	v1 =	vadd.f32 v57, v1  }
0x1f6: {  	v63 =	vld [tilespmem:s10+$0x14200];
	v0 =	vadd.f32 v58, v0  }
0x1f7: {  	v1 =	vadd.f32 v59, v1  }
0x1f8: {  	s28 =	sadd.s32 $0x1, s28;
	v0 =	vadd.f32 v60, v0  }
0x1f9: {  	p0 =	sne.s32 s28, $0x67;
	v1 =	vadd.f32 v61, v1  }
.Ltmp2:
0x1fa: {  	v0 =	vadd.f32 v62, v0;
	(pc) =	sbr.rel @p0 .LBB2_2-.Ltmp2, $4  }
0x1fb: {  	v1 =	vadd.f32 v63, v1  }
0x1fc: {  	[tilespmem:s10+$0x15210] =	vst v0  }
0x1fd: {  	s31 =	sadd.s32 $0x1A00, s31;
	[tilespmem:s10+$0x15200] =	vst v1  }
0x1fe: {  	[hbm4b:s31+s14] =	stream.strided.scatter [tilespmem:s17], [sflag:$0x6], $0x800, s15, s14, $0x38;
	[tilespmem:$0x15A00] =	vst v63  }
0x1ff: {  	_ =	swait.ge [sflag:s21], $0xA000  }
0x200: {  	[sflag:s21] =	ssyncset.done $0x0  }
0x201: {  	[sflag:s21] =	ssyncadd.s32 $0xFFFF6000  }
0x202: {  	_ =	swait.ge [sflag:s22], $0x500  }
0x203: {  	[sflag:s22] =	ssyncset.done $0x0  }
0x204: {  	s0 =	rddreg [dreg:$0xe];
	[sflag:s22] =	ssyncadd.s32 $0xFFFFFB00  }
0x205: {  	[tilespmem:s23], [sflag:$0x4] =	stream.indirect.gather [hbm4b:s0+s1], $0x20, s1, s1, $0xb8;
	[tilespmem:$0x15A00] =	vst v63  }
0x206: {  	_ =	swait.ge [sflag:s24], $0x800  }
0x207: {  	[sflag:s24] =	ssyncset.done $0x0  }
0x208: {  	s0 =	simm.s32 $0x0;
	[sflag:s24] =	ssyncadd.s32 $0xFFFFF800  }
0x209: {  	v0 =	vld [tilespmem:s0+$0xA10]  }
0x20a: {  	v1 =	vld [tilespmem:s0+$0x1210]  }
0x20b: {  	v2 =	vld [tilespmem:s0+$0xA00]  }
0x20c: {  	v3 =	vld [tilespmem:s0+$0x1A10]  }
0x20d: {  	v4 =	vld [tilespmem:s0+$0x1200]  }
0x20e: {  	v5 =	vld [tilespmem:s0+$0x2210]  }
0x20f: {  	v0 =	vadd.f32 v1, v0;
	v1 =	vld [tilespmem:s0+$0x1A00]  }
0x210: {  	v6 =	vld [tilespmem:s0+$0x2A10]  }
0x211: {  	v0 =	vadd.f32 v3, v0;
	v3 =	vld [tilespmem:s0+$0x2200]  }
0x212: {  	v7 =	vld [tilespmem:s0+$0x3210];
	v2 =	vadd.f32 v4, v2  }
0x213: {  	v4 =	vld [tilespmem:s0+$0x2A00];
	v0 =	vadd.f32 v5, v0  }
0x214: {  	v5 =	vld [tilespmem:s0+$0x3A10];
	v1 =	vadd.f32 v1, v2  }
0x215: {  	v2 =	vld [tilespmem:s0+$0x3200];
	v0 =	vadd.f32 v6, v0  }
0x216: {  	v6 =	vld [tilespmem:s0+$0x4210];
	v1 =	vadd.f32 v3, v1  }
0x217: {  	v3 =	vld [tilespmem:s0+$0x3A00];
	v0 =	vadd.f32 v7, v0  }
0x218: {  	v7 =	vld [tilespmem:s0+$0x4A10];
	v1 =	vadd.f32 v4, v1  }
0x219: {  	v4 =	vld [tilespmem:s0+$0x4200];
	v0 =	vadd.f32 v5, v0  }
0x21a: {  	v5 =	vld [tilespmem:s0+$0x5210];
	v1 =	vadd.f32 v2, v1  }
0x21b: {  	v2 =	vld [tilespmem:s0+$0x4A00];
	v0 =	vadd.f32 v6, v0  }
0x21c: {  	v6 =	vld [tilespmem:s0+$0x5A10];
	v1 =	vadd.f32 v3, v1  }
0x21d: {  	v3 =	vld [tilespmem:s0+$0x5200];
	v0 =	vadd.f32 v7, v0  }
0x21e: {  	v7 =	vld [tilespmem:s0+$0x6210];
	v1 =	vadd.f32 v4, v1  }
0x21f: {  	v4 =	vld [tilespmem:s0+$0x5A00];
	v0 =	vadd.f32 v5, v0  }
0x220: {  	v5 =	vld [tilespmem:s0+$0x6A10];
	v1 =	vadd.f32 v2, v1  }
0x221: {  	v2 =	vld [tilespmem:s0+$0x6200];
	v0 =	vadd.f32 v6, v0  }
0x222: {  	v6 =	vld [tilespmem:s0+$0x7210];
	v1 =	vadd.f32 v3, v1  }
0x223: {  	v3 =	vld [tilespmem:s0+$0x6A00];
	v0 =	vadd.f32 v7, v0  }
0x224: {  	v7 =	vld [tilespmem:s0+$0x7A10];
	v1 =	vadd.f32 v4, v1  }
0x225: {  	v4 =	vld [tilespmem:s0+$0x7200];
	v0 =	vadd.f32 v5, v0  }
0x226: {  	v5 =	vld [tilespmem:s0+$0x8210];
	v1 =	vadd.f32 v2, v1  }
0x227: {  	v2 =	vld [tilespmem:s0+$0x7A00];
	v0 =	vadd.f32 v6, v0  }
0x228: {  	v6 =	vld [tilespmem:s0+$0x8A10];
	v1 =	vadd.f32 v3, v1  }
0x229: {  	v0 =	vadd.f32 v7, v0;
	v7 =	vld [tilespmem:s0+$0x8200]  }
0x22a: {  	v8 =	vld [tilespmem:s0+$0x9210];
	v1 =	vadd.f32 v4, v1  }
0x22b: {  	v0 =	vadd.f32 v5, v0;
	v5 =	vld [tilespmem:s0+$0x8A00]  }
0x22c: {  	v9 =	vld [tilespmem:s0+$0x9A10];
	v1 =	vadd.f32 v2, v1  }
0x22d: {  	v2 =	vld [tilespmem:s0+$0x9200];
	v0 =	vadd.f32 v6, v0  }
0x22e: {  	v3 =	vld [tilespmem:s0+$0xA210];
	v6 =	vadd.f32 v7, v1  }
0x22f: {  	v4 =	vld [tilespmem:s0+$0x9A00];
	v7 =	vadd.f32 v8, v0  }
0x230: {  	s10 =	simm.s32 $0x20;
	v1 =	vld [tilespmem:s0+$0xA200];
	v5 =	vadd.f32 v5, v6  }
0x231: {  	s2 =	simm.s32 $0x100;
	v0 =	vld [tilespmem:s10+$0xA10];
	v6 =	vadd.f32 v9, v7  }
.LBB2_8:
0x232: {  	p0 =	sne.s32 s2, $0x1F80;
	v7 =	vld [tilespmem:s10+$0x1210];
	v2 =	vadd.f32 v2, v5  }
0x233: {  	v5 =	vld [tilespmem:s10+$0xA00];
	v3 =	vadd.f32 v3, v6  }
0x234: {  	v6 =	vld [tilespmem:s10+$0x1A10];
	v2 =	vadd.f32 v4, v2  }
0x235: {  	v4 =	vld [tilespmem:s10+$0x1200];
	[tilespmem:s0+$0x14A10] =	vst v3  }
0x236: {  	v3 =	vld [tilespmem:s10+$0x2210];
	v1 =	vadd.f32 v1, v2  }
0x237: {  	v0 =	vadd.f32 v7, v0;
	v2 =	vld [tilespmem:s10+$0x1A00]  }
0x238: {  	v7 =	vld [tilespmem:s10+$0x2A10];
	[tilespmem:s0+$0x14A00] =	vst v1;
	s0 =	smov.u32 s10  }
0x239: {  	v0 =	vadd.f32 v6, v0;
	v1 =	vld [tilespmem:s0+$0x2200]  }
0x23a: {  	v4 =	vadd.f32 v4, v5;
	v5 =	vld [tilespmem:s0+$0x3210]  }
0x23b: {  	v0 =	vadd.f32 v3, v0;
	v3 =	vld [tilespmem:s0+$0x2A00]  }
0x23c: {  	v2 =	vadd.f32 v2, v4;
	v4 =	vld [tilespmem:s0+$0x3A10]  }
0x23d: {  	v0 =	vadd.f32 v7, v0;
	v6 =	vld [tilespmem:s0+$0x3200]  }
0x23e: {  	v1 =	vadd.f32 v1, v2;
	v2 =	vld [tilespmem:s0+$0x4210]  }
0x23f: {  	v0 =	vadd.f32 v5, v0;
	v5 =	vld [tilespmem:s0+$0x3A00]  }
0x240: {  	v1 =	vadd.f32 v3, v1;
	v3 =	vld [tilespmem:s0+$0x4A10]  }
0x241: {  	v0 =	vadd.f32 v4, v0;
	v4 =	vld [tilespmem:s0+$0x4200]  }
0x242: {  	v1 =	vadd.f32 v6, v1;
	v6 =	vld [tilespmem:s0+$0x5210]  }
0x243: {  	v0 =	vadd.f32 v2, v0;
	v2 =	vld [tilespmem:s0+$0x4A00]  }
0x244: {  	v1 =	vadd.f32 v5, v1;
	v5 =	vld [tilespmem:s0+$0x5A10]  }
0x245: {  	v0 =	vadd.f32 v3, v0;
	v3 =	vld [tilespmem:s0+$0x5200]  }
0x246: {  	v1 =	vadd.f32 v4, v1;
	v4 =	vld [tilespmem:s0+$0x6210]  }
0x247: {  	v0 =	vadd.f32 v6, v0;
	v6 =	vld [tilespmem:s0+$0x5A00]  }
0x248: {  	v1 =	vadd.f32 v2, v1;
	v2 =	vld [tilespmem:s0+$0x6A10]  }
0x249: {  	v0 =	vadd.f32 v5, v0;
	v5 =	vld [tilespmem:s0+$0x6200]  }
0x24a: {  	v1 =	vadd.f32 v3, v1;
	v3 =	vld [tilespmem:s0+$0x7210]  }
0x24b: {  	v0 =	vadd.f32 v4, v0;
	v4 =	vld [tilespmem:s0+$0x6A00]  }
0x24c: {  	v1 =	vadd.f32 v6, v1;
	v6 =	vld [tilespmem:s0+$0x7A10]  }
0x24d: {  	v0 =	vadd.f32 v2, v0;
	v2 =	vld [tilespmem:s0+$0x7200]  }
0x24e: {  	v1 =	vadd.f32 v5, v1;
	v5 =	vld [tilespmem:s0+$0x8210]  }
0x24f: {  	v0 =	vadd.f32 v3, v0;
	v3 =	vld [tilespmem:s0+$0x7A00]  }
0x250: {  	v1 =	vadd.f32 v4, v1;
	v4 =	vld [tilespmem:s0+$0x8A10]  }
0x251: {  	v0 =	vadd.f32 v6, v0;
	v6 =	vld [tilespmem:s0+$0x8200]  }
0x252: {  	v1 =	vadd.f32 v2, v1;
	v7 =	vld [tilespmem:s0+$0x9210]  }
0x253: {  	v0 =	vadd.f32 v5, v0;
	v5 =	vld [tilespmem:s0+$0x8A00]  }
0x254: {  	v1 =	vadd.f32 v3, v1;
	v8 =	vld [tilespmem:s0+$0x9A10]  }
.Ltmp3:
0x255: {  	v0 =	vadd.f32 v4, v0;
	v2 =	vld [tilespmem:s0+$0x9200];
	(pc) =	sbr.rel @p0 .LBB2_8-.Ltmp3, $4  }
0x256: {  	v1 =	vadd.f32 v6, v1;
	v3 =	vld [tilespmem:s0+$0xA210]  }
0x257: {  	v6 =	vadd.f32 v7, v0;
	v4 =	vld [tilespmem:s0+$0x9A00]  }
0x258: {  	s10 =	sshra.s32 s2, $0x2;
	v5 =	vadd.f32 v5, v1;
	v1 =	vld [tilespmem:s0+$0xA200]  }
0x259: {  	s2 =	sadd.s32 $0x80, s2;
	v0 =	vld [tilespmem:s10+$0xA10];
	v6 =	vadd.f32 v8, v6  }
0x25a: {  	v7 =	vld [tilespmem:s10+$0x1210];
	v2 =	vadd.f32 v2, v5  }
0x25b: {  	v8 =	vld [tilespmem:s10+$0xA00];
	v3 =	vadd.f32 v3, v6  }
0x25c: {  	v5 =	vld [tilespmem:s10+$0x1A10];
	v2 =	vadd.f32 v4, v2  }
0x25d: {  	v6 =	vld [tilespmem:s10+$0x1200];
	[tilespmem:s0+$0x14A10] =	vst v3  }
0x25e: {  	v3 =	vld [tilespmem:s10+$0x2210];
	v1 =	vadd.f32 v1, v2  }
0x25f: {  	v2 =	vld [tilespmem:s10+$0x1A00]  }
0x260: {  	v4 =	vld [tilespmem:s10+$0x2A10];
	[tilespmem:s0+$0x14A00] =	vst v1  }
0x261: {  	v0 =	vadd.f32 v7, v0;
	v1 =	vld [tilespmem:s10+$0x2200]  }
0x262: {  	v6 =	vadd.f32 v6, v8  }
0x263: {  	v0 =	vadd.f32 v5, v0;
	v5 =	vld [tilespmem:s10+$0x2A00]  }
0x264: {  	v7 =	vld [tilespmem:s10+$0x3210];
	v2 =	vadd.f32 v2, v6  }
0x265: {  	v0 =	vadd.f32 v3, v0;
	v3 =	vld [tilespmem:s10+$0x3200]  }
0x266: {  	v6 =	vld [tilespmem:s10+$0x3A10];
	v1 =	vadd.f32 v1, v2  }
0x267: {  	v0 =	vadd.f32 v4, v0;
	v2 =	vld [tilespmem:s10+$0x3A00]  }
0x268: {  	v4 =	vld [tilespmem:s10+$0x4210];
	v1 =	vadd.f32 v5, v1  }
0x269: {  	v0 =	vadd.f32 v7, v0;
	v5 =	vld [tilespmem:s10+$0x4200]  }
0x26a: {  	v7 =	vld [tilespmem:s10+$0x4A10];
	v1 =	vadd.f32 v3, v1  }
0x26b: {  	v0 =	vadd.f32 v6, v0;
	v3 =	vld [tilespmem:s10+$0x4A00]  }
0x26c: {  	v6 =	vld [tilespmem:s10+$0x5210];
	v1 =	vadd.f32 v2, v1  }
0x26d: {  	v0 =	vadd.f32 v4, v0;
	v2 =	vld [tilespmem:s10+$0x5200]  }
0x26e: {  	v4 =	vld [tilespmem:s10+$0x5A10];
	v1 =	vadd.f32 v5, v1  }
0x26f: {  	v0 =	vadd.f32 v7, v0;
	v5 =	vld [tilespmem:s10+$0x5A00]  }
0x270: {  	v7 =	vld [tilespmem:s10+$0x6210];
	v1 =	vadd.f32 v3, v1  }
0x271: {  	v0 =	vadd.f32 v6, v0;
	v3 =	vld [tilespmem:s10+$0x6200]  }
0x272: {  	v6 =	vld [tilespmem:s10+$0x6A10];
	v1 =	vadd.f32 v2, v1  }
0x273: {  	v0 =	vadd.f32 v4, v0;
	v2 =	vld [tilespmem:s10+$0x6A00]  }
0x274: {  	v4 =	vld [tilespmem:s10+$0x7210];
	v1 =	vadd.f32 v5, v1  }
0x275: {  	v0 =	vadd.f32 v7, v0;
	v5 =	vld [tilespmem:s10+$0x7200]  }
0x276: {  	v7 =	vld [tilespmem:s10+$0x7A10];
	v1 =	vadd.f32 v3, v1  }
0x277: {  	v0 =	vadd.f32 v6, v0;
	v3 =	vld [tilespmem:s10+$0x7A00]  }
0x278: {  	v6 =	vld [tilespmem:s10+$0x8210];
	v1 =	vadd.f32 v2, v1  }
0x279: {  	v0 =	vadd.f32 v4, v0;
	v2 =	vld [tilespmem:s10+$0x8200]  }
0x27a: {  	v4 =	vld [tilespmem:s10+$0x8A10];
	v1 =	vadd.f32 v5, v1  }
0x27b: {  	v0 =	vadd.f32 v7, v0;
	v5 =	vld [tilespmem:s10+$0x8A00]  }
0x27c: {  	v7 =	vld [tilespmem:s10+$0x9210];
	v1 =	vadd.f32 v3, v1  }
0x27d: {  	v0 =	vadd.f32 v6, v0;
	v3 =	vld [tilespmem:s10+$0x9200]  }
0x27e: {  	v6 =	vld [tilespmem:s10+$0x9A10];
	v1 =	vadd.f32 v2, v1  }
0x27f: {  	v0 =	vadd.f32 v4, v0;
	v2 =	vld [tilespmem:s10+$0x9A00]  }
0x280: {  	v4 =	vld [tilespmem:s10+$0xA210];
	v1 =	vadd.f32 v5, v1  }
0x281: {  	v0 =	vadd.f32 v7, v0;
	v5 =	vld [tilespmem:s10+$0xA200]  }
0x282: {  	v1 =	vadd.f32 v3, v1  }
0x283: {  	v0 =	vadd.f32 v6, v0  }
0x284: {  	v1 =	vadd.f32 v2, v1  }
0x285: {  	v0 =	vadd.f32 v4, v0  }
0x286: {  	v1 =	vadd.f32 v5, v1  }
0x287: {  	[tilespmem:s10+$0x14A10] =	vst v0  }
0x288: {  	s31 =	rddreg [dreg:$0xf];
	[tilespmem:s10+$0x14A00] =	vst v1  }
0x289: {  	[hbm4b:s31+s14] =	stream.strided.scatter [tilespmem:s16], [sflag:$0x5], $0x800, s15, s14, $0x38;
	[tilespmem:$0x15A00] =	vst v63  }
0x28a: {  	_ =	swait.ge [sflag:s25], $0xA000  }
0x28b: {  	[sflag:s25] =	ssyncset.done $0x0  }
0x28c: {  	[sflag:s25] =	ssyncadd.s32 $0xFFFF6000  }
0x28d: {  	_ =	swait.ge [sflag:s26], $0x800  }
0x28e: {  	[sflag:s26] =	ssyncset.done $0x0  }
0x28f: {  	s0 =	simm.s32 $0x0;
	[sflag:s26] =	ssyncadd.s32 $0xFFFFF800  }
0x290: {  	v0 =	vld [tilespmem:s0+$0xAA10]  }
0x291: {  	v1 =	vld [tilespmem:s0+$0xB210]  }
0x292: {  	v2 =	vld [tilespmem:s0+$0xAA00]  }
0x293: {  	v3 =	vld [tilespmem:s0+$0xBA10]  }
0x294: {  	v4 =	vld [tilespmem:s0+$0xB200]  }
0x295: {  	v5 =	vld [tilespmem:s0+$0xC210]  }
0x296: {  	v0 =	vadd.f32 v1, v0;
	v1 =	vld [tilespmem:s0+$0xBA00]  }
0x297: {  	v6 =	vld [tilespmem:s0+$0xCA10]  }
0x298: {  	v0 =	vadd.f32 v3, v0;
	v3 =	vld [tilespmem:s0+$0xC200]  }
0x299: {  	v7 =	vld [tilespmem:s0+$0xD210];
	v2 =	vadd.f32 v4, v2  }
0x29a: {  	v4 =	vld [tilespmem:s0+$0xCA00];
	v0 =	vadd.f32 v5, v0  }
0x29b: {  	v5 =	vld [tilespmem:s0+$0xDA10];
	v1 =	vadd.f32 v1, v2  }
0x29c: {  	v2 =	vld [tilespmem:s0+$0xD200];
	v0 =	vadd.f32 v6, v0  }
0x29d: {  	v6 =	vld [tilespmem:s0+$0xE210];
	v1 =	vadd.f32 v3, v1  }
0x29e: {  	v3 =	vld [tilespmem:s0+$0xDA00];
	v0 =	vadd.f32 v7, v0  }
0x29f: {  	v7 =	vld [tilespmem:s0+$0xEA10];
	v1 =	vadd.f32 v4, v1  }
0x2a0: {  	v4 =	vld [tilespmem:s0+$0xE200];
	v0 =	vadd.f32 v5, v0  }
0x2a1: {  	v5 =	vld [tilespmem:s0+$0xF210];
	v1 =	vadd.f32 v2, v1  }
0x2a2: {  	v2 =	vld [tilespmem:s0+$0xEA00];
	v0 =	vadd.f32 v6, v0  }
0x2a3: {  	v6 =	vld [tilespmem:s0+$0xFA10];
	v1 =	vadd.f32 v3, v1  }
0x2a4: {  	v3 =	vld [tilespmem:s0+$0xF200];
	v0 =	vadd.f32 v7, v0  }
0x2a5: {  	v7 =	vld [tilespmem:s0+$0x10210];
	v1 =	vadd.f32 v4, v1  }
0x2a6: {  	v4 =	vld [tilespmem:s0+$0xFA00];
	v0 =	vadd.f32 v5, v0  }
0x2a7: {  	v5 =	vld [tilespmem:s0+$0x10A10];
	v1 =	vadd.f32 v2, v1  }
0x2a8: {  	v2 =	vld [tilespmem:s0+$0x10200];
	v0 =	vadd.f32 v6, v0  }
0x2a9: {  	v6 =	vld [tilespmem:s0+$0x11210];
	v1 =	vadd.f32 v3, v1  }
0x2aa: {  	v3 =	vld [tilespmem:s0+$0x10A00];
	v0 =	vadd.f32 v7, v0  }
0x2ab: {  	v7 =	vld [tilespmem:s0+$0x11A10];
	v1 =	vadd.f32 v4, v1  }
0x2ac: {  	v4 =	vld [tilespmem:s0+$0x11200];
	v0 =	vadd.f32 v5, v0  }
0x2ad: {  	v5 =	vld [tilespmem:s0+$0x12210];
	v1 =	vadd.f32 v2, v1  }
0x2ae: {  	v2 =	vld [tilespmem:s0+$0x11A00];
	v0 =	vadd.f32 v6, v0  }
0x2af: {  	v6 =	vld [tilespmem:s0+$0x12A10];
	v1 =	vadd.f32 v3, v1  }
0x2b0: {  	v0 =	vadd.f32 v7, v0;
	v7 =	vld [tilespmem:s0+$0x12200]  }
0x2b1: {  	v8 =	vld [tilespmem:s0+$0x13210];
	v1 =	vadd.f32 v4, v1  }
0x2b2: {  	v0 =	vadd.f32 v5, v0;
	v5 =	vld [tilespmem:s0+$0x12A00]  }
0x2b3: {  	v9 =	vld [tilespmem:s0+$0x13A10];
	v1 =	vadd.f32 v2, v1  }
0x2b4: {  	v2 =	vld [tilespmem:s0+$0x13200];
	v0 =	vadd.f32 v6, v0  }
0x2b5: {  	v3 =	vld [tilespmem:s0+$0x14210];
	v6 =	vadd.f32 v7, v1  }
0x2b6: {  	v4 =	vld [tilespmem:s0+$0x13A00];
	v7 =	vadd.f32 v8, v0  }
0x2b7: {  	s10 =	simm.s32 $0x20;
	v1 =	vld [tilespmem:s0+$0x14200];
	v5 =	vadd.f32 v5, v6  }
0x2b8: {  	s2 =	simm.s32 $0x100;
	v0 =	vld [tilespmem:s10+$0xAA10];
	v6 =	vadd.f32 v9, v7  }
.LBB2_10:
0x2b9: {  	p0 =	sne.s32 s2, $0x1F80;
	v7 =	vld [tilespmem:s10+$0xB210];
	v2 =	vadd.f32 v2, v5  }
0x2ba: {  	v5 =	vld [tilespmem:s10+$0xAA00];
	v3 =	vadd.f32 v3, v6  }
0x2bb: {  	v6 =	vld [tilespmem:s10+$0xBA10];
	v2 =	vadd.f32 v4, v2  }
0x2bc: {  	v4 =	vld [tilespmem:s10+$0xB200];
	[tilespmem:s0+$0x15210] =	vst v3  }
0x2bd: {  	v3 =	vld [tilespmem:s10+$0xC210];
	v1 =	vadd.f32 v1, v2  }
0x2be: {  	v0 =	vadd.f32 v7, v0;
	v2 =	vld [tilespmem:s10+$0xBA00]  }
0x2bf: {  	v7 =	vld [tilespmem:s10+$0xCA10];
	[tilespmem:s0+$0x15200] =	vst v1;
	s0 =	smov.u32 s10  }
0x2c0: {  	v0 =	vadd.f32 v6, v0;
	v1 =	vld [tilespmem:s0+$0xC200]  }
0x2c1: {  	v4 =	vadd.f32 v4, v5;
	v5 =	vld [tilespmem:s0+$0xD210]  }
0x2c2: {  	v0 =	vadd.f32 v3, v0;
	v3 =	vld [tilespmem:s0+$0xCA00]  }
0x2c3: {  	v2 =	vadd.f32 v2, v4;
	v4 =	vld [tilespmem:s0+$0xDA10]  }
0x2c4: {  	v0 =	vadd.f32 v7, v0;
	v6 =	vld [tilespmem:s0+$0xD200]  }
0x2c5: {  	v1 =	vadd.f32 v1, v2;
	v2 =	vld [tilespmem:s0+$0xE210]  }
0x2c6: {  	v0 =	vadd.f32 v5, v0;
	v5 =	vld [tilespmem:s0+$0xDA00]  }
0x2c7: {  	v1 =	vadd.f32 v3, v1;
	v3 =	vld [tilespmem:s0+$0xEA10]  }
0x2c8: {  	v0 =	vadd.f32 v4, v0;
	v4 =	vld [tilespmem:s0+$0xE200]  }
0x2c9: {  	v1 =	vadd.f32 v6, v1;
	v6 =	vld [tilespmem:s0+$0xF210]  }
0x2ca: {  	v0 =	vadd.f32 v2, v0;
	v2 =	vld [tilespmem:s0+$0xEA00]  }
0x2cb: {  	v1 =	vadd.f32 v5, v1;
	v5 =	vld [tilespmem:s0+$0xFA10]  }
0x2cc: {  	v0 =	vadd.f32 v3, v0;
	v3 =	vld [tilespmem:s0+$0xF200]  }
0x2cd: {  	v1 =	vadd.f32 v4, v1;
	v4 =	vld [tilespmem:s0+$0x10210]  }
0x2ce: {  	v0 =	vadd.f32 v6, v0;
	v6 =	vld [tilespmem:s0+$0xFA00]  }
0x2cf: {  	v1 =	vadd.f32 v2, v1;
	v2 =	vld [tilespmem:s0+$0x10A10]  }
0x2d0: {  	v0 =	vadd.f32 v5, v0;
	v5 =	vld [tilespmem:s0+$0x10200]  }
0x2d1: {  	v1 =	vadd.f32 v3, v1;
	v3 =	vld [tilespmem:s0+$0x11210]  }
0x2d2: {  	v0 =	vadd.f32 v4, v0;
	v4 =	vld [tilespmem:s0+$0x10A00]  }
0x2d3: {  	v1 =	vadd.f32 v6, v1;
	v6 =	vld [tilespmem:s0+$0x11A10]  }
0x2d4: {  	v0 =	vadd.f32 v2, v0;
	v2 =	vld [tilespmem:s0+$0x11200]  }
0x2d5: {  	v1 =	vadd.f32 v5, v1;
	v5 =	vld [tilespmem:s0+$0x12210]  }
0x2d6: {  	v0 =	vadd.f32 v3, v0;
	v3 =	vld [tilespmem:s0+$0x11A00]  }
0x2d7: {  	v1 =	vadd.f32 v4, v1;
	v4 =	vld [tilespmem:s0+$0x12A10]  }
0x2d8: {  	v0 =	vadd.f32 v6, v0;
	v6 =	vld [tilespmem:s0+$0x12200]  }
0x2d9: {  	v1 =	vadd.f32 v2, v1;
	v7 =	vld [tilespmem:s0+$0x13210]  }
0x2da: {  	v0 =	vadd.f32 v5, v0;
	v5 =	vld [tilespmem:s0+$0x12A00]  }
0x2db: {  	v1 =	vadd.f32 v3, v1;
	v8 =	vld [tilespmem:s0+$0x13A10]  }
.Ltmp4:
0x2dc: {  	v0 =	vadd.f32 v4, v0;
	v2 =	vld [tilespmem:s0+$0x13200];
	(pc) =	sbr.rel @p0 .LBB2_10-.Ltmp4, $4  }
0x2dd: {  	v1 =	vadd.f32 v6, v1;
	v3 =	vld [tilespmem:s0+$0x14210]  }
0x2de: {  	v6 =	vadd.f32 v7, v0;
	v4 =	vld [tilespmem:s0+$0x13A00]  }
0x2df: {  	s10 =	sshra.s32 s2, $0x2;
	v5 =	vadd.f32 v5, v1;
	v1 =	vld [tilespmem:s0+$0x14200]  }
0x2e0: {  	s2 =	sadd.s32 $0x80, s2;
	v0 =	vld [tilespmem:s10+$0xAA10];
	v6 =	vadd.f32 v8, v6  }
0x2e1: {  	v7 =	vld [tilespmem:s10+$0xB210];
	v2 =	vadd.f32 v2, v5  }
0x2e2: {  	v8 =	vld [tilespmem:s10+$0xAA00];
	v3 =	vadd.f32 v3, v6  }
0x2e3: {  	v29 =	vld [tilespmem:s10+$0xBA10];
	v2 =	vadd.f32 v4, v2  }
0x2e4: {  	v30 =	vld [tilespmem:s10+$0xB200];
	[tilespmem:s0+$0x15210] =	vst v3  }
0x2e5: {  	v3 =	vld [tilespmem:s10+$0xC210];
	v1 =	vadd.f32 v1, v2  }
0x2e6: {  	v31 =	vld [tilespmem:s10+$0xBA00]  }
0x2e7: {  	v32 =	vld [tilespmem:s10+$0xCA10];
	[tilespmem:s0+$0x15200] =	vst v1  }
0x2e8: {  	v0 =	vadd.f32 v7, v0;
	v1 =	vld [tilespmem:s10+$0xC200]  }
0x2e9: {  	v6 =	vadd.f32 v30, v8  }
0x2ea: {  	v0 =	vadd.f32 v29, v0;
	v33 =	vld [tilespmem:s10+$0xCA00]  }
0x2eb: {  	v34 =	vld [tilespmem:s10+$0xD210];
	v2 =	vadd.f32 v31, v6  }
0x2ec: {  	v35 =	vld [tilespmem:s10+$0xD200];
	v0 =	vadd.f32 v3, v0  }
0x2ed: {  	v36 =	vld [tilespmem:s10+$0xDA10];
	v1 =	vadd.f32 v1, v2  }
0x2ee: {  	v37 =	vld [tilespmem:s10+$0xDA00];
	v0 =	vadd.f32 v32, v0  }
0x2ef: {  	v38 =	vld [tilespmem:s10+$0xE210];
	v1 =	vadd.f32 v33, v1  }
0x2f0: {  	v39 =	vld [tilespmem:s10+$0xE200];
	v0 =	vadd.f32 v34, v0  }
0x2f1: {  	v40 =	vld [tilespmem:s10+$0xEA10];
	v1 =	vadd.f32 v35, v1  }
0x2f2: {  	v41 =	vld [tilespmem:s10+$0xEA00];
	v0 =	vadd.f32 v36, v0  }
0x2f3: {  	v42 =	vld [tilespmem:s10+$0xF210];
	v1 =	vadd.f32 v37, v1  }
0x2f4: {  	v43 =	vld [tilespmem:s10+$0xF200];
	v0 =	vadd.f32 v38, v0  }
0x2f5: {  	v44 =	vld [tilespmem:s10+$0xFA10];
	v1 =	vadd.f32 v39, v1  }
0x2f6: {  	v45 =	vld [tilespmem:s10+$0xFA00];
	v0 =	vadd.f32 v40, v0  }
0x2f7: {  	v46 =	vld [tilespmem:s10+$0x10210];
	v1 =	vadd.f32 v41, v1  }
0x2f8: {  	v47 =	vld [tilespmem:s10+$0x10200];
	v0 =	vadd.f32 v42, v0  }
0x2f9: {  	v48 =	vld [tilespmem:s10+$0x10A10];
	v1 =	vadd.f32 v43, v1  }
0x2fa: {  	v49 =	vld [tilespmem:s10+$0x10A00];
	v0 =	vadd.f32 v44, v0  }
0x2fb: {  	v50 =	vld [tilespmem:s10+$0x11210];
	v1 =	vadd.f32 v45, v1  }
0x2fc: {  	v51 =	vld [tilespmem:s10+$0x11200];
	v0 =	vadd.f32 v46, v0  }
0x2fd: {  	v52 =	vld [tilespmem:s10+$0x11A10];
	v1 =	vadd.f32 v47, v1  }
0x2fe: {  	v53 =	vld [tilespmem:s10+$0x11A00];
	v0 =	vadd.f32 v48, v0  }
0x2ff: {  	v54 =	vld [tilespmem:s10+$0x12210];
	v1 =	vadd.f32 v49, v1  }
0x300: {  	v55 =	vld [tilespmem:s10+$0x12200];
	v0 =	vadd.f32 v50, v0  }
0x301: {  	v56 =	vld [tilespmem:s10+$0x12A10];
	v1 =	vadd.f32 v51, v1  }
0x302: {  	v57 =	vld [tilespmem:s10+$0x12A00];
	v0 =	vadd.f32 v52, v0  }
0x303: {  	v58 =	vld [tilespmem:s10+$0x13210];
	v1 =	vadd.f32 v53, v1  }
0x304: {  	v59 =	vld [tilespmem:s10+$0x13200];
	v0 =	vadd.f32 v54, v0  }
0x305: {  	v60 =	vld [tilespmem:s10+$0x13A10];
	v1 =	vadd.f32 v55, v1  }
0x306: {  	v61 =	vld [tilespmem:s10+$0x13A00];
	v0 =	vadd.f32 v56, v0  }
0x307: {  	v62 =	vld [tilespmem:s10+$0x14210];
	v1 =	vadd.f32 v57, v1  }
0x308: {  	v63 =	vld [tilespmem:s10+$0x14200];
	v0 =	vadd.f32 v58, v0  }
0x309: {  	v1 =	vadd.f32 v59, v1  }
0x30a: {  	v0 =	vadd.f32 v60, v0  }
0x30b: {  	v1 =	vadd.f32 v61, v1  }
0x30c: {  	v0 =	vadd.f32 v62, v0  }
0x30d: {  	v1 =	vadd.f32 v63, v1  }
0x30e: {  	[tilespmem:s10+$0x15210] =	vst v0  }
0x30f: {  	s30 =	rddreg [dreg:$0x10];
	[tilespmem:s10+$0x15200] =	vst v1  }
0x310: {  	[hbm4b:s30+s14] =	stream.strided.scatter [tilespmem:s17], [sflag:$0x6], $0x800, s15, s14, $0x38;
	[tilespmem:$0x15A00] =	vst v63  }
0x311: {  	_ =	swait.ge [sflag:s24], $0x800  }
0x312: {  	[sflag:s24] =	ssyncset.done $0x0  }
0x313: {  	[sflag:s24] =	ssyncadd.s32 $0xFFFFF800  }
0x314: {  	_ =	swait.ge [sflag:s26], $0x800  }
0x315: {  	s2 =	sld [smem:$0x7ED];
	_ =	sdelay $0x2  }
0x316: {  	s31 =	rddreg [dreg:$0x11];
	s2 =	sadd.s32 $0x1, s2  }
0x317: {  	p0 =	sne.s32 s2, s31  }
.Ltmp5:
0x318: {  	_ = 	snop;
	(pc) =	sbr.rel @p0 .LBB2_1-.Ltmp5, $3  }
0x319: {  	_ =	sdelay $0x1  }
0x31a: {  	[sflag:s26] =	ssyncset.done $0x0  }
0x31b: {  	[sflag:s26] =	ssyncadd.s32 $0xFFFFF800  }
0x31c: {  	_ =	sfence.sel $0x180000  }
0x31d: {  	[bflag:$0x0] =	sbarrier.arrive $0xFFFF  }
0x31e: {  	_ =	strace $0x90000047  }
0x31f: {  	s0 =	stileid.u32;
	[bflag:$0x2] =	sbarrier.arrive $0xFFFF  }
0x320: {  	p0 =	sne.s32 s0, $0x0;
	s0 =	rddreg [dreg:$0x2]  }
0x321: {  	s0 =	sadd.s32 @!p0 $0x100000, s0  }
0x322: {  	[sflag:s0] =	ssyncadd.tile.s32 @!p0 $0x1;
	_ =	shalt  }
.Lfunc_end2:
_tile_overlayer_lowered:
.L_overlay_start_2:
0x323: {  	(tag) =	ssettag $0x2  }
0x324: {  	s0 =	rddreg [dreg:$0x0];
	s2 =	stileid.u32  }
0x325: {  	s1 =	rddreg [dreg:$0x1];
	p0 =	sne.s32 s2, $0x0  }
0x326: {  	s3 =	rddreg [dreg:$0x2];
	[bflag:$0x3] =	sbarrier.arrive $0xFFFF;
	s2 =	simm.s32 @!p0 $0x1C07  }
0x327: {  	[timem:s3], [sflag:s2] =	dma.local @!p0 [hbm:s0], s1  }
0x328: {  	s0 =	simm.s32 @!p0 $0x7  }
0x329: {  	_ =	swait.ge @!p0 [sflag:s0], s1  }
0x32a: {  	s1 =	ssub.s32 @!p0 $0x0, s1;
	[sflag:s0] =	ssyncset.done @!p0 $0x0  }
0x32b: {  	[sflag:s0] =	ssyncadd.s32 @!p0 s1  }
0x32c: {  	[bflag:$0x3] =	sbarrier.arrive $0xFFFF  }
0x32d: {  	_ =	shalt  }

// kernel: sparse-core-data-format-call.cloned.1.call-start
scs
called_computation_lowered:
.L_overlay_start_0:
0x0: {  	s2 =	sld [smem:$0x3FD9]  }
0x1: {  	s3 =	sld [smem:$0x3FFE];
	_ =	sdelay $0x1  }
0x2: {  	s1 =	srdreg.scid  }
0x3: {  	s0 =	sand.u32 $0x1, s1  }
0x4: {  	s18 =	sshll.u32 s0, $0xA;
	s2 =	sadd.s32 s3, s2  }
0x5: {  	s2 =	sadd.s32 s2, s18  }
0x6: {  	[smem:$0x3FC6] =	sst s2  }
0x7: {  	_ = 	snop  }
0x8: {  	s2 =	sld [smem:$0x3FD0];
	(tm) =	ssettm $0x1  }
0x9: {  	s19 =	sld [smem:$0x3FFB];
	_ =	sdelay $0x3  }
0xa: {  	_ =	strace s19  }
0xb: {  	s3 =	sld [smem:$0x3FFC];
	_ =	sdelay $0x3  }
0xc: {  	_ =	strace s3  }
0xd: {  	s3 =	sld [smem:$0x3FFD];
	_ =	sdelay $0x3  }
0xe: {  	_ =	strace s3  }
0xf: {  	_ =	strace $0x8FFFFFFF  }
0x10: {  	s20 =	sld [smem:$0x3FDB];
	_ =	sdelay $0x1  }
0x11: {  	s4 =	simm.s32 $_scs_section_size  }
0x12: {  	s5 =	simm.s32 $_size__tile_overlayer_lowered;
	s6 =	simm.s32 $_tile_overlayer_lowered  }
0x13: {  	s23 =	simm.s32 $0x1BFF;
	s22 =	sshll.u32 s6, $0x1;
	s3 =	sadd.s32 s4, s20  }
0x14: {  	s7 =	simm.s32 $0x0;
	s21 =	sshll.u32 s5, $0x1;
	s5 =	sadd.s32 s22, s3  }
0x15: {  	[timem:s7], [sflag:s23] =	dma.local [hbm:s5], s21  }
0x16: {  	_ =	swait.ge [sflag:s23], s21  }
0x17: {  	s4 =	ssub.s32 $0x0, s21;
	[sflag:s23] =	ssyncset.done $0x0  }
0x18: {  	[sflag:s23] =	ssyncadd.s32 s4;
	_ =	sdelay $0x1  }
0x19: {  	s24 =	simm.s32 $0x1B8B  }
0x1a: {  	_ =	swait.ge [sflag:s24], $0x1  }
0x1b: {  	[sflag:s24] =	ssyncset.done $0x0  }
0x1c: {  	s26 =	simm.s32 $0x1B8E;
	s25 =	sld [smem:$0x3FFE];
	[sflag:s24] =	ssyncadd.s32 $0xFFFFFFFF  }
0x1d: {  	s27 =	simm.s32 $execute0_lowered;
	[smem:$0x3FD2] =	sst s26  }
0x1e: {  	s5 =	sshll.u32 s27, $0x1;
	_ =	strace $0x80000049;
	[dreg:$0x1] =	wrdreg $0xFFFFFFFF  }
0x1f: {  	s28 =	simm.s32 $_size_execute0_lowered;
	s3 =	sadd.s32 s3, s5;
	[dreg:$0x0] =	wrdreg $0x0  }
0x20: {  	s5 =	sshll.u32 s28, $0x1;
	[dreg:$0x2] =	wrdreg s3  }
0x21: {  	[dreg:$0x3] =	wrdreg s5  }
0x22: {  	[dreg:$0x4] =	wrdreg $0xC0  }
0x23: {  	_ =	task [dreg:s7], $0x5FFFF  }
0x24: {  	[dreg:$0x1] =	wrdreg $0xFFFFFFFF  }
0x25: {  	[dreg:$0x0] =	wrdreg $0x60  }
0x26: {  	[dreg:$0x2] =	wrdreg s25  }
0x27: {  	[dreg:$0x3] =	wrdreg s2  }
0x28: {  	[dreg:$0x4] =	wrdreg $0x9  }
0x29: {  	_ =	task.clear_ibuf [dreg:s7], $0x5FFFF;
	_ =	strace $0x90000049  }
0x2a: {  	s29 =	simm.s32 $0x9;
	_ =	strace $0x8000004B  }
0x2b: {  	_ =	swait.ge [sflag:s29], $0x1  }
0x2c: {  	[sflag:s29] =	ssyncadd.s32 $0xFFFFFFFF  }
0x2d: {  	_ =	strace $0x9000004B  }
0x2e: {  	_ =	sfence  }
0x2f: {  	s30 =	sld [smem:$0x0];
	_ =	sdelay $0x2  }
0x30: {  	s31 =	sshll.u32 s1, $0xD;
	s1 =	sshrl.u32 s1, $0x2  }
0x31: {  	s3 =	sand.u32 $0x4000, s31;
	s1 =	sadd.s32 s1, s30  }
0x32: {  	s0 =	sor.u32 s3, s0;
	s1 =	sshll.u32 s1, $0x11  }
0x33: {  	s0 =	sor.u32 s1, s0  }
0x34: {  	s0 =	sadd.s32 $0x8F2B, s0  }
0x35: {  	[sflag:s0] =	ssyncadd.remote.s32 $0x1  }
0x36: {  	_ =	sfence.sel $0xFFFF  }
0x37: {  	[dreg:$0x0] =	wrdreg $0xFFFFFFFF;
	(pc) =	sbr.abs _section_cstart, $3  }
0x38: {  	[dreg:$0x1] =	wrdreg $0xFFFFFFFF  }
0x39: {  	_ =	task.clear_ibuf [dreg:s7], $0x2FFFF;
	_ =	strace $0x9FFFFFFF  }
0x3a: {  	(tm) =	ssettm $0x7FFFFFFF  }
0x3b: {  	_ =	shalt  }
tec
execute0_lowered:
.L_overlay_start_1:
0x0: {  	(tag) =	ssettag $0x1  }
0x1: {  	s0 =	srdreg.scid  }
0x2: {  	s1 =	sshll.u32 s0, $0x4  }
0x3: {  	s6 =	rddreg [dreg:$0x0];
	s0 =	stileid.u32;
	s1 =	sand.u32 $0x10, s1  }
0x4: {  	s3 =	rddreg [dreg:$0x1];
	s1 =	sor.u32 s0, s1  }
0x5: {  	s5 =	simm.s32 $0x1;
	s31 =	simm.s32 $0x2;
	s2 =	sshll.u32 s1, $0x7  }
0x6: {  	s15 =	simm.s32 $0x0;
	s8 =	simm.s32 $0x20000;
	s4 =	ssub.s32 $0x4000, s2  }
0x7: {  	s14 =	simm.s32 $0x0;
	s9 =	simm.s32 $0x0;
	s30 =	sand.u32 $0xF80, s4  }
0x8: {  	s10 =	simm.s32 $0x0;
	s11 =	simm.s32 $0x0;
	p0 =	sne.s32 s30, $0x0  }
.Ltmp0:
0x9: {  	s7 =	sshrl.u32 s4, $0xC;
	s5 =	simm.s32 @!p0 $0x0;
	(pc) =	sbr.rel .LBB1_1-.Ltmp0, $4  }
0xa: {  	s13 =	simm.s32 $0x0;
	s1 =	rddreg [dreg:$0x2];
	s5 =	sadd.s32 s5, s7  }
0xb: {  	_ =	strace $0x8000004A;
	s4 =	simm.s32 $0x1;
	s5 =	smul.u32 $0x7, s5  }
0xc: {  	s6 =	sadd.s32 $0x800, s6;
	s12 =	smov.u32 s2;
	[sflag:s4] =	ssyncpa.u1 $0x0  }
0xd: {  	[sflag:s31] =	ssyncpa.u1 $0x0;
	p0 =	por $0x0, $0x0;
	s7 =	sadd.s32 $0x1, s5  }
.LBB1_4:
0xe: {  	s20 =	sshra.s32 s20, $0x2  }
0xf: {  	s28 =	sand.u32 $0x78, s10;
	s21 =	sshll.u32 s9, $0xE;
	s22 =	sshll.u32 s10, $0x3  }
0x10: {  	s24 =	sshll.u32 s9, $0x7;
	p1 =	sgt.s32 s9, $0x2C0;
	s30 =	sshra.s32 s9, $0x1F  }
0x11: {  	s26 =	sshra.s32 s10, $0x1F;
	s19 =	sadd.s32 s20, s19;
	s21 =	sand.u32 $0xFFFE0000, s21  }
0x12: {  	v5 =	vld [tilespmem:s17+$0xFFFFFFD0];
	[tilespmem:s18+$0x2040 ss:$0x81] =	vst.msk $0xffff, v4;
	s23 =	sand.u32 $0xFFFFFC00, s22;
	s29 =	sand.u32 $0x380, s24;
	s22 =	sand.u32 $0x3C00, s22  }
0x13: {  	v58 =	vld [tilespmem:s17+$0xFFFFFFE0];
	[tilespmem:s18+$0x2850 ss:$0x81] =	vst.msk $0xffff, v3;
	s21 =	sadd.s32 s23, s21;
	s20 =	sor.u32 s28, s22;
	s22 =	smov.u32 s9  }
0x14: {  	v59 =	vld [tilespmem:s17+$0xFFFFFFF0];
	[tilespmem:s18+$0x3060 ss:$0x81] =	vst.msk $0xffff, v2;
	s24 =	sand.u32 s30, s9;
	s21 =	sshrl.u32 s21, $0xE;
	s22 =	simm.s32 @!p1 $0x2C0  }
0x15: {  	v60 =	vld [tilespmem:s17+$0x0];
	[tilespmem:s18+$0x0 ss:$0x81] =	vst.msk $0xffff, v1;
	p1 =	sgt.s32 s10, $0x3F80;
	s31 =	ssub.s32 s22, s24;
	s22 =	smov.u32 s10  }
0x16: {  	v61 =	vld [tilespmem:s17+$0x10];
	[tilespmem:s19+$0x3870 ss:$0x81] =	vst.msk $0xffff, v0;
	s25 =	smulhi.u32 $0x4EC4ED, s21;
	s24 =	sand.u32 s26, s10;
	s22 =	simm.s32 @!p1 $0x3F80  }
0x17: {  	v62 =	vld [tilespmem:s17+$0x20];
	s20 =	sor.u32 s29, s20;
	[tilespmem:s19+$0x810 ss:$0x81] =	vst.msk $0xffff, v5;
	s27 =	sadd.s32 $0xFFFFFD40, s31;
	s22 =	ssub.s32 s22, s24  }
0x18: {  	v63 =	vld [tilespmem:s17+$0xFFFFFFC0];
	[tilespmem:s19+$0x1020 ss:$0x81] =	vst.msk $0xffff, v58;
	s18 =	ssub.s32 $0x340, s31;
	s28 =	smul.u32 $0x340, s25;
	s29 =	sadd.s32 $0xFFFFC080, s22  }
0x19: {  	[tilespmem:s19+$0x1830 ss:$0x81] =	vst.msk $0xffff, v59;
	p1 =	sgt.s32 s27, $0x7F;
	s22 =	ssub.s32 $0x4000, s22;
	p2 =	sgt.s32 s29, $0x7F  }
0x1a: {  	s30 =	sand.u32 $0x7, s10;
	[tilespmem:s19+$0x2040 ss:$0x81] =	vst.msk $0xffff, v60;
	s18 =	simm.s32 @p1 $0x0;
	s22 =	simm.s32 @p2 $0x0  }
0x1b: {  	s20 =	sshrl.u32 s20, $0x3;
	[tilespmem:s19+$0x2850 ss:$0x81] =	vst.msk $0xffff, v61;
	s17 =	ssub.s32 s21, s28;
	s18 =	smul.u32 s22, s18  }
0x1c: {  	[tilespmem:s19+$0x3060 ss:$0x81] =	vst.msk $0xffff, v62;
	s20 =	sadd.s32 s3, s20;
	s21 =	sshll.u32 s30, $0x12;
	s17 =	sshll.u32 s17, $0xB  }
0x1d: {  	[tilespmem:s19+$0x0 ss:$0x81] =	vst.msk $0xffff, v63;
	s31 =	sor.u32 $0x400, s21;
	s17 =	sadd.s32 s17, s20;
	s18 =	sand.u32 $0x3FFFFFFF, s18  }
0x1e: {  	[hbm4b:s17+s31] =	stream.strided.scatter [tilespmem:s16], [sflag:$0x2], s18, s8, s31, $0x20;
	[tilespmem:$0x10100] =	vst v63  }
.LBB1_5:
0x1f: {  	p1 =	slt.u32 s13, $0x2  }
0x20: {  	s17 =	smov.u32 s15;
	p2 =	sgt.s32 @!p1 s15, $0x2C0;
	s16 =	sshra.s32 @!p1 s15, $0x1F  }
0x21: {  	p3 =	sgt.s32 @!p1 s14, $0x3F80;
	s18 =	sshra.s32 @!p1 s14, $0x1F;
	p2 =	por !p2, p1  }
0x22: {  	s15 =	sand.u32 @!p1 s16, s15;
	p3 =	por !p3, p1;
	s16 =	smov.u32 s14  }
0x23: {  	s14 =	sand.u32 @!p1 s18, s14;
	s17 =	simm.s32 @p2 $0x2C0;
	s16 =	simm.s32 @p3 $0x3F80  }
0x24: {  	s15 =	ssub.s32 @!p1 s17, s15;
	s14 =	ssub.s32 @!p1 s16, s14  }
0x25: {  	s18 =	smov.u32 s12;
	s16 =	sadd.s32 @!p1 $0xFFFFFD40, s15;
	s17 =	sadd.s32 @!p1 $0xFFFFC080, s14  }
0x26: {  	s15 =	ssub.s32 @!p1 $0x340, s15;
	p2 =	sgt.s32 @!p1 s16, $0x7F;
	p3 =	sgt.s32 @!p1 s17, $0x7F  }
0x27: {  	s14 =	ssub.s32 @!p1 $0x4000, s14;
	p2 =	por !p2, p1;
	p3 =	por !p3, p1  }
0x28: {  	s16 =	sadd.s32 $0x80, s11;
	s15 =	simm.s32 @!p2 $0x0;
	s14 =	simm.s32 @!p3 $0x0  }
0x29: {  	p2 =	sgt.s32 s16, $0x33F;
	s14 =	smul.u32 @!p1 s14, s15;
	s15 =	sadd.s32 $0x1000, s12  }
0x2a: {  	s18 =	smov.u32 @p2 s15  }
0x2b: {  	s16 =	simm.s32 @p2 $0x0;
	p2 =	sgt.s32 s18, $0x3FFF  }
0x2c: {  	s18 =	smov.u32 @p2 s2;
	p2 =	sne.s32 s13, s7  }
.Ltmp1:
0x2d: {  	p0 =	por !p0, !p0;
	s17 =	simm.s32 @!p1 $0x2;
	(pc) =	sbr.rel @!p2 .LBB1_6-.Ltmp1, $4  }
0x2e: {  	s15 =	smov.u32 s9;
	s9 =	smov.u32 s11;
	s14 =	sand.u32 @!p1 $0x3FFFFFFF, s14  }
0x2f: {  	s11 =	smov.u32 s16;
	_ =	swait.ge @!p1 [sflag:s17], s14;
	s19 =	ssub.s32 @!p1 $0x0, s14  }
0x30: {  	s14 =	smov.u32 s10;
	s13 =	sadd.s32 $0x1, s13;
	[sflag:s17] =	ssyncset.done @!p1 $0x0  }
0x31: {  	s10 =	smov.u32 s12;
	s12 =	smov.u32 s18;
	[sflag:s17] =	ssyncadd.s32 @!p1 s19  }
.LBB1_1:
0x32: {  	p1 =	sge.u32 s13, s5  }
0x33: {  	s16 =	sshrl.u32 @!p1 s12, $0x3  }
0x34: {  	s17 =	sshll.u32 @!p1 s11, $0x3;
	s16 =	smul.u32 @!p1 $0x1C00, s16  }
0x35: {  	s18 =	sshll.u32 @!p1 s12, $0x7;
	s17 =	sand.u32 @!p1 $0xFFFFFC00, s17  }
0x36: {  	s16 =	sadd.s32 @!p1 s16, s17;
	s17 =	sand.u32 @!p1 $0x380, s18  }
0x37: {  	s16 =	sor.u32 @!p1 s17, s16  }
0x38: {  	s17 =	sshrl.u32 @!p1 s16, $0x7  }
0x39: {  	s17 =	smulhi.u32 @!p1 $0x24924925, s17;
	_ =	sdelay $0x1  }
0x3a: {  	s18 =	sand.u32 @!p1 $0x7F, s11;
	s19 =	smul.u32 @!p1 $0x380, s17  }
0x3b: {  	s31 =	sadd.s32 $0xFFFFFFFF, s13;
	s16 =	sor.u32 @!p1 s18, s16;
	s18 =	sxor.u32 @!p1 $0xFFFFFFFF, s13  }
0x3c: {  	s18 =	sshll.u32 @!p1 s18, $0xE;
	s17 =	sand.u32 @!p1 $0x3FFF, s17;
	s16 =	ssub.s32 @!p1 s16, s19  }
0x3d: {  	s17 =	smul.u32 @!p1 $0x70, s17;
	s19 =	sshrl.u32 @!p1 s16, $0x3;
	s16 =	sand.u32 @!p1 $0x7, s16  }
0x3e: {  	s18 =	sand.u32 @!p1 $0x4000, s18;
	s19 =	sadd.s32 @!p1 s6, s19;
	s16 =	sshll.u32 @!p1 s16, $0x12  }
0x3f: {  	s17 =	sadd.s32 @!p1 s17, s19;
	s16 =	sor.u32 @!p1 $0x400, s16;
	s19 =	simm.s32 @!p1 $0x1C00  }
0x40: {  	[tilespmem:s18], [sflag:$0x1] =	stream.strided.gather @!p1 [hbm4b:s17+s16], $0x4000, s19, s16, $0x38;
	[tilespmem:$0x10100] =	vst v63  }
0x41: {  	p1 =	sge.u32 s31, s5  }
.Ltmp2:
0x42: {  	_ = 	snop;
	(pc) =	sbr.rel @p1 .LBB1_5-.Ltmp2, $1  }
0x43: {  	_ =	sdelay $0x3  }
0x44: {  	s16 =	simm.s32 $0x1  }
0x45: {  	_ =	swait.ge [sflag:s4], $0x4000;
	s16 =	simm.s32 @!p0 $0x0  }
0x46: {  	[sflag:s4] =	ssyncset.done $0x0;
	s17 =	sshll.u32 s16, $0xE  }
0x47: {  	[sflag:s4] =	ssyncadd.s32 $0xFFFFC000;
	s17 =	sor.u32 $0x40, s17  }
0x48: {  	s16 =	smul.u32 $0x10200, s16;
	v0 =	vld [tilespmem:s17+$0x30]  }
0x49: {  	v1 =	vld [tilespmem:s17+$0xFFFFFFD0]  }
0x4a: {  	s16 =	sshrl.u32 s16, $0x2;
	v5 =	vld [tilespmem:s17+$0xFFFFFFE0]  }
0x4b: {  	v6 =	vld [tilespmem:s17+$0xFFFFFFF0];
	s19 =	sor.u32 $0x8000, s16  }
0x4c: {  	s31 =	sand.u32 $0x1, s13;
	v4 =	vld [tilespmem:s17+$0x0];
	s18 =	sadd.s32 $0x0, s19  }
0x4d: {  	v3 =	vld [tilespmem:s17+$0x10];
	s16 =	smul.u32 $0x10200, s31;
	[tilespmem:s18+$0x3870 ss:$0x81] =	vst.msk $0xffff, v0  }
0x4e: {  	v2 =	vld [tilespmem:s17+$0x20];
	[tilespmem:s18+$0x810 ss:$0x81] =	vst.msk $0xffff, v1  }
0x4f: {  	s16 =	sshrl.u32 s16, $0x2;
	v1 =	vld [tilespmem:s17+$0xFFFFFFC0];
	[tilespmem:s18+$0x1020 ss:$0x81] =	vst.msk $0xffff, v5;
	s17 =	sadd.s32 $0x80, s17  }
0x50: {  	s20 =	simm.s32 $0x4;
	s21 =	simm.s32 $0x8;
	s16 =	sor.u32 $0x8000, s16;
	[tilespmem:s18+$0x1830 ss:$0x81] =	vst.msk $0xffff, v6;
	v0 =	vld [tilespmem:s17+$0x30]  }
.LBB1_3:
0x51: {  	p1 =	sne.s32 s21, $0x1FC;
	v5 =	vld [tilespmem:s17+$0xFFFFFFD0];
	[tilespmem:s18+$0x2040 ss:$0x81] =	vst.msk $0xffff, v4  }
0x52: {  	v6 =	vld [tilespmem:s17+$0xFFFFFFE0];
	[tilespmem:s18+$0x2850 ss:$0x81] =	vst.msk $0xffff, v3  }
0x53: {  	s22 =	sshra.s32 s20, $0x2;
	s20 =	smov.u32 s21;
	v7 =	vld [tilespmem:s17+$0xFFFFFFF0];
	[tilespmem:s18+$0x3060 ss:$0x81] =	vst.msk $0xffff, v2  }
.Ltmp3:
0x54: {  	v4 =	vld [tilespmem:s17+$0x0];
	[tilespmem:s18+$0x0 ss:$0x81] =	vst.msk $0xffff, v1;
	s18 =	sadd.s32 s22, s19;
	(pc) =	sbr.rel @p1 .LBB1_3-.Ltmp3, $4  }
0x55: {  	v3 =	vld [tilespmem:s17+$0x10];
	[tilespmem:s18+$0x3870 ss:$0x81] =	vst.msk $0xffff, v0  }
0x56: {  	[tilespmem:s18+$0x810 ss:$0x81] =	vst.msk $0xffff, v5;
	v2 =	vld [tilespmem:s17+$0x20]  }
0x57: {  	v1 =	vld [tilespmem:s17+$0xFFFFFFC0];
	[tilespmem:s18+$0x1020 ss:$0x81] =	vst.msk $0xffff, v6;
	s17 =	sadd.s32 $0x80, s17  }
0x58: {  	s21 =	sadd.s32 $0x4, s21;
	v0 =	vld [tilespmem:s17+$0x30];
	[tilespmem:s18+$0x1830 ss:$0x81] =	vst.msk $0xffff, v7  }
.Ltmp4:
0x59: {  	_ = 	snop;
	(pc) =	sbr.rel .LBB1_4-.Ltmp4, $1  }
0x5a: {  	_ =	sdelay $0x3  }
.LBB1_6:
0x5b: {  	_ =	sfence.sel $0x180000  }
0x5c: {  	s2 =	simm.s32 $0x1;
	[bflag:$0x0] =	sbarrier.arrive $0xFFFF  }
0x5d: {  	s31 =	simm.s32 $0x2;
	[sflag:s2] =	ssyncpa.u1 $0x1  }
0x5e: {  	[sflag:s31] =	ssyncpa.u1 $0x1  }
0x5f: {  	p0 =	sne.s32 s0, $0x0;
	_ =	strace $0x9000004A  }
0x60: {  	s0 =	sadd.s32 @!p0 $0x100000, s1;
	[bflag:$0x2] =	sbarrier.arrive $0xFFFF  }
0x61: {  	[sflag:s0] =	ssyncadd.tile.s32 @!p0 $0x1;
	_ =	shalt  }
.Lfunc_end1:
_tile_overlayer_lowered:
.L_overlay_start_2:
0x62: {  	(tag) =	ssettag $0x2  }
0x63: {  	s0 =	rddreg [dreg:$0x0];
	s2 =	stileid.u32  }
0x64: {  	s1 =	rddreg [dreg:$0x1];
	p0 =	sne.s32 s2, $0x0  }
0x65: {  	s3 =	rddreg [dreg:$0x2];
	[bflag:$0x3] =	sbarrier.arrive $0xFFFF;
	s2 =	simm.s32 @!p0 $0x1C01  }
0x66: {  	[timem:s3], [sflag:s2] =	dma.local @!p0 [hbm:s0], s1  }
0x67: {  	s0 =	simm.s32 @!p0 $0x1  }
0x68: {  	_ =	swait.ge @!p0 [sflag:s0], s1  }
0x69: {  	s1 =	ssub.s32 @!p0 $0x0, s1;
	[sflag:s0] =	ssyncset.done @!p0 $0x0  }
0x6a: {  	[sflag:s0] =	ssyncadd.s32 @!p0 s1  }
0x6b: {  	[bflag:$0x3] =	sbarrier.arrive $0xFFFF  }
0x6c: {  	_ =	shalt  }

</sc_bundles>
